<compile_context>
chip_gen: v7x
topology: tpu7x:2x2x1
jax: 0.10.2.dev20260603
libtpu: 0.0.44.dev20260713+nightly
codegen_flags: <defaults>
</compile_context>

<pallas_src>
import functools

import jax
import jax.numpy as jnp
from jax import lax
from jax.experimental import pallas as pl
from jax.experimental.pallas import tpu as pltpu
from jax.experimental.pallas import tpu_sc as plsc

_SPAN_LEN = 10
_MAX_MASK_PROB = 0.65
_MIN_NUM_SPANS = 2
_NUM_WORKERS = 32


def _select_body(seq_lens_ref, u_ref, mi_ref, x_ref, embed_ref,
                 out_ref, mask_ref, *, num_spans, chunk):
    b = pl.program_id(0)
    c = pl.program_id(1)

    avail = jnp.maximum(seq_lens_ref[b].astype(jnp.float32) - float(_SPAN_LEN),
                        1.0)
    starts = jnp.floor(u_ref[0] * avail).astype(jnp.int32)
    span_id = lax.broadcasted_iota(jnp.int32, starts.shape, 1)
    starts = jnp.where(span_id < num_spans, starts, -(2 ** 30))

    t = c * chunk + lax.broadcasted_iota(jnp.int32, (chunk, 1), 0)
    d = t - starts
    masked = jnp.any((d >= 0) & (d < _SPAN_LEN), axis=1)
    out_ref[0] = jnp.where(masked[:, None], embed_ref[0][None, :], x_ref[0])
    mask_ref[0, 0, :] = mi_ref[0, 0, :] != 0


def _sc_mask_body(starts_hbm, mask_hbm, st_v, mask_v,
                  *, batch, seq_len, num_spans, s_pad):
    w = lax.axis_index("s") * 2 + lax.axis_index("c")
    per_row = _NUM_WORKERS // batch
    cols = seq_len // per_row
    b = w // per_row
    lo = (w % per_row) * cols

    pltpu.sync_copy(starts_hbm.at[b], st_v)

    zeros = jnp.zeros((16,), jnp.int32)
    for i in range(cols // 16):
        mask_v[pl.ds(i * 16, 16)] = zeros

    ones = jnp.ones((16,), jnp.int32)
    for j in range(s_pad // 16):
        st = st_v[pl.ds(j * 16, 16)]
        sid = j * 16 + lax.iota(jnp.int32, 16)
        valid = sid < num_spans
        for o in range(_SPAN_LEN):
            idx = st + o - lo
            sel = valid & (idx >= 0) & (idx < cols)
            idx = jnp.clip(idx, 0, cols - 1)
            plsc.store_scatter(mask_v, [idx], ones, mask=sel)

    pltpu.sync_copy(mask_v, mask_hbm.at[b, pl.ds(lo, cols)])


def kernel(x, mask_embed, seq_lens):
    batch, seq_len, model_dim = x.shape
    num_spans = max(_MIN_NUM_SPANS, int(_MAX_MASK_PROB * seq_len / _SPAN_LEN))

    u = jax.random.uniform(jax.random.key(42), (batch, num_spans),
                           dtype=jnp.float32)

    avail = jnp.maximum(seq_lens.astype(jnp.float32) - float(_SPAN_LEN), 1.0)
    starts = jnp.floor(u * avail[:, None]).astype(jnp.int32)
    s_pad_sc = ((num_spans + 15) // 16) * 16
    starts = jnp.pad(starts, ((0, 0), (0, s_pad_sc - num_spans)))

    mesh = plsc.VectorSubcoreMesh(core_axis_name="c", subcore_axis_name="s")
    sc_body = functools.partial(_sc_mask_body, batch=batch, seq_len=seq_len,
                                num_spans=num_spans, s_pad=s_pad_sc)
    mask_i32 = pl.kernel(
        sc_body,
        out_type=jax.ShapeDtypeStruct((batch, seq_len), jnp.int32),
        mesh=mesh,
        scratch_types=[
            pltpu.VMEM((s_pad_sc,), jnp.int32),
            pltpu.VMEM((seq_len // (_NUM_WORKERS // batch),), jnp.int32),
        ],
        compiler_params=pltpu.CompilerParams(needs_layout_passes=False),
    )(starts)

    s_pad_tc = ((num_spans + 127) // 128) * 128
    u_tc = jnp.pad(u, ((0, 0), (0, s_pad_tc - num_spans)))[:, None, :]
    chunk = 2048
    tc_body = functools.partial(_select_body, num_spans=num_spans, chunk=chunk)
    if True:
        return (mask_i32.astype(jnp.bool_),)
    x_out, mask3 = pl.pallas_call(
        tc_body,
        grid=(batch, seq_len // chunk),
        in_specs=[
            pl.BlockSpec(memory_space=pltpu.SMEM),
            pl.BlockSpec((1, 1, s_pad_tc), lambda b, c: (b, 0, 0)),
            pl.BlockSpec((1, 1, chunk), lambda b, c: (b, 0, c)),
            pl.BlockSpec((1, chunk, model_dim), lambda b, c: (b, c, 0)),
            pl.BlockSpec((1, model_dim), lambda b, c: (0, 0)),
        ],
        out_specs=[
            pl.BlockSpec((1, chunk, model_dim), lambda b, c: (b, c, 0)),
            pl.BlockSpec((1, 1, chunk), lambda b, c: (b, 0, c)),
        ],
        out_shape=[
            jax.ShapeDtypeStruct((batch, seq_len, model_dim), x.dtype),
            jax.ShapeDtypeStruct((batch, 1, seq_len), jnp.bool_),
        ],
        compiler_params=pltpu.CompilerParams(
            dimension_semantics=("parallel", "parallel")),
    )(seq_lens, u_tc, mask_i32[:, None, :], x, mask_embed[None, :])

    return (x_out, mask3.reshape(batch, seq_len))

# --- scband reference (transcript-rebuilt; emitter-appended) ---
"""Pipeline reference for scband-wav2-vec2-mask-90744069029911 (READ-ONLY COPY).

The authoritative reference and input builder live on the scoring server;
editing this copy changes nothing except your own understanding.
"""

import jax, jax.numpy as jnp
import numpy as np

SPAN_LEN = 10
MAX_MASK_PROB = 0.65
MIN_NUM_SPANS = 2


def _compute_mask(key, batch, seq_len, seq_lens):
    # Deterministic JAX port of fairseq2's compute_mask: sample num_spans random
    # start positions per row (within each row's valid length), expand each start
    # to a span of SPAN_LEN steps, and scatter-overwrite into a boolean mask.
    num_spans = max(MIN_NUM_SPANS, int(MAX_MASK_PROB * seq_len / SPAN_LEN))
    avail = jnp.maximum(seq_lens.astype(jnp.float32) - float(SPAN_LEN), 1.0)
    u = jax.random.uniform(key, (batch, num_spans), dtype=jnp.float32)
    starts = jnp.floor(u * avail[:, None]).astype(jnp.int32)
    offsets = jnp.arange(SPAN_LEN, dtype=jnp.int32)
    idx = starts[:, :, None] + offsets[None, None, :]  # (B, num_spans, span_len)
    idx = jnp.minimum(idx, seq_len - 1)
    rows = jnp.broadcast_to(jnp.arange(batch, dtype=jnp.int32)[:, None, None], idx.shape)
    mask = jnp.zeros((batch, seq_len), dtype=bool).at[rows, idx].set(True)
    return mask


def setup_inputs(seed: int = 0) -> dict:
    key = jax.random.key(seed)
    k1, k2, k3 = jax.random.split(key, 3)
    x = jax.random.normal(k1, (4, 4096, 1024), dtype=jnp.float32)
    seq_lens = jax.random.randint(k2, (4,), 0, 4096)
    # learned parameter: mask embedding, initialized uniform as in reset_parameters()
    mask_embed = jax.random.uniform(k3, (1024,), dtype=jnp.float32)
    return {"x": x, "mask_embed": mask_embed, "seq_lens": seq_lens}


def reference(x, mask_embed, seq_lens):
    batch, seq_len, model_dim = x.shape
    # max_mask_prob > 0 -> temporal mask; spatial_max_mask_prob == 0 -> no spatial mask
    mask = _compute_mask(jax.random.key(42), batch, seq_len, seq_lens)
    # x[mask] = mask_embed  (scatter-overwrite of masked timesteps with the embed vector)
    x_out = jnp.where(mask[:, :, None], mask_embed[None, None, :], x)
    return (x_out, mask)

if __name__ == "__main__":
    import jax
    _d = setup_inputs()
    print(jax.jit(kernel)(*tuple(_d.values())))

</pallas_src>

<mosaic_0001>
#map = affine_map<(d0, d1) -> (0, 0)>
module attributes {stable_mosaic.version = 14 : i64} {
  func.func @_sc_mask_body(%arg0: i32, %arg1: i32, %arg2: memref<4x272xi32, #tpu.memory_space<hbm>>, %arg3: memref<4x4096xi32, #tpu.memory_space<hbm>>, %arg4: memref<272xi32, #tpu.memory_space<vmem>>, %arg5: memref<512xi32, #tpu.memory_space<vmem>>) attributes {dimension_semantics = [#tpu.dimension_semantics<core_parallel>, #tpu.dimension_semantics<subcore_parallel>], iteration_bounds = array<i64: 2, 16>, scalar_prefetch = 0 : i64, scratch_operands = 2 : i64, tpu.core_type = #tpu.core_type<sc_vector_subcore>, window_params = [{transform_indices = #map}, {transform_indices = #map}]} {
    %mul3A = arith.constant 2 : i32
    %mul3A_0 = arith.muli %arg1, %mul3A : i32
    %add3A = arith.addi %mul3A_0, %arg0 : i32
    %jit3A = arith.constant 8 : i32
    %div3A = arith.divsi %add3A, %jit3A : i32
    %sign3A = arith.constant 0 : i32
    %sign3A_1 = arith.cmpi sgt, %add3A, %sign3A : i32
    %sign3A_2 = arith.extui %sign3A_1 : i1 to i32
    %sign3A_3 = arith.constant 0 : i32
    %sign3A_4 = arith.cmpi slt, %add3A, %sign3A_3 : i32
    %sign3A_5 = arith.extui %sign3A_4 : i1 to i32
    %sign3A_6 = arith.subi %sign3A_2, %sign3A_5 : i32
    %sign3A_7 = arith.constant 0 : i32
    %sign3A_8 = arith.cmpi sgt, %jit3A, %sign3A_7 : i32
    %sign3A_9 = arith.extui %sign3A_8 : i1 to i32
    %sign3A_10 = arith.constant 0 : i32
    %sign3A_11 = arith.cmpi slt, %jit3A, %sign3A_10 : i32
    %sign3A_12 = arith.extui %sign3A_11 : i1 to i32
    %sign3A_13 = arith.subi %sign3A_9, %sign3A_12 : i32
    %ne3A = arith.cmpi ne, %sign3A_6, %sign3A_13 : i32
    %rem3A = arith.remsi %add3A, %jit3A : i32
    %ne3A_14 = arith.constant 0 : i32
    %ne3A_15 = arith.cmpi ne, %rem3A, %ne3A_14 : i32
    %and3A = arith.andi %ne3A, %ne3A_15 : i1
    %sub3A = arith.constant 1 : i32
    %sub3A_16 = arith.subi %div3A, %sub3A : i32
    %select_n3A = arith.select %and3A, %sub3A_16, %div3A : i32
    %jit3A_17 = arith.constant 8 : i32
    %eq3A = arith.constant 0 : i32
    %eq3A_18 = arith.cmpi eq, %jit3A_17, %eq3A : i32
    %jit3A_19 = arith.constant 1 : i32
    %select_n3A_20 = arith.select %eq3A_18, %jit3A_19, %jit3A_17 : i32
    %rem3A_21 = arith.remsi %add3A, %select_n3A_20 : i32
    %ne3A_22 = arith.constant 0 : i32
    %ne3A_23 = arith.cmpi ne, %rem3A_21, %ne3A_22 : i32
    %lt3A = arith.constant 0 : i32
    %lt3A_24 = arith.cmpi slt, %rem3A_21, %lt3A : i32
    %lt3A_25 = arith.constant 0 : i32
    %lt3A_26 = arith.cmpi slt, %select_n3A_20, %lt3A_25 : i32
    %ne3A_27 = arith.xori %lt3A_24, %lt3A_26 : i1
    %and3A_28 = arith.andi %ne3A_27, %ne3A_23 : i1
    %add3A_29 = arith.addi %rem3A_21, %select_n3A_20 : i32
    %select_n3A_30 = arith.select %and3A_28, %add3A_29, %rem3A_21 : i32
    %mul3A_31 = arith.constant 512 : i32
    %mul3A_32 = arith.muli %select_n3A_30, %mul3A_31 : i32
    "tpu.region"() ({
      %run_scoped3A = tpu.sem_alloc : memref<!tpu.dma_semaphore, #tpu.memory_space<semaphore_mem>>
      %dma_start3A = arith.constant 0 : i32
      %dma_start3A_3477 = tpu.memref_slice %arg2[%select_n3A, %dma_start3A] : memref<4x272xi32, #tpu.memory_space<hbm>> -> memref<1x272xi32, #tpu.memory_space<hbm>>
      %dma_start3A_3478 = tpu.memref_squeeze %dma_start3A_3477 : memref<1x272xi32, #tpu.memory_space<hbm>> -> memref<272xi32, #tpu.memory_space<hbm>>
      %dma_start3A_3479 = arith.constant 0 : i32
      %dma_start3A_3480 = tpu.memref_slice %arg2[%select_n3A, %dma_start3A_3479] : memref<4x272xi32, #tpu.memory_space<hbm>> -> memref<1x272xi32, #tpu.memory_space<hbm>>
      %dma_start3A_3481 = tpu.memref_squeeze %dma_start3A_3480 : memref<1x272xi32, #tpu.memory_space<hbm>> -> memref<272xi32, #tpu.memory_space<hbm>>
      tpu.enqueue_dma source(%dma_start3A_3481 : memref<272xi32, #tpu.memory_space<hbm>>) target(%arg4 : memref<272xi32, #tpu.memory_space<vmem>>) target_semaphore(%run_scoped3A : memref<!tpu.dma_semaphore, #tpu.memory_space<semaphore_mem>>)
      %dma_wait3A = arith.constant 0 : i32
      %dma_wait3A_3482 = tpu.memref_slice %arg2[%select_n3A, %dma_wait3A] : memref<4x272xi32, #tpu.memory_space<hbm>> -> memref<1x272xi32, #tpu.memory_space<hbm>>
      %dma_wait3A_3483 = tpu.memref_squeeze %dma_wait3A_3482 : memref<1x272xi32, #tpu.memory_space<hbm>> -> memref<272xi32, #tpu.memory_space<hbm>>
      %dma_wait3A_3484 = arith.constant 0 : i32
      %dma_wait3A_3485 = tpu.memref_slice %arg2[%select_n3A, %dma_wait3A_3484] : memref<4x272xi32, #tpu.memory_space<hbm>> -> memref<1x272xi32, #tpu.memory_space<hbm>>
      %dma_wait3A_3486 = tpu.memref_squeeze %dma_wait3A_3485 : memref<1x272xi32, #tpu.memory_space<hbm>> -> memref<272xi32, #tpu.memory_space<hbm>>
      tpu.wait_dma2 semaphore(%run_scoped3A : memref<!tpu.dma_semaphore, #tpu.memory_space<semaphore_mem>>) src(%dma_wait3A_3486 : memref<272xi32, #tpu.memory_space<hbm>>) dst(%arg4 : memref<272xi32, #tpu.memory_space<vmem>>)
      tpu.yield
    }) : () -> ()
    %broadcast_in_dim3A = arith.constant 0 : i32
    %broadcast_in_dim3A_33 = vector.broadcast %broadcast_in_dim3A : i32 to vector<16xi32>
    %swap3A = arith.constant 0 : index
    %swap3A_34 = tpu.vector_load %arg5[%swap3A] {strides = array<i32>} : memref<512xi32, #tpu.memory_space<vmem>>, vector<16xi32>,
    tpu.vector_store %arg5[%swap3A], %broadcast_in_dim3A_33 {strides = array<i32>} : memref<512xi32, #tpu.memory_space<vmem>>, vector<16xi32>,
    %swap3A_35 = arith.constant 16 : index
    %swap3A_36 = tpu.vector_load %arg5[%swap3A_35] {strides = array<i32>} : memref<512xi32, #tpu.memory_space<vmem>>, vector<16xi32>,
    tpu.vector_store %arg5[%swap3A_35], %broadcast_in_dim3A_33 {strides = array<i32>} : memref<512xi32, #tpu.memory_space<vmem>>, vector<16xi32>,
    %swap3A_37 = arith.constant 32 : index
    %swap3A_38 = tpu.vector_load %arg5[%swap3A_37] {strides = array<i32>} : memref<512xi32, #tpu.memory_space<vmem>>, vector<16xi32>,
    tpu.vector_store %arg5[%swap3A_37], %broadcast_in_dim3A_33 {strides = array<i32>} : memref<512xi32, #tpu.memory_space<vmem>>, vector<16xi32>,
    %swap3A_39 = arith.constant 48 : index
    %swap3A_40 = tpu.vector_load %arg5[%swap3A_39] {strides = array<i32>} : memref<512xi32, #tpu.memory_space<vmem>>, vector<16xi32>,
    tpu.vector_store %arg5[%swap3A_39], %broadcast_in_dim3A_33 {strides = array<i32>} : memref<512xi32, #tpu.memory_space<vmem>>, vector<16xi32>,
    %swap3A_41 = arith.constant 64 : index
    %swap3A_42 = tpu.vector_load %arg5[%swap3A_41] {strides = array<i32>} : memref<512xi32, #tpu.memory_space<vmem>>, vector<16xi32>,
    tpu.vector_store %arg5[%swap3A_41], %broadcast_in_dim3A_33 {strides = array<i32>} : memref<512xi32, #tpu.memory_space<vmem>>, vector<16xi32>,
    %swap3A_43 = arith.constant 80 : index
    %swap3A_44 = tpu.vector_load %arg5[%swap3A_43] {strides = array<i32>} : memref<512xi32, #tpu.memory_space<vmem>>, vector<16xi32>,
    tpu.vector_store %arg5[%swap3A_43], %broadcast_in_dim3A_33 {strides = array<i32>} : memref<512xi32, #tpu.memory_space<vmem>>, vector<16xi32>,
    %swap3A_45 = arith.constant 96 : index
    %swap3A_46 = tpu.vector_load %arg5[%swap3A_45] {strides = array<i32>} : memref<512xi32, #tpu.memory_space<vmem>>, vector<16xi32>,
    tpu.vector_store %arg5[%swap3A_45], %broadcast_in_dim3A_33 {strides = array<i32>} : memref<512xi32, #tpu.memory_space<vmem>>, vector<16xi32>,
    %swap3A_47 = arith.constant 112 : index
    %swap3A_48 = tpu.vector_load %arg5[%swap3A_47] {strides = array<i32>} : memref<512xi32, #tpu.memory_space<vmem>>, vector<16xi32>,
    tpu.vector_store %arg5[%swap3A_47], %broadcast_in_dim3A_33 {strides = array<i32>} : memref<512xi32, #tpu.memory_space<vmem>>, vector<16xi32>,
    %swap3A_49 = arith.constant 128 : index
    %swap3A_50 = tpu.vector_load %arg5[%swap3A_49] {strides = array<i32>} : memref<512xi32, #tpu.memory_space<vmem>>, vector<16xi32>,
    tpu.vector_store %arg5[%swap3A_49], %broadcast_in_dim3A_33 {strides = array<i32>} : memref<512xi32, #tpu.memory_space<vmem>>, vector<16xi32>,
    %swap3A_51 = arith.constant 144 : index
    %swap3A_52 = tpu.vector_load %arg5[%swap3A_51] {strides = array<i32>} : memref<512xi32, #tpu.memory_space<vmem>>, vector<16xi32>,
    tpu.vector_store %arg5[%swap3A_51], %broadcast_in_dim3A_33 {strides = array<i32>} : memref<512xi32, #tpu.memory_space<vmem>>, vector<16xi32>,
    %swap3A_53 = arith.constant 160 : index
    %swap3A_54 = tpu.vector_load %arg5[%swap3A_53] {strides = array<i32>} : memref<512xi32, #tpu.memory_space<vmem>>, vector<16xi32>,
    tpu.vector_store %arg5[%swap3A_53], %broadcast_in_dim3A_33 {strides = array<i32>} : memref<512xi32, #tpu.memory_space<vmem>>, vector<16xi32>,
    %swap3A_55 = arith.constant 176 : index
    %swap3A_56 = tpu.vector_load %arg5[%swap3A_55] {strides = array<i32>} : memref<512xi32, #tpu.memory_space<vmem>>, vector<16xi32>,
    tpu.vector_store %arg5[%swap3A_55], %broadcast_in_dim3A_33 {strides = array<i32>} : memref<512xi32, #tpu.memory_space<vmem>>, vector<16xi32>,
    %swap3A_57 = arith.constant 192 : index
    %swap3A_58 = tpu.vector_load %arg5[%swap3A_57] {strides = array<i32>} : memref<512xi32, #tpu.memory_space<vmem>>, vector<16xi32>,
    tpu.vector_store %arg5[%swap3A_57], %broadcast_in_dim3A_33 {strides = array<i32>} : memref<512xi32, #tpu.memory_space<vmem>>, vector<16xi32>,
    %swap3A_59 = arith.constant 208 : index
    %swap3A_60 = tpu.vector_load %arg5[%swap3A_59] {strides = array<i32>} : memref<512xi32, #tpu.memory_space<vmem>>, vector<16xi32>,
    tpu.vector_store %arg5[%swap3A_59], %broadcast_in_dim3A_33 {strides = array<i32>} : memref<512xi32, #tpu.memory_space<vmem>>, vector<16xi32>,
    %swap3A_61 = arith.constant 224 : index
    %swap3A_62 = tpu.vector_load %arg5[%swap3A_61] {strides = array<i32>} : memref<512xi32, #tpu.memory_space<vmem>>, vector<16xi32>,
    tpu.vector_store %arg5[%swap3A_61], %broadcast_in_dim3A_33 {strides = array<i32>} : memref<512xi32, #tpu.memory_space<vmem>>, vector<16xi32>,
    %swap3A_63 = arith.constant 240 : index
    %swap3A_64 = tpu.vector_load %arg5[%swap3A_63] {strides = array<i32>} : memref<512xi32, #tpu.memory_space<vmem>>, vector<16xi32>,
    tpu.vector_store %arg5[%swap3A_63], %broadcast_in_dim3A_33 {strides = array<i32>} : memref<512xi32, #tpu.memory_space<vmem>>, vector<16xi32>,
    %swap3A_65 = arith.constant 256 : index
    %swap3A_66 = tpu.vector_load %arg5[%swap3A_65] {strides = array<i32>} : memref<512xi32, #tpu.memory_space<vmem>>, vector<16xi32>,
    tpu.vector_store %arg5[%swap3A_65], %broadcast_in_dim3A_33 {strides = array<i32>} : memref<512xi32, #tpu.memory_space<vmem>>, vector<16xi32>,
    %swap3A_67 = arith.constant 272 : index
    %swap3A_68 = tpu.vector_load %arg5[%swap3A_67] {strides = array<i32>} : memref<512xi32, #tpu.memory_space<vmem>>, vector<16xi32>,
    tpu.vector_store %arg5[%swap3A_67], %broadcast_in_dim3A_33 {strides = array<i32>} : memref<512xi32, #tpu.memory_space<vmem>>, vector<16xi32>,
    %swap3A_69 = arith.constant 288 : index
    %swap3A_70 = tpu.vector_load %arg5[%swap3A_69] {strides = array<i32>} : memref<512xi32, #tpu.memory_space<vmem>>, vector<16xi32>,
    tpu.vector_store %arg5[%swap3A_69], %broadcast_in_dim3A_33 {strides = array<i32>} : memref<512xi32, #tpu.memory_space<vmem>>, vector<16xi32>,
    %swap3A_71 = arith.constant 304 : index
    %swap3A_72 = tpu.vector_load %arg5[%swap3A_71] {strides = array<i32>} : memref<512xi32, #tpu.memory_space<vmem>>, vector<16xi32>,
    tpu.vector_store %arg5[%swap3A_71], %broadcast_in_dim3A_33 {strides = array<i32>} : memref<512xi32, #tpu.memory_space<vmem>>, vector<16xi32>,
    %swap3A_73 = arith.constant 320 : index
    %swap3A_74 = tpu.vector_load %arg5[%swap3A_73] {strides = array<i32>} : memref<512xi32, #tpu.memory_space<vmem>>, vector<16xi32>,
    tpu.vector_store %arg5[%swap3A_73], %broadcast_in_dim3A_33 {strides = array<i32>} : memref<512xi32, #tpu.memory_space<vmem>>, vector<16xi32>,
    %swap3A_75 = arith.constant 336 : index
    %swap3A_76 = tpu.vector_load %arg5[%swap3A_75] {strides = array<i32>} : memref<512xi32, #tpu.memory_space<vmem>>, vector<16xi32>,
    tpu.vector_store %arg5[%swap3A_75], %broadcast_in_dim3A_33 {strides = array<i32>} : memref<512xi32, #tpu.memory_space<vmem>>, vector<16xi32>,
    %swap3A_77 = arith.constant 352 : index
    %swap3A_78 = tpu.vector_load %arg5[%swap3A_77] {strides = array<i32>} : memref<512xi32, #tpu.memory_space<vmem>>, vector<16xi32>,
    tpu.vector_store %arg5[%swap3A_77], %broadcast_in_dim3A_33 {strides = array<i32>} : memref<512xi32, #tpu.memory_space<vmem>>, vector<16xi32>,
    %swap3A_79 = arith.constant 368 : index
    %swap3A_80 = tpu.vector_load %arg5[%swap3A_79] {strides = array<i32>} : memref<512xi32, #tpu.memory_space<vmem>>, vector<16xi32>,
    tpu.vector_store %arg5[%swap3A_79], %broadcast_in_dim3A_33 {strides = array<i32>} : memref<512xi32, #tpu.memory_space<vmem>>, vector<16xi32>,
    %swap3A_81 = arith.constant 384 : index
    %swap3A_82 = tpu.vector_load %arg5[%swap3A_81] {strides = array<i32>} : memref<512xi32, #tpu.memory_space<vmem>>, vector<16xi32>,
    tpu.vector_store %arg5[%swap3A_81], %broadcast_in_dim3A_33 {strides = array<i32>} : memref<512xi32, #tpu.memory_space<vmem>>, vector<16xi32>,
    %swap3A_83 = arith.constant 400 : index
    %swap3A_84 = tpu.vector_load %arg5[%swap3A_83] {strides = array<i32>} : memref<512xi32, #tpu.memory_space<vmem>>, vector<16xi32>,
    tpu.vector_store %arg5[%swap3A_83], %broadcast_in_dim3A_33 {strides = array<i32>} : memref<512xi32, #tpu.memory_space<vmem>>, vector<16xi32>,
    %swap3A_85 = arith.constant 416 : index
    %swap3A_86 = tpu.vector_load %arg5[%swap3A_85] {strides = array<i32>} : memref<512xi32, #tpu.memory_space<vmem>>, vector<16xi32>,
    tpu.vector_store %arg5[%swap3A_85], %broadcast_in_dim3A_33 {strides = array<i32>} : memref<512xi32, #tpu.memory_space<vmem>>, vector<16xi32>,
    %swap3A_87 = arith.constant 432 : index
    %swap3A_88 = tpu.vector_load %arg5[%swap3A_87] {strides = array<i32>} : memref<512xi32, #tpu.memory_space<vmem>>, vector<16xi32>,
    tpu.vector_store %arg5[%swap3A_87], %broadcast_in_dim3A_33 {strides = array<i32>} : memref<512xi32, #tpu.memory_space<vmem>>, vector<16xi32>,
    %swap3A_89 = arith.constant 448 : index
    %swap3A_90 = tpu.vector_load %arg5[%swap3A_89] {strides = array<i32>} : memref<512xi32, #tpu.memory_space<vmem>>, vector<16xi32>,
    tpu.vector_store %arg5[%swap3A_89], %broadcast_in_dim3A_33 {strides = array<i32>} : memref<512xi32, #tpu.memory_space<vmem>>, vector<16xi32>,
    %swap3A_91 = arith.constant 464 : index
    %swap3A_92 = tpu.vector_load %arg5[%swap3A_91] {strides = array<i32>} : memref<512xi32, #tpu.memory_space<vmem>>, vector<16xi32>,
    tpu.vector_store %arg5[%swap3A_91], %broadcast_in_dim3A_33 {strides = array<i32>} : memref<512xi32, #tpu.memory_space<vmem>>, vector<16xi32>,
    %swap3A_93 = arith.constant 480 : index
    %swap3A_94 = tpu.vector_load %arg5[%swap3A_93] {strides = array<i32>} : memref<512xi32, #tpu.memory_space<vmem>>, vector<16xi32>,
    tpu.vector_store %arg5[%swap3A_93], %broadcast_in_dim3A_33 {strides = array<i32>} : memref<512xi32, #tpu.memory_space<vmem>>, vector<16xi32>,
    %swap3A_95 = arith.constant 496 : index
    %swap3A_96 = tpu.vector_load %arg5[%swap3A_95] {strides = array<i32>} : memref<512xi32, #tpu.memory_space<vmem>>, vector<16xi32>,
    tpu.vector_store %arg5[%swap3A_95], %broadcast_in_dim3A_33 {strides = array<i32>} : memref<512xi32, #tpu.memory_space<vmem>>, vector<16xi32>,
    %broadcast_in_dim3A_97 = arith.constant 1 : i32
    %broadcast_in_dim3A_98 = vector.broadcast %broadcast_in_dim3A_97 : i32 to vector<16xi32>
    %get3A = arith.constant 0 : index
    %get3A_99 = tpu.vector_load %arg4[%get3A] {strides = array<i32>} : memref<272xi32, #tpu.memory_space<vmem>>, vector<16xi32>,
    %iota3A = tpu.iota {dimensions = array<i32: 0>} : vector<16xi32>
    %add3A_100 = arith.constant 0 : i32
    %add3A_101 = vector.broadcast %add3A_100 : i32 to vector<16xi32>
    %add3A_102 = arith.addi %add3A_101, %iota3A : vector<16xi32>
    %lt3A_103 = arith.constant 266 : i32
    %lt3A_104 = vector.broadcast %lt3A_103 : i32 to vector<16xi32>
    %lt3A_105 = arith.cmpi slt, %add3A_102, %lt3A_104 : vector<16xi32>
    %add3A_106 = arith.constant 0 : i32
    %add3A_107 = vector.broadcast %add3A_106 : i32 to vector<16xi32>
    %add3A_108 = arith.addi %get3A_99, %add3A_107 : vector<16xi32>
    %sub3A_109 = vector.broadcast %mul3A_32 : i32 to vector<16xi32>
    %sub3A_110 = arith.subi %add3A_108, %sub3A_109 : vector<16xi32>
    %ge3A = arith.constant 0 : i32
    %ge3A_111 = vector.broadcast %ge3A : i32 to vector<16xi32>
    %ge3A_112 = arith.cmpi sge, %sub3A_110, %ge3A_111 : vector<16xi32>
    %and3A_113 = arith.andi %lt3A_105, %ge3A_112 : vector<16xi1>
    %lt3A_114 = arith.constant 512 : i32
    %lt3A_115 = vector.broadcast %lt3A_114 : i32 to vector<16xi32>
    %lt3A_116 = arith.cmpi slt, %sub3A_110, %lt3A_115 : vector<16xi32>
    %and3A_117 = arith.andi %and3A_113, %lt3A_116 : vector<16xi1>
    %jit3A_118 = arith.constant 0 : i32
    %jit3A_119 = arith.constant 511 : i32
    %max3A = vector.broadcast %jit3A_118 : i32 to vector<16xi32>
    %max3A_120 = arith.maxsi %max3A, %sub3A_110 : vector<16xi32>
    %min3A = vector.broadcast %jit3A_119 : i32 to vector<16xi32>
    %min3A_121 = arith.minsi %min3A, %max3A_120 : vector<16xi32>
    tpu.vector_store_idx %arg5[%min3A_121], %broadcast_in_dim3A_98 masked %and3A_117 : memref<512xi32, #tpu.memory_space<vmem>>[vector<16xi32>], vector<16xi32>, vector<16xi1>
    %add3A_122 = arith.constant 1 : i32
    %add3A_123 = vector.broadcast %add3A_122 : i32 to vector<16xi32>
    %add3A_124 = arith.addi %get3A_99, %add3A_123 : vector<16xi32>
    %sub3A_125 = vector.broadcast %mul3A_32 : i32 to vector<16xi32>
    %sub3A_126 = arith.subi %add3A_124, %sub3A_125 : vector<16xi32>
    %ge3A_127 = arith.constant 0 : i32
    %ge3A_128 = vector.broadcast %ge3A_127 : i32 to vector<16xi32>
    %ge3A_129 = arith.cmpi sge, %sub3A_126, %ge3A_128 : vector<16xi32>
    %and3A_130 = arith.andi %lt3A_105, %ge3A_129 : vector<16xi1>
    %lt3A_131 = arith.constant 512 : i32
    %lt3A_132 = vector.broadcast %lt3A_131 : i32 to vector<16xi32>
    %lt3A_133 = arith.cmpi slt, %sub3A_126, %lt3A_132 : vector<16xi32>
    %and3A_134 = arith.andi %and3A_130, %lt3A_133 : vector<16xi1>
    %jit3A_135 = arith.constant 0 : i32
    %jit3A_136 = arith.constant 511 : i32
    %max3A_137 = vector.broadcast %jit3A_135 : i32 to vector<16xi32>
    %max3A_138 = arith.maxsi %max3A_137, %sub3A_126 : vector<16xi32>
    %min3A_139 = vector.broadcast %jit3A_136 : i32 to vector<16xi32>
    %min3A_140 = arith.minsi %min3A_139, %max3A_138 : vector<16xi32>
    tpu.vector_store_idx %arg5[%min3A_140], %broadcast_in_dim3A_98 masked %and3A_134 : memref<512xi32, #tpu.memory_space<vmem>>[vector<16xi32>], vector<16xi32>, vector<16xi1>
    %add3A_141 = arith.constant 2 : i32
    %add3A_142 = vector.broadcast %add3A_141 : i32 to vector<16xi32>
    %add3A_143 = arith.addi %get3A_99, %add3A_142 : vector<16xi32>
    %sub3A_144 = vector.broadcast %mul3A_32 : i32 to vector<16xi32>
    %sub3A_145 = arith.subi %add3A_143, %sub3A_144 : vector<16xi32>
    %ge3A_146 = arith.constant 0 : i32
    %ge3A_147 = vector.broadcast %ge3A_146 : i32 to vector<16xi32>
    %ge3A_148 = arith.cmpi sge, %sub3A_145, %ge3A_147 : vector<16xi32>
    %and3A_149 = arith.andi %lt3A_105, %ge3A_148 : vector<16xi1>
    %lt3A_150 = arith.constant 512 : i32
    %lt3A_151 = vector.broadcast %lt3A_150 : i32 to vector<16xi32>
    %lt3A_152 = arith.cmpi slt, %sub3A_145, %lt3A_151 : vector<16xi32>
    %and3A_153 = arith.andi %and3A_149, %lt3A_152 : vector<16xi1>
    %jit3A_154 = arith.constant 0 : i32
    %jit3A_155 = arith.constant 511 : i32
    %max3A_156 = vector.broadcast %jit3A_154 : i32 to vector<16xi32>
    %max3A_157 = arith.maxsi %max3A_156, %sub3A_145 : vector<16xi32>
    %min3A_158 = vector.broadcast %jit3A_155 : i32 to vector<16xi32>
    %min3A_159 = arith.minsi %min3A_158, %max3A_157 : vector<16xi32>
    tpu.vector_store_idx %arg5[%min3A_159], %broadcast_in_dim3A_98 masked %and3A_153 : memref<512xi32, #tpu.memory_space<vmem>>[vector<16xi32>], vector<16xi32>, vector<16xi1>
    %add3A_160 = arith.constant 3 : i32
    %add3A_161 = vector.broadcast %add3A_160 : i32 to vector<16xi32>
    %add3A_162 = arith.addi %get3A_99, %add3A_161 : vector<16xi32>
    %sub3A_163 = vector.broadcast %mul3A_32 : i32 to vector<16xi32>
    %sub3A_164 = arith.subi %add3A_162, %sub3A_163 : vector<16xi32>
    %ge3A_165 = arith.constant 0 : i32
    %ge3A_166 = vector.broadcast %ge3A_165 : i32 to vector<16xi32>
    %ge3A_167 = arith.cmpi sge, %sub3A_164, %ge3A_166 : vector<16xi32>
    %and3A_168 = arith.andi %lt3A_105, %ge3A_167 : vector<16xi1>
    %lt3A_169 = arith.constant 512 : i32
    %lt3A_170 = vector.broadcast %lt3A_169 : i32 to vector<16xi32>
    %lt3A_171 = arith.cmpi slt, %sub3A_164, %lt3A_170 : vector<16xi32>
    %and3A_172 = arith.andi %and3A_168, %lt3A_171 : vector<16xi1>
    %jit3A_173 = arith.constant 0 : i32
    %jit3A_174 = arith.constant 511 : i32
    %max3A_175 = vector.broadcast %jit3A_173 : i32 to vector<16xi32>
    %max3A_176 = arith.maxsi %max3A_175, %sub3A_164 : vector<16xi32>
    %min3A_177 = vector.broadcast %jit3A_174 : i32 to vector<16xi32>
    %min3A_178 = arith.minsi %min3A_177, %max3A_176 : vector<16xi32>
    tpu.vector_store_idx %arg5[%min3A_178], %broadcast_in_dim3A_98 masked %and3A_172 : memref<512xi32, #tpu.memory_space<vmem>>[vector<16xi32>], vector<16xi32>, vector<16xi1>
    %add3A_179 = arith.constant 4 : i32
    %add3A_180 = vector.broadcast %add3A_179 : i32 to vector<16xi32>
    %add3A_181 = arith.addi %get3A_99, %add3A_180 : vector<16xi32>
    %sub3A_182 = vector.broadcast %mul3A_32 : i32 to vector<16xi32>
    %sub3A_183 = arith.subi %add3A_181, %sub3A_182 : vector<16xi32>
    %ge3A_184 = arith.constant 0 : i32
    %ge3A_185 = vector.broadcast %ge3A_184 : i32 to vector<16xi32>
    %ge3A_186 = arith.cmpi sge, %sub3A_183, %ge3A_185 : vector<16xi32>
    %and3A_187 = arith.andi %lt3A_105, %ge3A_186 : vector<16xi1>
    %lt3A_188 = arith.constant 512 : i32
    %lt3A_189 = vector.broadcast %lt3A_188 : i32 to vector<16xi32>
    %lt3A_190 = arith.cmpi slt, %sub3A_183, %lt3A_189 : vector<16xi32>
    %and3A_191 = arith.andi %and3A_187, %lt3A_190 : vector<16xi1>
    %jit3A_192 = arith.constant 0 : i32
    %jit3A_193 = arith.constant 511 : i32
    %max3A_194 = vector.broadcast %jit3A_192 : i32 to vector<16xi32>
    %max3A_195 = arith.maxsi %max3A_194, %sub3A_183 : vector<16xi32>
    %min3A_196 = vector.broadcast %jit3A_193 : i32 to vector<16xi32>
    %min3A_197 = arith.minsi %min3A_196, %max3A_195 : vector<16xi32>
    tpu.vector_store_idx %arg5[%min3A_197], %broadcast_in_dim3A_98 masked %and3A_191 : memref<512xi32, #tpu.memory_space<vmem>>[vector<16xi32>], vector<16xi32>, vector<16xi1>
    %add3A_198 = arith.constant 5 : i32
    %add3A_199 = vector.broadcast %add3A_198 : i32 to vector<16xi32>
    %add3A_200 = arith.addi %get3A_99, %add3A_199 : vector<16xi32>
    %sub3A_201 = vector.broadcast %mul3A_32 : i32 to vector<16xi32>
    %sub3A_202 = arith.subi %add3A_200, %sub3A_201 : vector<16xi32>
    %ge3A_203 = arith.constant 0 : i32
    %ge3A_204 = vector.broadcast %ge3A_203 : i32 to vector<16xi32>
    %ge3A_205 = arith.cmpi sge, %sub3A_202, %ge3A_204 : vector<16xi32>
    %and3A_206 = arith.andi %lt3A_105, %ge3A_205 : vector<16xi1>
    %lt3A_207 = arith.constant 512 : i32
    %lt3A_208 = vector.broadcast %lt3A_207 : i32 to vector<16xi32>
    %lt3A_209 = arith.cmpi slt, %sub3A_202, %lt3A_208 : vector<16xi32>
    %and3A_210 = arith.andi %and3A_206, %lt3A_209 : vector<16xi1>
    %jit3A_211 = arith.constant 0 : i32
    %jit3A_212 = arith.constant 511 : i32
    %max3A_213 = vector.broadcast %jit3A_211 : i32 to vector<16xi32>
    %max3A_214 = arith.maxsi %max3A_213, %sub3A_202 : vector<16xi32>
    %min3A_215 = vector.broadcast %jit3A_212 : i32 to vector<16xi32>
    %min3A_216 = arith.minsi %min3A_215, %max3A_214 : vector<16xi32>
    tpu.vector_store_idx %arg5[%min3A_216], %broadcast_in_dim3A_98 masked %and3A_210 : memref<512xi32, #tpu.memory_space<vmem>>[vector<16xi32>], vector<16xi32>, vector<16xi1>
    %add3A_217 = arith.constant 6 : i32
    %add3A_218 = vector.broadcast %add3A_217 : i32 to vector<16xi32>
    %add3A_219 = arith.addi %get3A_99, %add3A_218 : vector<16xi32>
    %sub3A_220 = vector.broadcast %mul3A_32 : i32 to vector<16xi32>
    %sub3A_221 = arith.subi %add3A_219, %sub3A_220 : vector<16xi32>
    %ge3A_222 = arith.constant 0 : i32
    %ge3A_223 = vector.broadcast %ge3A_222 : i32 to vector<16xi32>
    %ge3A_224 = arith.cmpi sge, %sub3A_221, %ge3A_223 : vector<16xi32>
    %and3A_225 = arith.andi %lt3A_105, %ge3A_224 : vector<16xi1>
    %lt3A_226 = arith.constant 512 : i32
    %lt3A_227 = vector.broadcast %lt3A_226 : i32 to vector<16xi32>
    %lt3A_228 = arith.cmpi slt, %sub3A_221, %lt3A_227 : vector<16xi32>
    %and3A_229 = arith.andi %and3A_225, %lt3A_228 : vector<16xi1>
    %jit3A_230 = arith.constant 0 : i32
    %jit3A_231 = arith.constant 511 : i32
    %max3A_232 = vector.broadcast %jit3A_230 : i32 to vector<16xi32>
    %max3A_233 = arith.maxsi %max3A_232, %sub3A_221 : vector<16xi32>
    %min3A_234 = vector.broadcast %jit3A_231 : i32 to vector<16xi32>
    %min3A_235 = arith.minsi %min3A_234, %max3A_233 : vector<16xi32>
    tpu.vector_store_idx %arg5[%min3A_235], %broadcast_in_dim3A_98 masked %and3A_229 : memref<512xi32, #tpu.memory_space<vmem>>[vector<16xi32>], vector<16xi32>, vector<16xi1>
    %add3A_236 = arith.constant 7 : i32
    %add3A_237 = vector.broadcast %add3A_236 : i32 to vector<16xi32>
    %add3A_238 = arith.addi %get3A_99, %add3A_237 : vector<16xi32>
    %sub3A_239 = vector.broadcast %mul3A_32 : i32 to vector<16xi32>
    %sub3A_240 = arith.subi %add3A_238, %sub3A_239 : vector<16xi32>
    %ge3A_241 = arith.constant 0 : i32
    %ge3A_242 = vector.broadcast %ge3A_241 : i32 to vector<16xi32>
    %ge3A_243 = arith.cmpi sge, %sub3A_240, %ge3A_242 : vector<16xi32>
    %and3A_244 = arith.andi %lt3A_105, %ge3A_243 : vector<16xi1>
    %lt3A_245 = arith.constant 512 : i32
    %lt3A_246 = vector.broadcast %lt3A_245 : i32 to vector<16xi32>
    %lt3A_247 = arith.cmpi slt, %sub3A_240, %lt3A_246 : vector<16xi32>
    %and3A_248 = arith.andi %and3A_244, %lt3A_247 : vector<16xi1>
    %jit3A_249 = arith.constant 0 : i32
    %jit3A_250 = arith.constant 511 : i32
    %max3A_251 = vector.broadcast %jit3A_249 : i32 to vector<16xi32>
    %max3A_252 = arith.maxsi %max3A_251, %sub3A_240 : vector<16xi32>
    %min3A_253 = vector.broadcast %jit3A_250 : i32 to vector<16xi32>
    %min3A_254 = arith.minsi %min3A_253, %max3A_252 : vector<16xi32>
    tpu.vector_store_idx %arg5[%min3A_254], %broadcast_in_dim3A_98 masked %and3A_248 : memref<512xi32, #tpu.memory_space<vmem>>[vector<16xi32>], vector<16xi32>, vector<16xi1>
    %add3A_255 = arith.constant 8 : i32
    %add3A_256 = vector.broadcast %add3A_255 : i32 to vector<16xi32>
    %add3A_257 = arith.addi %get3A_99, %add3A_256 : vector<16xi32>
    %sub3A_258 = vector.broadcast %mul3A_32 : i32 to vector<16xi32>
    %sub3A_259 = arith.subi %add3A_257, %sub3A_258 : vector<16xi32>
    %ge3A_260 = arith.constant 0 : i32
    %ge3A_261 = vector.broadcast %ge3A_260 : i32 to vector<16xi32>
    %ge3A_262 = arith.cmpi sge, %sub3A_259, %ge3A_261 : vector<16xi32>
    %and3A_263 = arith.andi %lt3A_105, %ge3A_262 : vector<16xi1>
    %lt3A_264 = arith.constant 512 : i32
    %lt3A_265 = vector.broadcast %lt3A_264 : i32 to vector<16xi32>
    %lt3A_266 = arith.cmpi slt, %sub3A_259, %lt3A_265 : vector<16xi32>
    %and3A_267 = arith.andi %and3A_263, %lt3A_266 : vector<16xi1>
    %jit3A_268 = arith.constant 0 : i32
    %jit3A_269 = arith.constant 511 : i32
    %max3A_270 = vector.broadcast %jit3A_268 : i32 to vector<16xi32>
    %max3A_271 = arith.maxsi %max3A_270, %sub3A_259 : vector<16xi32>
    %min3A_272 = vector.broadcast %jit3A_269 : i32 to vector<16xi32>
    %min3A_273 = arith.minsi %min3A_272, %max3A_271 : vector<16xi32>
    tpu.vector_store_idx %arg5[%min3A_273], %broadcast_in_dim3A_98 masked %and3A_267 : memref<512xi32, #tpu.memory_space<vmem>>[vector<16xi32>], vector<16xi32>, vector<16xi1>
    %add3A_274 = arith.constant 9 : i32
    %add3A_275 = vector.broadcast %add3A_274 : i32 to vector<16xi32>
    %add3A_276 = arith.addi %get3A_99, %add3A_275 : vector<16xi32>
    %sub3A_277 = vector.broadcast %mul3A_32 : i32 to vector<16xi32>
    %sub3A_278 = arith.subi %add3A_276, %sub3A_277 : vector<16xi32>
    %ge3A_279 = arith.constant 0 : i32
    %ge3A_280 = vector.broadcast %ge3A_279 : i32 to vector<16xi32>
    %ge3A_281 = arith.cmpi sge, %sub3A_278, %ge3A_280 : vector<16xi32>
    %and3A_282 = arith.andi %lt3A_105, %ge3A_281 : vector<16xi1>
    %lt3A_283 = arith.constant 512 : i32
    %lt3A_284 = vector.broadcast %lt3A_283 : i32 to vector<16xi32>
    %lt3A_285 = arith.cmpi slt, %sub3A_278, %lt3A_284 : vector<16xi32>
    %and3A_286 = arith.andi %and3A_282, %lt3A_285 : vector<16xi1>
    %jit3A_287 = arith.constant 0 : i32
    %jit3A_288 = arith.constant 511 : i32
    %max3A_289 = vector.broadcast %jit3A_287 : i32 to vector<16xi32>
    %max3A_290 = arith.maxsi %max3A_289, %sub3A_278 : vector<16xi32>
    %min3A_291 = vector.broadcast %jit3A_288 : i32 to vector<16xi32>
    %min3A_292 = arith.minsi %min3A_291, %max3A_290 : vector<16xi32>
    tpu.vector_store_idx %arg5[%min3A_292], %broadcast_in_dim3A_98 masked %and3A_286 : memref<512xi32, #tpu.memory_space<vmem>>[vector<16xi32>], vector<16xi32>, vector<16xi1>
    %get3A_293 = arith.constant 16 : index
    %get3A_294 = tpu.vector_load %arg4[%get3A_293] {strides = array<i32>} : memref<272xi32, #tpu.memory_space<vmem>>, vector<16xi32>,
    %iota3A_295 = tpu.iota {dimensions = array<i32: 0>} : vector<16xi32>
    %add3A_296 = arith.constant 16 : i32
    %add3A_297 = vector.broadcast %add3A_296 : i32 to vector<16xi32>
    %add3A_298 = arith.addi %add3A_297, %iota3A_295 : vector<16xi32>
    %lt3A_299 = arith.constant 266 : i32
    %lt3A_300 = vector.broadcast %lt3A_299 : i32 to vector<16xi32>
    %lt3A_301 = arith.cmpi slt, %add3A_298, %lt3A_300 : vector<16xi32>
    %add3A_302 = arith.constant 0 : i32
    %add3A_303 = vector.broadcast %add3A_302 : i32 to vector<16xi32>
    %add3A_304 = arith.addi %get3A_294, %add3A_303 : vector<16xi32>
    %sub3A_305 = vector.broadcast %mul3A_32 : i32 to vector<16xi32>
    %sub3A_306 = arith.subi %add3A_304, %sub3A_305 : vector<16xi32>
    %ge3A_307 = arith.constant 0 : i32
    %ge3A_308 = vector.broadcast %ge3A_307 : i32 to vector<16xi32>
    %ge3A_309 = arith.cmpi sge, %sub3A_306, %ge3A_308 : vector<16xi32>
    %and3A_310 = arith.andi %lt3A_301, %ge3A_309 : vector<16xi1>
    %lt3A_311 = arith.constant 512 : i32
    %lt3A_312 = vector.broadcast %lt3A_311 : i32 to vector<16xi32>
    %lt3A_313 = arith.cmpi slt, %sub3A_306, %lt3A_312 : vector<16xi32>
    %and3A_314 = arith.andi %and3A_310, %lt3A_313 : vector<16xi1>
    %jit3A_315 = arith.constant 0 : i32
    %jit3A_316 = arith.constant 511 : i32
    %max3A_317 = vector.broadcast %jit3A_315 : i32 to vector<16xi32>
    %max3A_318 = arith.maxsi %max3A_317, %sub3A_306 : vector<16xi32>
    %min3A_319 = vector.broadcast %jit3A_316 : i32 to vector<16xi32>
    %min3A_320 = arith.minsi %min3A_319, %max3A_318 : vector<16xi32>
    tpu.vector_store_idx %arg5[%min3A_320], %broadcast_in_dim3A_98 masked %and3A_314 : memref<512xi32, #tpu.memory_space<vmem>>[vector<16xi32>], vector<16xi32>, vector<16xi1>
    %add3A_321 = arith.constant 1 : i32
    %add3A_322 = vector.broadcast %add3A_321 : i32 to vector<16xi32>
    %add3A_323 = arith.addi %get3A_294, %add3A_322 : vector<16xi32>
    %sub3A_324 = vector.broadcast %mul3A_32 : i32 to vector<16xi32>
    %sub3A_325 = arith.subi %add3A_323, %sub3A_324 : vector<16xi32>
    %ge3A_326 = arith.constant 0 : i32
    %ge3A_327 = vector.broadcast %ge3A_326 : i32 to vector<16xi32>
    %ge3A_328 = arith.cmpi sge, %sub3A_325, %ge3A_327 : vector<16xi32>
    %and3A_329 = arith.andi %lt3A_301, %ge3A_328 : vector<16xi1>
    %lt3A_330 = arith.constant 512 : i32
    %lt3A_331 = vector.broadcast %lt3A_330 : i32 to vector<16xi32>
    %lt3A_332 = arith.cmpi slt, %sub3A_325, %lt3A_331 : vector<16xi32>
    %and3A_333 = arith.andi %and3A_329, %lt3A_332 : vector<16xi1>
    %jit3A_334 = arith.constant 0 : i32
    %jit3A_335 = arith.constant 511 : i32
    %max3A_336 = vector.broadcast %jit3A_334 : i32 to vector<16xi32>
    %max3A_337 = arith.maxsi %max3A_336, %sub3A_325 : vector<16xi32>
    %min3A_338 = vector.broadcast %jit3A_335 : i32 to vector<16xi32>
    %min3A_339 = arith.minsi %min3A_338, %max3A_337 : vector<16xi32>
    tpu.vector_store_idx %arg5[%min3A_339], %broadcast_in_dim3A_98 masked %and3A_333 : memref<512xi32, #tpu.memory_space<vmem>>[vector<16xi32>], vector<16xi32>, vector<16xi1>
    %add3A_340 = arith.constant 2 : i32
    %add3A_341 = vector.broadcast %add3A_340 : i32 to vector<16xi32>
    %add3A_342 = arith.addi %get3A_294, %add3A_341 : vector<16xi32>
    %sub3A_343 = vector.broadcast %mul3A_32 : i32 to vector<16xi32>
    %sub3A_344 = arith.subi %add3A_342, %sub3A_343 : vector<16xi32>
    %ge3A_345 = arith.constant 0 : i32
    %ge3A_346 = vector.broadcast %ge3A_345 : i32 to vector<16xi32>
    %ge3A_347 = arith.cmpi sge, %sub3A_344, %ge3A_346 : vector<16xi32>
    %and3A_348 = arith.andi %lt3A_301, %ge3A_347 : vector<16xi1>
    %lt3A_349 = arith.constant 512 : i32
    %lt3A_350 = vector.broadcast %lt3A_349 : i32 to vector<16xi32>
    %lt3A_351 = arith.cmpi slt, %sub3A_344, %lt3A_350 : vector<16xi32>
    %and3A_352 = arith.andi %and3A_348, %lt3A_351 : vector<16xi1>
    %jit3A_353 = arith.constant 0 : i32
    %jit3A_354 = arith.constant 511 : i32
    %max3A_355 = vector.broadcast %jit3A_353 : i32 to vector<16xi32>
    %max3A_356 = arith.maxsi %max3A_355, %sub3A_344 : vector<16xi32>
    %min3A_357 = vector.broadcast %jit3A_354 : i32 to vector<16xi32>
    %min3A_358 = arith.minsi %min3A_357, %max3A_356 : vector<16xi32>
    tpu.vector_store_idx %arg5[%min3A_358], %broadcast_in_dim3A_98 masked %and3A_352 : memref<512xi32, #tpu.memory_space<vmem>>[vector<16xi32>], vector<16xi32>, vector<16xi1>
    %add3A_359 = arith.constant 3 : i32
    %add3A_360 = vector.broadcast %add3A_359 : i32 to vector<16xi32>
    %add3A_361 = arith.addi %get3A_294, %add3A_360 : vector<16xi32>
    %sub3A_362 = vector.broadcast %mul3A_32 : i32 to vector<16xi32>
    %sub3A_363 = arith.subi %add3A_361, %sub3A_362 : vector<16xi32>
    %ge3A_364 = arith.constant 0 : i32
    %ge3A_365 = vector.broadcast %ge3A_364 : i32 to vector<16xi32>
    %ge3A_366 = arith.cmpi sge, %sub3A_363, %ge3A_365 : vector<16xi32>
    %and3A_367 = arith.andi %lt3A_301, %ge3A_366 : vector<16xi1>
    %lt3A_368 = arith.constant 512 : i32
    %lt3A_369 = vector.broadcast %lt3A_368 : i32 to vector<16xi32>
    %lt3A_370 = arith.cmpi slt, %sub3A_363, %lt3A_369 : vector<16xi32>
    %and3A_371 = arith.andi %and3A_367, %lt3A_370 : vector<16xi1>
    %jit3A_372 = arith.constant 0 : i32
    %jit3A_373 = arith.constant 511 : i32
    %max3A_374 = vector.broadcast %jit3A_372 : i32 to vector<16xi32>
    %max3A_375 = arith.maxsi %max3A_374, %sub3A_363 : vector<16xi32>
    %min3A_376 = vector.broadcast %jit3A_373 : i32 to vector<16xi32>
    %min3A_377 = arith.minsi %min3A_376, %max3A_375 : vector<16xi32>
    tpu.vector_store_idx %arg5[%min3A_377], %broadcast_in_dim3A_98 masked %and3A_371 : memref<512xi32, #tpu.memory_space<vmem>>[vector<16xi32>], vector<16xi32>, vector<16xi1>
    %add3A_378 = arith.constant 4 : i32
    %add3A_379 = vector.broadcast %add3A_378 : i32 to vector<16xi32>
    %add3A_380 = arith.addi %get3A_294, %add3A_379 : vector<16xi32>
    %sub3A_381 = vector.broadcast %mul3A_32 : i32 to vector<16xi32>
    %sub3A_382 = arith.subi %add3A_380, %sub3A_381 : vector<16xi32>
    %ge3A_383 = arith.constant 0 : i32
    %ge3A_384 = vector.broadcast %ge3A_383 : i32 to vector<16xi32>
    %ge3A_385 = arith.cmpi sge, %sub3A_382, %ge3A_384 : vector<16xi32>
    %and3A_386 = arith.andi %lt3A_301, %ge3A_385 : vector<16xi1>
    %lt3A_387 = arith.constant 512 : i32
    %lt3A_388 = vector.broadcast %lt3A_387 : i32 to vector<16xi32>
    %lt3A_389 = arith.cmpi slt, %sub3A_382, %lt3A_388 : vector<16xi32>
    %and3A_390 = arith.andi %and3A_386, %lt3A_389 : vector<16xi1>
    %jit3A_391 = arith.constant 0 : i32
    %jit3A_392 = arith.constant 511 : i32
    %max3A_393 = vector.broadcast %jit3A_391 : i32 to vector<16xi32>
    %max3A_394 = arith.maxsi %max3A_393, %sub3A_382 : vector<16xi32>
    %min3A_395 = vector.broadcast %jit3A_392 : i32 to vector<16xi32>
    %min3A_396 = arith.minsi %min3A_395, %max3A_394 : vector<16xi32>
    tpu.vector_store_idx %arg5[%min3A_396], %broadcast_in_dim3A_98 masked %and3A_390 : memref<512xi32, #tpu.memory_space<vmem>>[vector<16xi32>], vector<16xi32>, vector<16xi1>
    %add3A_397 = arith.constant 5 : i32
    %add3A_398 = vector.broadcast %add3A_397 : i32 to vector<16xi32>
    %add3A_399 = arith.addi %get3A_294, %add3A_398 : vector<16xi32>
    %sub3A_400 = vector.broadcast %mul3A_32 : i32 to vector<16xi32>
    %sub3A_401 = arith.subi %add3A_399, %sub3A_400 : vector<16xi32>
    %ge3A_402 = arith.constant 0 : i32
    %ge3A_403 = vector.broadcast %ge3A_402 : i32 to vector<16xi32>
    %ge3A_404 = arith.cmpi sge, %sub3A_401, %ge3A_403 : vector<16xi32>
    %and3A_405 = arith.andi %lt3A_301, %ge3A_404 : vector<16xi1>
    %lt3A_406 = arith.constant 512 : i32
    %lt3A_407 = vector.broadcast %lt3A_406 : i32 to vector<16xi32>
    %lt3A_408 = arith.cmpi slt, %sub3A_401, %lt3A_407 : vector<16xi32>
    %and3A_409 = arith.andi %and3A_405, %lt3A_408 : vector<16xi1>
    %jit3A_410 = arith.constant 0 : i32
    %jit3A_411 = arith.constant 511 : i32
    %max3A_412 = vector.broadcast %jit3A_410 : i32 to vector<16xi32>
    %max3A_413 = arith.maxsi %max3A_412, %sub3A_401 : vector<16xi32>
    %min3A_414 = vector.broadcast %jit3A_411 : i32 to vector<16xi32>
    %min3A_415 = arith.minsi %min3A_414, %max3A_413 : vector<16xi32>
    tpu.vector_store_idx %arg5[%min3A_415], %broadcast_in_dim3A_98 masked %and3A_409 : memref<512xi32, #tpu.memory_space<vmem>>[vector<16xi32>], vector<16xi32>, vector<16xi1>
    %add3A_416 = arith.constant 6 : i32
    %add3A_417 = vector.broadcast %add3A_416 : i32 to vector<16xi32>
    %add3A_418 = arith.addi %get3A_294, %add3A_417 : vector<16xi32>
    %sub3A_419 = vector.broadcast %mul3A_32 : i32 to vector<16xi32>
    %sub3A_420 = arith.subi %add3A_418, %sub3A_419 : vector<16xi32>
    %ge3A_421 = arith.constant 0 : i32
    %ge3A_422 = vector.broadcast %ge3A_421 : i32 to vector<16xi32>
    %ge3A_423 = arith.cmpi sge, %sub3A_420, %ge3A_422 : vector<16xi32>
    %and3A_424 = arith.andi %lt3A_301, %ge3A_423 : vector<16xi1>
    %lt3A_425 = arith.constant 512 : i32
    %lt3A_426 = vector.broadcast %lt3A_425 : i32 to vector<16xi32>
    %lt3A_427 = arith.cmpi slt, %sub3A_420, %lt3A_426 : vector<16xi32>
    %and3A_428 = arith.andi %and3A_424, %lt3A_427 : vector<16xi1>
    %jit3A_429 = arith.constant 0 : i32
    %jit3A_430 = arith.constant 511 : i32
    %max3A_431 = vector.broadcast %jit3A_429 : i32 to vector<16xi32>
    %max3A_432 = arith.maxsi %max3A_431, %sub3A_420 : vector<16xi32>
    %min3A_433 = vector.broadcast %jit3A_430 : i32 to vector<16xi32>
    %min3A_434 = arith.minsi %min3A_433, %max3A_432 : vector<16xi32>
    tpu.vector_store_idx %arg5[%min3A_434], %broadcast_in_dim3A_98 masked %and3A_428 : memref<512xi32, #tpu.memory_space<vmem>>[vector<16xi32>], vector<16xi32>, vector<16xi1>
    %add3A_435 = arith.constant 7 : i32
    %add3A_436 = vector.broadcast %add3A_435 : i32 to vector<16xi32>
    %add3A_437 = arith.addi %get3A_294, %add3A_436 : vector<16xi32>
    %sub3A_438 = vector.broadcast %mul3A_32 : i32 to vector<16xi32>
    %sub3A_439 = arith.subi %add3A_437, %sub3A_438 : vector<16xi32>
    %ge3A_440 = arith.constant 0 : i32
    %ge3A_441 = vector.broadcast %ge3A_440 : i32 to vector<16xi32>
    %ge3A_442 = arith.cmpi sge, %sub3A_439, %ge3A_441 : vector<16xi32>
    %and3A_443 = arith.andi %lt3A_301, %ge3A_442 : vector<16xi1>
    %lt3A_444 = arith.constant 512 : i32
    %lt3A_445 = vector.broadcast %lt3A_444 : i32 to vector<16xi32>
    %lt3A_446 = arith.cmpi slt, %sub3A_439, %lt3A_445 : vector<16xi32>
    %and3A_447 = arith.andi %and3A_443, %lt3A_446 : vector<16xi1>
    %jit3A_448 = arith.constant 0 : i32
    %jit3A_449 = arith.constant 511 : i32
    %max3A_450 = vector.broadcast %jit3A_448 : i32 to vector<16xi32>
    %max3A_451 = arith.maxsi %max3A_450, %sub3A_439 : vector<16xi32>
    %min3A_452 = vector.broadcast %jit3A_449 : i32 to vector<16xi32>
    %min3A_453 = arith.minsi %min3A_452, %max3A_451 : vector<16xi32>
    tpu.vector_store_idx %arg5[%min3A_453], %broadcast_in_dim3A_98 masked %and3A_447 : memref<512xi32, #tpu.memory_space<vmem>>[vector<16xi32>], vector<16xi32>, vector<16xi1>
    %add3A_454 = arith.constant 8 : i32
    %add3A_455 = vector.broadcast %add3A_454 : i32 to vector<16xi32>
    %add3A_456 = arith.addi %get3A_294, %add3A_455 : vector<16xi32>
    %sub3A_457 = vector.broadcast %mul3A_32 : i32 to vector<16xi32>
    %sub3A_458 = arith.subi %add3A_456, %sub3A_457 : vector<16xi32>
    %ge3A_459 = arith.constant 0 : i32
    %ge3A_460 = vector.broadcast %ge3A_459 : i32 to vector<16xi32>
    %ge3A_461 = arith.cmpi sge, %sub3A_458, %ge3A_460 : vector<16xi32>
    %and3A_462 = arith.andi %lt3A_301, %ge3A_461 : vector<16xi1>
    %lt3A_463 = arith.constant 512 : i32
    %lt3A_464 = vector.broadcast %lt3A_463 : i32 to vector<16xi32>
    %lt3A_465 = arith.cmpi slt, %sub3A_458, %lt3A_464 : vector<16xi32>
    %and3A_466 = arith.andi %and3A_462, %lt3A_465 : vector<16xi1>
    %jit3A_467 = arith.constant 0 : i32
    %jit3A_468 = arith.constant 511 : i32
    %max3A_469 = vector.broadcast %jit3A_467 : i32 to vector<16xi32>
    %max3A_470 = arith.maxsi %max3A_469, %sub3A_458 : vector<16xi32>
    %min3A_471 = vector.broadcast %jit3A_468 : i32 to vector<16xi32>
    %min3A_472 = arith.minsi %min3A_471, %max3A_470 : vector<16xi32>
    tpu.vector_store_idx %arg5[%min3A_472], %broadcast_in_dim3A_98 masked %and3A_466 : memref<512xi32, #tpu.memory_space<vmem>>[vector<16xi32>], vector<16xi32>, vector<16xi1>
    %add3A_473 = arith.constant 9 : i32
    %add3A_474 = vector.broadcast %add3A_473 : i32 to vector<16xi32>
    %add3A_475 = arith.addi %get3A_294, %add3A_474 : vector<16xi32>
    %sub3A_476 = vector.broadcast %mul3A_32 : i32 to vector<16xi32>
    %sub3A_477 = arith.subi %add3A_475, %sub3A_476 : vector<16xi32>
    %ge3A_478 = arith.constant 0 : i32
    %ge3A_479 = vector.broadcast %ge3A_478 : i32 to vector<16xi32>
    %ge3A_480 = arith.cmpi sge, %sub3A_477, %ge3A_479 : vector<16xi32>
    %and3A_481 = arith.andi %lt3A_301, %ge3A_480 : vector<16xi1>
    %lt3A_482 = arith.constant 512 : i32
    %lt3A_483 = vector.broadcast %lt3A_482 : i32 to vector<16xi32>
    %lt3A_484 = arith.cmpi slt, %sub3A_477, %lt3A_483 : vector<16xi32>
    %and3A_485 = arith.andi %and3A_481, %lt3A_484 : vector<16xi1>
    %jit3A_486 = arith.constant 0 : i32
    %jit3A_487 = arith.constant 511 : i32
    %max3A_488 = vector.broadcast %jit3A_486 : i32 to vector<16xi32>
    %max3A_489 = arith.maxsi %max3A_488, %sub3A_477 : vector<16xi32>
    %min3A_490 = vector.broadcast %jit3A_487 : i32 to vector<16xi32>
    %min3A_491 = arith.minsi %min3A_490, %max3A_489 : vector<16xi32>
    tpu.vector_store_idx %arg5[%min3A_491], %broadcast_in_dim3A_98 masked %and3A_485 : memref<512xi32, #tpu.memory_space<vmem>>[vector<16xi32>], vector<16xi32>, vector<16xi1>
    %get3A_492 = arith.constant 32 : index
    %get3A_493 = tpu.vector_load %arg4[%get3A_492] {strides = array<i32>} : memref<272xi32, #tpu.memory_space<vmem>>, vector<16xi32>,
    %iota3A_494 = tpu.iota {dimensions = array<i32: 0>} : vector<16xi32>
    %add3A_495 = arith.constant 32 : i32
    %add3A_496 = vector.broadcast %add3A_495 : i32 to vector<16xi32>
    %add3A_497 = arith.addi %add3A_496, %iota3A_494 : vector<16xi32>
    %lt3A_498 = arith.constant 266 : i32
    %lt3A_499 = vector.broadcast %lt3A_498 : i32 to vector<16xi32>
    %lt3A_500 = arith.cmpi slt, %add3A_497, %lt3A_499 : vector<16xi32>
    %add3A_501 = arith.constant 0 : i32
    %add3A_502 = vector.broadcast %add3A_501 : i32 to vector<16xi32>
    %add3A_503 = arith.addi %get3A_493, %add3A_502 : vector<16xi32>
    %sub3A_504 = vector.broadcast %mul3A_32 : i32 to vector<16xi32>
    %sub3A_505 = arith.subi %add3A_503, %sub3A_504 : vector<16xi32>
    %ge3A_506 = arith.constant 0 : i32
    %ge3A_507 = vector.broadcast %ge3A_506 : i32 to vector<16xi32>
    %ge3A_508 = arith.cmpi sge, %sub3A_505, %ge3A_507 : vector<16xi32>
    %and3A_509 = arith.andi %lt3A_500, %ge3A_508 : vector<16xi1>
    %lt3A_510 = arith.constant 512 : i32
    %lt3A_511 = vector.broadcast %lt3A_510 : i32 to vector<16xi32>
    %lt3A_512 = arith.cmpi slt, %sub3A_505, %lt3A_511 : vector<16xi32>
    %and3A_513 = arith.andi %and3A_509, %lt3A_512 : vector<16xi1>
    %jit3A_514 = arith.constant 0 : i32
    %jit3A_515 = arith.constant 511 : i32
    %max3A_516 = vector.broadcast %jit3A_514 : i32 to vector<16xi32>
    %max3A_517 = arith.maxsi %max3A_516, %sub3A_505 : vector<16xi32>
    %min3A_518 = vector.broadcast %jit3A_515 : i32 to vector<16xi32>
    %min3A_519 = arith.minsi %min3A_518, %max3A_517 : vector<16xi32>
    tpu.vector_store_idx %arg5[%min3A_519], %broadcast_in_dim3A_98 masked %and3A_513 : memref<512xi32, #tpu.memory_space<vmem>>[vector<16xi32>], vector<16xi32>, vector<16xi1>
    %add3A_520 = arith.constant 1 : i32
    %add3A_521 = vector.broadcast %add3A_520 : i32 to vector<16xi32>
    %add3A_522 = arith.addi %get3A_493, %add3A_521 : vector<16xi32>
    %sub3A_523 = vector.broadcast %mul3A_32 : i32 to vector<16xi32>
    %sub3A_524 = arith.subi %add3A_522, %sub3A_523 : vector<16xi32>
    %ge3A_525 = arith.constant 0 : i32
    %ge3A_526 = vector.broadcast %ge3A_525 : i32 to vector<16xi32>
    %ge3A_527 = arith.cmpi sge, %sub3A_524, %ge3A_526 : vector<16xi32>
    %and3A_528 = arith.andi %lt3A_500, %ge3A_527 : vector<16xi1>
    %lt3A_529 = arith.constant 512 : i32
    %lt3A_530 = vector.broadcast %lt3A_529 : i32 to vector<16xi32>
    %lt3A_531 = arith.cmpi slt, %sub3A_524, %lt3A_530 : vector<16xi32>
    %and3A_532 = arith.andi %and3A_528, %lt3A_531 : vector<16xi1>
    %jit3A_533 = arith.constant 0 : i32
    %jit3A_534 = arith.constant 511 : i32
    %max3A_535 = vector.broadcast %jit3A_533 : i32 to vector<16xi32>
    %max3A_536 = arith.maxsi %max3A_535, %sub3A_524 : vector<16xi32>
    %min3A_537 = vector.broadcast %jit3A_534 : i32 to vector<16xi32>
    %min3A_538 = arith.minsi %min3A_537, %max3A_536 : vector<16xi32>
    tpu.vector_store_idx %arg5[%min3A_538], %broadcast_in_dim3A_98 masked %and3A_532 : memref<512xi32, #tpu.memory_space<vmem>>[vector<16xi32>], vector<16xi32>, vector<16xi1>
    %add3A_539 = arith.constant 2 : i32
    %add3A_540 = vector.broadcast %add3A_539 : i32 to vector<16xi32>
    %add3A_541 = arith.addi %get3A_493, %add3A_540 : vector<16xi32>
    %sub3A_542 = vector.broadcast %mul3A_32 : i32 to vector<16xi32>
    %sub3A_543 = arith.subi %add3A_541, %sub3A_542 : vector<16xi32>
    %ge3A_544 = arith.constant 0 : i32
    %ge3A_545 = vector.broadcast %ge3A_544 : i32 to vector<16xi32>
    %ge3A_546 = arith.cmpi sge, %sub3A_543, %ge3A_545 : vector<16xi32>
    %and3A_547 = arith.andi %lt3A_500, %ge3A_546 : vector<16xi1>
    %lt3A_548 = arith.constant 512 : i32
    %lt3A_549 = vector.broadcast %lt3A_548 : i32 to vector<16xi32>
    %lt3A_550 = arith.cmpi slt, %sub3A_543, %lt3A_549 : vector<16xi32>
    %and3A_551 = arith.andi %and3A_547, %lt3A_550 : vector<16xi1>
    %jit3A_552 = arith.constant 0 : i32
    %jit3A_553 = arith.constant 511 : i32
    %max3A_554 = vector.broadcast %jit3A_552 : i32 to vector<16xi32>
    %max3A_555 = arith.maxsi %max3A_554, %sub3A_543 : vector<16xi32>
    %min3A_556 = vector.broadcast %jit3A_553 : i32 to vector<16xi32>
    %min3A_557 = arith.minsi %min3A_556, %max3A_555 : vector<16xi32>
    tpu.vector_store_idx %arg5[%min3A_557], %broadcast_in_dim3A_98 masked %and3A_551 : memref<512xi32, #tpu.memory_space<vmem>>[vector<16xi32>], vector<16xi32>, vector<16xi1>
    %add3A_558 = arith.constant 3 : i32
    %add3A_559 = vector.broadcast %add3A_558 : i32 to vector<16xi32>
    %add3A_560 = arith.addi %get3A_493, %add3A_559 : vector<16xi32>
    %sub3A_561 = vector.broadcast %mul3A_32 : i32 to vector<16xi32>
    %sub3A_562 = arith.subi %add3A_560, %sub3A_561 : vector<16xi32>
    %ge3A_563 = arith.constant 0 : i32
    %ge3A_564 = vector.broadcast %ge3A_563 : i32 to vector<16xi32>
    %ge3A_565 = arith.cmpi sge, %sub3A_562, %ge3A_564 : vector<16xi32>
    %and3A_566 = arith.andi %lt3A_500, %ge3A_565 : vector<16xi1>
    %lt3A_567 = arith.constant 512 : i32
    %lt3A_568 = vector.broadcast %lt3A_567 : i32 to vector<16xi32>
    %lt3A_569 = arith.cmpi slt, %sub3A_562, %lt3A_568 : vector<16xi32>
    %and3A_570 = arith.andi %and3A_566, %lt3A_569 : vector<16xi1>
    %jit3A_571 = arith.constant 0 : i32
    %jit3A_572 = arith.constant 511 : i32
    %max3A_573 = vector.broadcast %jit3A_571 : i32 to vector<16xi32>
    %max3A_574 = arith.maxsi %max3A_573, %sub3A_562 : vector<16xi32>
    %min3A_575 = vector.broadcast %jit3A_572 : i32 to vector<16xi32>
    %min3A_576 = arith.minsi %min3A_575, %max3A_574 : vector<16xi32>
    tpu.vector_store_idx %arg5[%min3A_576], %broadcast_in_dim3A_98 masked %and3A_570 : memref<512xi32, #tpu.memory_space<vmem>>[vector<16xi32>], vector<16xi32>, vector<16xi1>
    %add3A_577 = arith.constant 4 : i32
    %add3A_578 = vector.broadcast %add3A_577 : i32 to vector<16xi32>
    %add3A_579 = arith.addi %get3A_493, %add3A_578 : vector<16xi32>
    %sub3A_580 = vector.broadcast %mul3A_32 : i32 to vector<16xi32>
    %sub3A_581 = arith.subi %add3A_579, %sub3A_580 : vector<16xi32>
    %ge3A_582 = arith.constant 0 : i32
    %ge3A_583 = vector.broadcast %ge3A_582 : i32 to vector<16xi32>
    %ge3A_584 = arith.cmpi sge, %sub3A_581, %ge3A_583 : vector<16xi32>
    %and3A_585 = arith.andi %lt3A_500, %ge3A_584 : vector<16xi1>
    %lt3A_586 = arith.constant 512 : i32
    %lt3A_587 = vector.broadcast %lt3A_586 : i32 to vector<16xi32>
    %lt3A_588 = arith.cmpi slt, %sub3A_581, %lt3A_587 : vector<16xi32>
    %and3A_589 = arith.andi %and3A_585, %lt3A_588 : vector<16xi1>
    %jit3A_590 = arith.constant 0 : i32
    %jit3A_591 = arith.constant 511 : i32
    %max3A_592 = vector.broadcast %jit3A_590 : i32 to vector<16xi32>
    %max3A_593 = arith.maxsi %max3A_592, %sub3A_581 : vector<16xi32>
    %min3A_594 = vector.broadcast %jit3A_591 : i32 to vector<16xi32>
    %min3A_595 = arith.minsi %min3A_594, %max3A_593 : vector<16xi32>
    tpu.vector_store_idx %arg5[%min3A_595], %broadcast_in_dim3A_98 masked %and3A_589 : memref<512xi32, #tpu.memory_space<vmem>>[vector<16xi32>], vector<16xi32>, vector<16xi1>
    %add3A_596 = arith.constant 5 : i32
    %add3A_597 = vector.broadcast %add3A_596 : i32 to vector<16xi32>
    %add3A_598 = arith.addi %get3A_493, %add3A_597 : vector<16xi32>
    %sub3A_599 = vector.broadcast %mul3A_32 : i32 to vector<16xi32>
    %sub3A_600 = arith.subi %add3A_598, %sub3A_599 : vector<16xi32>
    %ge3A_601 = arith.constant 0 : i32
    %ge3A_602 = vector.broadcast %ge3A_601 : i32 to vector<16xi32>
    %ge3A_603 = arith.cmpi sge, %sub3A_600, %ge3A_602 : vector<16xi32>
    %and3A_604 = arith.andi %lt3A_500, %ge3A_603 : vector<16xi1>
    %lt3A_605 = arith.constant 512 : i32
    %lt3A_606 = vector.broadcast %lt3A_605 : i32 to vector<16xi32>
    %lt3A_607 = arith.cmpi slt, %sub3A_600, %lt3A_606 : vector<16xi32>
    %and3A_608 = arith.andi %and3A_604, %lt3A_607 : vector<16xi1>
    %jit3A_609 = arith.constant 0 : i32
    %jit3A_610 = arith.constant 511 : i32
    %max3A_611 = vector.broadcast %jit3A_609 : i32 to vector<16xi32>
    %max3A_612 = arith.maxsi %max3A_611, %sub3A_600 : vector<16xi32>
    %min3A_613 = vector.broadcast %jit3A_610 : i32 to vector<16xi32>
    %min3A_614 = arith.minsi %min3A_613, %max3A_612 : vector<16xi32>
    tpu.vector_store_idx %arg5[%min3A_614], %broadcast_in_dim3A_98 masked %and3A_608 : memref<512xi32, #tpu.memory_space<vmem>>[vector<16xi32>], vector<16xi32>, vector<16xi1>
    %add3A_615 = arith.constant 6 : i32
    %add3A_616 = vector.broadcast %add3A_615 : i32 to vector<16xi32>
    %add3A_617 = arith.addi %get3A_493, %add3A_616 : vector<16xi32>
    %sub3A_618 = vector.broadcast %mul3A_32 : i32 to vector<16xi32>
    %sub3A_619 = arith.subi %add3A_617, %sub3A_618 : vector<16xi32>
    %ge3A_620 = arith.constant 0 : i32
    %ge3A_621 = vector.broadcast %ge3A_620 : i32 to vector<16xi32>
    %ge3A_622 = arith.cmpi sge, %sub3A_619, %ge3A_621 : vector<16xi32>
    %and3A_623 = arith.andi %lt3A_500, %ge3A_622 : vector<16xi1>
    %lt3A_624 = arith.constant 512 : i32
    %lt3A_625 = vector.broadcast %lt3A_624 : i32 to vector<16xi32>
    %lt3A_626 = arith.cmpi slt, %sub3A_619, %lt3A_625 : vector<16xi32>
    %and3A_627 = arith.andi %and3A_623, %lt3A_626 : vector<16xi1>
    %jit3A_628 = arith.constant 0 : i32
    %jit3A_629 = arith.constant 511 : i32
    %max3A_630 = vector.broadcast %jit3A_628 : i32 to vector<16xi32>
    %max3A_631 = arith.maxsi %max3A_630, %sub3A_619 : vector<16xi32>
    %min3A_632 = vector.broadcast %jit3A_629 : i32 to vector<16xi32>
    %min3A_633 = arith.minsi %min3A_632, %max3A_631 : vector<16xi32>
    tpu.vector_store_idx %arg5[%min3A_633], %broadcast_in_dim3A_98 masked %and3A_627 : memref<512xi32, #tpu.memory_space<vmem>>[vector<16xi32>], vector<16xi32>, vector<16xi1>
    %add3A_634 = arith.constant 7 : i32
    %add3A_635 = vector.broadcast %add3A_634 : i32 to vector<16xi32>
    %add3A_636 = arith.addi %get3A_493, %add3A_635 : vector<16xi32>
    %sub3A_637 = vector.broadcast %mul3A_32 : i32 to vector<16xi32>
    %sub3A_638 = arith.subi %add3A_636, %sub3A_637 : vector<16xi32>
    %ge3A_639 = arith.constant 0 : i32
    %ge3A_640 = vector.broadcast %ge3A_639 : i32 to vector<16xi32>
    %ge3A_641 = arith.cmpi sge, %sub3A_638, %ge3A_640 : vector<16xi32>
    %and3A_642 = arith.andi %lt3A_500, %ge3A_641 : vector<16xi1>
    %lt3A_643 = arith.constant 512 : i32
    %lt3A_644 = vector.broadcast %lt3A_643 : i32 to vector<16xi32>
    %lt3A_645 = arith.cmpi slt, %sub3A_638, %lt3A_644 : vector<16xi32>
    %and3A_646 = arith.andi %and3A_642, %lt3A_645 : vector<16xi1>
    %jit3A_647 = arith.constant 0 : i32
    %jit3A_648 = arith.constant 511 : i32
    %max3A_649 = vector.broadcast %jit3A_647 : i32 to vector<16xi32>
    %max3A_650 = arith.maxsi %max3A_649, %sub3A_638 : vector<16xi32>
    %min3A_651 = vector.broadcast %jit3A_648 : i32 to vector<16xi32>
    %min3A_652 = arith.minsi %min3A_651, %max3A_650 : vector<16xi32>
    tpu.vector_store_idx %arg5[%min3A_652], %broadcast_in_dim3A_98 masked %and3A_646 : memref<512xi32, #tpu.memory_space<vmem>>[vector<16xi32>], vector<16xi32>, vector<16xi1>
    %add3A_653 = arith.constant 8 : i32
    %add3A_654 = vector.broadcast %add3A_653 : i32 to vector<16xi32>
    %add3A_655 = arith.addi %get3A_493, %add3A_654 : vector<16xi32>
    %sub3A_656 = vector.broadcast %mul3A_32 : i32 to vector<16xi32>
    %sub3A_657 = arith.subi %add3A_655, %sub3A_656 : vector<16xi32>
    %ge3A_658 = arith.constant 0 : i32
    %ge3A_659 = vector.broadcast %ge3A_658 : i32 to vector<16xi32>
    %ge3A_660 = arith.cmpi sge, %sub3A_657, %ge3A_659 : vector<16xi32>
    %and3A_661 = arith.andi %lt3A_500, %ge3A_660 : vector<16xi1>
    %lt3A_662 = arith.constant 512 : i32
    %lt3A_663 = vector.broadcast %lt3A_662 : i32 to vector<16xi32>
    %lt3A_664 = arith.cmpi slt, %sub3A_657, %lt3A_663 : vector<16xi32>
    %and3A_665 = arith.andi %and3A_661, %lt3A_664 : vector<16xi1>
    %jit3A_666 = arith.constant 0 : i32
    %jit3A_667 = arith.constant 511 : i32
    %max3A_668 = vector.broadcast %jit3A_666 : i32 to vector<16xi32>
    %max3A_669 = arith.maxsi %max3A_668, %sub3A_657 : vector<16xi32>
    %min3A_670 = vector.broadcast %jit3A_667 : i32 to vector<16xi32>
    %min3A_671 = arith.minsi %min3A_670, %max3A_669 : vector<16xi32>
    tpu.vector_store_idx %arg5[%min3A_671], %broadcast_in_dim3A_98 masked %and3A_665 : memref<512xi32, #tpu.memory_space<vmem>>[vector<16xi32>], vector<16xi32>, vector<16xi1>
    %add3A_672 = arith.constant 9 : i32
    %add3A_673 = vector.broadcast %add3A_672 : i32 to vector<16xi32>
    %add3A_674 = arith.addi %get3A_493, %add3A_673 : vector<16xi32>
    %sub3A_675 = vector.broadcast %mul3A_32 : i32 to vector<16xi32>
    %sub3A_676 = arith.subi %add3A_674, %sub3A_675 : vector<16xi32>
    %ge3A_677 = arith.constant 0 : i32
    %ge3A_678 = vector.broadcast %ge3A_677 : i32 to vector<16xi32>
    %ge3A_679 = arith.cmpi sge, %sub3A_676, %ge3A_678 : vector<16xi32>
    %and3A_680 = arith.andi %lt3A_500, %ge3A_679 : vector<16xi1>
    %lt3A_681 = arith.constant 512 : i32
    %lt3A_682 = vector.broadcast %lt3A_681 : i32 to vector<16xi32>
    %lt3A_683 = arith.cmpi slt, %sub3A_676, %lt3A_682 : vector<16xi32>
    %and3A_684 = arith.andi %and3A_680, %lt3A_683 : vector<16xi1>
    %jit3A_685 = arith.constant 0 : i32
    %jit3A_686 = arith.constant 511 : i32
    %max3A_687 = vector.broadcast %jit3A_685 : i32 to vector<16xi32>
    %max3A_688 = arith.maxsi %max3A_687, %sub3A_676 : vector<16xi32>
    %min3A_689 = vector.broadcast %jit3A_686 : i32 to vector<16xi32>
    %min3A_690 = arith.minsi %min3A_689, %max3A_688 : vector<16xi32>
    tpu.vector_store_idx %arg5[%min3A_690], %broadcast_in_dim3A_98 masked %and3A_684 : memref<512xi32, #tpu.memory_space<vmem>>[vector<16xi32>], vector<16xi32>, vector<16xi1>
    %get3A_691 = arith.constant 48 : index
    %get3A_692 = tpu.vector_load %arg4[%get3A_691] {strides = array<i32>} : memref<272xi32, #tpu.memory_space<vmem>>, vector<16xi32>,
    %iota3A_693 = tpu.iota {dimensions = array<i32: 0>} : vector<16xi32>
    %add3A_694 = arith.constant 48 : i32
    %add3A_695 = vector.broadcast %add3A_694 : i32 to vector<16xi32>
    %add3A_696 = arith.addi %add3A_695, %iota3A_693 : vector<16xi32>
    %lt3A_697 = arith.constant 266 : i32
    %lt3A_698 = vector.broadcast %lt3A_697 : i32 to vector<16xi32>
    %lt3A_699 = arith.cmpi slt, %add3A_696, %lt3A_698 : vector<16xi32>
    %add3A_700 = arith.constant 0 : i32
    %add3A_701 = vector.broadcast %add3A_700 : i32 to vector<16xi32>
    %add3A_702 = arith.addi %get3A_692, %add3A_701 : vector<16xi32>
    %sub3A_703 = vector.broadcast %mul3A_32 : i32 to vector<16xi32>
    %sub3A_704 = arith.subi %add3A_702, %sub3A_703 : vector<16xi32>
    %ge3A_705 = arith.constant 0 : i32
    %ge3A_706 = vector.broadcast %ge3A_705 : i32 to vector<16xi32>
    %ge3A_707 = arith.cmpi sge, %sub3A_704, %ge3A_706 : vector<16xi32>
    %and3A_708 = arith.andi %lt3A_699, %ge3A_707 : vector<16xi1>
    %lt3A_709 = arith.constant 512 : i32
    %lt3A_710 = vector.broadcast %lt3A_709 : i32 to vector<16xi32>
    %lt3A_711 = arith.cmpi slt, %sub3A_704, %lt3A_710 : vector<16xi32>
    %and3A_712 = arith.andi %and3A_708, %lt3A_711 : vector<16xi1>
    %jit3A_713 = arith.constant 0 : i32
    %jit3A_714 = arith.constant 511 : i32
    %max3A_715 = vector.broadcast %jit3A_713 : i32 to vector<16xi32>
    %max3A_716 = arith.maxsi %max3A_715, %sub3A_704 : vector<16xi32>
    %min3A_717 = vector.broadcast %jit3A_714 : i32 to vector<16xi32>
    %min3A_718 = arith.minsi %min3A_717, %max3A_716 : vector<16xi32>
    tpu.vector_store_idx %arg5[%min3A_718], %broadcast_in_dim3A_98 masked %and3A_712 : memref<512xi32, #tpu.memory_space<vmem>>[vector<16xi32>], vector<16xi32>, vector<16xi1>
    %add3A_719 = arith.constant 1 : i32
    %add3A_720 = vector.broadcast %add3A_719 : i32 to vector<16xi32>
    %add3A_721 = arith.addi %get3A_692, %add3A_720 : vector<16xi32>
    %sub3A_722 = vector.broadcast %mul3A_32 : i32 to vector<16xi32>
    %sub3A_723 = arith.subi %add3A_721, %sub3A_722 : vector<16xi32>
    %ge3A_724 = arith.constant 0 : i32
    %ge3A_725 = vector.broadcast %ge3A_724 : i32 to vector<16xi32>
    %ge3A_726 = arith.cmpi sge, %sub3A_723, %ge3A_725 : vector<16xi32>
    %and3A_727 = arith.andi %lt3A_699, %ge3A_726 : vector<16xi1>
    %lt3A_728 = arith.constant 512 : i32
    %lt3A_729 = vector.broadcast %lt3A_728 : i32 to vector<16xi32>
    %lt3A_730 = arith.cmpi slt, %sub3A_723, %lt3A_729 : vector<16xi32>
    %and3A_731 = arith.andi %and3A_727, %lt3A_730 : vector<16xi1>
    %jit3A_732 = arith.constant 0 : i32
    %jit3A_733 = arith.constant 511 : i32
    %max3A_734 = vector.broadcast %jit3A_732 : i32 to vector<16xi32>
    %max3A_735 = arith.maxsi %max3A_734, %sub3A_723 : vector<16xi32>
    %min3A_736 = vector.broadcast %jit3A_733 : i32 to vector<16xi32>
    %min3A_737 = arith.minsi %min3A_736, %max3A_735 : vector<16xi32>
    tpu.vector_store_idx %arg5[%min3A_737], %broadcast_in_dim3A_98 masked %and3A_731 : memref<512xi32, #tpu.memory_space<vmem>>[vector<16xi32>], vector<16xi32>, vector<16xi1>
    %add3A_738 = arith.constant 2 : i32
    %add3A_739 = vector.broadcast %add3A_738 : i32 to vector<16xi32>
    %add3A_740 = arith.addi %get3A_692, %add3A_739 : vector<16xi32>
    %sub3A_741 = vector.broadcast %mul3A_32 : i32 to vector<16xi32>
    %sub3A_742 = arith.subi %add3A_740, %sub3A_741 : vector<16xi32>
    %ge3A_743 = arith.constant 0 : i32
    %ge3A_744 = vector.broadcast %ge3A_743 : i32 to vector<16xi32>
    %ge3A_745 = arith.cmpi sge, %sub3A_742, %ge3A_744 : vector<16xi32>
    %and3A_746 = arith.andi %lt3A_699, %ge3A_745 : vector<16xi1>
    %lt3A_747 = arith.constant 512 : i32
    %lt3A_748 = vector.broadcast %lt3A_747 : i32 to vector<16xi32>
    %lt3A_749 = arith.cmpi slt, %sub3A_742, %lt3A_748 : vector<16xi32>
    %and3A_750 = arith.andi %and3A_746, %lt3A_749 : vector<16xi1>
    %jit3A_751 = arith.constant 0 : i32
    %jit3A_752 = arith.constant 511 : i32
    %max3A_753 = vector.broadcast %jit3A_751 : i32 to vector<16xi32>
    %max3A_754 = arith.maxsi %max3A_753, %sub3A_742 : vector<16xi32>
    %min3A_755 = vector.broadcast %jit3A_752 : i32 to vector<16xi32>
    %min3A_756 = arith.minsi %min3A_755, %max3A_754 : vector<16xi32>
    tpu.vector_store_idx %arg5[%min3A_756], %broadcast_in_dim3A_98 masked %and3A_750 : memref<512xi32, #tpu.memory_space<vmem>>[vector<16xi32>], vector<16xi32>, vector<16xi1>
    %add3A_757 = arith.constant 3 : i32
    %add3A_758 = vector.broadcast %add3A_757 : i32 to vector<16xi32>
    %add3A_759 = arith.addi %get3A_692, %add3A_758 : vector<16xi32>
    %sub3A_760 = vector.broadcast %mul3A_32 : i32 to vector<16xi32>
    %sub3A_761 = arith.subi %add3A_759, %sub3A_760 : vector<16xi32>
    %ge3A_762 = arith.constant 0 : i32
    %ge3A_763 = vector.broadcast %ge3A_762 : i32 to vector<16xi32>
    %ge3A_764 = arith.cmpi sge, %sub3A_761, %ge3A_763 : vector<16xi32>
    %and3A_765 = arith.andi %lt3A_699, %ge3A_764 : vector<16xi1>
    %lt3A_766 = arith.constant 512 : i32
    %lt3A_767 = vector.broadcast %lt3A_766 : i32 to vector<16xi32>
    %lt3A_768 = arith.cmpi slt, %sub3A_761, %lt3A_767 : vector<16xi32>
    %and3A_769 = arith.andi %and3A_765, %lt3A_768 : vector<16xi1>
    %jit3A_770 = arith.constant 0 : i32
    %jit3A_771 = arith.constant 511 : i32
    %max3A_772 = vector.broadcast %jit3A_770 : i32 to vector<16xi32>
    %max3A_773 = arith.maxsi %max3A_772, %sub3A_761 : vector<16xi32>
    %min3A_774 = vector.broadcast %jit3A_771 : i32 to vector<16xi32>
    %min3A_775 = arith.minsi %min3A_774, %max3A_773 : vector<16xi32>
    tpu.vector_store_idx %arg5[%min3A_775], %broadcast_in_dim3A_98 masked %and3A_769 : memref<512xi32, #tpu.memory_space<vmem>>[vector<16xi32>], vector<16xi32>, vector<16xi1>
    %add3A_776 = arith.constant 4 : i32
    %add3A_777 = vector.broadcast %add3A_776 : i32 to vector<16xi32>
    %add3A_778 = arith.addi %get3A_692, %add3A_777 : vector<16xi32>
    %sub3A_779 = vector.broadcast %mul3A_32 : i32 to vector<16xi32>
    %sub3A_780 = arith.subi %add3A_778, %sub3A_779 : vector<16xi32>
    %ge3A_781 = arith.constant 0 : i32
    %ge3A_782 = vector.broadcast %ge3A_781 : i32 to vector<16xi32>
    %ge3A_783 = arith.cmpi sge, %sub3A_780, %ge3A_782 : vector<16xi32>
    %and3A_784 = arith.andi %lt3A_699, %ge3A_783 : vector<16xi1>
    %lt3A_785 = arith.constant 512 : i32
    %lt3A_786 = vector.broadcast %lt3A_785 : i32 to vector<16xi32>
    %lt3A_787 = arith.cmpi slt, %sub3A_780, %lt3A_786 : vector<16xi32>
    %and3A_788 = arith.andi %and3A_784, %lt3A_787 : vector<16xi1>
    %jit3A_789 = arith.constant 0 : i32
    %jit3A_790 = arith.constant 511 : i32
    %max3A_791 = vector.broadcast %jit3A_789 : i32 to vector<16xi32>
    %max3A_792 = arith.maxsi %max3A_791, %sub3A_780 : vector<16xi32>
    %min3A_793 = vector.broadcast %jit3A_790 : i32 to vector<16xi32>
    %min3A_794 = arith.minsi %min3A_793, %max3A_792 : vector<16xi32>
    tpu.vector_store_idx %arg5[%min3A_794], %broadcast_in_dim3A_98 masked %and3A_788 : memref<512xi32, #tpu.memory_space<vmem>>[vector<16xi32>], vector<16xi32>, vector<16xi1>
    %add3A_795 = arith.constant 5 : i32
    %add3A_796 = vector.broadcast %add3A_795 : i32 to vector<16xi32>
    %add3A_797 = arith.addi %get3A_692, %add3A_796 : vector<16xi32>
    %sub3A_798 = vector.broadcast %mul3A_32 : i32 to vector<16xi32>
    %sub3A_799 = arith.subi %add3A_797, %sub3A_798 : vector<16xi32>
    %ge3A_800 = arith.constant 0 : i32
    %ge3A_801 = vector.broadcast %ge3A_800 : i32 to vector<16xi32>
    %ge3A_802 = arith.cmpi sge, %sub3A_799, %ge3A_801 : vector<16xi32>
    %and3A_803 = arith.andi %lt3A_699, %ge3A_802 : vector<16xi1>
    %lt3A_804 = arith.constant 512 : i32
    %lt3A_805 = vector.broadcast %lt3A_804 : i32 to vector<16xi32>
    %lt3A_806 = arith.cmpi slt, %sub3A_799, %lt3A_805 : vector<16xi32>
    %and3A_807 = arith.andi %and3A_803, %lt3A_806 : vector<16xi1>
    %jit3A_808 = arith.constant 0 : i32
    %jit3A_809 = arith.constant 511 : i32
    %max3A_810 = vector.broadcast %jit3A_808 : i32 to vector<16xi32>
    %max3A_811 = arith.maxsi %max3A_810, %sub3A_799 : vector<16xi32>
    %min3A_812 = vector.broadcast %jit3A_809 : i32 to vector<16xi32>
    %min3A_813 = arith.minsi %min3A_812, %max3A_811 : vector<16xi32>
    tpu.vector_store_idx %arg5[%min3A_813], %broadcast_in_dim3A_98 masked %and3A_807 : memref<512xi32, #tpu.memory_space<vmem>>[vector<16xi32>], vector<16xi32>, vector<16xi1>
    %add3A_814 = arith.constant 6 : i32
    %add3A_815 = vector.broadcast %add3A_814 : i32 to vector<16xi32>
    %add3A_816 = arith.addi %get3A_692, %add3A_815 : vector<16xi32>
    %sub3A_817 = vector.broadcast %mul3A_32 : i32 to vector<16xi32>
    %sub3A_818 = arith.subi %add3A_816, %sub3A_817 : vector<16xi32>
    %ge3A_819 = arith.constant 0 : i32
    %ge3A_820 = vector.broadcast %ge3A_819 : i32 to vector<16xi32>
    %ge3A_821 = arith.cmpi sge, %sub3A_818, %ge3A_820 : vector<16xi32>
    %and3A_822 = arith.andi %lt3A_699, %ge3A_821 : vector<16xi1>
    %lt3A_823 = arith.constant 512 : i32
    %lt3A_824 = vector.broadcast %lt3A_823 : i32 to vector<16xi32>
    %lt3A_825 = arith.cmpi slt, %sub3A_818, %lt3A_824 : vector<16xi32>
    %and3A_826 = arith.andi %and3A_822, %lt3A_825 : vector<16xi1>
    %jit3A_827 = arith.constant 0 : i32
    %jit3A_828 = arith.constant 511 : i32
    %max3A_829 = vector.broadcast %jit3A_827 : i32 to vector<16xi32>
    %max3A_830 = arith.maxsi %max3A_829, %sub3A_818 : vector<16xi32>
    %min3A_831 = vector.broadcast %jit3A_828 : i32 to vector<16xi32>
    %min3A_832 = arith.minsi %min3A_831, %max3A_830 : vector<16xi32>
    tpu.vector_store_idx %arg5[%min3A_832], %broadcast_in_dim3A_98 masked %and3A_826 : memref<512xi32, #tpu.memory_space<vmem>>[vector<16xi32>], vector<16xi32>, vector<16xi1>
    %add3A_833 = arith.constant 7 : i32
    %add3A_834 = vector.broadcast %add3A_833 : i32 to vector<16xi32>
    %add3A_835 = arith.addi %get3A_692, %add3A_834 : vector<16xi32>
    %sub3A_836 = vector.broadcast %mul3A_32 : i32 to vector<16xi32>
    %sub3A_837 = arith.subi %add3A_835, %sub3A_836 : vector<16xi32>
    %ge3A_838 = arith.constant 0 : i32
    %ge3A_839 = vector.broadcast %ge3A_838 : i32 to vector<16xi32>
    %ge3A_840 = arith.cmpi sge, %sub3A_837, %ge3A_839 : vector<16xi32>
    %and3A_841 = arith.andi %lt3A_699, %ge3A_840 : vector<16xi1>
    %lt3A_842 = arith.constant 512 : i32
    %lt3A_843 = vector.broadcast %lt3A_842 : i32 to vector<16xi32>
    %lt3A_844 = arith.cmpi slt, %sub3A_837, %lt3A_843 : vector<16xi32>
    %and3A_845 = arith.andi %and3A_841, %lt3A_844 : vector<16xi1>
    %jit3A_846 = arith.constant 0 : i32
    %jit3A_847 = arith.constant 511 : i32
    %max3A_848 = vector.broadcast %jit3A_846 : i32 to vector<16xi32>
    %max3A_849 = arith.maxsi %max3A_848, %sub3A_837 : vector<16xi32>
    %min3A_850 = vector.broadcast %jit3A_847 : i32 to vector<16xi32>
    %min3A_851 = arith.minsi %min3A_850, %max3A_849 : vector<16xi32>
    tpu.vector_store_idx %arg5[%min3A_851], %broadcast_in_dim3A_98 masked %and3A_845 : memref<512xi32, #tpu.memory_space<vmem>>[vector<16xi32>], vector<16xi32>, vector<16xi1>
    %add3A_852 = arith.constant 8 : i32
    %add3A_853 = vector.broadcast %add3A_852 : i32 to vector<16xi32>
    %add3A_854 = arith.addi %get3A_692, %add3A_853 : vector<16xi32>
    %sub3A_855 = vector.broadcast %mul3A_32 : i32 to vector<16xi32>
    %sub3A_856 = arith.subi %add3A_854, %sub3A_855 : vector<16xi32>
    %ge3A_857 = arith.constant 0 : i32
    %ge3A_858 = vector.broadcast %ge3A_857 : i32 to vector<16xi32>
    %ge3A_859 = arith.cmpi sge, %sub3A_856, %ge3A_858 : vector<16xi32>
    %and3A_860 = arith.andi %lt3A_699, %ge3A_859 : vector<16xi1>
    %lt3A_861 = arith.constant 512 : i32
    %lt3A_862 = vector.broadcast %lt3A_861 : i32 to vector<16xi32>
    %lt3A_863 = arith.cmpi slt, %sub3A_856, %lt3A_862 : vector<16xi32>
    %and3A_864 = arith.andi %and3A_860, %lt3A_863 : vector<16xi1>
    %jit3A_865 = arith.constant 0 : i32
    %jit3A_866 = arith.constant 511 : i32
    %max3A_867 = vector.broadcast %jit3A_865 : i32 to vector<16xi32>
    %max3A_868 = arith.maxsi %max3A_867, %sub3A_856 : vector<16xi32>
    %min3A_869 = vector.broadcast %jit3A_866 : i32 to vector<16xi32>
    %min3A_870 = arith.minsi %min3A_869, %max3A_868 : vector<16xi32>
    tpu.vector_store_idx %arg5[%min3A_870], %broadcast_in_dim3A_98 masked %and3A_864 : memref<512xi32, #tpu.memory_space<vmem>>[vector<16xi32>], vector<16xi32>, vector<16xi1>
    %add3A_871 = arith.constant 9 : i32
    %add3A_872 = vector.broadcast %add3A_871 : i32 to vector<16xi32>
    %add3A_873 = arith.addi %get3A_692, %add3A_872 : vector<16xi32>
    %sub3A_874 = vector.broadcast %mul3A_32 : i32 to vector<16xi32>
    %sub3A_875 = arith.subi %add3A_873, %sub3A_874 : vector<16xi32>
    %ge3A_876 = arith.constant 0 : i32
    %ge3A_877 = vector.broadcast %ge3A_876 : i32 to vector<16xi32>
    %ge3A_878 = arith.cmpi sge, %sub3A_875, %ge3A_877 : vector<16xi32>
    %and3A_879 = arith.andi %lt3A_699, %ge3A_878 : vector<16xi1>
    %lt3A_880 = arith.constant 512 : i32
    %lt3A_881 = vector.broadcast %lt3A_880 : i32 to vector<16xi32>
    %lt3A_882 = arith.cmpi slt, %sub3A_875, %lt3A_881 : vector<16xi32>
    %and3A_883 = arith.andi %and3A_879, %lt3A_882 : vector<16xi1>
    %jit3A_884 = arith.constant 0 : i32
    %jit3A_885 = arith.constant 511 : i32
    %max3A_886 = vector.broadcast %jit3A_884 : i32 to vector<16xi32>
    %max3A_887 = arith.maxsi %max3A_886, %sub3A_875 : vector<16xi32>
    %min3A_888 = vector.broadcast %jit3A_885 : i32 to vector<16xi32>
    %min3A_889 = arith.minsi %min3A_888, %max3A_887 : vector<16xi32>
    tpu.vector_store_idx %arg5[%min3A_889], %broadcast_in_dim3A_98 masked %and3A_883 : memref<512xi32, #tpu.memory_space<vmem>>[vector<16xi32>], vector<16xi32>, vector<16xi1>
    %get3A_890 = arith.constant 64 : index
    %get3A_891 = tpu.vector_load %arg4[%get3A_890] {strides = array<i32>} : memref<272xi32, #tpu.memory_space<vmem>>, vector<16xi32>,
    %iota3A_892 = tpu.iota {dimensions = array<i32: 0>} : vector<16xi32>
    %add3A_893 = arith.constant 64 : i32
    %add3A_894 = vector.broadcast %add3A_893 : i32 to vector<16xi32>
    %add3A_895 = arith.addi %add3A_894, %iota3A_892 : vector<16xi32>
    %lt3A_896 = arith.constant 266 : i32
    %lt3A_897 = vector.broadcast %lt3A_896 : i32 to vector<16xi32>
    %lt3A_898 = arith.cmpi slt, %add3A_895, %lt3A_897 : vector<16xi32>
    %add3A_899 = arith.constant 0 : i32
    %add3A_900 = vector.broadcast %add3A_899 : i32 to vector<16xi32>
    %add3A_901 = arith.addi %get3A_891, %add3A_900 : vector<16xi32>
    %sub3A_902 = vector.broadcast %mul3A_32 : i32 to vector<16xi32>
    %sub3A_903 = arith.subi %add3A_901, %sub3A_902 : vector<16xi32>
    %ge3A_904 = arith.constant 0 : i32
    %ge3A_905 = vector.broadcast %ge3A_904 : i32 to vector<16xi32>
    %ge3A_906 = arith.cmpi sge, %sub3A_903, %ge3A_905 : vector<16xi32>
    %and3A_907 = arith.andi %lt3A_898, %ge3A_906 : vector<16xi1>
    %lt3A_908 = arith.constant 512 : i32
    %lt3A_909 = vector.broadcast %lt3A_908 : i32 to vector<16xi32>
    %lt3A_910 = arith.cmpi slt, %sub3A_903, %lt3A_909 : vector<16xi32>
    %and3A_911 = arith.andi %and3A_907, %lt3A_910 : vector<16xi1>
    %jit3A_912 = arith.constant 0 : i32
    %jit3A_913 = arith.constant 511 : i32
    %max3A_914 = vector.broadcast %jit3A_912 : i32 to vector<16xi32>
    %max3A_915 = arith.maxsi %max3A_914, %sub3A_903 : vector<16xi32>
    %min3A_916 = vector.broadcast %jit3A_913 : i32 to vector<16xi32>
    %min3A_917 = arith.minsi %min3A_916, %max3A_915 : vector<16xi32>
    tpu.vector_store_idx %arg5[%min3A_917], %broadcast_in_dim3A_98 masked %and3A_911 : memref<512xi32, #tpu.memory_space<vmem>>[vector<16xi32>], vector<16xi32>, vector<16xi1>
    %add3A_918 = arith.constant 1 : i32
    %add3A_919 = vector.broadcast %add3A_918 : i32 to vector<16xi32>
    %add3A_920 = arith.addi %get3A_891, %add3A_919 : vector<16xi32>
    %sub3A_921 = vector.broadcast %mul3A_32 : i32 to vector<16xi32>
    %sub3A_922 = arith.subi %add3A_920, %sub3A_921 : vector<16xi32>
    %ge3A_923 = arith.constant 0 : i32
    %ge3A_924 = vector.broadcast %ge3A_923 : i32 to vector<16xi32>
    %ge3A_925 = arith.cmpi sge, %sub3A_922, %ge3A_924 : vector<16xi32>
    %and3A_926 = arith.andi %lt3A_898, %ge3A_925 : vector<16xi1>
    %lt3A_927 = arith.constant 512 : i32
    %lt3A_928 = vector.broadcast %lt3A_927 : i32 to vector<16xi32>
    %lt3A_929 = arith.cmpi slt, %sub3A_922, %lt3A_928 : vector<16xi32>
    %and3A_930 = arith.andi %and3A_926, %lt3A_929 : vector<16xi1>
    %jit3A_931 = arith.constant 0 : i32
    %jit3A_932 = arith.constant 511 : i32
    %max3A_933 = vector.broadcast %jit3A_931 : i32 to vector<16xi32>
    %max3A_934 = arith.maxsi %max3A_933, %sub3A_922 : vector<16xi32>
    %min3A_935 = vector.broadcast %jit3A_932 : i32 to vector<16xi32>
    %min3A_936 = arith.minsi %min3A_935, %max3A_934 : vector<16xi32>
    tpu.vector_store_idx %arg5[%min3A_936], %broadcast_in_dim3A_98 masked %and3A_930 : memref<512xi32, #tpu.memory_space<vmem>>[vector<16xi32>], vector<16xi32>, vector<16xi1>
    %add3A_937 = arith.constant 2 : i32
    %add3A_938 = vector.broadcast %add3A_937 : i32 to vector<16xi32>
    %add3A_939 = arith.addi %get3A_891, %add3A_938 : vector<16xi32>
    %sub3A_940 = vector.broadcast %mul3A_32 : i32 to vector<16xi32>
    %sub3A_941 = arith.subi %add3A_939, %sub3A_940 : vector<16xi32>
    %ge3A_942 = arith.constant 0 : i32
    %ge3A_943 = vector.broadcast %ge3A_942 : i32 to vector<16xi32>
    %ge3A_944 = arith.cmpi sge, %sub3A_941, %ge3A_943 : vector<16xi32>
    %and3A_945 = arith.andi %lt3A_898, %ge3A_944 : vector<16xi1>
    %lt3A_946 = arith.constant 512 : i32
    %lt3A_947 = vector.broadcast %lt3A_946 : i32 to vector<16xi32>
    %lt3A_948 = arith.cmpi slt, %sub3A_941, %lt3A_947 : vector<16xi32>
    %and3A_949 = arith.andi %and3A_945, %lt3A_948 : vector<16xi1>
    %jit3A_950 = arith.constant 0 : i32
    %jit3A_951 = arith.constant 511 : i32
    %max3A_952 = vector.broadcast %jit3A_950 : i32 to vector<16xi32>
    %max3A_953 = arith.maxsi %max3A_952, %sub3A_941 : vector<16xi32>
    %min3A_954 = vector.broadcast %jit3A_951 : i32 to vector<16xi32>
    %min3A_955 = arith.minsi %min3A_954, %max3A_953 : vector<16xi32>
    tpu.vector_store_idx %arg5[%min3A_955], %broadcast_in_dim3A_98 masked %and3A_949 : memref<512xi32, #tpu.memory_space<vmem>>[vector<16xi32>], vector<16xi32>, vector<16xi1>
    %add3A_956 = arith.constant 3 : i32
    %add3A_957 = vector.broadcast %add3A_956 : i32 to vector<16xi32>
    %add3A_958 = arith.addi %get3A_891, %add3A_957 : vector<16xi32>
    %sub3A_959 = vector.broadcast %mul3A_32 : i32 to vector<16xi32>
    %sub3A_960 = arith.subi %add3A_958, %sub3A_959 : vector<16xi32>
    %ge3A_961 = arith.constant 0 : i32
    %ge3A_962 = vector.broadcast %ge3A_961 : i32 to vector<16xi32>
    %ge3A_963 = arith.cmpi sge, %sub3A_960, %ge3A_962 : vector<16xi32>
    %and3A_964 = arith.andi %lt3A_898, %ge3A_963 : vector<16xi1>
    %lt3A_965 = arith.constant 512 : i32
    %lt3A_966 = vector.broadcast %lt3A_965 : i32 to vector<16xi32>
    %lt3A_967 = arith.cmpi slt, %sub3A_960, %lt3A_966 : vector<16xi32>
    %and3A_968 = arith.andi %and3A_964, %lt3A_967 : vector<16xi1>
    %jit3A_969 = arith.constant 0 : i32
    %jit3A_970 = arith.constant 511 : i32
    %max3A_971 = vector.broadcast %jit3A_969 : i32 to vector<16xi32>
    %max3A_972 = arith.maxsi %max3A_971, %sub3A_960 : vector<16xi32>
    %min3A_973 = vector.broadcast %jit3A_970 : i32 to vector<16xi32>
    %min3A_974 = arith.minsi %min3A_973, %max3A_972 : vector<16xi32>
    tpu.vector_store_idx %arg5[%min3A_974], %broadcast_in_dim3A_98 masked %and3A_968 : memref<512xi32, #tpu.memory_space<vmem>>[vector<16xi32>], vector<16xi32>, vector<16xi1>
    %add3A_975 = arith.constant 4 : i32
    %add3A_976 = vector.broadcast %add3A_975 : i32 to vector<16xi32>
    %add3A_977 = arith.addi %get3A_891, %add3A_976 : vector<16xi32>
    %sub3A_978 = vector.broadcast %mul3A_32 : i32 to vector<16xi32>
    %sub3A_979 = arith.subi %add3A_977, %sub3A_978 : vector<16xi32>
    %ge3A_980 = arith.constant 0 : i32
    %ge3A_981 = vector.broadcast %ge3A_980 : i32 to vector<16xi32>
    %ge3A_982 = arith.cmpi sge, %sub3A_979, %ge3A_981 : vector<16xi32>
    %and3A_983 = arith.andi %lt3A_898, %ge3A_982 : vector<16xi1>
    %lt3A_984 = arith.constant 512 : i32
    %lt3A_985 = vector.broadcast %lt3A_984 : i32 to vector<16xi32>
    %lt3A_986 = arith.cmpi slt, %sub3A_979, %lt3A_985 : vector<16xi32>
    %and3A_987 = arith.andi %and3A_983, %lt3A_986 : vector<16xi1>
    %jit3A_988 = arith.constant 0 : i32
    %jit3A_989 = arith.constant 511 : i32
    %max3A_990 = vector.broadcast %jit3A_988 : i32 to vector<16xi32>
    %max3A_991 = arith.maxsi %max3A_990, %sub3A_979 : vector<16xi32>
    %min3A_992 = vector.broadcast %jit3A_989 : i32 to vector<16xi32>
    %min3A_993 = arith.minsi %min3A_992, %max3A_991 : vector<16xi32>
    tpu.vector_store_idx %arg5[%min3A_993], %broadcast_in_dim3A_98 masked %and3A_987 : memref<512xi32, #tpu.memory_space<vmem>>[vector<16xi32>], vector<16xi32>, vector<16xi1>
    %add3A_994 = arith.constant 5 : i32
    %add3A_995 = vector.broadcast %add3A_994 : i32 to vector<16xi32>
    %add3A_996 = arith.addi %get3A_891, %add3A_995 : vector<16xi32>
    %sub3A_997 = vector.broadcast %mul3A_32 : i32 to vector<16xi32>
    %sub3A_998 = arith.subi %add3A_996, %sub3A_997 : vector<16xi32>
    %ge3A_999 = arith.constant 0 : i32
    %ge3A_1000 = vector.broadcast %ge3A_999 : i32 to vector<16xi32>
    %ge3A_1001 = arith.cmpi sge, %sub3A_998, %ge3A_1000 : vector<16xi32>
    %and3A_1002 = arith.andi %lt3A_898, %ge3A_1001 : vector<16xi1>
    %lt3A_1003 = arith.constant 512 : i32
    %lt3A_1004 = vector.broadcast %lt3A_1003 : i32 to vector<16xi32>
    %lt3A_1005 = arith.cmpi slt, %sub3A_998, %lt3A_1004 : vector<16xi32>
    %and3A_1006 = arith.andi %and3A_1002, %lt3A_1005 : vector<16xi1>
    %jit3A_1007 = arith.constant 0 : i32
    %jit3A_1008 = arith.constant 511 : i32
    %max3A_1009 = vector.broadcast %jit3A_1007 : i32 to vector<16xi32>
    %max3A_1010 = arith.maxsi %max3A_1009, %sub3A_998 : vector<16xi32>
    %min3A_1011 = vector.broadcast %jit3A_1008 : i32 to vector<16xi32>
    %min3A_1012 = arith.minsi %min3A_1011, %max3A_1010 : vector<16xi32>
    tpu.vector_store_idx %arg5[%min3A_1012], %broadcast_in_dim3A_98 masked %and3A_1006 : memref<512xi32, #tpu.memory_space<vmem>>[vector<16xi32>], vector<16xi32>, vector<16xi1>
    %add3A_1013 = arith.constant 6 : i32
    %add3A_1014 = vector.broadcast %add3A_1013 : i32 to vector<16xi32>
    %add3A_1015 = arith.addi %get3A_891, %add3A_1014 : vector<16xi32>
    %sub3A_1016 = vector.broadcast %mul3A_32 : i32 to vector<16xi32>
    %sub3A_1017 = arith.subi %add3A_1015, %sub3A_1016 : vector<16xi32>
    %ge3A_1018 = arith.constant 0 : i32
    %ge3A_1019 = vector.broadcast %ge3A_1018 : i32 to vector<16xi32>
    %ge3A_1020 = arith.cmpi sge, %sub3A_1017, %ge3A_1019 : vector<16xi32>
    %and3A_1021 = arith.andi %lt3A_898, %ge3A_1020 : vector<16xi1>
    %lt3A_1022 = arith.constant 512 : i32
    %lt3A_1023 = vector.broadcast %lt3A_1022 : i32 to vector<16xi32>
    %lt3A_1024 = arith.cmpi slt, %sub3A_1017, %lt3A_1023 : vector<16xi32>
    %and3A_1025 = arith.andi %and3A_1021, %lt3A_1024 : vector<16xi1>
    %jit3A_1026 = arith.constant 0 : i32
    %jit3A_1027 = arith.constant 511 : i32
    %max3A_1028 = vector.broadcast %jit3A_1026 : i32 to vector<16xi32>
    %max3A_1029 = arith.maxsi %max3A_1028, %sub3A_1017 : vector<16xi32>
    %min3A_1030 = vector.broadcast %jit3A_1027 : i32 to vector<16xi32>
    %min3A_1031 = arith.minsi %min3A_1030, %max3A_1029 : vector<16xi32>
    tpu.vector_store_idx %arg5[%min3A_1031], %broadcast_in_dim3A_98 masked %and3A_1025 : memref<512xi32, #tpu.memory_space<vmem>>[vector<16xi32>], vector<16xi32>, vector<16xi1>
    %add3A_1032 = arith.constant 7 : i32
    %add3A_1033 = vector.broadcast %add3A_1032 : i32 to vector<16xi32>
    %add3A_1034 = arith.addi %get3A_891, %add3A_1033 : vector<16xi32>
    %sub3A_1035 = vector.broadcast %mul3A_32 : i32 to vector<16xi32>
    %sub3A_1036 = arith.subi %add3A_1034, %sub3A_1035 : vector<16xi32>
    %ge3A_1037 = arith.constant 0 : i32
    %ge3A_1038 = vector.broadcast %ge3A_1037 : i32 to vector<16xi32>
    %ge3A_1039 = arith.cmpi sge, %sub3A_1036, %ge3A_1038 : vector<16xi32>
    %and3A_1040 = arith.andi %lt3A_898, %ge3A_1039 : vector<16xi1>
    %lt3A_1041 = arith.constant 512 : i32
    %lt3A_1042 = vector.broadcast %lt3A_1041 : i32 to vector<16xi32>
    %lt3A_1043 = arith.cmpi slt, %sub3A_1036, %lt3A_1042 : vector<16xi32>
    %and3A_1044 = arith.andi %and3A_1040, %lt3A_1043 : vector<16xi1>
    %jit3A_1045 = arith.constant 0 : i32
    %jit3A_1046 = arith.constant 511 : i32
    %max3A_1047 = vector.broadcast %jit3A_1045 : i32 to vector<16xi32>
    %max3A_1048 = arith.maxsi %max3A_1047, %sub3A_1036 : vector<16xi32>
    %min3A_1049 = vector.broadcast %jit3A_1046 : i32 to vector<16xi32>
    %min3A_1050 = arith.minsi %min3A_1049, %max3A_1048 : vector<16xi32>
    tpu.vector_store_idx %arg5[%min3A_1050], %broadcast_in_dim3A_98 masked %and3A_1044 : memref<512xi32, #tpu.memory_space<vmem>>[vector<16xi32>], vector<16xi32>, vector<16xi1>
    %add3A_1051 = arith.constant 8 : i32
    %add3A_1052 = vector.broadcast %add3A_1051 : i32 to vector<16xi32>
    %add3A_1053 = arith.addi %get3A_891, %add3A_1052 : vector<16xi32>
    %sub3A_1054 = vector.broadcast %mul3A_32 : i32 to vector<16xi32>
    %sub3A_1055 = arith.subi %add3A_1053, %sub3A_1054 : vector<16xi32>
    %ge3A_1056 = arith.constant 0 : i32
    %ge3A_1057 = vector.broadcast %ge3A_1056 : i32 to vector<16xi32>
    %ge3A_1058 = arith.cmpi sge, %sub3A_1055, %ge3A_1057 : vector<16xi32>
    %and3A_1059 = arith.andi %lt3A_898, %ge3A_1058 : vector<16xi1>
    %lt3A_1060 = arith.constant 512 : i32
    %lt3A_1061 = vector.broadcast %lt3A_1060 : i32 to vector<16xi32>
    %lt3A_1062 = arith.cmpi slt, %sub3A_1055, %lt3A_1061 : vector<16xi32>
    %and3A_1063 = arith.andi %and3A_1059, %lt3A_1062 : vector<16xi1>
    %jit3A_1064 = arith.constant 0 : i32
    %jit3A_1065 = arith.constant 511 : i32
    %max3A_1066 = vector.broadcast %jit3A_1064 : i32 to vector<16xi32>
    %max3A_1067 = arith.maxsi %max3A_1066, %sub3A_1055 : vector<16xi32>
    %min3A_1068 = vector.broadcast %jit3A_1065 : i32 to vector<16xi32>
    %min3A_1069 = arith.minsi %min3A_1068, %max3A_1067 : vector<16xi32>
    tpu.vector_store_idx %arg5[%min3A_1069], %broadcast_in_dim3A_98 masked %and3A_1063 : memref<512xi32, #tpu.memory_space<vmem>>[vector<16xi32>], vector<16xi32>, vector<16xi1>
    %add3A_1070 = arith.constant 9 : i32
    %add3A_1071 = vector.broadcast %add3A_1070 : i32 to vector<16xi32>
    %add3A_1072 = arith.addi %get3A_891, %add3A_1071 : vector<16xi32>
    %sub3A_1073 = vector.broadcast %mul3A_32 : i32 to vector<16xi32>
    %sub3A_1074 = arith.subi %add3A_1072, %sub3A_1073 : vector<16xi32>
    %ge3A_1075 = arith.constant 0 : i32
    %ge3A_1076 = vector.broadcast %ge3A_1075 : i32 to vector<16xi32>
    %ge3A_1077 = arith.cmpi sge, %sub3A_1074, %ge3A_1076 : vector<16xi32>
    %and3A_1078 = arith.andi %lt3A_898, %ge3A_1077 : vector<16xi1>
    %lt3A_1079 = arith.constant 512 : i32
    %lt3A_1080 = vector.broadcast %lt3A_1079 : i32 to vector<16xi32>
    %lt3A_1081 = arith.cmpi slt, %sub3A_1074, %lt3A_1080 : vector<16xi32>
    %and3A_1082 = arith.andi %and3A_1078, %lt3A_1081 : vector<16xi1>
    %jit3A_1083 = arith.constant 0 : i32
    %jit3A_1084 = arith.constant 511 : i32
    %max3A_1085 = vector.broadcast %jit3A_1083 : i32 to vector<16xi32>
    %max3A_1086 = arith.maxsi %max3A_1085, %sub3A_1074 : vector<16xi32>
    %min3A_1087 = vector.broadcast %jit3A_1084 : i32 to vector<16xi32>
    %min3A_1088 = arith.minsi %min3A_1087, %max3A_1086 : vector<16xi32>
    tpu.vector_store_idx %arg5[%min3A_1088], %broadcast_in_dim3A_98 masked %and3A_1082 : memref<512xi32, #tpu.memory_space<vmem>>[vector<16xi32>], vector<16xi32>, vector<16xi1>
    %get3A_1089 = arith.constant 80 : index
    %get3A_1090 = tpu.vector_load %arg4[%get3A_1089] {strides = array<i32>} : memref<272xi32, #tpu.memory_space<vmem>>, vector<16xi32>,
    %iota3A_1091 = tpu.iota {dimensions = array<i32: 0>} : vector<16xi32>
    %add3A_1092 = arith.constant 80 : i32
    %add3A_1093 = vector.broadcast %add3A_1092 : i32 to vector<16xi32>
    %add3A_1094 = arith.addi %add3A_1093, %iota3A_1091 : vector<16xi32>
    %lt3A_1095 = arith.constant 266 : i32
    %lt3A_1096 = vector.broadcast %lt3A_1095 : i32 to vector<16xi32>
    %lt3A_1097 = arith.cmpi slt, %add3A_1094, %lt3A_1096 : vector<16xi32>
    %add3A_1098 = arith.constant 0 : i32
    %add3A_1099 = vector.broadcast %add3A_1098 : i32 to vector<16xi32>
    %add3A_1100 = arith.addi %get3A_1090, %add3A_1099 : vector<16xi32>
    %sub3A_1101 = vector.broadcast %mul3A_32 : i32 to vector<16xi32>
    %sub3A_1102 = arith.subi %add3A_1100, %sub3A_1101 : vector<16xi32>
    %ge3A_1103 = arith.constant 0 : i32
    %ge3A_1104 = vector.broadcast %ge3A_1103 : i32 to vector<16xi32>
    %ge3A_1105 = arith.cmpi sge, %sub3A_1102, %ge3A_1104 : vector<16xi32>
    %and3A_1106 = arith.andi %lt3A_1097, %ge3A_1105 : vector<16xi1>
    %lt3A_1107 = arith.constant 512 : i32
    %lt3A_1108 = vector.broadcast %lt3A_1107 : i32 to vector<16xi32>
    %lt3A_1109 = arith.cmpi slt, %sub3A_1102, %lt3A_1108 : vector<16xi32>
    %and3A_1110 = arith.andi %and3A_1106, %lt3A_1109 : vector<16xi1>
    %jit3A_1111 = arith.constant 0 : i32
    %jit3A_1112 = arith.constant 511 : i32
    %max3A_1113 = vector.broadcast %jit3A_1111 : i32 to vector<16xi32>
    %max3A_1114 = arith.maxsi %max3A_1113, %sub3A_1102 : vector<16xi32>
    %min3A_1115 = vector.broadcast %jit3A_1112 : i32 to vector<16xi32>
    %min3A_1116 = arith.minsi %min3A_1115, %max3A_1114 : vector<16xi32>
    tpu.vector_store_idx %arg5[%min3A_1116], %broadcast_in_dim3A_98 masked %and3A_1110 : memref<512xi32, #tpu.memory_space<vmem>>[vector<16xi32>], vector<16xi32>, vector<16xi1>
    %add3A_1117 = arith.constant 1 : i32
    %add3A_1118 = vector.broadcast %add3A_1117 : i32 to vector<16xi32>
    %add3A_1119 = arith.addi %get3A_1090, %add3A_1118 : vector<16xi32>
    %sub3A_1120 = vector.broadcast %mul3A_32 : i32 to vector<16xi32>
    %sub3A_1121 = arith.subi %add3A_1119, %sub3A_1120 : vector<16xi32>
    %ge3A_1122 = arith.constant 0 : i32
    %ge3A_1123 = vector.broadcast %ge3A_1122 : i32 to vector<16xi32>
    %ge3A_1124 = arith.cmpi sge, %sub3A_1121, %ge3A_1123 : vector<16xi32>
    %and3A_1125 = arith.andi %lt3A_1097, %ge3A_1124 : vector<16xi1>
    %lt3A_1126 = arith.constant 512 : i32
    %lt3A_1127 = vector.broadcast %lt3A_1126 : i32 to vector<16xi32>
    %lt3A_1128 = arith.cmpi slt, %sub3A_1121, %lt3A_1127 : vector<16xi32>
    %and3A_1129 = arith.andi %and3A_1125, %lt3A_1128 : vector<16xi1>
    %jit3A_1130 = arith.constant 0 : i32
    %jit3A_1131 = arith.constant 511 : i32
    %max3A_1132 = vector.broadcast %jit3A_1130 : i32 to vector<16xi32>
    %max3A_1133 = arith.maxsi %max3A_1132, %sub3A_1121 : vector<16xi32>
    %min3A_1134 = vector.broadcast %jit3A_1131 : i32 to vector<16xi32>
    %min3A_1135 = arith.minsi %min3A_1134, %max3A_1133 : vector<16xi32>
    tpu.vector_store_idx %arg5[%min3A_1135], %broadcast_in_dim3A_98 masked %and3A_1129 : memref<512xi32, #tpu.memory_space<vmem>>[vector<16xi32>], vector<16xi32>, vector<16xi1>
    %add3A_1136 = arith.constant 2 : i32
    %add3A_1137 = vector.broadcast %add3A_1136 : i32 to vector<16xi32>
    %add3A_1138 = arith.addi %get3A_1090, %add3A_1137 : vector<16xi32>
    %sub3A_1139 = vector.broadcast %mul3A_32 : i32 to vector<16xi32>
    %sub3A_1140 = arith.subi %add3A_1138, %sub3A_1139 : vector<16xi32>
    %ge3A_1141 = arith.constant 0 : i32
    %ge3A_1142 = vector.broadcast %ge3A_1141 : i32 to vector<16xi32>
    %ge3A_1143 = arith.cmpi sge, %sub3A_1140, %ge3A_1142 : vector<16xi32>
    %and3A_1144 = arith.andi %lt3A_1097, %ge3A_1143 : vector<16xi1>
    %lt3A_1145 = arith.constant 512 : i32
    %lt3A_1146 = vector.broadcast %lt3A_1145 : i32 to vector<16xi32>
    %lt3A_1147 = arith.cmpi slt, %sub3A_1140, %lt3A_1146 : vector<16xi32>
    %and3A_1148 = arith.andi %and3A_1144, %lt3A_1147 : vector<16xi1>
    %jit3A_1149 = arith.constant 0 : i32
    %jit3A_1150 = arith.constant 511 : i32
    %max3A_1151 = vector.broadcast %jit3A_1149 : i32 to vector<16xi32>
    %max3A_1152 = arith.maxsi %max3A_1151, %sub3A_1140 : vector<16xi32>
    %min3A_1153 = vector.broadcast %jit3A_1150 : i32 to vector<16xi32>
    %min3A_1154 = arith.minsi %min3A_1153, %max3A_1152 : vector<16xi32>
    tpu.vector_store_idx %arg5[%min3A_1154], %broadcast_in_dim3A_98 masked %and3A_1148 : memref<512xi32, #tpu.memory_space<vmem>>[vector<16xi32>], vector<16xi32>, vector<16xi1>
    %add3A_1155 = arith.constant 3 : i32
    %add3A_1156 = vector.broadcast %add3A_1155 : i32 to vector<16xi32>
    %add3A_1157 = arith.addi %get3A_1090, %add3A_1156 : vector<16xi32>
    %sub3A_1158 = vector.broadcast %mul3A_32 : i32 to vector<16xi32>
    %sub3A_1159 = arith.subi %add3A_1157, %sub3A_1158 : vector<16xi32>
    %ge3A_1160 = arith.constant 0 : i32
    %ge3A_1161 = vector.broadcast %ge3A_1160 : i32 to vector<16xi32>
    %ge3A_1162 = arith.cmpi sge, %sub3A_1159, %ge3A_1161 : vector<16xi32>
    %and3A_1163 = arith.andi %lt3A_1097, %ge3A_1162 : vector<16xi1>
    %lt3A_1164 = arith.constant 512 : i32
    %lt3A_1165 = vector.broadcast %lt3A_1164 : i32 to vector<16xi32>
    %lt3A_1166 = arith.cmpi slt, %sub3A_1159, %lt3A_1165 : vector<16xi32>
    %and3A_1167 = arith.andi %and3A_1163, %lt3A_1166 : vector<16xi1>
    %jit3A_1168 = arith.constant 0 : i32
    %jit3A_1169 = arith.constant 511 : i32
    %max3A_1170 = vector.broadcast %jit3A_1168 : i32 to vector<16xi32>
    %max3A_1171 = arith.maxsi %max3A_1170, %sub3A_1159 : vector<16xi32>
    %min3A_1172 = vector.broadcast %jit3A_1169 : i32 to vector<16xi32>
    %min3A_1173 = arith.minsi %min3A_1172, %max3A_1171 : vector<16xi32>
    tpu.vector_store_idx %arg5[%min3A_1173], %broadcast_in_dim3A_98 masked %and3A_1167 : memref<512xi32, #tpu.memory_space<vmem>>[vector<16xi32>], vector<16xi32>, vector<16xi1>
    %add3A_1174 = arith.constant 4 : i32
    %add3A_1175 = vector.broadcast %add3A_1174 : i32 to vector<16xi32>
    %add3A_1176 = arith.addi %get3A_1090, %add3A_1175 : vector<16xi32>
    %sub3A_1177 = vector.broadcast %mul3A_32 : i32 to vector<16xi32>
    %sub3A_1178 = arith.subi %add3A_1176, %sub3A_1177 : vector<16xi32>
    %ge3A_1179 = arith.constant 0 : i32
    %ge3A_1180 = vector.broadcast %ge3A_1179 : i32 to vector<16xi32>
    %ge3A_1181 = arith.cmpi sge, %sub3A_1178, %ge3A_1180 : vector<16xi32>
    %and3A_1182 = arith.andi %lt3A_1097, %ge3A_1181 : vector<16xi1>
    %lt3A_1183 = arith.constant 512 : i32
    %lt3A_1184 = vector.broadcast %lt3A_1183 : i32 to vector<16xi32>
    %lt3A_1185 = arith.cmpi slt, %sub3A_1178, %lt3A_1184 : vector<16xi32>
    %and3A_1186 = arith.andi %and3A_1182, %lt3A_1185 : vector<16xi1>
    %jit3A_1187 = arith.constant 0 : i32
    %jit3A_1188 = arith.constant 511 : i32
    %max3A_1189 = vector.broadcast %jit3A_1187 : i32 to vector<16xi32>
    %max3A_1190 = arith.maxsi %max3A_1189, %sub3A_1178 : vector<16xi32>
    %min3A_1191 = vector.broadcast %jit3A_1188 : i32 to vector<16xi32>
    %min3A_1192 = arith.minsi %min3A_1191, %max3A_1190 : vector<16xi32>
    tpu.vector_store_idx %arg5[%min3A_1192], %broadcast_in_dim3A_98 masked %and3A_1186 : memref<512xi32, #tpu.memory_space<vmem>>[vector<16xi32>], vector<16xi32>, vector<16xi1>
    %add3A_1193 = arith.constant 5 : i32
    %add3A_1194 = vector.broadcast %add3A_1193 : i32 to vector<16xi32>
    %add3A_1195 = arith.addi %get3A_1090, %add3A_1194 : vector<16xi32>
    %sub3A_1196 = vector.broadcast %mul3A_32 : i32 to vector<16xi32>
    %sub3A_1197 = arith.subi %add3A_1195, %sub3A_1196 : vector<16xi32>
    %ge3A_1198 = arith.constant 0 : i32
    %ge3A_1199 = vector.broadcast %ge3A_1198 : i32 to vector<16xi32>
    %ge3A_1200 = arith.cmpi sge, %sub3A_1197, %ge3A_1199 : vector<16xi32>
    %and3A_1201 = arith.andi %lt3A_1097, %ge3A_1200 : vector<16xi1>
    %lt3A_1202 = arith.constant 512 : i32
    %lt3A_1203 = vector.broadcast %lt3A_1202 : i32 to vector<16xi32>
    %lt3A_1204 = arith.cmpi slt, %sub3A_1197, %lt3A_1203 : vector<16xi32>
    %and3A_1205 = arith.andi %and3A_1201, %lt3A_1204 : vector<16xi1>
    %jit3A_1206 = arith.constant 0 : i32
    %jit3A_1207 = arith.constant 511 : i32
    %max3A_1208 = vector.broadcast %jit3A_1206 : i32 to vector<16xi32>
    %max3A_1209 = arith.maxsi %max3A_1208, %sub3A_1197 : vector<16xi32>
    %min3A_1210 = vector.broadcast %jit3A_1207 : i32 to vector<16xi32>
    %min3A_1211 = arith.minsi %min3A_1210, %max3A_1209 : vector<16xi32>
    tpu.vector_store_idx %arg5[%min3A_1211], %broadcast_in_dim3A_98 masked %and3A_1205 : memref<512xi32, #tpu.memory_space<vmem>>[vector<16xi32>], vector<16xi32>, vector<16xi1>
    %add3A_1212 = arith.constant 6 : i32
    %add3A_1213 = vector.broadcast %add3A_1212 : i32 to vector<16xi32>
    %add3A_1214 = arith.addi %get3A_1090, %add3A_1213 : vector<16xi32>
    %sub3A_1215 = vector.broadcast %mul3A_32 : i32 to vector<16xi32>
    %sub3A_1216 = arith.subi %add3A_1214, %sub3A_1215 : vector<16xi32>
    %ge3A_1217 = arith.constant 0 : i32
    %ge3A_1218 = vector.broadcast %ge3A_1217 : i32 to vector<16xi32>
    %ge3A_1219 = arith.cmpi sge, %sub3A_1216, %ge3A_1218 : vector<16xi32>
    %and3A_1220 = arith.andi %lt3A_1097, %ge3A_1219 : vector<16xi1>
    %lt3A_1221 = arith.constant 512 : i32
    %lt3A_1222 = vector.broadcast %lt3A_1221 : i32 to vector<16xi32>
    %lt3A_1223 = arith.cmpi slt, %sub3A_1216, %lt3A_1222 : vector<16xi32>
    %and3A_1224 = arith.andi %and3A_1220, %lt3A_1223 : vector<16xi1>
    %jit3A_1225 = arith.constant 0 : i32
    %jit3A_1226 = arith.constant 511 : i32
    %max3A_1227 = vector.broadcast %jit3A_1225 : i32 to vector<16xi32>
    %max3A_1228 = arith.maxsi %max3A_1227, %sub3A_1216 : vector<16xi32>
    %min3A_1229 = vector.broadcast %jit3A_1226 : i32 to vector<16xi32>
    %min3A_1230 = arith.minsi %min3A_1229, %max3A_1228 : vector<16xi32>
    tpu.vector_store_idx %arg5[%min3A_1230], %broadcast_in_dim3A_98 masked %and3A_1224 : memref<512xi32, #tpu.memory_space<vmem>>[vector<16xi32>], vector<16xi32>, vector<16xi1>
    %add3A_1231 = arith.constant 7 : i32
    %add3A_1232 = vector.broadcast %add3A_1231 : i32 to vector<16xi32>
    %add3A_1233 = arith.addi %get3A_1090, %add3A_1232 : vector<16xi32>
    %sub3A_1234 = vector.broadcast %mul3A_32 : i32 to vector<16xi32>
    %sub3A_1235 = arith.subi %add3A_1233, %sub3A_1234 : vector<16xi32>
    %ge3A_1236 = arith.constant 0 : i32
    %ge3A_1237 = vector.broadcast %ge3A_1236 : i32 to vector<16xi32>
    %ge3A_1238 = arith.cmpi sge, %sub3A_1235, %ge3A_1237 : vector<16xi32>
    %and3A_1239 = arith.andi %lt3A_1097, %ge3A_1238 : vector<16xi1>
    %lt3A_1240 = arith.constant 512 : i32
    %lt3A_1241 = vector.broadcast %lt3A_1240 : i32 to vector<16xi32>
    %lt3A_1242 = arith.cmpi slt, %sub3A_1235, %lt3A_1241 : vector<16xi32>
    %and3A_1243 = arith.andi %and3A_1239, %lt3A_1242 : vector<16xi1>
    %jit3A_1244 = arith.constant 0 : i32
    %jit3A_1245 = arith.constant 511 : i32
    %max3A_1246 = vector.broadcast %jit3A_1244 : i32 to vector<16xi32>
    %max3A_1247 = arith.maxsi %max3A_1246, %sub3A_1235 : vector<16xi32>
    %min3A_1248 = vector.broadcast %jit3A_1245 : i32 to vector<16xi32>
    %min3A_1249 = arith.minsi %min3A_1248, %max3A_1247 : vector<16xi32>
    tpu.vector_store_idx %arg5[%min3A_1249], %broadcast_in_dim3A_98 masked %and3A_1243 : memref<512xi32, #tpu.memory_space<vmem>>[vector<16xi32>], vector<16xi32>, vector<16xi1>
    %add3A_1250 = arith.constant 8 : i32
    %add3A_1251 = vector.broadcast %add3A_1250 : i32 to vector<16xi32>
    %add3A_1252 = arith.addi %get3A_1090, %add3A_1251 : vector<16xi32>
    %sub3A_1253 = vector.broadcast %mul3A_32 : i32 to vector<16xi32>
    %sub3A_1254 = arith.subi %add3A_1252, %sub3A_1253 : vector<16xi32>
    %ge3A_1255 = arith.constant 0 : i32
    %ge3A_1256 = vector.broadcast %ge3A_1255 : i32 to vector<16xi32>
    %ge3A_1257 = arith.cmpi sge, %sub3A_1254, %ge3A_1256 : vector<16xi32>
    %and3A_1258 = arith.andi %lt3A_1097, %ge3A_1257 : vector<16xi1>
    %lt3A_1259 = arith.constant 512 : i32
    %lt3A_1260 = vector.broadcast %lt3A_1259 : i32 to vector<16xi32>
    %lt3A_1261 = arith.cmpi slt, %sub3A_1254, %lt3A_1260 : vector<16xi32>
    %and3A_1262 = arith.andi %and3A_1258, %lt3A_1261 : vector<16xi1>
    %jit3A_1263 = arith.constant 0 : i32
    %jit3A_1264 = arith.constant 511 : i32
    %max3A_1265 = vector.broadcast %jit3A_1263 : i32 to vector<16xi32>
    %max3A_1266 = arith.maxsi %max3A_1265, %sub3A_1254 : vector<16xi32>
    %min3A_1267 = vector.broadcast %jit3A_1264 : i32 to vector<16xi32>
    %min3A_1268 = arith.minsi %min3A_1267, %max3A_1266 : vector<16xi32>
    tpu.vector_store_idx %arg5[%min3A_1268], %broadcast_in_dim3A_98 masked %and3A_1262 : memref<512xi32, #tpu.memory_space<vmem>>[vector<16xi32>], vector<16xi32>, vector<16xi1>
    %add3A_1269 = arith.constant 9 : i32
    %add3A_1270 = vector.broadcast %add3A_1269 : i32 to vector<16xi32>
    %add3A_1271 = arith.addi %get3A_1090, %add3A_1270 : vector<16xi32>
    %sub3A_1272 = vector.broadcast %mul3A_32 : i32 to vector<16xi32>
    %sub3A_1273 = arith.subi %add3A_1271, %sub3A_1272 : vector<16xi32>
    %ge3A_1274 = arith.constant 0 : i32
    %ge3A_1275 = vector.broadcast %ge3A_1274 : i32 to vector<16xi32>
    %ge3A_1276 = arith.cmpi sge, %sub3A_1273, %ge3A_1275 : vector<16xi32>
    %and3A_1277 = arith.andi %lt3A_1097, %ge3A_1276 : vector<16xi1>
    %lt3A_1278 = arith.constant 512 : i32
    %lt3A_1279 = vector.broadcast %lt3A_1278 : i32 to vector<16xi32>
    %lt3A_1280 = arith.cmpi slt, %sub3A_1273, %lt3A_1279 : vector<16xi32>
    %and3A_1281 = arith.andi %and3A_1277, %lt3A_1280 : vector<16xi1>
    %jit3A_1282 = arith.constant 0 : i32
    %jit3A_1283 = arith.constant 511 : i32
    %max3A_1284 = vector.broadcast %jit3A_1282 : i32 to vector<16xi32>
    %max3A_1285 = arith.maxsi %max3A_1284, %sub3A_1273 : vector<16xi32>
    %min3A_1286 = vector.broadcast %jit3A_1283 : i32 to vector<16xi32>
    %min3A_1287 = arith.minsi %min3A_1286, %max3A_1285 : vector<16xi32>
    tpu.vector_store_idx %arg5[%min3A_1287], %broadcast_in_dim3A_98 masked %and3A_1281 : memref<512xi32, #tpu.memory_space<vmem>>[vector<16xi32>], vector<16xi32>, vector<16xi1>
    %get3A_1288 = arith.constant 96 : index
    %get3A_1289 = tpu.vector_load %arg4[%get3A_1288] {strides = array<i32>} : memref<272xi32, #tpu.memory_space<vmem>>, vector<16xi32>,
    %iota3A_1290 = tpu.iota {dimensions = array<i32: 0>} : vector<16xi32>
    %add3A_1291 = arith.constant 96 : i32
    %add3A_1292 = vector.broadcast %add3A_1291 : i32 to vector<16xi32>
    %add3A_1293 = arith.addi %add3A_1292, %iota3A_1290 : vector<16xi32>
    %lt3A_1294 = arith.constant 266 : i32
    %lt3A_1295 = vector.broadcast %lt3A_1294 : i32 to vector<16xi32>
    %lt3A_1296 = arith.cmpi slt, %add3A_1293, %lt3A_1295 : vector<16xi32>
    %add3A_1297 = arith.constant 0 : i32
    %add3A_1298 = vector.broadcast %add3A_1297 : i32 to vector<16xi32>
    %add3A_1299 = arith.addi %get3A_1289, %add3A_1298 : vector<16xi32>
    %sub3A_1300 = vector.broadcast %mul3A_32 : i32 to vector<16xi32>
    %sub3A_1301 = arith.subi %add3A_1299, %sub3A_1300 : vector<16xi32>
    %ge3A_1302 = arith.constant 0 : i32
    %ge3A_1303 = vector.broadcast %ge3A_1302 : i32 to vector<16xi32>
    %ge3A_1304 = arith.cmpi sge, %sub3A_1301, %ge3A_1303 : vector<16xi32>
    %and3A_1305 = arith.andi %lt3A_1296, %ge3A_1304 : vector<16xi1>
    %lt3A_1306 = arith.constant 512 : i32
    %lt3A_1307 = vector.broadcast %lt3A_1306 : i32 to vector<16xi32>
    %lt3A_1308 = arith.cmpi slt, %sub3A_1301, %lt3A_1307 : vector<16xi32>
    %and3A_1309 = arith.andi %and3A_1305, %lt3A_1308 : vector<16xi1>
    %jit3A_1310 = arith.constant 0 : i32
    %jit3A_1311 = arith.constant 511 : i32
    %max3A_1312 = vector.broadcast %jit3A_1310 : i32 to vector<16xi32>
    %max3A_1313 = arith.maxsi %max3A_1312, %sub3A_1301 : vector<16xi32>
    %min3A_1314 = vector.broadcast %jit3A_1311 : i32 to vector<16xi32>
    %min3A_1315 = arith.minsi %min3A_1314, %max3A_1313 : vector<16xi32>
    tpu.vector_store_idx %arg5[%min3A_1315], %broadcast_in_dim3A_98 masked %and3A_1309 : memref<512xi32, #tpu.memory_space<vmem>>[vector<16xi32>], vector<16xi32>, vector<16xi1>
    %add3A_1316 = arith.constant 1 : i32
    %add3A_1317 = vector.broadcast %add3A_1316 : i32 to vector<16xi32>
    %add3A_1318 = arith.addi %get3A_1289, %add3A_1317 : vector<16xi32>
    %sub3A_1319 = vector.broadcast %mul3A_32 : i32 to vector<16xi32>
    %sub3A_1320 = arith.subi %add3A_1318, %sub3A_1319 : vector<16xi32>
    %ge3A_1321 = arith.constant 0 : i32
    %ge3A_1322 = vector.broadcast %ge3A_1321 : i32 to vector<16xi32>
    %ge3A_1323 = arith.cmpi sge, %sub3A_1320, %ge3A_1322 : vector<16xi32>
    %and3A_1324 = arith.andi %lt3A_1296, %ge3A_1323 : vector<16xi1>
    %lt3A_1325 = arith.constant 512 : i32
    %lt3A_1326 = vector.broadcast %lt3A_1325 : i32 to vector<16xi32>
    %lt3A_1327 = arith.cmpi slt, %sub3A_1320, %lt3A_1326 : vector<16xi32>
    %and3A_1328 = arith.andi %and3A_1324, %lt3A_1327 : vector<16xi1>
    %jit3A_1329 = arith.constant 0 : i32
    %jit3A_1330 = arith.constant 511 : i32
    %max3A_1331 = vector.broadcast %jit3A_1329 : i32 to vector<16xi32>
    %max3A_1332 = arith.maxsi %max3A_1331, %sub3A_1320 : vector<16xi32>
    %min3A_1333 = vector.broadcast %jit3A_1330 : i32 to vector<16xi32>
    %min3A_1334 = arith.minsi %min3A_1333, %max3A_1332 : vector<16xi32>
    tpu.vector_store_idx %arg5[%min3A_1334], %broadcast_in_dim3A_98 masked %and3A_1328 : memref<512xi32, #tpu.memory_space<vmem>>[vector<16xi32>], vector<16xi32>, vector<16xi1>
    %add3A_1335 = arith.constant 2 : i32
    %add3A_1336 = vector.broadcast %add3A_1335 : i32 to vector<16xi32>
    %add3A_1337 = arith.addi %get3A_1289, %add3A_1336 : vector<16xi32>
    %sub3A_1338 = vector.broadcast %mul3A_32 : i32 to vector<16xi32>
    %sub3A_1339 = arith.subi %add3A_1337, %sub3A_1338 : vector<16xi32>
    %ge3A_1340 = arith.constant 0 : i32
    %ge3A_1341 = vector.broadcast %ge3A_1340 : i32 to vector<16xi32>
    %ge3A_1342 = arith.cmpi sge, %sub3A_1339, %ge3A_1341 : vector<16xi32>
    %and3A_1343 = arith.andi %lt3A_1296, %ge3A_1342 : vector<16xi1>
    %lt3A_1344 = arith.constant 512 : i32
    %lt3A_1345 = vector.broadcast %lt3A_1344 : i32 to vector<16xi32>
    %lt3A_1346 = arith.cmpi slt, %sub3A_1339, %lt3A_1345 : vector<16xi32>
    %and3A_1347 = arith.andi %and3A_1343, %lt3A_1346 : vector<16xi1>
    %jit3A_1348 = arith.constant 0 : i32
    %jit3A_1349 = arith.constant 511 : i32
    %max3A_1350 = vector.broadcast %jit3A_1348 : i32 to vector<16xi32>
    %max3A_1351 = arith.maxsi %max3A_1350, %sub3A_1339 : vector<16xi32>
    %min3A_1352 = vector.broadcast %jit3A_1349 : i32 to vector<16xi32>
    %min3A_1353 = arith.minsi %min3A_1352, %max3A_1351 : vector<16xi32>
    tpu.vector_store_idx %arg5[%min3A_1353], %broadcast_in_dim3A_98 masked %and3A_1347 : memref<512xi32, #tpu.memory_space<vmem>>[vector<16xi32>], vector<16xi32>, vector<16xi1>
    %add3A_1354 = arith.constant 3 : i32
    %add3A_1355 = vector.broadcast %add3A_1354 : i32 to vector<16xi32>
    %add3A_1356 = arith.addi %get3A_1289, %add3A_1355 : vector<16xi32>
    %sub3A_1357 = vector.broadcast %mul3A_32 : i32 to vector<16xi32>
    %sub3A_1358 = arith.subi %add3A_1356, %sub3A_1357 : vector<16xi32>
    %ge3A_1359 = arith.constant 0 : i32
    %ge3A_1360 = vector.broadcast %ge3A_1359 : i32 to vector<16xi32>
    %ge3A_1361 = arith.cmpi sge, %sub3A_1358, %ge3A_1360 : vector<16xi32>
    %and3A_1362 = arith.andi %lt3A_1296, %ge3A_1361 : vector<16xi1>
    %lt3A_1363 = arith.constant 512 : i32
    %lt3A_1364 = vector.broadcast %lt3A_1363 : i32 to vector<16xi32>
    %lt3A_1365 = arith.cmpi slt, %sub3A_1358, %lt3A_1364 : vector<16xi32>
    %and3A_1366 = arith.andi %and3A_1362, %lt3A_1365 : vector<16xi1>
    %jit3A_1367 = arith.constant 0 : i32
    %jit3A_1368 = arith.constant 511 : i32
    %max3A_1369 = vector.broadcast %jit3A_1367 : i32 to vector<16xi32>
    %max3A_1370 = arith.maxsi %max3A_1369, %sub3A_1358 : vector<16xi32>
    %min3A_1371 = vector.broadcast %jit3A_1368 : i32 to vector<16xi32>
    %min3A_1372 = arith.minsi %min3A_1371, %max3A_1370 : vector<16xi32>
    tpu.vector_store_idx %arg5[%min3A_1372], %broadcast_in_dim3A_98 masked %and3A_1366 : memref<512xi32, #tpu.memory_space<vmem>>[vector<16xi32>], vector<16xi32>, vector<16xi1>
    %add3A_1373 = arith.constant 4 : i32
    %add3A_1374 = vector.broadcast %add3A_1373 : i32 to vector<16xi32>
    %add3A_1375 = arith.addi %get3A_1289, %add3A_1374 : vector<16xi32>
    %sub3A_1376 = vector.broadcast %mul3A_32 : i32 to vector<16xi32>
    %sub3A_1377 = arith.subi %add3A_1375, %sub3A_1376 : vector<16xi32>
    %ge3A_1378 = arith.constant 0 : i32
    %ge3A_1379 = vector.broadcast %ge3A_1378 : i32 to vector<16xi32>
    %ge3A_1380 = arith.cmpi sge, %sub3A_1377, %ge3A_1379 : vector<16xi32>
    %and3A_1381 = arith.andi %lt3A_1296, %ge3A_1380 : vector<16xi1>
    %lt3A_1382 = arith.constant 512 : i32
    %lt3A_1383 = vector.broadcast %lt3A_1382 : i32 to vector<16xi32>
    %lt3A_1384 = arith.cmpi slt, %sub3A_1377, %lt3A_1383 : vector<16xi32>
    %and3A_1385 = arith.andi %and3A_1381, %lt3A_1384 : vector<16xi1>
    %jit3A_1386 = arith.constant 0 : i32
    %jit3A_1387 = arith.constant 511 : i32
    %max3A_1388 = vector.broadcast %jit3A_1386 : i32 to vector<16xi32>
    %max3A_1389 = arith.maxsi %max3A_1388, %sub3A_1377 : vector<16xi32>
    %min3A_1390 = vector.broadcast %jit3A_1387 : i32 to vector<16xi32>
    %min3A_1391 = arith.minsi %min3A_1390, %max3A_1389 : vector<16xi32>
    tpu.vector_store_idx %arg5[%min3A_1391], %broadcast_in_dim3A_98 masked %and3A_1385 : memref<512xi32, #tpu.memory_space<vmem>>[vector<16xi32>], vector<16xi32>, vector<16xi1>
    %add3A_1392 = arith.constant 5 : i32
    %add3A_1393 = vector.broadcast %add3A_1392 : i32 to vector<16xi32>
    %add3A_1394 = arith.addi %get3A_1289, %add3A_1393 : vector<16xi32>
    %sub3A_1395 = vector.broadcast %mul3A_32 : i32 to vector<16xi32>
    %sub3A_1396 = arith.subi %add3A_1394, %sub3A_1395 : vector<16xi32>
    %ge3A_1397 = arith.constant 0 : i32
    %ge3A_1398 = vector.broadcast %ge3A_1397 : i32 to vector<16xi32>
    %ge3A_1399 = arith.cmpi sge, %sub3A_1396, %ge3A_1398 : vector<16xi32>
    %and3A_1400 = arith.andi %lt3A_1296, %ge3A_1399 : vector<16xi1>
    %lt3A_1401 = arith.constant 512 : i32
    %lt3A_1402 = vector.broadcast %lt3A_1401 : i32 to vector<16xi32>
    %lt3A_1403 = arith.cmpi slt, %sub3A_1396, %lt3A_1402 : vector<16xi32>
    %and3A_1404 = arith.andi %and3A_1400, %lt3A_1403 : vector<16xi1>
    %jit3A_1405 = arith.constant 0 : i32
    %jit3A_1406 = arith.constant 511 : i32
    %max3A_1407 = vector.broadcast %jit3A_1405 : i32 to vector<16xi32>
    %max3A_1408 = arith.maxsi %max3A_1407, %sub3A_1396 : vector<16xi32>
    %min3A_1409 = vector.broadcast %jit3A_1406 : i32 to vector<16xi32>
    %min3A_1410 = arith.minsi %min3A_1409, %max3A_1408 : vector<16xi32>
    tpu.vector_store_idx %arg5[%min3A_1410], %broadcast_in_dim3A_98 masked %and3A_1404 : memref<512xi32, #tpu.memory_space<vmem>>[vector<16xi32>], vector<16xi32>, vector<16xi1>
    %add3A_1411 = arith.constant 6 : i32
    %add3A_1412 = vector.broadcast %add3A_1411 : i32 to vector<16xi32>
    %add3A_1413 = arith.addi %get3A_1289, %add3A_1412 : vector<16xi32>
    %sub3A_1414 = vector.broadcast %mul3A_32 : i32 to vector<16xi32>
    %sub3A_1415 = arith.subi %add3A_1413, %sub3A_1414 : vector<16xi32>
    %ge3A_1416 = arith.constant 0 : i32
    %ge3A_1417 = vector.broadcast %ge3A_1416 : i32 to vector<16xi32>
    %ge3A_1418 = arith.cmpi sge, %sub3A_1415, %ge3A_1417 : vector<16xi32>
    %and3A_1419 = arith.andi %lt3A_1296, %ge3A_1418 : vector<16xi1>
    %lt3A_1420 = arith.constant 512 : i32
    %lt3A_1421 = vector.broadcast %lt3A_1420 : i32 to vector<16xi32>
    %lt3A_1422 = arith.cmpi slt, %sub3A_1415, %lt3A_1421 : vector<16xi32>
    %and3A_1423 = arith.andi %and3A_1419, %lt3A_1422 : vector<16xi1>
    %jit3A_1424 = arith.constant 0 : i32
    %jit3A_1425 = arith.constant 511 : i32
    %max3A_1426 = vector.broadcast %jit3A_1424 : i32 to vector<16xi32>
    %max3A_1427 = arith.maxsi %max3A_1426, %sub3A_1415 : vector<16xi32>
    %min3A_1428 = vector.broadcast %jit3A_1425 : i32 to vector<16xi32>
    %min3A_1429 = arith.minsi %min3A_1428, %max3A_1427 : vector<16xi32>
    tpu.vector_store_idx %arg5[%min3A_1429], %broadcast_in_dim3A_98 masked %and3A_1423 : memref<512xi32, #tpu.memory_space<vmem>>[vector<16xi32>], vector<16xi32>, vector<16xi1>
    %add3A_1430 = arith.constant 7 : i32
    %add3A_1431 = vector.broadcast %add3A_1430 : i32 to vector<16xi32>
    %add3A_1432 = arith.addi %get3A_1289, %add3A_1431 : vector<16xi32>
    %sub3A_1433 = vector.broadcast %mul3A_32 : i32 to vector<16xi32>
    %sub3A_1434 = arith.subi %add3A_1432, %sub3A_1433 : vector<16xi32>
    %ge3A_1435 = arith.constant 0 : i32
    %ge3A_1436 = vector.broadcast %ge3A_1435 : i32 to vector<16xi32>
    %ge3A_1437 = arith.cmpi sge, %sub3A_1434, %ge3A_1436 : vector<16xi32>
    %and3A_1438 = arith.andi %lt3A_1296, %ge3A_1437 : vector<16xi1>
    %lt3A_1439 = arith.constant 512 : i32
    %lt3A_1440 = vector.broadcast %lt3A_1439 : i32 to vector<16xi32>
    %lt3A_1441 = arith.cmpi slt, %sub3A_1434, %lt3A_1440 : vector<16xi32>
    %and3A_1442 = arith.andi %and3A_1438, %lt3A_1441 : vector<16xi1>
    %jit3A_1443 = arith.constant 0 : i32
    %jit3A_1444 = arith.constant 511 : i32
    %max3A_1445 = vector.broadcast %jit3A_1443 : i32 to vector<16xi32>
    %max3A_1446 = arith.maxsi %max3A_1445, %sub3A_1434 : vector<16xi32>
    %min3A_1447 = vector.broadcast %jit3A_1444 : i32 to vector<16xi32>
    %min3A_1448 = arith.minsi %min3A_1447, %max3A_1446 : vector<16xi32>
    tpu.vector_store_idx %arg5[%min3A_1448], %broadcast_in_dim3A_98 masked %and3A_1442 : memref<512xi32, #tpu.memory_space<vmem>>[vector<16xi32>], vector<16xi32>, vector<16xi1>
    %add3A_1449 = arith.constant 8 : i32
    %add3A_1450 = vector.broadcast %add3A_1449 : i32 to vector<16xi32>
    %add3A_1451 = arith.addi %get3A_1289, %add3A_1450 : vector<16xi32>
    %sub3A_1452 = vector.broadcast %mul3A_32 : i32 to vector<16xi32>
    %sub3A_1453 = arith.subi %add3A_1451, %sub3A_1452 : vector<16xi32>
    %ge3A_1454 = arith.constant 0 : i32
    %ge3A_1455 = vector.broadcast %ge3A_1454 : i32 to vector<16xi32>
    %ge3A_1456 = arith.cmpi sge, %sub3A_1453, %ge3A_1455 : vector<16xi32>
    %and3A_1457 = arith.andi %lt3A_1296, %ge3A_1456 : vector<16xi1>
    %lt3A_1458 = arith.constant 512 : i32
    %lt3A_1459 = vector.broadcast %lt3A_1458 : i32 to vector<16xi32>
    %lt3A_1460 = arith.cmpi slt, %sub3A_1453, %lt3A_1459 : vector<16xi32>
    %and3A_1461 = arith.andi %and3A_1457, %lt3A_1460 : vector<16xi1>
    %jit3A_1462 = arith.constant 0 : i32
    %jit3A_1463 = arith.constant 511 : i32
    %max3A_1464 = vector.broadcast %jit3A_1462 : i32 to vector<16xi32>
    %max3A_1465 = arith.maxsi %max3A_1464, %sub3A_1453 : vector<16xi32>
    %min3A_1466 = vector.broadcast %jit3A_1463 : i32 to vector<16xi32>
    %min3A_1467 = arith.minsi %min3A_1466, %max3A_1465 : vector<16xi32>
    tpu.vector_store_idx %arg5[%min3A_1467], %broadcast_in_dim3A_98 masked %and3A_1461 : memref<512xi32, #tpu.memory_space<vmem>>[vector<16xi32>], vector<16xi32>, vector<16xi1>
    %add3A_1468 = arith.constant 9 : i32
    %add3A_1469 = vector.broadcast %add3A_1468 : i32 to vector<16xi32>
    %add3A_1470 = arith.addi %get3A_1289, %add3A_1469 : vector<16xi32>
    %sub3A_1471 = vector.broadcast %mul3A_32 : i32 to vector<16xi32>
    %sub3A_1472 = arith.subi %add3A_1470, %sub3A_1471 : vector<16xi32>
    %ge3A_1473 = arith.constant 0 : i32
    %ge3A_1474 = vector.broadcast %ge3A_1473 : i32 to vector<16xi32>
    %ge3A_1475 = arith.cmpi sge, %sub3A_1472, %ge3A_1474 : vector<16xi32>
    %and3A_1476 = arith.andi %lt3A_1296, %ge3A_1475 : vector<16xi1>
    %lt3A_1477 = arith.constant 512 : i32
    %lt3A_1478 = vector.broadcast %lt3A_1477 : i32 to vector<16xi32>
    %lt3A_1479 = arith.cmpi slt, %sub3A_1472, %lt3A_1478 : vector<16xi32>
    %and3A_1480 = arith.andi %and3A_1476, %lt3A_1479 : vector<16xi1>
    %jit3A_1481 = arith.constant 0 : i32
    %jit3A_1482 = arith.constant 511 : i32
    %max3A_1483 = vector.broadcast %jit3A_1481 : i32 to vector<16xi32>
    %max3A_1484 = arith.maxsi %max3A_1483, %sub3A_1472 : vector<16xi32>
    %min3A_1485 = vector.broadcast %jit3A_1482 : i32 to vector<16xi32>
    %min3A_1486 = arith.minsi %min3A_1485, %max3A_1484 : vector<16xi32>
    tpu.vector_store_idx %arg5[%min3A_1486], %broadcast_in_dim3A_98 masked %and3A_1480 : memref<512xi32, #tpu.memory_space<vmem>>[vector<16xi32>], vector<16xi32>, vector<16xi1>
    %get3A_1487 = arith.constant 112 : index
    %get3A_1488 = tpu.vector_load %arg4[%get3A_1487] {strides = array<i32>} : memref<272xi32, #tpu.memory_space<vmem>>, vector<16xi32>,
    %iota3A_1489 = tpu.iota {dimensions = array<i32: 0>} : vector<16xi32>
    %add3A_1490 = arith.constant 112 : i32
    %add3A_1491 = vector.broadcast %add3A_1490 : i32 to vector<16xi32>
    %add3A_1492 = arith.addi %add3A_1491, %iota3A_1489 : vector<16xi32>
    %lt3A_1493 = arith.constant 266 : i32
    %lt3A_1494 = vector.broadcast %lt3A_1493 : i32 to vector<16xi32>
    %lt3A_1495 = arith.cmpi slt, %add3A_1492, %lt3A_1494 : vector<16xi32>
    %add3A_1496 = arith.constant 0 : i32
    %add3A_1497 = vector.broadcast %add3A_1496 : i32 to vector<16xi32>
    %add3A_1498 = arith.addi %get3A_1488, %add3A_1497 : vector<16xi32>
    %sub3A_1499 = vector.broadcast %mul3A_32 : i32 to vector<16xi32>
    %sub3A_1500 = arith.subi %add3A_1498, %sub3A_1499 : vector<16xi32>
    %ge3A_1501 = arith.constant 0 : i32
    %ge3A_1502 = vector.broadcast %ge3A_1501 : i32 to vector<16xi32>
    %ge3A_1503 = arith.cmpi sge, %sub3A_1500, %ge3A_1502 : vector<16xi32>
    %and3A_1504 = arith.andi %lt3A_1495, %ge3A_1503 : vector<16xi1>
    %lt3A_1505 = arith.constant 512 : i32
    %lt3A_1506 = vector.broadcast %lt3A_1505 : i32 to vector<16xi32>
    %lt3A_1507 = arith.cmpi slt, %sub3A_1500, %lt3A_1506 : vector<16xi32>
    %and3A_1508 = arith.andi %and3A_1504, %lt3A_1507 : vector<16xi1>
    %jit3A_1509 = arith.constant 0 : i32
    %jit3A_1510 = arith.constant 511 : i32
    %max3A_1511 = vector.broadcast %jit3A_1509 : i32 to vector<16xi32>
    %max3A_1512 = arith.maxsi %max3A_1511, %sub3A_1500 : vector<16xi32>
    %min3A_1513 = vector.broadcast %jit3A_1510 : i32 to vector<16xi32>
    %min3A_1514 = arith.minsi %min3A_1513, %max3A_1512 : vector<16xi32>
    tpu.vector_store_idx %arg5[%min3A_1514], %broadcast_in_dim3A_98 masked %and3A_1508 : memref<512xi32, #tpu.memory_space<vmem>>[vector<16xi32>], vector<16xi32>, vector<16xi1>
    %add3A_1515 = arith.constant 1 : i32
    %add3A_1516 = vector.broadcast %add3A_1515 : i32 to vector<16xi32>
    %add3A_1517 = arith.addi %get3A_1488, %add3A_1516 : vector<16xi32>
    %sub3A_1518 = vector.broadcast %mul3A_32 : i32 to vector<16xi32>
    %sub3A_1519 = arith.subi %add3A_1517, %sub3A_1518 : vector<16xi32>
    %ge3A_1520 = arith.constant 0 : i32
    %ge3A_1521 = vector.broadcast %ge3A_1520 : i32 to vector<16xi32>
    %ge3A_1522 = arith.cmpi sge, %sub3A_1519, %ge3A_1521 : vector<16xi32>
    %and3A_1523 = arith.andi %lt3A_1495, %ge3A_1522 : vector<16xi1>
    %lt3A_1524 = arith.constant 512 : i32
    %lt3A_1525 = vector.broadcast %lt3A_1524 : i32 to vector<16xi32>
    %lt3A_1526 = arith.cmpi slt, %sub3A_1519, %lt3A_1525 : vector<16xi32>
    %and3A_1527 = arith.andi %and3A_1523, %lt3A_1526 : vector<16xi1>
    %jit3A_1528 = arith.constant 0 : i32
    %jit3A_1529 = arith.constant 511 : i32
    %max3A_1530 = vector.broadcast %jit3A_1528 : i32 to vector<16xi32>
    %max3A_1531 = arith.maxsi %max3A_1530, %sub3A_1519 : vector<16xi32>
    %min3A_1532 = vector.broadcast %jit3A_1529 : i32 to vector<16xi32>
    %min3A_1533 = arith.minsi %min3A_1532, %max3A_1531 : vector<16xi32>
    tpu.vector_store_idx %arg5[%min3A_1533], %broadcast_in_dim3A_98 masked %and3A_1527 : memref<512xi32, #tpu.memory_space<vmem>>[vector<16xi32>], vector<16xi32>, vector<16xi1>
    %add3A_1534 = arith.constant 2 : i32
    %add3A_1535 = vector.broadcast %add3A_1534 : i32 to vector<16xi32>
    %add3A_1536 = arith.addi %get3A_1488, %add3A_1535 : vector<16xi32>
    %sub3A_1537 = vector.broadcast %mul3A_32 : i32 to vector<16xi32>
    %sub3A_1538 = arith.subi %add3A_1536, %sub3A_1537 : vector<16xi32>
    %ge3A_1539 = arith.constant 0 : i32
    %ge3A_1540 = vector.broadcast %ge3A_1539 : i32 to vector<16xi32>
    %ge3A_1541 = arith.cmpi sge, %sub3A_1538, %ge3A_1540 : vector<16xi32>
    %and3A_1542 = arith.andi %lt3A_1495, %ge3A_1541 : vector<16xi1>
    %lt3A_1543 = arith.constant 512 : i32
    %lt3A_1544 = vector.broadcast %lt3A_1543 : i32 to vector<16xi32>
    %lt3A_1545 = arith.cmpi slt, %sub3A_1538, %lt3A_1544 : vector<16xi32>
    %and3A_1546 = arith.andi %and3A_1542, %lt3A_1545 : vector<16xi1>
    %jit3A_1547 = arith.constant 0 : i32
    %jit3A_1548 = arith.constant 511 : i32
    %max3A_1549 = vector.broadcast %jit3A_1547 : i32 to vector<16xi32>
    %max3A_1550 = arith.maxsi %max3A_1549, %sub3A_1538 : vector<16xi32>
    %min3A_1551 = vector.broadcast %jit3A_1548 : i32 to vector<16xi32>
    %min3A_1552 = arith.minsi %min3A_1551, %max3A_1550 : vector<16xi32>
    tpu.vector_store_idx %arg5[%min3A_1552], %broadcast_in_dim3A_98 masked %and3A_1546 : memref<512xi32, #tpu.memory_space<vmem>>[vector<16xi32>], vector<16xi32>, vector<16xi1>
    %add3A_1553 = arith.constant 3 : i32
    %add3A_1554 = vector.broadcast %add3A_1553 : i32 to vector<16xi32>
    %add3A_1555 = arith.addi %get3A_1488, %add3A_1554 : vector<16xi32>
    %sub3A_1556 = vector.broadcast %mul3A_32 : i32 to vector<16xi32>
    %sub3A_1557 = arith.subi %add3A_1555, %sub3A_1556 : vector<16xi32>
    %ge3A_1558 = arith.constant 0 : i32
    %ge3A_1559 = vector.broadcast %ge3A_1558 : i32 to vector<16xi32>
    %ge3A_1560 = arith.cmpi sge, %sub3A_1557, %ge3A_1559 : vector<16xi32>
    %and3A_1561 = arith.andi %lt3A_1495, %ge3A_1560 : vector<16xi1>
    %lt3A_1562 = arith.constant 512 : i32
    %lt3A_1563 = vector.broadcast %lt3A_1562 : i32 to vector<16xi32>
    %lt3A_1564 = arith.cmpi slt, %sub3A_1557, %lt3A_1563 : vector<16xi32>
    %and3A_1565 = arith.andi %and3A_1561, %lt3A_1564 : vector<16xi1>
    %jit3A_1566 = arith.constant 0 : i32
    %jit3A_1567 = arith.constant 511 : i32
    %max3A_1568 = vector.broadcast %jit3A_1566 : i32 to vector<16xi32>
    %max3A_1569 = arith.maxsi %max3A_1568, %sub3A_1557 : vector<16xi32>
    %min3A_1570 = vector.broadcast %jit3A_1567 : i32 to vector<16xi32>
    %min3A_1571 = arith.minsi %min3A_1570, %max3A_1569 : vector<16xi32>
    tpu.vector_store_idx %arg5[%min3A_1571], %broadcast_in_dim3A_98 masked %and3A_1565 : memref<512xi32, #tpu.memory_space<vmem>>[vector<16xi32>], vector<16xi32>, vector<16xi1>
    %add3A_1572 = arith.constant 4 : i32
    %add3A_1573 = vector.broadcast %add3A_1572 : i32 to vector<16xi32>
    %add3A_1574 = arith.addi %get3A_1488, %add3A_1573 : vector<16xi32>
    %sub3A_1575 = vector.broadcast %mul3A_32 : i32 to vector<16xi32>
    %sub3A_1576 = arith.subi %add3A_1574, %sub3A_1575 : vector<16xi32>
    %ge3A_1577 = arith.constant 0 : i32
    %ge3A_1578 = vector.broadcast %ge3A_1577 : i32 to vector<16xi32>
    %ge3A_1579 = arith.cmpi sge, %sub3A_1576, %ge3A_1578 : vector<16xi32>
    %and3A_1580 = arith.andi %lt3A_1495, %ge3A_1579 : vector<16xi1>
    %lt3A_1581 = arith.constant 512 : i32
    %lt3A_1582 = vector.broadcast %lt3A_1581 : i32 to vector<16xi32>
    %lt3A_1583 = arith.cmpi slt, %sub3A_1576, %lt3A_1582 : vector<16xi32>
    %and3A_1584 = arith.andi %and3A_1580, %lt3A_1583 : vector<16xi1>
    %jit3A_1585 = arith.constant 0 : i32
    %jit3A_1586 = arith.constant 511 : i32
    %max3A_1587 = vector.broadcast %jit3A_1585 : i32 to vector<16xi32>
    %max3A_1588 = arith.maxsi %max3A_1587, %sub3A_1576 : vector<16xi32>
    %min3A_1589 = vector.broadcast %jit3A_1586 : i32 to vector<16xi32>
    %min3A_1590 = arith.minsi %min3A_1589, %max3A_1588 : vector<16xi32>
    tpu.vector_store_idx %arg5[%min3A_1590], %broadcast_in_dim3A_98 masked %and3A_1584 : memref<512xi32, #tpu.memory_space<vmem>>[vector<16xi32>], vector<16xi32>, vector<16xi1>
    %add3A_1591 = arith.constant 5 : i32
    %add3A_1592 = vector.broadcast %add3A_1591 : i32 to vector<16xi32>
    %add3A_1593 = arith.addi %get3A_1488, %add3A_1592 : vector<16xi32>
    %sub3A_1594 = vector.broadcast %mul3A_32 : i32 to vector<16xi32>
    %sub3A_1595 = arith.subi %add3A_1593, %sub3A_1594 : vector<16xi32>
    %ge3A_1596 = arith.constant 0 : i32
    %ge3A_1597 = vector.broadcast %ge3A_1596 : i32 to vector<16xi32>
    %ge3A_1598 = arith.cmpi sge, %sub3A_1595, %ge3A_1597 : vector<16xi32>
    %and3A_1599 = arith.andi %lt3A_1495, %ge3A_1598 : vector<16xi1>
    %lt3A_1600 = arith.constant 512 : i32
    %lt3A_1601 = vector.broadcast %lt3A_1600 : i32 to vector<16xi32>
    %lt3A_1602 = arith.cmpi slt, %sub3A_1595, %lt3A_1601 : vector<16xi32>
    %and3A_1603 = arith.andi %and3A_1599, %lt3A_1602 : vector<16xi1>
    %jit3A_1604 = arith.constant 0 : i32
    %jit3A_1605 = arith.constant 511 : i32
    %max3A_1606 = vector.broadcast %jit3A_1604 : i32 to vector<16xi32>
    %max3A_1607 = arith.maxsi %max3A_1606, %sub3A_1595 : vector<16xi32>
    %min3A_1608 = vector.broadcast %jit3A_1605 : i32 to vector<16xi32>
    %min3A_1609 = arith.minsi %min3A_1608, %max3A_1607 : vector<16xi32>
    tpu.vector_store_idx %arg5[%min3A_1609], %broadcast_in_dim3A_98 masked %and3A_1603 : memref<512xi32, #tpu.memory_space<vmem>>[vector<16xi32>], vector<16xi32>, vector<16xi1>
    %add3A_1610 = arith.constant 6 : i32
    %add3A_1611 = vector.broadcast %add3A_1610 : i32 to vector<16xi32>
    %add3A_1612 = arith.addi %get3A_1488, %add3A_1611 : vector<16xi32>
    %sub3A_1613 = vector.broadcast %mul3A_32 : i32 to vector<16xi32>
    %sub3A_1614 = arith.subi %add3A_1612, %sub3A_1613 : vector<16xi32>
    %ge3A_1615 = arith.constant 0 : i32
    %ge3A_1616 = vector.broadcast %ge3A_1615 : i32 to vector<16xi32>
    %ge3A_1617 = arith.cmpi sge, %sub3A_1614, %ge3A_1616 : vector<16xi32>
    %and3A_1618 = arith.andi %lt3A_1495, %ge3A_1617 : vector<16xi1>
    %lt3A_1619 = arith.constant 512 : i32
    %lt3A_1620 = vector.broadcast %lt3A_1619 : i32 to vector<16xi32>
    %lt3A_1621 = arith.cmpi slt, %sub3A_1614, %lt3A_1620 : vector<16xi32>
    %and3A_1622 = arith.andi %and3A_1618, %lt3A_1621 : vector<16xi1>
    %jit3A_1623 = arith.constant 0 : i32
    %jit3A_1624 = arith.constant 511 : i32
    %max3A_1625 = vector.broadcast %jit3A_1623 : i32 to vector<16xi32>
    %max3A_1626 = arith.maxsi %max3A_1625, %sub3A_1614 : vector<16xi32>
    %min3A_1627 = vector.broadcast %jit3A_1624 : i32 to vector<16xi32>
    %min3A_1628 = arith.minsi %min3A_1627, %max3A_1626 : vector<16xi32>
    tpu.vector_store_idx %arg5[%min3A_1628], %broadcast_in_dim3A_98 masked %and3A_1622 : memref<512xi32, #tpu.memory_space<vmem>>[vector<16xi32>], vector<16xi32>, vector<16xi1>
    %add3A_1629 = arith.constant 7 : i32
    %add3A_1630 = vector.broadcast %add3A_1629 : i32 to vector<16xi32>
    %add3A_1631 = arith.addi %get3A_1488, %add3A_1630 : vector<16xi32>
    %sub3A_1632 = vector.broadcast %mul3A_32 : i32 to vector<16xi32>
    %sub3A_1633 = arith.subi %add3A_1631, %sub3A_1632 : vector<16xi32>
    %ge3A_1634 = arith.constant 0 : i32
    %ge3A_1635 = vector.broadcast %ge3A_1634 : i32 to vector<16xi32>
    %ge3A_1636 = arith.cmpi sge, %sub3A_1633, %ge3A_1635 : vector<16xi32>
    %and3A_1637 = arith.andi %lt3A_1495, %ge3A_1636 : vector<16xi1>
    %lt3A_1638 = arith.constant 512 : i32
    %lt3A_1639 = vector.broadcast %lt3A_1638 : i32 to vector<16xi32>
    %lt3A_1640 = arith.cmpi slt, %sub3A_1633, %lt3A_1639 : vector<16xi32>
    %and3A_1641 = arith.andi %and3A_1637, %lt3A_1640 : vector<16xi1>
    %jit3A_1642 = arith.constant 0 : i32
    %jit3A_1643 = arith.constant 511 : i32
    %max3A_1644 = vector.broadcast %jit3A_1642 : i32 to vector<16xi32>
    %max3A_1645 = arith.maxsi %max3A_1644, %sub3A_1633 : vector<16xi32>
    %min3A_1646 = vector.broadcast %jit3A_1643 : i32 to vector<16xi32>
    %min3A_1647 = arith.minsi %min3A_1646, %max3A_1645 : vector<16xi32>
    tpu.vector_store_idx %arg5[%min3A_1647], %broadcast_in_dim3A_98 masked %and3A_1641 : memref<512xi32, #tpu.memory_space<vmem>>[vector<16xi32>], vector<16xi32>, vector<16xi1>
    %add3A_1648 = arith.constant 8 : i32
    %add3A_1649 = vector.broadcast %add3A_1648 : i32 to vector<16xi32>
    %add3A_1650 = arith.addi %get3A_1488, %add3A_1649 : vector<16xi32>
    %sub3A_1651 = vector.broadcast %mul3A_32 : i32 to vector<16xi32>
    %sub3A_1652 = arith.subi %add3A_1650, %sub3A_1651 : vector<16xi32>
    %ge3A_1653 = arith.constant 0 : i32
    %ge3A_1654 = vector.broadcast %ge3A_1653 : i32 to vector<16xi32>
    %ge3A_1655 = arith.cmpi sge, %sub3A_1652, %ge3A_1654 : vector<16xi32>
    %and3A_1656 = arith.andi %lt3A_1495, %ge3A_1655 : vector<16xi1>
    %lt3A_1657 = arith.constant 512 : i32
    %lt3A_1658 = vector.broadcast %lt3A_1657 : i32 to vector<16xi32>
    %lt3A_1659 = arith.cmpi slt, %sub3A_1652, %lt3A_1658 : vector<16xi32>
    %and3A_1660 = arith.andi %and3A_1656, %lt3A_1659 : vector<16xi1>
    %jit3A_1661 = arith.constant 0 : i32
    %jit3A_1662 = arith.constant 511 : i32
    %max3A_1663 = vector.broadcast %jit3A_1661 : i32 to vector<16xi32>
    %max3A_1664 = arith.maxsi %max3A_1663, %sub3A_1652 : vector<16xi32>
    %min3A_1665 = vector.broadcast %jit3A_1662 : i32 to vector<16xi32>
    %min3A_1666 = arith.minsi %min3A_1665, %max3A_1664 : vector<16xi32>
    tpu.vector_store_idx %arg5[%min3A_1666], %broadcast_in_dim3A_98 masked %and3A_1660 : memref<512xi32, #tpu.memory_space<vmem>>[vector<16xi32>], vector<16xi32>, vector<16xi1>
    %add3A_1667 = arith.constant 9 : i32
    %add3A_1668 = vector.broadcast %add3A_1667 : i32 to vector<16xi32>
    %add3A_1669 = arith.addi %get3A_1488, %add3A_1668 : vector<16xi32>
    %sub3A_1670 = vector.broadcast %mul3A_32 : i32 to vector<16xi32>
    %sub3A_1671 = arith.subi %add3A_1669, %sub3A_1670 : vector<16xi32>
    %ge3A_1672 = arith.constant 0 : i32
    %ge3A_1673 = vector.broadcast %ge3A_1672 : i32 to vector<16xi32>
    %ge3A_1674 = arith.cmpi sge, %sub3A_1671, %ge3A_1673 : vector<16xi32>
    %and3A_1675 = arith.andi %lt3A_1495, %ge3A_1674 : vector<16xi1>
    %lt3A_1676 = arith.constant 512 : i32
    %lt3A_1677 = vector.broadcast %lt3A_1676 : i32 to vector<16xi32>
    %lt3A_1678 = arith.cmpi slt, %sub3A_1671, %lt3A_1677 : vector<16xi32>
    %and3A_1679 = arith.andi %and3A_1675, %lt3A_1678 : vector<16xi1>
    %jit3A_1680 = arith.constant 0 : i32
    %jit3A_1681 = arith.constant 511 : i32
    %max3A_1682 = vector.broadcast %jit3A_1680 : i32 to vector<16xi32>
    %max3A_1683 = arith.maxsi %max3A_1682, %sub3A_1671 : vector<16xi32>
    %min3A_1684 = vector.broadcast %jit3A_1681 : i32 to vector<16xi32>
    %min3A_1685 = arith.minsi %min3A_1684, %max3A_1683 : vector<16xi32>
    tpu.vector_store_idx %arg5[%min3A_1685], %broadcast_in_dim3A_98 masked %and3A_1679 : memref<512xi32, #tpu.memory_space<vmem>>[vector<16xi32>], vector<16xi32>, vector<16xi1>
    %get3A_1686 = arith.constant 128 : index
    %get3A_1687 = tpu.vector_load %arg4[%get3A_1686] {strides = array<i32>} : memref<272xi32, #tpu.memory_space<vmem>>, vector<16xi32>,
    %iota3A_1688 = tpu.iota {dimensions = array<i32: 0>} : vector<16xi32>
    %add3A_1689 = arith.constant 128 : i32
    %add3A_1690 = vector.broadcast %add3A_1689 : i32 to vector<16xi32>
    %add3A_1691 = arith.addi %add3A_1690, %iota3A_1688 : vector<16xi32>
    %lt3A_1692 = arith.constant 266 : i32
    %lt3A_1693 = vector.broadcast %lt3A_1692 : i32 to vector<16xi32>
    %lt3A_1694 = arith.cmpi slt, %add3A_1691, %lt3A_1693 : vector<16xi32>
    %add3A_1695 = arith.constant 0 : i32
    %add3A_1696 = vector.broadcast %add3A_1695 : i32 to vector<16xi32>
    %add3A_1697 = arith.addi %get3A_1687, %add3A_1696 : vector<16xi32>
    %sub3A_1698 = vector.broadcast %mul3A_32 : i32 to vector<16xi32>
    %sub3A_1699 = arith.subi %add3A_1697, %sub3A_1698 : vector<16xi32>
    %ge3A_1700 = arith.constant 0 : i32
    %ge3A_1701 = vector.broadcast %ge3A_1700 : i32 to vector<16xi32>
    %ge3A_1702 = arith.cmpi sge, %sub3A_1699, %ge3A_1701 : vector<16xi32>
    %and3A_1703 = arith.andi %lt3A_1694, %ge3A_1702 : vector<16xi1>
    %lt3A_1704 = arith.constant 512 : i32
    %lt3A_1705 = vector.broadcast %lt3A_1704 : i32 to vector<16xi32>
    %lt3A_1706 = arith.cmpi slt, %sub3A_1699, %lt3A_1705 : vector<16xi32>
    %and3A_1707 = arith.andi %and3A_1703, %lt3A_1706 : vector<16xi1>
    %jit3A_1708 = arith.constant 0 : i32
    %jit3A_1709 = arith.constant 511 : i32
    %max3A_1710 = vector.broadcast %jit3A_1708 : i32 to vector<16xi32>
    %max3A_1711 = arith.maxsi %max3A_1710, %sub3A_1699 : vector<16xi32>
    %min3A_1712 = vector.broadcast %jit3A_1709 : i32 to vector<16xi32>
    %min3A_1713 = arith.minsi %min3A_1712, %max3A_1711 : vector<16xi32>
    tpu.vector_store_idx %arg5[%min3A_1713], %broadcast_in_dim3A_98 masked %and3A_1707 : memref<512xi32, #tpu.memory_space<vmem>>[vector<16xi32>], vector<16xi32>, vector<16xi1>
    %add3A_1714 = arith.constant 1 : i32
    %add3A_1715 = vector.broadcast %add3A_1714 : i32 to vector<16xi32>
    %add3A_1716 = arith.addi %get3A_1687, %add3A_1715 : vector<16xi32>
    %sub3A_1717 = vector.broadcast %mul3A_32 : i32 to vector<16xi32>
    %sub3A_1718 = arith.subi %add3A_1716, %sub3A_1717 : vector<16xi32>
    %ge3A_1719 = arith.constant 0 : i32
    %ge3A_1720 = vector.broadcast %ge3A_1719 : i32 to vector<16xi32>
    %ge3A_1721 = arith.cmpi sge, %sub3A_1718, %ge3A_1720 : vector<16xi32>
    %and3A_1722 = arith.andi %lt3A_1694, %ge3A_1721 : vector<16xi1>
    %lt3A_1723 = arith.constant 512 : i32
    %lt3A_1724 = vector.broadcast %lt3A_1723 : i32 to vector<16xi32>
    %lt3A_1725 = arith.cmpi slt, %sub3A_1718, %lt3A_1724 : vector<16xi32>
    %and3A_1726 = arith.andi %and3A_1722, %lt3A_1725 : vector<16xi1>
    %jit3A_1727 = arith.constant 0 : i32
    %jit3A_1728 = arith.constant 511 : i32
    %max3A_1729 = vector.broadcast %jit3A_1727 : i32 to vector<16xi32>
    %max3A_1730 = arith.maxsi %max3A_1729, %sub3A_1718 : vector<16xi32>
    %min3A_1731 = vector.broadcast %jit3A_1728 : i32 to vector<16xi32>
    %min3A_1732 = arith.minsi %min3A_1731, %max3A_1730 : vector<16xi32>
    tpu.vector_store_idx %arg5[%min3A_1732], %broadcast_in_dim3A_98 masked %and3A_1726 : memref<512xi32, #tpu.memory_space<vmem>>[vector<16xi32>], vector<16xi32>, vector<16xi1>
    %add3A_1733 = arith.constant 2 : i32
    %add3A_1734 = vector.broadcast %add3A_1733 : i32 to vector<16xi32>
    %add3A_1735 = arith.addi %get3A_1687, %add3A_1734 : vector<16xi32>
    %sub3A_1736 = vector.broadcast %mul3A_32 : i32 to vector<16xi32>
    %sub3A_1737 = arith.subi %add3A_1735, %sub3A_1736 : vector<16xi32>
    %ge3A_1738 = arith.constant 0 : i32
    %ge3A_1739 = vector.broadcast %ge3A_1738 : i32 to vector<16xi32>
    %ge3A_1740 = arith.cmpi sge, %sub3A_1737, %ge3A_1739 : vector<16xi32>
    %and3A_1741 = arith.andi %lt3A_1694, %ge3A_1740 : vector<16xi1>
    %lt3A_1742 = arith.constant 512 : i32
    %lt3A_1743 = vector.broadcast %lt3A_1742 : i32 to vector<16xi32>
    %lt3A_1744 = arith.cmpi slt, %sub3A_1737, %lt3A_1743 : vector<16xi32>
    %and3A_1745 = arith.andi %and3A_1741, %lt3A_1744 : vector<16xi1>
    %jit3A_1746 = arith.constant 0 : i32
    %jit3A_1747 = arith.constant 511 : i32
    %max3A_1748 = vector.broadcast %jit3A_1746 : i32 to vector<16xi32>
    %max3A_1749 = arith.maxsi %max3A_1748, %sub3A_1737 : vector<16xi32>
    %min3A_1750 = vector.broadcast %jit3A_1747 : i32 to vector<16xi32>
    %min3A_1751 = arith.minsi %min3A_1750, %max3A_1749 : vector<16xi32>
    tpu.vector_store_idx %arg5[%min3A_1751], %broadcast_in_dim3A_98 masked %and3A_1745 : memref<512xi32, #tpu.memory_space<vmem>>[vector<16xi32>], vector<16xi32>, vector<16xi1>
    %add3A_1752 = arith.constant 3 : i32
    %add3A_1753 = vector.broadcast %add3A_1752 : i32 to vector<16xi32>
    %add3A_1754 = arith.addi %get3A_1687, %add3A_1753 : vector<16xi32>
    %sub3A_1755 = vector.broadcast %mul3A_32 : i32 to vector<16xi32>
    %sub3A_1756 = arith.subi %add3A_1754, %sub3A_1755 : vector<16xi32>
    %ge3A_1757 = arith.constant 0 : i32
    %ge3A_1758 = vector.broadcast %ge3A_1757 : i32 to vector<16xi32>
    %ge3A_1759 = arith.cmpi sge, %sub3A_1756, %ge3A_1758 : vector<16xi32>
    %and3A_1760 = arith.andi %lt3A_1694, %ge3A_1759 : vector<16xi1>
    %lt3A_1761 = arith.constant 512 : i32
    %lt3A_1762 = vector.broadcast %lt3A_1761 : i32 to vector<16xi32>
    %lt3A_1763 = arith.cmpi slt, %sub3A_1756, %lt3A_1762 : vector<16xi32>
    %and3A_1764 = arith.andi %and3A_1760, %lt3A_1763 : vector<16xi1>
    %jit3A_1765 = arith.constant 0 : i32
    %jit3A_1766 = arith.constant 511 : i32
    %max3A_1767 = vector.broadcast %jit3A_1765 : i32 to vector<16xi32>
    %max3A_1768 = arith.maxsi %max3A_1767, %sub3A_1756 : vector<16xi32>
    %min3A_1769 = vector.broadcast %jit3A_1766 : i32 to vector<16xi32>
    %min3A_1770 = arith.minsi %min3A_1769, %max3A_1768 : vector<16xi32>
    tpu.vector_store_idx %arg5[%min3A_1770], %broadcast_in_dim3A_98 masked %and3A_1764 : memref<512xi32, #tpu.memory_space<vmem>>[vector<16xi32>], vector<16xi32>, vector<16xi1>
    %add3A_1771 = arith.constant 4 : i32
    %add3A_1772 = vector.broadcast %add3A_1771 : i32 to vector<16xi32>
    %add3A_1773 = arith.addi %get3A_1687, %add3A_1772 : vector<16xi32>
    %sub3A_1774 = vector.broadcast %mul3A_32 : i32 to vector<16xi32>
    %sub3A_1775 = arith.subi %add3A_1773, %sub3A_1774 : vector<16xi32>
    %ge3A_1776 = arith.constant 0 : i32
    %ge3A_1777 = vector.broadcast %ge3A_1776 : i32 to vector<16xi32>
    %ge3A_1778 = arith.cmpi sge, %sub3A_1775, %ge3A_1777 : vector<16xi32>
    %and3A_1779 = arith.andi %lt3A_1694, %ge3A_1778 : vector<16xi1>
    %lt3A_1780 = arith.constant 512 : i32
    %lt3A_1781 = vector.broadcast %lt3A_1780 : i32 to vector<16xi32>
    %lt3A_1782 = arith.cmpi slt, %sub3A_1775, %lt3A_1781 : vector<16xi32>
    %and3A_1783 = arith.andi %and3A_1779, %lt3A_1782 : vector<16xi1>
    %jit3A_1784 = arith.constant 0 : i32
    %jit3A_1785 = arith.constant 511 : i32
    %max3A_1786 = vector.broadcast %jit3A_1784 : i32 to vector<16xi32>
    %max3A_1787 = arith.maxsi %max3A_1786, %sub3A_1775 : vector<16xi32>
    %min3A_1788 = vector.broadcast %jit3A_1785 : i32 to vector<16xi32>
    %min3A_1789 = arith.minsi %min3A_1788, %max3A_1787 : vector<16xi32>
    tpu.vector_store_idx %arg5[%min3A_1789], %broadcast_in_dim3A_98 masked %and3A_1783 : memref<512xi32, #tpu.memory_space<vmem>>[vector<16xi32>], vector<16xi32>, vector<16xi1>
    %add3A_1790 = arith.constant 5 : i32
    %add3A_1791 = vector.broadcast %add3A_1790 : i32 to vector<16xi32>
    %add3A_1792 = arith.addi %get3A_1687, %add3A_1791 : vector<16xi32>
    %sub3A_1793 = vector.broadcast %mul3A_32 : i32 to vector<16xi32>
    %sub3A_1794 = arith.subi %add3A_1792, %sub3A_1793 : vector<16xi32>
    %ge3A_1795 = arith.constant 0 : i32
    %ge3A_1796 = vector.broadcast %ge3A_1795 : i32 to vector<16xi32>
    %ge3A_1797 = arith.cmpi sge, %sub3A_1794, %ge3A_1796 : vector<16xi32>
    %and3A_1798 = arith.andi %lt3A_1694, %ge3A_1797 : vector<16xi1>
    %lt3A_1799 = arith.constant 512 : i32
    %lt3A_1800 = vector.broadcast %lt3A_1799 : i32 to vector<16xi32>
    %lt3A_1801 = arith.cmpi slt, %sub3A_1794, %lt3A_1800 : vector<16xi32>
    %and3A_1802 = arith.andi %and3A_1798, %lt3A_1801 : vector<16xi1>
    %jit3A_1803 = arith.constant 0 : i32
    %jit3A_1804 = arith.constant 511 : i32
    %max3A_1805 = vector.broadcast %jit3A_1803 : i32 to vector<16xi32>
    %max3A_1806 = arith.maxsi %max3A_1805, %sub3A_1794 : vector<16xi32>
    %min3A_1807 = vector.broadcast %jit3A_1804 : i32 to vector<16xi32>
    %min3A_1808 = arith.minsi %min3A_1807, %max3A_1806 : vector<16xi32>
    tpu.vector_store_idx %arg5[%min3A_1808], %broadcast_in_dim3A_98 masked %and3A_1802 : memref<512xi32, #tpu.memory_space<vmem>>[vector<16xi32>], vector<16xi32>, vector<16xi1>
    %add3A_1809 = arith.constant 6 : i32
    %add3A_1810 = vector.broadcast %add3A_1809 : i32 to vector<16xi32>
    %add3A_1811 = arith.addi %get3A_1687, %add3A_1810 : vector<16xi32>
    %sub3A_1812 = vector.broadcast %mul3A_32 : i32 to vector<16xi32>
    %sub3A_1813 = arith.subi %add3A_1811, %sub3A_1812 : vector<16xi32>
    %ge3A_1814 = arith.constant 0 : i32
    %ge3A_1815 = vector.broadcast %ge3A_1814 : i32 to vector<16xi32>
    %ge3A_1816 = arith.cmpi sge, %sub3A_1813, %ge3A_1815 : vector<16xi32>
    %and3A_1817 = arith.andi %lt3A_1694, %ge3A_1816 : vector<16xi1>
    %lt3A_1818 = arith.constant 512 : i32
    %lt3A_1819 = vector.broadcast %lt3A_1818 : i32 to vector<16xi32>
    %lt3A_1820 = arith.cmpi slt, %sub3A_1813, %lt3A_1819 : vector<16xi32>
    %and3A_1821 = arith.andi %and3A_1817, %lt3A_1820 : vector<16xi1>
    %jit3A_1822 = arith.constant 0 : i32
    %jit3A_1823 = arith.constant 511 : i32
    %max3A_1824 = vector.broadcast %jit3A_1822 : i32 to vector<16xi32>
    %max3A_1825 = arith.maxsi %max3A_1824, %sub3A_1813 : vector<16xi32>
    %min3A_1826 = vector.broadcast %jit3A_1823 : i32 to vector<16xi32>
    %min3A_1827 = arith.minsi %min3A_1826, %max3A_1825 : vector<16xi32>
    tpu.vector_store_idx %arg5[%min3A_1827], %broadcast_in_dim3A_98 masked %and3A_1821 : memref<512xi32, #tpu.memory_space<vmem>>[vector<16xi32>], vector<16xi32>, vector<16xi1>
    %add3A_1828 = arith.constant 7 : i32
    %add3A_1829 = vector.broadcast %add3A_1828 : i32 to vector<16xi32>
    %add3A_1830 = arith.addi %get3A_1687, %add3A_1829 : vector<16xi32>
    %sub3A_1831 = vector.broadcast %mul3A_32 : i32 to vector<16xi32>
    %sub3A_1832 = arith.subi %add3A_1830, %sub3A_1831 : vector<16xi32>
    %ge3A_1833 = arith.constant 0 : i32
    %ge3A_1834 = vector.broadcast %ge3A_1833 : i32 to vector<16xi32>
    %ge3A_1835 = arith.cmpi sge, %sub3A_1832, %ge3A_1834 : vector<16xi32>
    %and3A_1836 = arith.andi %lt3A_1694, %ge3A_1835 : vector<16xi1>
    %lt3A_1837 = arith.constant 512 : i32
    %lt3A_1838 = vector.broadcast %lt3A_1837 : i32 to vector<16xi32>
    %lt3A_1839 = arith.cmpi slt, %sub3A_1832, %lt3A_1838 : vector<16xi32>
    %and3A_1840 = arith.andi %and3A_1836, %lt3A_1839 : vector<16xi1>
    %jit3A_1841 = arith.constant 0 : i32
    %jit3A_1842 = arith.constant 511 : i32
    %max3A_1843 = vector.broadcast %jit3A_1841 : i32 to vector<16xi32>
    %max3A_1844 = arith.maxsi %max3A_1843, %sub3A_1832 : vector<16xi32>
    %min3A_1845 = vector.broadcast %jit3A_1842 : i32 to vector<16xi32>
    %min3A_1846 = arith.minsi %min3A_1845, %max3A_1844 : vector<16xi32>
    tpu.vector_store_idx %arg5[%min3A_1846], %broadcast_in_dim3A_98 masked %and3A_1840 : memref<512xi32, #tpu.memory_space<vmem>>[vector<16xi32>], vector<16xi32>, vector<16xi1>
    %add3A_1847 = arith.constant 8 : i32
    %add3A_1848 = vector.broadcast %add3A_1847 : i32 to vector<16xi32>
    %add3A_1849 = arith.addi %get3A_1687, %add3A_1848 : vector<16xi32>
    %sub3A_1850 = vector.broadcast %mul3A_32 : i32 to vector<16xi32>
    %sub3A_1851 = arith.subi %add3A_1849, %sub3A_1850 : vector<16xi32>
    %ge3A_1852 = arith.constant 0 : i32
    %ge3A_1853 = vector.broadcast %ge3A_1852 : i32 to vector<16xi32>
    %ge3A_1854 = arith.cmpi sge, %sub3A_1851, %ge3A_1853 : vector<16xi32>
    %and3A_1855 = arith.andi %lt3A_1694, %ge3A_1854 : vector<16xi1>
    %lt3A_1856 = arith.constant 512 : i32
    %lt3A_1857 = vector.broadcast %lt3A_1856 : i32 to vector<16xi32>
    %lt3A_1858 = arith.cmpi slt, %sub3A_1851, %lt3A_1857 : vector<16xi32>
    %and3A_1859 = arith.andi %and3A_1855, %lt3A_1858 : vector<16xi1>
    %jit3A_1860 = arith.constant 0 : i32
    %jit3A_1861 = arith.constant 511 : i32
    %max3A_1862 = vector.broadcast %jit3A_1860 : i32 to vector<16xi32>
    %max3A_1863 = arith.maxsi %max3A_1862, %sub3A_1851 : vector<16xi32>
    %min3A_1864 = vector.broadcast %jit3A_1861 : i32 to vector<16xi32>
    %min3A_1865 = arith.minsi %min3A_1864, %max3A_1863 : vector<16xi32>
    tpu.vector_store_idx %arg5[%min3A_1865], %broadcast_in_dim3A_98 masked %and3A_1859 : memref<512xi32, #tpu.memory_space<vmem>>[vector<16xi32>], vector<16xi32>, vector<16xi1>
    %add3A_1866 = arith.constant 9 : i32
    %add3A_1867 = vector.broadcast %add3A_1866 : i32 to vector<16xi32>
    %add3A_1868 = arith.addi %get3A_1687, %add3A_1867 : vector<16xi32>
    %sub3A_1869 = vector.broadcast %mul3A_32 : i32 to vector<16xi32>
    %sub3A_1870 = arith.subi %add3A_1868, %sub3A_1869 : vector<16xi32>
    %ge3A_1871 = arith.constant 0 : i32
    %ge3A_1872 = vector.broadcast %ge3A_1871 : i32 to vector<16xi32>
    %ge3A_1873 = arith.cmpi sge, %sub3A_1870, %ge3A_1872 : vector<16xi32>
    %and3A_1874 = arith.andi %lt3A_1694, %ge3A_1873 : vector<16xi1>
    %lt3A_1875 = arith.constant 512 : i32
    %lt3A_1876 = vector.broadcast %lt3A_1875 : i32 to vector<16xi32>
    %lt3A_1877 = arith.cmpi slt, %sub3A_1870, %lt3A_1876 : vector<16xi32>
    %and3A_1878 = arith.andi %and3A_1874, %lt3A_1877 : vector<16xi1>
    %jit3A_1879 = arith.constant 0 : i32
    %jit3A_1880 = arith.constant 511 : i32
    %max3A_1881 = vector.broadcast %jit3A_1879 : i32 to vector<16xi32>
    %max3A_1882 = arith.maxsi %max3A_1881, %sub3A_1870 : vector<16xi32>
    %min3A_1883 = vector.broadcast %jit3A_1880 : i32 to vector<16xi32>
    %min3A_1884 = arith.minsi %min3A_1883, %max3A_1882 : vector<16xi32>
    tpu.vector_store_idx %arg5[%min3A_1884], %broadcast_in_dim3A_98 masked %and3A_1878 : memref<512xi32, #tpu.memory_space<vmem>>[vector<16xi32>], vector<16xi32>, vector<16xi1>
    %get3A_1885 = arith.constant 144 : index
    %get3A_1886 = tpu.vector_load %arg4[%get3A_1885] {strides = array<i32>} : memref<272xi32, #tpu.memory_space<vmem>>, vector<16xi32>,
    %iota3A_1887 = tpu.iota {dimensions = array<i32: 0>} : vector<16xi32>
    %add3A_1888 = arith.constant 144 : i32
    %add3A_1889 = vector.broadcast %add3A_1888 : i32 to vector<16xi32>
    %add3A_1890 = arith.addi %add3A_1889, %iota3A_1887 : vector<16xi32>
    %lt3A_1891 = arith.constant 266 : i32
    %lt3A_1892 = vector.broadcast %lt3A_1891 : i32 to vector<16xi32>
    %lt3A_1893 = arith.cmpi slt, %add3A_1890, %lt3A_1892 : vector<16xi32>
    %add3A_1894 = arith.constant 0 : i32
    %add3A_1895 = vector.broadcast %add3A_1894 : i32 to vector<16xi32>
    %add3A_1896 = arith.addi %get3A_1886, %add3A_1895 : vector<16xi32>
    %sub3A_1897 = vector.broadcast %mul3A_32 : i32 to vector<16xi32>
    %sub3A_1898 = arith.subi %add3A_1896, %sub3A_1897 : vector<16xi32>
    %ge3A_1899 = arith.constant 0 : i32
    %ge3A_1900 = vector.broadcast %ge3A_1899 : i32 to vector<16xi32>
    %ge3A_1901 = arith.cmpi sge, %sub3A_1898, %ge3A_1900 : vector<16xi32>
    %and3A_1902 = arith.andi %lt3A_1893, %ge3A_1901 : vector<16xi1>
    %lt3A_1903 = arith.constant 512 : i32
    %lt3A_1904 = vector.broadcast %lt3A_1903 : i32 to vector<16xi32>
    %lt3A_1905 = arith.cmpi slt, %sub3A_1898, %lt3A_1904 : vector<16xi32>
    %and3A_1906 = arith.andi %and3A_1902, %lt3A_1905 : vector<16xi1>
    %jit3A_1907 = arith.constant 0 : i32
    %jit3A_1908 = arith.constant 511 : i32
    %max3A_1909 = vector.broadcast %jit3A_1907 : i32 to vector<16xi32>
    %max3A_1910 = arith.maxsi %max3A_1909, %sub3A_1898 : vector<16xi32>
    %min3A_1911 = vector.broadcast %jit3A_1908 : i32 to vector<16xi32>
    %min3A_1912 = arith.minsi %min3A_1911, %max3A_1910 : vector<16xi32>
    tpu.vector_store_idx %arg5[%min3A_1912], %broadcast_in_dim3A_98 masked %and3A_1906 : memref<512xi32, #tpu.memory_space<vmem>>[vector<16xi32>], vector<16xi32>, vector<16xi1>
    %add3A_1913 = arith.constant 1 : i32
    %add3A_1914 = vector.broadcast %add3A_1913 : i32 to vector<16xi32>
    %add3A_1915 = arith.addi %get3A_1886, %add3A_1914 : vector<16xi32>
    %sub3A_1916 = vector.broadcast %mul3A_32 : i32 to vector<16xi32>
    %sub3A_1917 = arith.subi %add3A_1915, %sub3A_1916 : vector<16xi32>
    %ge3A_1918 = arith.constant 0 : i32
    %ge3A_1919 = vector.broadcast %ge3A_1918 : i32 to vector<16xi32>
    %ge3A_1920 = arith.cmpi sge, %sub3A_1917, %ge3A_1919 : vector<16xi32>
    %and3A_1921 = arith.andi %lt3A_1893, %ge3A_1920 : vector<16xi1>
    %lt3A_1922 = arith.constant 512 : i32
    %lt3A_1923 = vector.broadcast %lt3A_1922 : i32 to vector<16xi32>
    %lt3A_1924 = arith.cmpi slt, %sub3A_1917, %lt3A_1923 : vector<16xi32>
    %and3A_1925 = arith.andi %and3A_1921, %lt3A_1924 : vector<16xi1>
    %jit3A_1926 = arith.constant 0 : i32
    %jit3A_1927 = arith.constant 511 : i32
    %max3A_1928 = vector.broadcast %jit3A_1926 : i32 to vector<16xi32>
    %max3A_1929 = arith.maxsi %max3A_1928, %sub3A_1917 : vector<16xi32>
    %min3A_1930 = vector.broadcast %jit3A_1927 : i32 to vector<16xi32>
    %min3A_1931 = arith.minsi %min3A_1930, %max3A_1929 : vector<16xi32>
    tpu.vector_store_idx %arg5[%min3A_1931], %broadcast_in_dim3A_98 masked %and3A_1925 : memref<512xi32, #tpu.memory_space<vmem>>[vector<16xi32>], vector<16xi32>, vector<16xi1>
    %add3A_1932 = arith.constant 2 : i32
    %add3A_1933 = vector.broadcast %add3A_1932 : i32 to vector<16xi32>
    %add3A_1934 = arith.addi %get3A_1886, %add3A_1933 : vector<16xi32>
    %sub3A_1935 = vector.broadcast %mul3A_32 : i32 to vector<16xi32>
    %sub3A_1936 = arith.subi %add3A_1934, %sub3A_1935 : vector<16xi32>
    %ge3A_1937 = arith.constant 0 : i32
    %ge3A_1938 = vector.broadcast %ge3A_1937 : i32 to vector<16xi32>
    %ge3A_1939 = arith.cmpi sge, %sub3A_1936, %ge3A_1938 : vector<16xi32>
    %and3A_1940 = arith.andi %lt3A_1893, %ge3A_1939 : vector<16xi1>
    %lt3A_1941 = arith.constant 512 : i32
    %lt3A_1942 = vector.broadcast %lt3A_1941 : i32 to vector<16xi32>
    %lt3A_1943 = arith.cmpi slt, %sub3A_1936, %lt3A_1942 : vector<16xi32>
    %and3A_1944 = arith.andi %and3A_1940, %lt3A_1943 : vector<16xi1>
    %jit3A_1945 = arith.constant 0 : i32
    %jit3A_1946 = arith.constant 511 : i32
    %max3A_1947 = vector.broadcast %jit3A_1945 : i32 to vector<16xi32>
    %max3A_1948 = arith.maxsi %max3A_1947, %sub3A_1936 : vector<16xi32>
    %min3A_1949 = vector.broadcast %jit3A_1946 : i32 to vector<16xi32>
    %min3A_1950 = arith.minsi %min3A_1949, %max3A_1948 : vector<16xi32>
    tpu.vector_store_idx %arg5[%min3A_1950], %broadcast_in_dim3A_98 masked %and3A_1944 : memref<512xi32, #tpu.memory_space<vmem>>[vector<16xi32>], vector<16xi32>, vector<16xi1>
    %add3A_1951 = arith.constant 3 : i32
    %add3A_1952 = vector.broadcast %add3A_1951 : i32 to vector<16xi32>
    %add3A_1953 = arith.addi %get3A_1886, %add3A_1952 : vector<16xi32>
    %sub3A_1954 = vector.broadcast %mul3A_32 : i32 to vector<16xi32>
    %sub3A_1955 = arith.subi %add3A_1953, %sub3A_1954 : vector<16xi32>
    %ge3A_1956 = arith.constant 0 : i32
    %ge3A_1957 = vector.broadcast %ge3A_1956 : i32 to vector<16xi32>
    %ge3A_1958 = arith.cmpi sge, %sub3A_1955, %ge3A_1957 : vector<16xi32>
    %and3A_1959 = arith.andi %lt3A_1893, %ge3A_1958 : vector<16xi1>
    %lt3A_1960 = arith.constant 512 : i32
    %lt3A_1961 = vector.broadcast %lt3A_1960 : i32 to vector<16xi32>
    %lt3A_1962 = arith.cmpi slt, %sub3A_1955, %lt3A_1961 : vector<16xi32>
    %and3A_1963 = arith.andi %and3A_1959, %lt3A_1962 : vector<16xi1>
    %jit3A_1964 = arith.constant 0 : i32
    %jit3A_1965 = arith.constant 511 : i32
    %max3A_1966 = vector.broadcast %jit3A_1964 : i32 to vector<16xi32>
    %max3A_1967 = arith.maxsi %max3A_1966, %sub3A_1955 : vector<16xi32>
    %min3A_1968 = vector.broadcast %jit3A_1965 : i32 to vector<16xi32>
    %min3A_1969 = arith.minsi %min3A_1968, %max3A_1967 : vector<16xi32>
    tpu.vector_store_idx %arg5[%min3A_1969], %broadcast_in_dim3A_98 masked %and3A_1963 : memref<512xi32, #tpu.memory_space<vmem>>[vector<16xi32>], vector<16xi32>, vector<16xi1>
    %add3A_1970 = arith.constant 4 : i32
    %add3A_1971 = vector.broadcast %add3A_1970 : i32 to vector<16xi32>
    %add3A_1972 = arith.addi %get3A_1886, %add3A_1971 : vector<16xi32>
    %sub3A_1973 = vector.broadcast %mul3A_32 : i32 to vector<16xi32>
    %sub3A_1974 = arith.subi %add3A_1972, %sub3A_1973 : vector<16xi32>
    %ge3A_1975 = arith.constant 0 : i32
    %ge3A_1976 = vector.broadcast %ge3A_1975 : i32 to vector<16xi32>
    %ge3A_1977 = arith.cmpi sge, %sub3A_1974, %ge3A_1976 : vector<16xi32>
    %and3A_1978 = arith.andi %lt3A_1893, %ge3A_1977 : vector<16xi1>
    %lt3A_1979 = arith.constant 512 : i32
    %lt3A_1980 = vector.broadcast %lt3A_1979 : i32 to vector<16xi32>
    %lt3A_1981 = arith.cmpi slt, %sub3A_1974, %lt3A_1980 : vector<16xi32>
    %and3A_1982 = arith.andi %and3A_1978, %lt3A_1981 : vector<16xi1>
    %jit3A_1983 = arith.constant 0 : i32
    %jit3A_1984 = arith.constant 511 : i32
    %max3A_1985 = vector.broadcast %jit3A_1983 : i32 to vector<16xi32>
    %max3A_1986 = arith.maxsi %max3A_1985, %sub3A_1974 : vector<16xi32>
    %min3A_1987 = vector.broadcast %jit3A_1984 : i32 to vector<16xi32>
    %min3A_1988 = arith.minsi %min3A_1987, %max3A_1986 : vector<16xi32>
    tpu.vector_store_idx %arg5[%min3A_1988], %broadcast_in_dim3A_98 masked %and3A_1982 : memref<512xi32, #tpu.memory_space<vmem>>[vector<16xi32>], vector<16xi32>, vector<16xi1>
    %add3A_1989 = arith.constant 5 : i32
    %add3A_1990 = vector.broadcast %add3A_1989 : i32 to vector<16xi32>
    %add3A_1991 = arith.addi %get3A_1886, %add3A_1990 : vector<16xi32>
    %sub3A_1992 = vector.broadcast %mul3A_32 : i32 to vector<16xi32>
    %sub3A_1993 = arith.subi %add3A_1991, %sub3A_1992 : vector<16xi32>
    %ge3A_1994 = arith.constant 0 : i32
    %ge3A_1995 = vector.broadcast %ge3A_1994 : i32 to vector<16xi32>
    %ge3A_1996 = arith.cmpi sge, %sub3A_1993, %ge3A_1995 : vector<16xi32>
    %and3A_1997 = arith.andi %lt3A_1893, %ge3A_1996 : vector<16xi1>
    %lt3A_1998 = arith.constant 512 : i32
    %lt3A_1999 = vector.broadcast %lt3A_1998 : i32 to vector<16xi32>
    %lt3A_2000 = arith.cmpi slt, %sub3A_1993, %lt3A_1999 : vector<16xi32>
    %and3A_2001 = arith.andi %and3A_1997, %lt3A_2000 : vector<16xi1>
    %jit3A_2002 = arith.constant 0 : i32
    %jit3A_2003 = arith.constant 511 : i32
    %max3A_2004 = vector.broadcast %jit3A_2002 : i32 to vector<16xi32>
    %max3A_2005 = arith.maxsi %max3A_2004, %sub3A_1993 : vector<16xi32>
    %min3A_2006 = vector.broadcast %jit3A_2003 : i32 to vector<16xi32>
    %min3A_2007 = arith.minsi %min3A_2006, %max3A_2005 : vector<16xi32>
    tpu.vector_store_idx %arg5[%min3A_2007], %broadcast_in_dim3A_98 masked %and3A_2001 : memref<512xi32, #tpu.memory_space<vmem>>[vector<16xi32>], vector<16xi32>, vector<16xi1>
    %add3A_2008 = arith.constant 6 : i32
    %add3A_2009 = vector.broadcast %add3A_2008 : i32 to vector<16xi32>
    %add3A_2010 = arith.addi %get3A_1886, %add3A_2009 : vector<16xi32>
    %sub3A_2011 = vector.broadcast %mul3A_32 : i32 to vector<16xi32>
    %sub3A_2012 = arith.subi %add3A_2010, %sub3A_2011 : vector<16xi32>
    %ge3A_2013 = arith.constant 0 : i32
    %ge3A_2014 = vector.broadcast %ge3A_2013 : i32 to vector<16xi32>
    %ge3A_2015 = arith.cmpi sge, %sub3A_2012, %ge3A_2014 : vector<16xi32>
    %and3A_2016 = arith.andi %lt3A_1893, %ge3A_2015 : vector<16xi1>
    %lt3A_2017 = arith.constant 512 : i32
    %lt3A_2018 = vector.broadcast %lt3A_2017 : i32 to vector<16xi32>
    %lt3A_2019 = arith.cmpi slt, %sub3A_2012, %lt3A_2018 : vector<16xi32>
    %and3A_2020 = arith.andi %and3A_2016, %lt3A_2019 : vector<16xi1>
    %jit3A_2021 = arith.constant 0 : i32
    %jit3A_2022 = arith.constant 511 : i32
    %max3A_2023 = vector.broadcast %jit3A_2021 : i32 to vector<16xi32>
    %max3A_2024 = arith.maxsi %max3A_2023, %sub3A_2012 : vector<16xi32>
    %min3A_2025 = vector.broadcast %jit3A_2022 : i32 to vector<16xi32>
    %min3A_2026 = arith.minsi %min3A_2025, %max3A_2024 : vector<16xi32>
    tpu.vector_store_idx %arg5[%min3A_2026], %broadcast_in_dim3A_98 masked %and3A_2020 : memref<512xi32, #tpu.memory_space<vmem>>[vector<16xi32>], vector<16xi32>, vector<16xi1>
    %add3A_2027 = arith.constant 7 : i32
    %add3A_2028 = vector.broadcast %add3A_2027 : i32 to vector<16xi32>
    %add3A_2029 = arith.addi %get3A_1886, %add3A_2028 : vector<16xi32>
    %sub3A_2030 = vector.broadcast %mul3A_32 : i32 to vector<16xi32>
    %sub3A_2031 = arith.subi %add3A_2029, %sub3A_2030 : vector<16xi32>
    %ge3A_2032 = arith.constant 0 : i32
    %ge3A_2033 = vector.broadcast %ge3A_2032 : i32 to vector<16xi32>
    %ge3A_2034 = arith.cmpi sge, %sub3A_2031, %ge3A_2033 : vector<16xi32>
    %and3A_2035 = arith.andi %lt3A_1893, %ge3A_2034 : vector<16xi1>
    %lt3A_2036 = arith.constant 512 : i32
    %lt3A_2037 = vector.broadcast %lt3A_2036 : i32 to vector<16xi32>
    %lt3A_2038 = arith.cmpi slt, %sub3A_2031, %lt3A_2037 : vector<16xi32>
    %and3A_2039 = arith.andi %and3A_2035, %lt3A_2038 : vector<16xi1>
    %jit3A_2040 = arith.constant 0 : i32
    %jit3A_2041 = arith.constant 511 : i32
    %max3A_2042 = vector.broadcast %jit3A_2040 : i32 to vector<16xi32>
    %max3A_2043 = arith.maxsi %max3A_2042, %sub3A_2031 : vector<16xi32>
    %min3A_2044 = vector.broadcast %jit3A_2041 : i32 to vector<16xi32>
    %min3A_2045 = arith.minsi %min3A_2044, %max3A_2043 : vector<16xi32>
    tpu.vector_store_idx %arg5[%min3A_2045], %broadcast_in_dim3A_98 masked %and3A_2039 : memref<512xi32, #tpu.memory_space<vmem>>[vector<16xi32>], vector<16xi32>, vector<16xi1>
    %add3A_2046 = arith.constant 8 : i32
    %add3A_2047 = vector.broadcast %add3A_2046 : i32 to vector<16xi32>
    %add3A_2048 = arith.addi %get3A_1886, %add3A_2047 : vector<16xi32>
    %sub3A_2049 = vector.broadcast %mul3A_32 : i32 to vector<16xi32>
    %sub3A_2050 = arith.subi %add3A_2048, %sub3A_2049 : vector<16xi32>
    %ge3A_2051 = arith.constant 0 : i32
    %ge3A_2052 = vector.broadcast %ge3A_2051 : i32 to vector<16xi32>
    %ge3A_2053 = arith.cmpi sge, %sub3A_2050, %ge3A_2052 : vector<16xi32>
    %and3A_2054 = arith.andi %lt3A_1893, %ge3A_2053 : vector<16xi1>
    %lt3A_2055 = arith.constant 512 : i32
    %lt3A_2056 = vector.broadcast %lt3A_2055 : i32 to vector<16xi32>
    %lt3A_2057 = arith.cmpi slt, %sub3A_2050, %lt3A_2056 : vector<16xi32>
    %and3A_2058 = arith.andi %and3A_2054, %lt3A_2057 : vector<16xi1>
    %jit3A_2059 = arith.constant 0 : i32
    %jit3A_2060 = arith.constant 511 : i32
    %max3A_2061 = vector.broadcast %jit3A_2059 : i32 to vector<16xi32>
    %max3A_2062 = arith.maxsi %max3A_2061, %sub3A_2050 : vector<16xi32>
    %min3A_2063 = vector.broadcast %jit3A_2060 : i32 to vector<16xi32>
    %min3A_2064 = arith.minsi %min3A_2063, %max3A_2062 : vector<16xi32>
    tpu.vector_store_idx %arg5[%min3A_2064], %broadcast_in_dim3A_98 masked %and3A_2058 : memref<512xi32, #tpu.memory_space<vmem>>[vector<16xi32>], vector<16xi32>, vector<16xi1>
    %add3A_2065 = arith.constant 9 : i32
    %add3A_2066 = vector.broadcast %add3A_2065 : i32 to vector<16xi32>
    %add3A_2067 = arith.addi %get3A_1886, %add3A_2066 : vector<16xi32>
    %sub3A_2068 = vector.broadcast %mul3A_32 : i32 to vector<16xi32>
    %sub3A_2069 = arith.subi %add3A_2067, %sub3A_2068 : vector<16xi32>
    %ge3A_2070 = arith.constant 0 : i32
    %ge3A_2071 = vector.broadcast %ge3A_2070 : i32 to vector<16xi32>
    %ge3A_2072 = arith.cmpi sge, %sub3A_2069, %ge3A_2071 : vector<16xi32>
    %and3A_2073 = arith.andi %lt3A_1893, %ge3A_2072 : vector<16xi1>
    %lt3A_2074 = arith.constant 512 : i32
    %lt3A_2075 = vector.broadcast %lt3A_2074 : i32 to vector<16xi32>
    %lt3A_2076 = arith.cmpi slt, %sub3A_2069, %lt3A_2075 : vector<16xi32>
    %and3A_2077 = arith.andi %and3A_2073, %lt3A_2076 : vector<16xi1>
    %jit3A_2078 = arith.constant 0 : i32
    %jit3A_2079 = arith.constant 511 : i32
    %max3A_2080 = vector.broadcast %jit3A_2078 : i32 to vector<16xi32>
    %max3A_2081 = arith.maxsi %max3A_2080, %sub3A_2069 : vector<16xi32>
    %min3A_2082 = vector.broadcast %jit3A_2079 : i32 to vector<16xi32>
    %min3A_2083 = arith.minsi %min3A_2082, %max3A_2081 : vector<16xi32>
    tpu.vector_store_idx %arg5[%min3A_2083], %broadcast_in_dim3A_98 masked %and3A_2077 : memref<512xi32, #tpu.memory_space<vmem>>[vector<16xi32>], vector<16xi32>, vector<16xi1>
    %get3A_2084 = arith.constant 160 : index
    %get3A_2085 = tpu.vector_load %arg4[%get3A_2084] {strides = array<i32>} : memref<272xi32, #tpu.memory_space<vmem>>, vector<16xi32>,
    %iota3A_2086 = tpu.iota {dimensions = array<i32: 0>} : vector<16xi32>
    %add3A_2087 = arith.constant 160 : i32
    %add3A_2088 = vector.broadcast %add3A_2087 : i32 to vector<16xi32>
    %add3A_2089 = arith.addi %add3A_2088, %iota3A_2086 : vector<16xi32>
    %lt3A_2090 = arith.constant 266 : i32
    %lt3A_2091 = vector.broadcast %lt3A_2090 : i32 to vector<16xi32>
    %lt3A_2092 = arith.cmpi slt, %add3A_2089, %lt3A_2091 : vector<16xi32>
    %add3A_2093 = arith.constant 0 : i32
    %add3A_2094 = vector.broadcast %add3A_2093 : i32 to vector<16xi32>
    %add3A_2095 = arith.addi %get3A_2085, %add3A_2094 : vector<16xi32>
    %sub3A_2096 = vector.broadcast %mul3A_32 : i32 to vector<16xi32>
    %sub3A_2097 = arith.subi %add3A_2095, %sub3A_2096 : vector<16xi32>
    %ge3A_2098 = arith.constant 0 : i32
    %ge3A_2099 = vector.broadcast %ge3A_2098 : i32 to vector<16xi32>
    %ge3A_2100 = arith.cmpi sge, %sub3A_2097, %ge3A_2099 : vector<16xi32>
    %and3A_2101 = arith.andi %lt3A_2092, %ge3A_2100 : vector<16xi1>
    %lt3A_2102 = arith.constant 512 : i32
    %lt3A_2103 = vector.broadcast %lt3A_2102 : i32 to vector<16xi32>
    %lt3A_2104 = arith.cmpi slt, %sub3A_2097, %lt3A_2103 : vector<16xi32>
    %and3A_2105 = arith.andi %and3A_2101, %lt3A_2104 : vector<16xi1>
    %jit3A_2106 = arith.constant 0 : i32
    %jit3A_2107 = arith.constant 511 : i32
    %max3A_2108 = vector.broadcast %jit3A_2106 : i32 to vector<16xi32>
    %max3A_2109 = arith.maxsi %max3A_2108, %sub3A_2097 : vector<16xi32>
    %min3A_2110 = vector.broadcast %jit3A_2107 : i32 to vector<16xi32>
    %min3A_2111 = arith.minsi %min3A_2110, %max3A_2109 : vector<16xi32>
    tpu.vector_store_idx %arg5[%min3A_2111], %broadcast_in_dim3A_98 masked %and3A_2105 : memref<512xi32, #tpu.memory_space<vmem>>[vector<16xi32>], vector<16xi32>, vector<16xi1>
    %add3A_2112 = arith.constant 1 : i32
    %add3A_2113 = vector.broadcast %add3A_2112 : i32 to vector<16xi32>
    %add3A_2114 = arith.addi %get3A_2085, %add3A_2113 : vector<16xi32>
    %sub3A_2115 = vector.broadcast %mul3A_32 : i32 to vector<16xi32>
    %sub3A_2116 = arith.subi %add3A_2114, %sub3A_2115 : vector<16xi32>
    %ge3A_2117 = arith.constant 0 : i32
    %ge3A_2118 = vector.broadcast %ge3A_2117 : i32 to vector<16xi32>
    %ge3A_2119 = arith.cmpi sge, %sub3A_2116, %ge3A_2118 : vector<16xi32>
    %and3A_2120 = arith.andi %lt3A_2092, %ge3A_2119 : vector<16xi1>
    %lt3A_2121 = arith.constant 512 : i32
    %lt3A_2122 = vector.broadcast %lt3A_2121 : i32 to vector<16xi32>
    %lt3A_2123 = arith.cmpi slt, %sub3A_2116, %lt3A_2122 : vector<16xi32>
    %and3A_2124 = arith.andi %and3A_2120, %lt3A_2123 : vector<16xi1>
    %jit3A_2125 = arith.constant 0 : i32
    %jit3A_2126 = arith.constant 511 : i32
    %max3A_2127 = vector.broadcast %jit3A_2125 : i32 to vector<16xi32>
    %max3A_2128 = arith.maxsi %max3A_2127, %sub3A_2116 : vector<16xi32>
    %min3A_2129 = vector.broadcast %jit3A_2126 : i32 to vector<16xi32>
    %min3A_2130 = arith.minsi %min3A_2129, %max3A_2128 : vector<16xi32>
    tpu.vector_store_idx %arg5[%min3A_2130], %broadcast_in_dim3A_98 masked %and3A_2124 : memref<512xi32, #tpu.memory_space<vmem>>[vector<16xi32>], vector<16xi32>, vector<16xi1>
    %add3A_2131 = arith.constant 2 : i32
    %add3A_2132 = vector.broadcast %add3A_2131 : i32 to vector<16xi32>
    %add3A_2133 = arith.addi %get3A_2085, %add3A_2132 : vector<16xi32>
    %sub3A_2134 = vector.broadcast %mul3A_32 : i32 to vector<16xi32>
    %sub3A_2135 = arith.subi %add3A_2133, %sub3A_2134 : vector<16xi32>
    %ge3A_2136 = arith.constant 0 : i32
    %ge3A_2137 = vector.broadcast %ge3A_2136 : i32 to vector<16xi32>
    %ge3A_2138 = arith.cmpi sge, %sub3A_2135, %ge3A_2137 : vector<16xi32>
    %and3A_2139 = arith.andi %lt3A_2092, %ge3A_2138 : vector<16xi1>
    %lt3A_2140 = arith.constant 512 : i32
    %lt3A_2141 = vector.broadcast %lt3A_2140 : i32 to vector<16xi32>
    %lt3A_2142 = arith.cmpi slt, %sub3A_2135, %lt3A_2141 : vector<16xi32>
    %and3A_2143 = arith.andi %and3A_2139, %lt3A_2142 : vector<16xi1>
    %jit3A_2144 = arith.constant 0 : i32
    %jit3A_2145 = arith.constant 511 : i32
    %max3A_2146 = vector.broadcast %jit3A_2144 : i32 to vector<16xi32>
    %max3A_2147 = arith.maxsi %max3A_2146, %sub3A_2135 : vector<16xi32>
    %min3A_2148 = vector.broadcast %jit3A_2145 : i32 to vector<16xi32>
    %min3A_2149 = arith.minsi %min3A_2148, %max3A_2147 : vector<16xi32>
    tpu.vector_store_idx %arg5[%min3A_2149], %broadcast_in_dim3A_98 masked %and3A_2143 : memref<512xi32, #tpu.memory_space<vmem>>[vector<16xi32>], vector<16xi32>, vector<16xi1>
    %add3A_2150 = arith.constant 3 : i32
    %add3A_2151 = vector.broadcast %add3A_2150 : i32 to vector<16xi32>
    %add3A_2152 = arith.addi %get3A_2085, %add3A_2151 : vector<16xi32>
    %sub3A_2153 = vector.broadcast %mul3A_32 : i32 to vector<16xi32>
    %sub3A_2154 = arith.subi %add3A_2152, %sub3A_2153 : vector<16xi32>
    %ge3A_2155 = arith.constant 0 : i32
    %ge3A_2156 = vector.broadcast %ge3A_2155 : i32 to vector<16xi32>
    %ge3A_2157 = arith.cmpi sge, %sub3A_2154, %ge3A_2156 : vector<16xi32>
    %and3A_2158 = arith.andi %lt3A_2092, %ge3A_2157 : vector<16xi1>
    %lt3A_2159 = arith.constant 512 : i32
    %lt3A_2160 = vector.broadcast %lt3A_2159 : i32 to vector<16xi32>
    %lt3A_2161 = arith.cmpi slt, %sub3A_2154, %lt3A_2160 : vector<16xi32>
    %and3A_2162 = arith.andi %and3A_2158, %lt3A_2161 : vector<16xi1>
    %jit3A_2163 = arith.constant 0 : i32
    %jit3A_2164 = arith.constant 511 : i32
    %max3A_2165 = vector.broadcast %jit3A_2163 : i32 to vector<16xi32>
    %max3A_2166 = arith.maxsi %max3A_2165, %sub3A_2154 : vector<16xi32>
    %min3A_2167 = vector.broadcast %jit3A_2164 : i32 to vector<16xi32>
    %min3A_2168 = arith.minsi %min3A_2167, %max3A_2166 : vector<16xi32>
    tpu.vector_store_idx %arg5[%min3A_2168], %broadcast_in_dim3A_98 masked %and3A_2162 : memref<512xi32, #tpu.memory_space<vmem>>[vector<16xi32>], vector<16xi32>, vector<16xi1>
    %add3A_2169 = arith.constant 4 : i32
    %add3A_2170 = vector.broadcast %add3A_2169 : i32 to vector<16xi32>
    %add3A_2171 = arith.addi %get3A_2085, %add3A_2170 : vector<16xi32>
    %sub3A_2172 = vector.broadcast %mul3A_32 : i32 to vector<16xi32>
    %sub3A_2173 = arith.subi %add3A_2171, %sub3A_2172 : vector<16xi32>
    %ge3A_2174 = arith.constant 0 : i32
    %ge3A_2175 = vector.broadcast %ge3A_2174 : i32 to vector<16xi32>
    %ge3A_2176 = arith.cmpi sge, %sub3A_2173, %ge3A_2175 : vector<16xi32>
    %and3A_2177 = arith.andi %lt3A_2092, %ge3A_2176 : vector<16xi1>
    %lt3A_2178 = arith.constant 512 : i32
    %lt3A_2179 = vector.broadcast %lt3A_2178 : i32 to vector<16xi32>
    %lt3A_2180 = arith.cmpi slt, %sub3A_2173, %lt3A_2179 : vector<16xi32>
    %and3A_2181 = arith.andi %and3A_2177, %lt3A_2180 : vector<16xi1>
    %jit3A_2182 = arith.constant 0 : i32
    %jit3A_2183 = arith.constant 511 : i32
    %max3A_2184 = vector.broadcast %jit3A_2182 : i32 to vector<16xi32>
    %max3A_2185 = arith.maxsi %max3A_2184, %sub3A_2173 : vector<16xi32>
    %min3A_2186 = vector.broadcast %jit3A_2183 : i32 to vector<16xi32>
    %min3A_2187 = arith.minsi %min3A_2186, %max3A_2185 : vector<16xi32>
    tpu.vector_store_idx %arg5[%min3A_2187], %broadcast_in_dim3A_98 masked %and3A_2181 : memref<512xi32, #tpu.memory_space<vmem>>[vector<16xi32>], vector<16xi32>, vector<16xi1>
    %add3A_2188 = arith.constant 5 : i32
    %add3A_2189 = vector.broadcast %add3A_2188 : i32 to vector<16xi32>
    %add3A_2190 = arith.addi %get3A_2085, %add3A_2189 : vector<16xi32>
    %sub3A_2191 = vector.broadcast %mul3A_32 : i32 to vector<16xi32>
    %sub3A_2192 = arith.subi %add3A_2190, %sub3A_2191 : vector<16xi32>
    %ge3A_2193 = arith.constant 0 : i32
    %ge3A_2194 = vector.broadcast %ge3A_2193 : i32 to vector<16xi32>
    %ge3A_2195 = arith.cmpi sge, %sub3A_2192, %ge3A_2194 : vector<16xi32>
    %and3A_2196 = arith.andi %lt3A_2092, %ge3A_2195 : vector<16xi1>
    %lt3A_2197 = arith.constant 512 : i32
    %lt3A_2198 = vector.broadcast %lt3A_2197 : i32 to vector<16xi32>
    %lt3A_2199 = arith.cmpi slt, %sub3A_2192, %lt3A_2198 : vector<16xi32>
    %and3A_2200 = arith.andi %and3A_2196, %lt3A_2199 : vector<16xi1>
    %jit3A_2201 = arith.constant 0 : i32
    %jit3A_2202 = arith.constant 511 : i32
    %max3A_2203 = vector.broadcast %jit3A_2201 : i32 to vector<16xi32>
    %max3A_2204 = arith.maxsi %max3A_2203, %sub3A_2192 : vector<16xi32>
    %min3A_2205 = vector.broadcast %jit3A_2202 : i32 to vector<16xi32>
    %min3A_2206 = arith.minsi %min3A_2205, %max3A_2204 : vector<16xi32>
    tpu.vector_store_idx %arg5[%min3A_2206], %broadcast_in_dim3A_98 masked %and3A_2200 : memref<512xi32, #tpu.memory_space<vmem>>[vector<16xi32>], vector<16xi32>, vector<16xi1>
    %add3A_2207 = arith.constant 6 : i32
    %add3A_2208 = vector.broadcast %add3A_2207 : i32 to vector<16xi32>
    %add3A_2209 = arith.addi %get3A_2085, %add3A_2208 : vector<16xi32>
    %sub3A_2210 = vector.broadcast %mul3A_32 : i32 to vector<16xi32>
    %sub3A_2211 = arith.subi %add3A_2209, %sub3A_2210 : vector<16xi32>
    %ge3A_2212 = arith.constant 0 : i32
    %ge3A_2213 = vector.broadcast %ge3A_2212 : i32 to vector<16xi32>
    %ge3A_2214 = arith.cmpi sge, %sub3A_2211, %ge3A_2213 : vector<16xi32>
    %and3A_2215 = arith.andi %lt3A_2092, %ge3A_2214 : vector<16xi1>
    %lt3A_2216 = arith.constant 512 : i32
    %lt3A_2217 = vector.broadcast %lt3A_2216 : i32 to vector<16xi32>
    %lt3A_2218 = arith.cmpi slt, %sub3A_2211, %lt3A_2217 : vector<16xi32>
    %and3A_2219 = arith.andi %and3A_2215, %lt3A_2218 : vector<16xi1>
    %jit3A_2220 = arith.constant 0 : i32
    %jit3A_2221 = arith.constant 511 : i32
    %max3A_2222 = vector.broadcast %jit3A_2220 : i32 to vector<16xi32>
    %max3A_2223 = arith.maxsi %max3A_2222, %sub3A_2211 : vector<16xi32>
    %min3A_2224 = vector.broadcast %jit3A_2221 : i32 to vector<16xi32>
    %min3A_2225 = arith.minsi %min3A_2224, %max3A_2223 : vector<16xi32>
    tpu.vector_store_idx %arg5[%min3A_2225], %broadcast_in_dim3A_98 masked %and3A_2219 : memref<512xi32, #tpu.memory_space<vmem>>[vector<16xi32>], vector<16xi32>, vector<16xi1>
    %add3A_2226 = arith.constant 7 : i32
    %add3A_2227 = vector.broadcast %add3A_2226 : i32 to vector<16xi32>
    %add3A_2228 = arith.addi %get3A_2085, %add3A_2227 : vector<16xi32>
    %sub3A_2229 = vector.broadcast %mul3A_32 : i32 to vector<16xi32>
    %sub3A_2230 = arith.subi %add3A_2228, %sub3A_2229 : vector<16xi32>
    %ge3A_2231 = arith.constant 0 : i32
    %ge3A_2232 = vector.broadcast %ge3A_2231 : i32 to vector<16xi32>
    %ge3A_2233 = arith.cmpi sge, %sub3A_2230, %ge3A_2232 : vector<16xi32>
    %and3A_2234 = arith.andi %lt3A_2092, %ge3A_2233 : vector<16xi1>
    %lt3A_2235 = arith.constant 512 : i32
    %lt3A_2236 = vector.broadcast %lt3A_2235 : i32 to vector<16xi32>
    %lt3A_2237 = arith.cmpi slt, %sub3A_2230, %lt3A_2236 : vector<16xi32>
    %and3A_2238 = arith.andi %and3A_2234, %lt3A_2237 : vector<16xi1>
    %jit3A_2239 = arith.constant 0 : i32
    %jit3A_2240 = arith.constant 511 : i32
    %max3A_2241 = vector.broadcast %jit3A_2239 : i32 to vector<16xi32>
    %max3A_2242 = arith.maxsi %max3A_2241, %sub3A_2230 : vector<16xi32>
    %min3A_2243 = vector.broadcast %jit3A_2240 : i32 to vector<16xi32>
    %min3A_2244 = arith.minsi %min3A_2243, %max3A_2242 : vector<16xi32>
    tpu.vector_store_idx %arg5[%min3A_2244], %broadcast_in_dim3A_98 masked %and3A_2238 : memref<512xi32, #tpu.memory_space<vmem>>[vector<16xi32>], vector<16xi32>, vector<16xi1>
    %add3A_2245 = arith.constant 8 : i32
    %add3A_2246 = vector.broadcast %add3A_2245 : i32 to vector<16xi32>
    %add3A_2247 = arith.addi %get3A_2085, %add3A_2246 : vector<16xi32>
    %sub3A_2248 = vector.broadcast %mul3A_32 : i32 to vector<16xi32>
    %sub3A_2249 = arith.subi %add3A_2247, %sub3A_2248 : vector<16xi32>
    %ge3A_2250 = arith.constant 0 : i32
    %ge3A_2251 = vector.broadcast %ge3A_2250 : i32 to vector<16xi32>
    %ge3A_2252 = arith.cmpi sge, %sub3A_2249, %ge3A_2251 : vector<16xi32>
    %and3A_2253 = arith.andi %lt3A_2092, %ge3A_2252 : vector<16xi1>
    %lt3A_2254 = arith.constant 512 : i32
    %lt3A_2255 = vector.broadcast %lt3A_2254 : i32 to vector<16xi32>
    %lt3A_2256 = arith.cmpi slt, %sub3A_2249, %lt3A_2255 : vector<16xi32>
    %and3A_2257 = arith.andi %and3A_2253, %lt3A_2256 : vector<16xi1>
    %jit3A_2258 = arith.constant 0 : i32
    %jit3A_2259 = arith.constant 511 : i32
    %max3A_2260 = vector.broadcast %jit3A_2258 : i32 to vector<16xi32>
    %max3A_2261 = arith.maxsi %max3A_2260, %sub3A_2249 : vector<16xi32>
    %min3A_2262 = vector.broadcast %jit3A_2259 : i32 to vector<16xi32>
    %min3A_2263 = arith.minsi %min3A_2262, %max3A_2261 : vector<16xi32>
    tpu.vector_store_idx %arg5[%min3A_2263], %broadcast_in_dim3A_98 masked %and3A_2257 : memref<512xi32, #tpu.memory_space<vmem>>[vector<16xi32>], vector<16xi32>, vector<16xi1>
    %add3A_2264 = arith.constant 9 : i32
    %add3A_2265 = vector.broadcast %add3A_2264 : i32 to vector<16xi32>
    %add3A_2266 = arith.addi %get3A_2085, %add3A_2265 : vector<16xi32>
    %sub3A_2267 = vector.broadcast %mul3A_32 : i32 to vector<16xi32>
    %sub3A_2268 = arith.subi %add3A_2266, %sub3A_2267 : vector<16xi32>
    %ge3A_2269 = arith.constant 0 : i32
    %ge3A_2270 = vector.broadcast %ge3A_2269 : i32 to vector<16xi32>
    %ge3A_2271 = arith.cmpi sge, %sub3A_2268, %ge3A_2270 : vector<16xi32>
    %and3A_2272 = arith.andi %lt3A_2092, %ge3A_2271 : vector<16xi1>
    %lt3A_2273 = arith.constant 512 : i32
    %lt3A_2274 = vector.broadcast %lt3A_2273 : i32 to vector<16xi32>
    %lt3A_2275 = arith.cmpi slt, %sub3A_2268, %lt3A_2274 : vector<16xi32>
    %and3A_2276 = arith.andi %and3A_2272, %lt3A_2275 : vector<16xi1>
    %jit3A_2277 = arith.constant 0 : i32
    %jit3A_2278 = arith.constant 511 : i32
    %max3A_2279 = vector.broadcast %jit3A_2277 : i32 to vector<16xi32>
    %max3A_2280 = arith.maxsi %max3A_2279, %sub3A_2268 : vector<16xi32>
    %min3A_2281 = vector.broadcast %jit3A_2278 : i32 to vector<16xi32>
    %min3A_2282 = arith.minsi %min3A_2281, %max3A_2280 : vector<16xi32>
    tpu.vector_store_idx %arg5[%min3A_2282], %broadcast_in_dim3A_98 masked %and3A_2276 : memref<512xi32, #tpu.memory_space<vmem>>[vector<16xi32>], vector<16xi32>, vector<16xi1>
    %get3A_2283 = arith.constant 176 : index
    %get3A_2284 = tpu.vector_load %arg4[%get3A_2283] {strides = array<i32>} : memref<272xi32, #tpu.memory_space<vmem>>, vector<16xi32>,
    %iota3A_2285 = tpu.iota {dimensions = array<i32: 0>} : vector<16xi32>
    %add3A_2286 = arith.constant 176 : i32
    %add3A_2287 = vector.broadcast %add3A_2286 : i32 to vector<16xi32>
    %add3A_2288 = arith.addi %add3A_2287, %iota3A_2285 : vector<16xi32>
    %lt3A_2289 = arith.constant 266 : i32
    %lt3A_2290 = vector.broadcast %lt3A_2289 : i32 to vector<16xi32>
    %lt3A_2291 = arith.cmpi slt, %add3A_2288, %lt3A_2290 : vector<16xi32>
    %add3A_2292 = arith.constant 0 : i32
    %add3A_2293 = vector.broadcast %add3A_2292 : i32 to vector<16xi32>
    %add3A_2294 = arith.addi %get3A_2284, %add3A_2293 : vector<16xi32>
    %sub3A_2295 = vector.broadcast %mul3A_32 : i32 to vector<16xi32>
    %sub3A_2296 = arith.subi %add3A_2294, %sub3A_2295 : vector<16xi32>
    %ge3A_2297 = arith.constant 0 : i32
    %ge3A_2298 = vector.broadcast %ge3A_2297 : i32 to vector<16xi32>
    %ge3A_2299 = arith.cmpi sge, %sub3A_2296, %ge3A_2298 : vector<16xi32>
    %and3A_2300 = arith.andi %lt3A_2291, %ge3A_2299 : vector<16xi1>
    %lt3A_2301 = arith.constant 512 : i32
    %lt3A_2302 = vector.broadcast %lt3A_2301 : i32 to vector<16xi32>
    %lt3A_2303 = arith.cmpi slt, %sub3A_2296, %lt3A_2302 : vector<16xi32>
    %and3A_2304 = arith.andi %and3A_2300, %lt3A_2303 : vector<16xi1>
    %jit3A_2305 = arith.constant 0 : i32
    %jit3A_2306 = arith.constant 511 : i32
    %max3A_2307 = vector.broadcast %jit3A_2305 : i32 to vector<16xi32>
    %max3A_2308 = arith.maxsi %max3A_2307, %sub3A_2296 : vector<16xi32>
    %min3A_2309 = vector.broadcast %jit3A_2306 : i32 to vector<16xi32>
    %min3A_2310 = arith.minsi %min3A_2309, %max3A_2308 : vector<16xi32>
    tpu.vector_store_idx %arg5[%min3A_2310], %broadcast_in_dim3A_98 masked %and3A_2304 : memref<512xi32, #tpu.memory_space<vmem>>[vector<16xi32>], vector<16xi32>, vector<16xi1>
    %add3A_2311 = arith.constant 1 : i32
    %add3A_2312 = vector.broadcast %add3A_2311 : i32 to vector<16xi32>
    %add3A_2313 = arith.addi %get3A_2284, %add3A_2312 : vector<16xi32>
    %sub3A_2314 = vector.broadcast %mul3A_32 : i32 to vector<16xi32>
    %sub3A_2315 = arith.subi %add3A_2313, %sub3A_2314 : vector<16xi32>
    %ge3A_2316 = arith.constant 0 : i32
    %ge3A_2317 = vector.broadcast %ge3A_2316 : i32 to vector<16xi32>
    %ge3A_2318 = arith.cmpi sge, %sub3A_2315, %ge3A_2317 : vector<16xi32>
    %and3A_2319 = arith.andi %lt3A_2291, %ge3A_2318 : vector<16xi1>
    %lt3A_2320 = arith.constant 512 : i32
    %lt3A_2321 = vector.broadcast %lt3A_2320 : i32 to vector<16xi32>
    %lt3A_2322 = arith.cmpi slt, %sub3A_2315, %lt3A_2321 : vector<16xi32>
    %and3A_2323 = arith.andi %and3A_2319, %lt3A_2322 : vector<16xi1>
    %jit3A_2324 = arith.constant 0 : i32
    %jit3A_2325 = arith.constant 511 : i32
    %max3A_2326 = vector.broadcast %jit3A_2324 : i32 to vector<16xi32>
    %max3A_2327 = arith.maxsi %max3A_2326, %sub3A_2315 : vector<16xi32>
    %min3A_2328 = vector.broadcast %jit3A_2325 : i32 to vector<16xi32>
    %min3A_2329 = arith.minsi %min3A_2328, %max3A_2327 : vector<16xi32>
    tpu.vector_store_idx %arg5[%min3A_2329], %broadcast_in_dim3A_98 masked %and3A_2323 : memref<512xi32, #tpu.memory_space<vmem>>[vector<16xi32>], vector<16xi32>, vector<16xi1>
    %add3A_2330 = arith.constant 2 : i32
    %add3A_2331 = vector.broadcast %add3A_2330 : i32 to vector<16xi32>
    %add3A_2332 = arith.addi %get3A_2284, %add3A_2331 : vector<16xi32>
    %sub3A_2333 = vector.broadcast %mul3A_32 : i32 to vector<16xi32>
    %sub3A_2334 = arith.subi %add3A_2332, %sub3A_2333 : vector<16xi32>
    %ge3A_2335 = arith.constant 0 : i32
    %ge3A_2336 = vector.broadcast %ge3A_2335 : i32 to vector<16xi32>
    %ge3A_2337 = arith.cmpi sge, %sub3A_2334, %ge3A_2336 : vector<16xi32>
    %and3A_2338 = arith.andi %lt3A_2291, %ge3A_2337 : vector<16xi1>
    %lt3A_2339 = arith.constant 512 : i32
    %lt3A_2340 = vector.broadcast %lt3A_2339 : i32 to vector<16xi32>
    %lt3A_2341 = arith.cmpi slt, %sub3A_2334, %lt3A_2340 : vector<16xi32>
    %and3A_2342 = arith.andi %and3A_2338, %lt3A_2341 : vector<16xi1>
    %jit3A_2343 = arith.constant 0 : i32
    %jit3A_2344 = arith.constant 511 : i32
    %max3A_2345 = vector.broadcast %jit3A_2343 : i32 to vector<16xi32>
    %max3A_2346 = arith.maxsi %max3A_2345, %sub3A_2334 : vector<16xi32>
    %min3A_2347 = vector.broadcast %jit3A_2344 : i32 to vector<16xi32>
    %min3A_2348 = arith.minsi %min3A_2347, %max3A_2346 : vector<16xi32>
    tpu.vector_store_idx %arg5[%min3A_2348], %broadcast_in_dim3A_98 masked %and3A_2342 : memref<512xi32, #tpu.memory_space<vmem>>[vector<16xi32>], vector<16xi32>, vector<16xi1>
    %add3A_2349 = arith.constant 3 : i32
    %add3A_2350 = vector.broadcast %add3A_2349 : i32 to vector<16xi32>
    %add3A_2351 = arith.addi %get3A_2284, %add3A_2350 : vector<16xi32>
    %sub3A_2352 = vector.broadcast %mul3A_32 : i32 to vector<16xi32>
    %sub3A_2353 = arith.subi %add3A_2351, %sub3A_2352 : vector<16xi32>
    %ge3A_2354 = arith.constant 0 : i32
    %ge3A_2355 = vector.broadcast %ge3A_2354 : i32 to vector<16xi32>
    %ge3A_2356 = arith.cmpi sge, %sub3A_2353, %ge3A_2355 : vector<16xi32>
    %and3A_2357 = arith.andi %lt3A_2291, %ge3A_2356 : vector<16xi1>
    %lt3A_2358 = arith.constant 512 : i32
    %lt3A_2359 = vector.broadcast %lt3A_2358 : i32 to vector<16xi32>
    %lt3A_2360 = arith.cmpi slt, %sub3A_2353, %lt3A_2359 : vector<16xi32>
    %and3A_2361 = arith.andi %and3A_2357, %lt3A_2360 : vector<16xi1>
    %jit3A_2362 = arith.constant 0 : i32
    %jit3A_2363 = arith.constant 511 : i32
    %max3A_2364 = vector.broadcast %jit3A_2362 : i32 to vector<16xi32>
    %max3A_2365 = arith.maxsi %max3A_2364, %sub3A_2353 : vector<16xi32>
    %min3A_2366 = vector.broadcast %jit3A_2363 : i32 to vector<16xi32>
    %min3A_2367 = arith.minsi %min3A_2366, %max3A_2365 : vector<16xi32>
    tpu.vector_store_idx %arg5[%min3A_2367], %broadcast_in_dim3A_98 masked %and3A_2361 : memref<512xi32, #tpu.memory_space<vmem>>[vector<16xi32>], vector<16xi32>, vector<16xi1>
    %add3A_2368 = arith.constant 4 : i32
    %add3A_2369 = vector.broadcast %add3A_2368 : i32 to vector<16xi32>
    %add3A_2370 = arith.addi %get3A_2284, %add3A_2369 : vector<16xi32>
    %sub3A_2371 = vector.broadcast %mul3A_32 : i32 to vector<16xi32>
    %sub3A_2372 = arith.subi %add3A_2370, %sub3A_2371 : vector<16xi32>
    %ge3A_2373 = arith.constant 0 : i32
    %ge3A_2374 = vector.broadcast %ge3A_2373 : i32 to vector<16xi32>
    %ge3A_2375 = arith.cmpi sge, %sub3A_2372, %ge3A_2374 : vector<16xi32>
    %and3A_2376 = arith.andi %lt3A_2291, %ge3A_2375 : vector<16xi1>
    %lt3A_2377 = arith.constant 512 : i32
    %lt3A_2378 = vector.broadcast %lt3A_2377 : i32 to vector<16xi32>
    %lt3A_2379 = arith.cmpi slt, %sub3A_2372, %lt3A_2378 : vector<16xi32>
    %and3A_2380 = arith.andi %and3A_2376, %lt3A_2379 : vector<16xi1>
    %jit3A_2381 = arith.constant 0 : i32
    %jit3A_2382 = arith.constant 511 : i32
    %max3A_2383 = vector.broadcast %jit3A_2381 : i32 to vector<16xi32>
    %max3A_2384 = arith.maxsi %max3A_2383, %sub3A_2372 : vector<16xi32>
    %min3A_2385 = vector.broadcast %jit3A_2382 : i32 to vector<16xi32>
    %min3A_2386 = arith.minsi %min3A_2385, %max3A_2384 : vector<16xi32>
    tpu.vector_store_idx %arg5[%min3A_2386], %broadcast_in_dim3A_98 masked %and3A_2380 : memref<512xi32, #tpu.memory_space<vmem>>[vector<16xi32>], vector<16xi32>, vector<16xi1>
    %add3A_2387 = arith.constant 5 : i32
    %add3A_2388 = vector.broadcast %add3A_2387 : i32 to vector<16xi32>
    %add3A_2389 = arith.addi %get3A_2284, %add3A_2388 : vector<16xi32>
    %sub3A_2390 = vector.broadcast %mul3A_32 : i32 to vector<16xi32>
    %sub3A_2391 = arith.subi %add3A_2389, %sub3A_2390 : vector<16xi32>
    %ge3A_2392 = arith.constant 0 : i32
    %ge3A_2393 = vector.broadcast %ge3A_2392 : i32 to vector<16xi32>
    %ge3A_2394 = arith.cmpi sge, %sub3A_2391, %ge3A_2393 : vector<16xi32>
    %and3A_2395 = arith.andi %lt3A_2291, %ge3A_2394 : vector<16xi1>
    %lt3A_2396 = arith.constant 512 : i32
    %lt3A_2397 = vector.broadcast %lt3A_2396 : i32 to vector<16xi32>
    %lt3A_2398 = arith.cmpi slt, %sub3A_2391, %lt3A_2397 : vector<16xi32>
    %and3A_2399 = arith.andi %and3A_2395, %lt3A_2398 : vector<16xi1>
    %jit3A_2400 = arith.constant 0 : i32
    %jit3A_2401 = arith.constant 511 : i32
    %max3A_2402 = vector.broadcast %jit3A_2400 : i32 to vector<16xi32>
    %max3A_2403 = arith.maxsi %max3A_2402, %sub3A_2391 : vector<16xi32>
    %min3A_2404 = vector.broadcast %jit3A_2401 : i32 to vector<16xi32>
    %min3A_2405 = arith.minsi %min3A_2404, %max3A_2403 : vector<16xi32>
    tpu.vector_store_idx %arg5[%min3A_2405], %broadcast_in_dim3A_98 masked %and3A_2399 : memref<512xi32, #tpu.memory_space<vmem>>[vector<16xi32>], vector<16xi32>, vector<16xi1>
    %add3A_2406 = arith.constant 6 : i32
    %add3A_2407 = vector.broadcast %add3A_2406 : i32 to vector<16xi32>
    %add3A_2408 = arith.addi %get3A_2284, %add3A_2407 : vector<16xi32>
    %sub3A_2409 = vector.broadcast %mul3A_32 : i32 to vector<16xi32>
    %sub3A_2410 = arith.subi %add3A_2408, %sub3A_2409 : vector<16xi32>
    %ge3A_2411 = arith.constant 0 : i32
    %ge3A_2412 = vector.broadcast %ge3A_2411 : i32 to vector<16xi32>
    %ge3A_2413 = arith.cmpi sge, %sub3A_2410, %ge3A_2412 : vector<16xi32>
    %and3A_2414 = arith.andi %lt3A_2291, %ge3A_2413 : vector<16xi1>
    %lt3A_2415 = arith.constant 512 : i32
    %lt3A_2416 = vector.broadcast %lt3A_2415 : i32 to vector<16xi32>
    %lt3A_2417 = arith.cmpi slt, %sub3A_2410, %lt3A_2416 : vector<16xi32>
    %and3A_2418 = arith.andi %and3A_2414, %lt3A_2417 : vector<16xi1>
    %jit3A_2419 = arith.constant 0 : i32
    %jit3A_2420 = arith.constant 511 : i32
    %max3A_2421 = vector.broadcast %jit3A_2419 : i32 to vector<16xi32>
    %max3A_2422 = arith.maxsi %max3A_2421, %sub3A_2410 : vector<16xi32>
    %min3A_2423 = vector.broadcast %jit3A_2420 : i32 to vector<16xi32>
    %min3A_2424 = arith.minsi %min3A_2423, %max3A_2422 : vector<16xi32>
    tpu.vector_store_idx %arg5[%min3A_2424], %broadcast_in_dim3A_98 masked %and3A_2418 : memref<512xi32, #tpu.memory_space<vmem>>[vector<16xi32>], vector<16xi32>, vector<16xi1>
    %add3A_2425 = arith.constant 7 : i32
    %add3A_2426 = vector.broadcast %add3A_2425 : i32 to vector<16xi32>
    %add3A_2427 = arith.addi %get3A_2284, %add3A_2426 : vector<16xi32>
    %sub3A_2428 = vector.broadcast %mul3A_32 : i32 to vector<16xi32>
    %sub3A_2429 = arith.subi %add3A_2427, %sub3A_2428 : vector<16xi32>
    %ge3A_2430 = arith.constant 0 : i32
    %ge3A_2431 = vector.broadcast %ge3A_2430 : i32 to vector<16xi32>
    %ge3A_2432 = arith.cmpi sge, %sub3A_2429, %ge3A_2431 : vector<16xi32>
    %and3A_2433 = arith.andi %lt3A_2291, %ge3A_2432 : vector<16xi1>
    %lt3A_2434 = arith.constant 512 : i32
    %lt3A_2435 = vector.broadcast %lt3A_2434 : i32 to vector<16xi32>
    %lt3A_2436 = arith.cmpi slt, %sub3A_2429, %lt3A_2435 : vector<16xi32>
    %and3A_2437 = arith.andi %and3A_2433, %lt3A_2436 : vector<16xi1>
    %jit3A_2438 = arith.constant 0 : i32
    %jit3A_2439 = arith.constant 511 : i32
    %max3A_2440 = vector.broadcast %jit3A_2438 : i32 to vector<16xi32>
    %max3A_2441 = arith.maxsi %max3A_2440, %sub3A_2429 : vector<16xi32>
    %min3A_2442 = vector.broadcast %jit3A_2439 : i32 to vector<16xi32>
    %min3A_2443 = arith.minsi %min3A_2442, %max3A_2441 : vector<16xi32>
    tpu.vector_store_idx %arg5[%min3A_2443], %broadcast_in_dim3A_98 masked %and3A_2437 : memref<512xi32, #tpu.memory_space<vmem>>[vector<16xi32>], vector<16xi32>, vector<16xi1>
    %add3A_2444 = arith.constant 8 : i32
    %add3A_2445 = vector.broadcast %add3A_2444 : i32 to vector<16xi32>
    %add3A_2446 = arith.addi %get3A_2284, %add3A_2445 : vector<16xi32>
    %sub3A_2447 = vector.broadcast %mul3A_32 : i32 to vector<16xi32>
    %sub3A_2448 = arith.subi %add3A_2446, %sub3A_2447 : vector<16xi32>
    %ge3A_2449 = arith.constant 0 : i32
    %ge3A_2450 = vector.broadcast %ge3A_2449 : i32 to vector<16xi32>
    %ge3A_2451 = arith.cmpi sge, %sub3A_2448, %ge3A_2450 : vector<16xi32>
    %and3A_2452 = arith.andi %lt3A_2291, %ge3A_2451 : vector<16xi1>
    %lt3A_2453 = arith.constant 512 : i32
    %lt3A_2454 = vector.broadcast %lt3A_2453 : i32 to vector<16xi32>
    %lt3A_2455 = arith.cmpi slt, %sub3A_2448, %lt3A_2454 : vector<16xi32>
    %and3A_2456 = arith.andi %and3A_2452, %lt3A_2455 : vector<16xi1>
    %jit3A_2457 = arith.constant 0 : i32
    %jit3A_2458 = arith.constant 511 : i32
    %max3A_2459 = vector.broadcast %jit3A_2457 : i32 to vector<16xi32>
    %max3A_2460 = arith.maxsi %max3A_2459, %sub3A_2448 : vector<16xi32>
    %min3A_2461 = vector.broadcast %jit3A_2458 : i32 to vector<16xi32>
    %min3A_2462 = arith.minsi %min3A_2461, %max3A_2460 : vector<16xi32>
    tpu.vector_store_idx %arg5[%min3A_2462], %broadcast_in_dim3A_98 masked %and3A_2456 : memref<512xi32, #tpu.memory_space<vmem>>[vector<16xi32>], vector<16xi32>, vector<16xi1>
    %add3A_2463 = arith.constant 9 : i32
    %add3A_2464 = vector.broadcast %add3A_2463 : i32 to vector<16xi32>
    %add3A_2465 = arith.addi %get3A_2284, %add3A_2464 : vector<16xi32>
    %sub3A_2466 = vector.broadcast %mul3A_32 : i32 to vector<16xi32>
    %sub3A_2467 = arith.subi %add3A_2465, %sub3A_2466 : vector<16xi32>
    %ge3A_2468 = arith.constant 0 : i32
    %ge3A_2469 = vector.broadcast %ge3A_2468 : i32 to vector<16xi32>
    %ge3A_2470 = arith.cmpi sge, %sub3A_2467, %ge3A_2469 : vector<16xi32>
    %and3A_2471 = arith.andi %lt3A_2291, %ge3A_2470 : vector<16xi1>
    %lt3A_2472 = arith.constant 512 : i32
    %lt3A_2473 = vector.broadcast %lt3A_2472 : i32 to vector<16xi32>
    %lt3A_2474 = arith.cmpi slt, %sub3A_2467, %lt3A_2473 : vector<16xi32>
    %and3A_2475 = arith.andi %and3A_2471, %lt3A_2474 : vector<16xi1>
    %jit3A_2476 = arith.constant 0 : i32
    %jit3A_2477 = arith.constant 511 : i32
    %max3A_2478 = vector.broadcast %jit3A_2476 : i32 to vector<16xi32>
    %max3A_2479 = arith.maxsi %max3A_2478, %sub3A_2467 : vector<16xi32>
    %min3A_2480 = vector.broadcast %jit3A_2477 : i32 to vector<16xi32>
    %min3A_2481 = arith.minsi %min3A_2480, %max3A_2479 : vector<16xi32>
    tpu.vector_store_idx %arg5[%min3A_2481], %broadcast_in_dim3A_98 masked %and3A_2475 : memref<512xi32, #tpu.memory_space<vmem>>[vector<16xi32>], vector<16xi32>, vector<16xi1>
    %get3A_2482 = arith.constant 192 : index
    %get3A_2483 = tpu.vector_load %arg4[%get3A_2482] {strides = array<i32>} : memref<272xi32, #tpu.memory_space<vmem>>, vector<16xi32>,
    %iota3A_2484 = tpu.iota {dimensions = array<i32: 0>} : vector<16xi32>
    %add3A_2485 = arith.constant 192 : i32
    %add3A_2486 = vector.broadcast %add3A_2485 : i32 to vector<16xi32>
    %add3A_2487 = arith.addi %add3A_2486, %iota3A_2484 : vector<16xi32>
    %lt3A_2488 = arith.constant 266 : i32
    %lt3A_2489 = vector.broadcast %lt3A_2488 : i32 to vector<16xi32>
    %lt3A_2490 = arith.cmpi slt, %add3A_2487, %lt3A_2489 : vector<16xi32>
    %add3A_2491 = arith.constant 0 : i32
    %add3A_2492 = vector.broadcast %add3A_2491 : i32 to vector<16xi32>
    %add3A_2493 = arith.addi %get3A_2483, %add3A_2492 : vector<16xi32>
    %sub3A_2494 = vector.broadcast %mul3A_32 : i32 to vector<16xi32>
    %sub3A_2495 = arith.subi %add3A_2493, %sub3A_2494 : vector<16xi32>
    %ge3A_2496 = arith.constant 0 : i32
    %ge3A_2497 = vector.broadcast %ge3A_2496 : i32 to vector<16xi32>
    %ge3A_2498 = arith.cmpi sge, %sub3A_2495, %ge3A_2497 : vector<16xi32>
    %and3A_2499 = arith.andi %lt3A_2490, %ge3A_2498 : vector<16xi1>
    %lt3A_2500 = arith.constant 512 : i32
    %lt3A_2501 = vector.broadcast %lt3A_2500 : i32 to vector<16xi32>
    %lt3A_2502 = arith.cmpi slt, %sub3A_2495, %lt3A_2501 : vector<16xi32>
    %and3A_2503 = arith.andi %and3A_2499, %lt3A_2502 : vector<16xi1>
    %jit3A_2504 = arith.constant 0 : i32
    %jit3A_2505 = arith.constant 511 : i32
    %max3A_2506 = vector.broadcast %jit3A_2504 : i32 to vector<16xi32>
    %max3A_2507 = arith.maxsi %max3A_2506, %sub3A_2495 : vector<16xi32>
    %min3A_2508 = vector.broadcast %jit3A_2505 : i32 to vector<16xi32>
    %min3A_2509 = arith.minsi %min3A_2508, %max3A_2507 : vector<16xi32>
    tpu.vector_store_idx %arg5[%min3A_2509], %broadcast_in_dim3A_98 masked %and3A_2503 : memref<512xi32, #tpu.memory_space<vmem>>[vector<16xi32>], vector<16xi32>, vector<16xi1>
    %add3A_2510 = arith.constant 1 : i32
    %add3A_2511 = vector.broadcast %add3A_2510 : i32 to vector<16xi32>
    %add3A_2512 = arith.addi %get3A_2483, %add3A_2511 : vector<16xi32>
    %sub3A_2513 = vector.broadcast %mul3A_32 : i32 to vector<16xi32>
    %sub3A_2514 = arith.subi %add3A_2512, %sub3A_2513 : vector<16xi32>
    %ge3A_2515 = arith.constant 0 : i32
    %ge3A_2516 = vector.broadcast %ge3A_2515 : i32 to vector<16xi32>
    %ge3A_2517 = arith.cmpi sge, %sub3A_2514, %ge3A_2516 : vector<16xi32>
    %and3A_2518 = arith.andi %lt3A_2490, %ge3A_2517 : vector<16xi1>
    %lt3A_2519 = arith.constant 512 : i32
    %lt3A_2520 = vector.broadcast %lt3A_2519 : i32 to vector<16xi32>
    %lt3A_2521 = arith.cmpi slt, %sub3A_2514, %lt3A_2520 : vector<16xi32>
    %and3A_2522 = arith.andi %and3A_2518, %lt3A_2521 : vector<16xi1>
    %jit3A_2523 = arith.constant 0 : i32
    %jit3A_2524 = arith.constant 511 : i32
    %max3A_2525 = vector.broadcast %jit3A_2523 : i32 to vector<16xi32>
    %max3A_2526 = arith.maxsi %max3A_2525, %sub3A_2514 : vector<16xi32>
    %min3A_2527 = vector.broadcast %jit3A_2524 : i32 to vector<16xi32>
    %min3A_2528 = arith.minsi %min3A_2527, %max3A_2526 : vector<16xi32>
    tpu.vector_store_idx %arg5[%min3A_2528], %broadcast_in_dim3A_98 masked %and3A_2522 : memref<512xi32, #tpu.memory_space<vmem>>[vector<16xi32>], vector<16xi32>, vector<16xi1>
    %add3A_2529 = arith.constant 2 : i32
    %add3A_2530 = vector.broadcast %add3A_2529 : i32 to vector<16xi32>
    %add3A_2531 = arith.addi %get3A_2483, %add3A_2530 : vector<16xi32>
    %sub3A_2532 = vector.broadcast %mul3A_32 : i32 to vector<16xi32>
    %sub3A_2533 = arith.subi %add3A_2531, %sub3A_2532 : vector<16xi32>
    %ge3A_2534 = arith.constant 0 : i32
    %ge3A_2535 = vector.broadcast %ge3A_2534 : i32 to vector<16xi32>
    %ge3A_2536 = arith.cmpi sge, %sub3A_2533, %ge3A_2535 : vector<16xi32>
    %and3A_2537 = arith.andi %lt3A_2490, %ge3A_2536 : vector<16xi1>
    %lt3A_2538 = arith.constant 512 : i32
    %lt3A_2539 = vector.broadcast %lt3A_2538 : i32 to vector<16xi32>
    %lt3A_2540 = arith.cmpi slt, %sub3A_2533, %lt3A_2539 : vector<16xi32>
    %and3A_2541 = arith.andi %and3A_2537, %lt3A_2540 : vector<16xi1>
    %jit3A_2542 = arith.constant 0 : i32
    %jit3A_2543 = arith.constant 511 : i32
    %max3A_2544 = vector.broadcast %jit3A_2542 : i32 to vector<16xi32>
    %max3A_2545 = arith.maxsi %max3A_2544, %sub3A_2533 : vector<16xi32>
    %min3A_2546 = vector.broadcast %jit3A_2543 : i32 to vector<16xi32>
    %min3A_2547 = arith.minsi %min3A_2546, %max3A_2545 : vector<16xi32>
    tpu.vector_store_idx %arg5[%min3A_2547], %broadcast_in_dim3A_98 masked %and3A_2541 : memref<512xi32, #tpu.memory_space<vmem>>[vector<16xi32>], vector<16xi32>, vector<16xi1>
    %add3A_2548 = arith.constant 3 : i32
    %add3A_2549 = vector.broadcast %add3A_2548 : i32 to vector<16xi32>
    %add3A_2550 = arith.addi %get3A_2483, %add3A_2549 : vector<16xi32>
    %sub3A_2551 = vector.broadcast %mul3A_32 : i32 to vector<16xi32>
    %sub3A_2552 = arith.subi %add3A_2550, %sub3A_2551 : vector<16xi32>
    %ge3A_2553 = arith.constant 0 : i32
    %ge3A_2554 = vector.broadcast %ge3A_2553 : i32 to vector<16xi32>
    %ge3A_2555 = arith.cmpi sge, %sub3A_2552, %ge3A_2554 : vector<16xi32>
    %and3A_2556 = arith.andi %lt3A_2490, %ge3A_2555 : vector<16xi1>
    %lt3A_2557 = arith.constant 512 : i32
    %lt3A_2558 = vector.broadcast %lt3A_2557 : i32 to vector<16xi32>
    %lt3A_2559 = arith.cmpi slt, %sub3A_2552, %lt3A_2558 : vector<16xi32>
    %and3A_2560 = arith.andi %and3A_2556, %lt3A_2559 : vector<16xi1>
    %jit3A_2561 = arith.constant 0 : i32
    %jit3A_2562 = arith.constant 511 : i32
    %max3A_2563 = vector.broadcast %jit3A_2561 : i32 to vector<16xi32>
    %max3A_2564 = arith.maxsi %max3A_2563, %sub3A_2552 : vector<16xi32>
    %min3A_2565 = vector.broadcast %jit3A_2562 : i32 to vector<16xi32>
    %min3A_2566 = arith.minsi %min3A_2565, %max3A_2564 : vector<16xi32>
    tpu.vector_store_idx %arg5[%min3A_2566], %broadcast_in_dim3A_98 masked %and3A_2560 : memref<512xi32, #tpu.memory_space<vmem>>[vector<16xi32>], vector<16xi32>, vector<16xi1>
    %add3A_2567 = arith.constant 4 : i32
    %add3A_2568 = vector.broadcast %add3A_2567 : i32 to vector<16xi32>
    %add3A_2569 = arith.addi %get3A_2483, %add3A_2568 : vector<16xi32>
    %sub3A_2570 = vector.broadcast %mul3A_32 : i32 to vector<16xi32>
    %sub3A_2571 = arith.subi %add3A_2569, %sub3A_2570 : vector<16xi32>
    %ge3A_2572 = arith.constant 0 : i32
    %ge3A_2573 = vector.broadcast %ge3A_2572 : i32 to vector<16xi32>
    %ge3A_2574 = arith.cmpi sge, %sub3A_2571, %ge3A_2573 : vector<16xi32>
    %and3A_2575 = arith.andi %lt3A_2490, %ge3A_2574 : vector<16xi1>
    %lt3A_2576 = arith.constant 512 : i32
    %lt3A_2577 = vector.broadcast %lt3A_2576 : i32 to vector<16xi32>
    %lt3A_2578 = arith.cmpi slt, %sub3A_2571, %lt3A_2577 : vector<16xi32>
    %and3A_2579 = arith.andi %and3A_2575, %lt3A_2578 : vector<16xi1>
    %jit3A_2580 = arith.constant 0 : i32
    %jit3A_2581 = arith.constant 511 : i32
    %max3A_2582 = vector.broadcast %jit3A_2580 : i32 to vector<16xi32>
    %max3A_2583 = arith.maxsi %max3A_2582, %sub3A_2571 : vector<16xi32>
    %min3A_2584 = vector.broadcast %jit3A_2581 : i32 to vector<16xi32>
    %min3A_2585 = arith.minsi %min3A_2584, %max3A_2583 : vector<16xi32>
    tpu.vector_store_idx %arg5[%min3A_2585], %broadcast_in_dim3A_98 masked %and3A_2579 : memref<512xi32, #tpu.memory_space<vmem>>[vector<16xi32>], vector<16xi32>, vector<16xi1>
    %add3A_2586 = arith.constant 5 : i32
    %add3A_2587 = vector.broadcast %add3A_2586 : i32 to vector<16xi32>
    %add3A_2588 = arith.addi %get3A_2483, %add3A_2587 : vector<16xi32>
    %sub3A_2589 = vector.broadcast %mul3A_32 : i32 to vector<16xi32>
    %sub3A_2590 = arith.subi %add3A_2588, %sub3A_2589 : vector<16xi32>
    %ge3A_2591 = arith.constant 0 : i32
    %ge3A_2592 = vector.broadcast %ge3A_2591 : i32 to vector<16xi32>
    %ge3A_2593 = arith.cmpi sge, %sub3A_2590, %ge3A_2592 : vector<16xi32>
    %and3A_2594 = arith.andi %lt3A_2490, %ge3A_2593 : vector<16xi1>
    %lt3A_2595 = arith.constant 512 : i32
    %lt3A_2596 = vector.broadcast %lt3A_2595 : i32 to vector<16xi32>
    %lt3A_2597 = arith.cmpi slt, %sub3A_2590, %lt3A_2596 : vector<16xi32>
    %and3A_2598 = arith.andi %and3A_2594, %lt3A_2597 : vector<16xi1>
    %jit3A_2599 = arith.constant 0 : i32
    %jit3A_2600 = arith.constant 511 : i32
    %max3A_2601 = vector.broadcast %jit3A_2599 : i32 to vector<16xi32>
    %max3A_2602 = arith.maxsi %max3A_2601, %sub3A_2590 : vector<16xi32>
    %min3A_2603 = vector.broadcast %jit3A_2600 : i32 to vector<16xi32>
    %min3A_2604 = arith.minsi %min3A_2603, %max3A_2602 : vector<16xi32>
    tpu.vector_store_idx %arg5[%min3A_2604], %broadcast_in_dim3A_98 masked %and3A_2598 : memref<512xi32, #tpu.memory_space<vmem>>[vector<16xi32>], vector<16xi32>, vector<16xi1>
    %add3A_2605 = arith.constant 6 : i32
    %add3A_2606 = vector.broadcast %add3A_2605 : i32 to vector<16xi32>
    %add3A_2607 = arith.addi %get3A_2483, %add3A_2606 : vector<16xi32>
    %sub3A_2608 = vector.broadcast %mul3A_32 : i32 to vector<16xi32>
    %sub3A_2609 = arith.subi %add3A_2607, %sub3A_2608 : vector<16xi32>
    %ge3A_2610 = arith.constant 0 : i32
    %ge3A_2611 = vector.broadcast %ge3A_2610 : i32 to vector<16xi32>
    %ge3A_2612 = arith.cmpi sge, %sub3A_2609, %ge3A_2611 : vector<16xi32>
    %and3A_2613 = arith.andi %lt3A_2490, %ge3A_2612 : vector<16xi1>
    %lt3A_2614 = arith.constant 512 : i32
    %lt3A_2615 = vector.broadcast %lt3A_2614 : i32 to vector<16xi32>
    %lt3A_2616 = arith.cmpi slt, %sub3A_2609, %lt3A_2615 : vector<16xi32>
    %and3A_2617 = arith.andi %and3A_2613, %lt3A_2616 : vector<16xi1>
    %jit3A_2618 = arith.constant 0 : i32
    %jit3A_2619 = arith.constant 511 : i32
    %max3A_2620 = vector.broadcast %jit3A_2618 : i32 to vector<16xi32>
    %max3A_2621 = arith.maxsi %max3A_2620, %sub3A_2609 : vector<16xi32>
    %min3A_2622 = vector.broadcast %jit3A_2619 : i32 to vector<16xi32>
    %min3A_2623 = arith.minsi %min3A_2622, %max3A_2621 : vector<16xi32>
    tpu.vector_store_idx %arg5[%min3A_2623], %broadcast_in_dim3A_98 masked %and3A_2617 : memref<512xi32, #tpu.memory_space<vmem>>[vector<16xi32>], vector<16xi32>, vector<16xi1>
    %add3A_2624 = arith.constant 7 : i32
    %add3A_2625 = vector.broadcast %add3A_2624 : i32 to vector<16xi32>
    %add3A_2626 = arith.addi %get3A_2483, %add3A_2625 : vector<16xi32>
    %sub3A_2627 = vector.broadcast %mul3A_32 : i32 to vector<16xi32>
    %sub3A_2628 = arith.subi %add3A_2626, %sub3A_2627 : vector<16xi32>
    %ge3A_2629 = arith.constant 0 : i32
    %ge3A_2630 = vector.broadcast %ge3A_2629 : i32 to vector<16xi32>
    %ge3A_2631 = arith.cmpi sge, %sub3A_2628, %ge3A_2630 : vector<16xi32>
    %and3A_2632 = arith.andi %lt3A_2490, %ge3A_2631 : vector<16xi1>
    %lt3A_2633 = arith.constant 512 : i32
    %lt3A_2634 = vector.broadcast %lt3A_2633 : i32 to vector<16xi32>
    %lt3A_2635 = arith.cmpi slt, %sub3A_2628, %lt3A_2634 : vector<16xi32>
    %and3A_2636 = arith.andi %and3A_2632, %lt3A_2635 : vector<16xi1>
    %jit3A_2637 = arith.constant 0 : i32
    %jit3A_2638 = arith.constant 511 : i32
    %max3A_2639 = vector.broadcast %jit3A_2637 : i32 to vector<16xi32>
    %max3A_2640 = arith.maxsi %max3A_2639, %sub3A_2628 : vector<16xi32>
    %min3A_2641 = vector.broadcast %jit3A_2638 : i32 to vector<16xi32>
    %min3A_2642 = arith.minsi %min3A_2641, %max3A_2640 : vector<16xi32>
    tpu.vector_store_idx %arg5[%min3A_2642], %broadcast_in_dim3A_98 masked %and3A_2636 : memref<512xi32, #tpu.memory_space<vmem>>[vector<16xi32>], vector<16xi32>, vector<16xi1>
    %add3A_2643 = arith.constant 8 : i32
    %add3A_2644 = vector.broadcast %add3A_2643 : i32 to vector<16xi32>
    %add3A_2645 = arith.addi %get3A_2483, %add3A_2644 : vector<16xi32>
    %sub3A_2646 = vector.broadcast %mul3A_32 : i32 to vector<16xi32>
    %sub3A_2647 = arith.subi %add3A_2645, %sub3A_2646 : vector<16xi32>
    %ge3A_2648 = arith.constant 0 : i32
    %ge3A_2649 = vector.broadcast %ge3A_2648 : i32 to vector<16xi32>
    %ge3A_2650 = arith.cmpi sge, %sub3A_2647, %ge3A_2649 : vector<16xi32>
    %and3A_2651 = arith.andi %lt3A_2490, %ge3A_2650 : vector<16xi1>
    %lt3A_2652 = arith.constant 512 : i32
    %lt3A_2653 = vector.broadcast %lt3A_2652 : i32 to vector<16xi32>
    %lt3A_2654 = arith.cmpi slt, %sub3A_2647, %lt3A_2653 : vector<16xi32>
    %and3A_2655 = arith.andi %and3A_2651, %lt3A_2654 : vector<16xi1>
    %jit3A_2656 = arith.constant 0 : i32
    %jit3A_2657 = arith.constant 511 : i32
    %max3A_2658 = vector.broadcast %jit3A_2656 : i32 to vector<16xi32>
    %max3A_2659 = arith.maxsi %max3A_2658, %sub3A_2647 : vector<16xi32>
    %min3A_2660 = vector.broadcast %jit3A_2657 : i32 to vector<16xi32>
    %min3A_2661 = arith.minsi %min3A_2660, %max3A_2659 : vector<16xi32>
    tpu.vector_store_idx %arg5[%min3A_2661], %broadcast_in_dim3A_98 masked %and3A_2655 : memref<512xi32, #tpu.memory_space<vmem>>[vector<16xi32>], vector<16xi32>, vector<16xi1>
    %add3A_2662 = arith.constant 9 : i32
    %add3A_2663 = vector.broadcast %add3A_2662 : i32 to vector<16xi32>
    %add3A_2664 = arith.addi %get3A_2483, %add3A_2663 : vector<16xi32>
    %sub3A_2665 = vector.broadcast %mul3A_32 : i32 to vector<16xi32>
    %sub3A_2666 = arith.subi %add3A_2664, %sub3A_2665 : vector<16xi32>
    %ge3A_2667 = arith.constant 0 : i32
    %ge3A_2668 = vector.broadcast %ge3A_2667 : i32 to vector<16xi32>
    %ge3A_2669 = arith.cmpi sge, %sub3A_2666, %ge3A_2668 : vector<16xi32>
    %and3A_2670 = arith.andi %lt3A_2490, %ge3A_2669 : vector<16xi1>
    %lt3A_2671 = arith.constant 512 : i32
    %lt3A_2672 = vector.broadcast %lt3A_2671 : i32 to vector<16xi32>
    %lt3A_2673 = arith.cmpi slt, %sub3A_2666, %lt3A_2672 : vector<16xi32>
    %and3A_2674 = arith.andi %and3A_2670, %lt3A_2673 : vector<16xi1>
    %jit3A_2675 = arith.constant 0 : i32
    %jit3A_2676 = arith.constant 511 : i32
    %max3A_2677 = vector.broadcast %jit3A_2675 : i32 to vector<16xi32>
    %max3A_2678 = arith.maxsi %max3A_2677, %sub3A_2666 : vector<16xi32>
    %min3A_2679 = vector.broadcast %jit3A_2676 : i32 to vector<16xi32>
    %min3A_2680 = arith.minsi %min3A_2679, %max3A_2678 : vector<16xi32>
    tpu.vector_store_idx %arg5[%min3A_2680], %broadcast_in_dim3A_98 masked %and3A_2674 : memref<512xi32, #tpu.memory_space<vmem>>[vector<16xi32>], vector<16xi32>, vector<16xi1>
    %get3A_2681 = arith.constant 208 : index
    %get3A_2682 = tpu.vector_load %arg4[%get3A_2681] {strides = array<i32>} : memref<272xi32, #tpu.memory_space<vmem>>, vector<16xi32>,
    %iota3A_2683 = tpu.iota {dimensions = array<i32: 0>} : vector<16xi32>
    %add3A_2684 = arith.constant 208 : i32
    %add3A_2685 = vector.broadcast %add3A_2684 : i32 to vector<16xi32>
    %add3A_2686 = arith.addi %add3A_2685, %iota3A_2683 : vector<16xi32>
    %lt3A_2687 = arith.constant 266 : i32
    %lt3A_2688 = vector.broadcast %lt3A_2687 : i32 to vector<16xi32>
    %lt3A_2689 = arith.cmpi slt, %add3A_2686, %lt3A_2688 : vector<16xi32>
    %add3A_2690 = arith.constant 0 : i32
    %add3A_2691 = vector.broadcast %add3A_2690 : i32 to vector<16xi32>
    %add3A_2692 = arith.addi %get3A_2682, %add3A_2691 : vector<16xi32>
    %sub3A_2693 = vector.broadcast %mul3A_32 : i32 to vector<16xi32>
    %sub3A_2694 = arith.subi %add3A_2692, %sub3A_2693 : vector<16xi32>
    %ge3A_2695 = arith.constant 0 : i32
    %ge3A_2696 = vector.broadcast %ge3A_2695 : i32 to vector<16xi32>
    %ge3A_2697 = arith.cmpi sge, %sub3A_2694, %ge3A_2696 : vector<16xi32>
    %and3A_2698 = arith.andi %lt3A_2689, %ge3A_2697 : vector<16xi1>
    %lt3A_2699 = arith.constant 512 : i32
    %lt3A_2700 = vector.broadcast %lt3A_2699 : i32 to vector<16xi32>
    %lt3A_2701 = arith.cmpi slt, %sub3A_2694, %lt3A_2700 : vector<16xi32>
    %and3A_2702 = arith.andi %and3A_2698, %lt3A_2701 : vector<16xi1>
    %jit3A_2703 = arith.constant 0 : i32
    %jit3A_2704 = arith.constant 511 : i32
    %max3A_2705 = vector.broadcast %jit3A_2703 : i32 to vector<16xi32>
    %max3A_2706 = arith.maxsi %max3A_2705, %sub3A_2694 : vector<16xi32>
    %min3A_2707 = vector.broadcast %jit3A_2704 : i32 to vector<16xi32>
    %min3A_2708 = arith.minsi %min3A_2707, %max3A_2706 : vector<16xi32>
    tpu.vector_store_idx %arg5[%min3A_2708], %broadcast_in_dim3A_98 masked %and3A_2702 : memref<512xi32, #tpu.memory_space<vmem>>[vector<16xi32>], vector<16xi32>, vector<16xi1>
    %add3A_2709 = arith.constant 1 : i32
    %add3A_2710 = vector.broadcast %add3A_2709 : i32 to vector<16xi32>
    %add3A_2711 = arith.addi %get3A_2682, %add3A_2710 : vector<16xi32>
    %sub3A_2712 = vector.broadcast %mul3A_32 : i32 to vector<16xi32>
    %sub3A_2713 = arith.subi %add3A_2711, %sub3A_2712 : vector<16xi32>
    %ge3A_2714 = arith.constant 0 : i32
    %ge3A_2715 = vector.broadcast %ge3A_2714 : i32 to vector<16xi32>
    %ge3A_2716 = arith.cmpi sge, %sub3A_2713, %ge3A_2715 : vector<16xi32>
    %and3A_2717 = arith.andi %lt3A_2689, %ge3A_2716 : vector<16xi1>
    %lt3A_2718 = arith.constant 512 : i32
    %lt3A_2719 = vector.broadcast %lt3A_2718 : i32 to vector<16xi32>
    %lt3A_2720 = arith.cmpi slt, %sub3A_2713, %lt3A_2719 : vector<16xi32>
    %and3A_2721 = arith.andi %and3A_2717, %lt3A_2720 : vector<16xi1>
    %jit3A_2722 = arith.constant 0 : i32
    %jit3A_2723 = arith.constant 511 : i32
    %max3A_2724 = vector.broadcast %jit3A_2722 : i32 to vector<16xi32>
    %max3A_2725 = arith.maxsi %max3A_2724, %sub3A_2713 : vector<16xi32>
    %min3A_2726 = vector.broadcast %jit3A_2723 : i32 to vector<16xi32>
    %min3A_2727 = arith.minsi %min3A_2726, %max3A_2725 : vector<16xi32>
    tpu.vector_store_idx %arg5[%min3A_2727], %broadcast_in_dim3A_98 masked %and3A_2721 : memref<512xi32, #tpu.memory_space<vmem>>[vector<16xi32>], vector<16xi32>, vector<16xi1>
    %add3A_2728 = arith.constant 2 : i32
    %add3A_2729 = vector.broadcast %add3A_2728 : i32 to vector<16xi32>
    %add3A_2730 = arith.addi %get3A_2682, %add3A_2729 : vector<16xi32>
    %sub3A_2731 = vector.broadcast %mul3A_32 : i32 to vector<16xi32>
    %sub3A_2732 = arith.subi %add3A_2730, %sub3A_2731 : vector<16xi32>
    %ge3A_2733 = arith.constant 0 : i32
    %ge3A_2734 = vector.broadcast %ge3A_2733 : i32 to vector<16xi32>
    %ge3A_2735 = arith.cmpi sge, %sub3A_2732, %ge3A_2734 : vector<16xi32>
    %and3A_2736 = arith.andi %lt3A_2689, %ge3A_2735 : vector<16xi1>
    %lt3A_2737 = arith.constant 512 : i32
    %lt3A_2738 = vector.broadcast %lt3A_2737 : i32 to vector<16xi32>
    %lt3A_2739 = arith.cmpi slt, %sub3A_2732, %lt3A_2738 : vector<16xi32>
    %and3A_2740 = arith.andi %and3A_2736, %lt3A_2739 : vector<16xi1>
    %jit3A_2741 = arith.constant 0 : i32
    %jit3A_2742 = arith.constant 511 : i32
    %max3A_2743 = vector.broadcast %jit3A_2741 : i32 to vector<16xi32>
    %max3A_2744 = arith.maxsi %max3A_2743, %sub3A_2732 : vector<16xi32>
    %min3A_2745 = vector.broadcast %jit3A_2742 : i32 to vector<16xi32>
    %min3A_2746 = arith.minsi %min3A_2745, %max3A_2744 : vector<16xi32>
    tpu.vector_store_idx %arg5[%min3A_2746], %broadcast_in_dim3A_98 masked %and3A_2740 : memref<512xi32, #tpu.memory_space<vmem>>[vector<16xi32>], vector<16xi32>, vector<16xi1>
    %add3A_2747 = arith.constant 3 : i32
    %add3A_2748 = vector.broadcast %add3A_2747 : i32 to vector<16xi32>
    %add3A_2749 = arith.addi %get3A_2682, %add3A_2748 : vector<16xi32>
    %sub3A_2750 = vector.broadcast %mul3A_32 : i32 to vector<16xi32>
    %sub3A_2751 = arith.subi %add3A_2749, %sub3A_2750 : vector<16xi32>
    %ge3A_2752 = arith.constant 0 : i32
    %ge3A_2753 = vector.broadcast %ge3A_2752 : i32 to vector<16xi32>
    %ge3A_2754 = arith.cmpi sge, %sub3A_2751, %ge3A_2753 : vector<16xi32>
    %and3A_2755 = arith.andi %lt3A_2689, %ge3A_2754 : vector<16xi1>
    %lt3A_2756 = arith.constant 512 : i32
    %lt3A_2757 = vector.broadcast %lt3A_2756 : i32 to vector<16xi32>
    %lt3A_2758 = arith.cmpi slt, %sub3A_2751, %lt3A_2757 : vector<16xi32>
    %and3A_2759 = arith.andi %and3A_2755, %lt3A_2758 : vector<16xi1>
    %jit3A_2760 = arith.constant 0 : i32
    %jit3A_2761 = arith.constant 511 : i32
    %max3A_2762 = vector.broadcast %jit3A_2760 : i32 to vector<16xi32>
    %max3A_2763 = arith.maxsi %max3A_2762, %sub3A_2751 : vector<16xi32>
    %min3A_2764 = vector.broadcast %jit3A_2761 : i32 to vector<16xi32>
    %min3A_2765 = arith.minsi %min3A_2764, %max3A_2763 : vector<16xi32>
    tpu.vector_store_idx %arg5[%min3A_2765], %broadcast_in_dim3A_98 masked %and3A_2759 : memref<512xi32, #tpu.memory_space<vmem>>[vector<16xi32>], vector<16xi32>, vector<16xi1>
    %add3A_2766 = arith.constant 4 : i32
    %add3A_2767 = vector.broadcast %add3A_2766 : i32 to vector<16xi32>
    %add3A_2768 = arith.addi %get3A_2682, %add3A_2767 : vector<16xi32>
    %sub3A_2769 = vector.broadcast %mul3A_32 : i32 to vector<16xi32>
    %sub3A_2770 = arith.subi %add3A_2768, %sub3A_2769 : vector<16xi32>
    %ge3A_2771 = arith.constant 0 : i32
    %ge3A_2772 = vector.broadcast %ge3A_2771 : i32 to vector<16xi32>
    %ge3A_2773 = arith.cmpi sge, %sub3A_2770, %ge3A_2772 : vector<16xi32>
    %and3A_2774 = arith.andi %lt3A_2689, %ge3A_2773 : vector<16xi1>
    %lt3A_2775 = arith.constant 512 : i32
    %lt3A_2776 = vector.broadcast %lt3A_2775 : i32 to vector<16xi32>
    %lt3A_2777 = arith.cmpi slt, %sub3A_2770, %lt3A_2776 : vector<16xi32>
    %and3A_2778 = arith.andi %and3A_2774, %lt3A_2777 : vector<16xi1>
    %jit3A_2779 = arith.constant 0 : i32
    %jit3A_2780 = arith.constant 511 : i32
    %max3A_2781 = vector.broadcast %jit3A_2779 : i32 to vector<16xi32>
    %max3A_2782 = arith.maxsi %max3A_2781, %sub3A_2770 : vector<16xi32>
    %min3A_2783 = vector.broadcast %jit3A_2780 : i32 to vector<16xi32>
    %min3A_2784 = arith.minsi %min3A_2783, %max3A_2782 : vector<16xi32>
    tpu.vector_store_idx %arg5[%min3A_2784], %broadcast_in_dim3A_98 masked %and3A_2778 : memref<512xi32, #tpu.memory_space<vmem>>[vector<16xi32>], vector<16xi32>, vector<16xi1>
    %add3A_2785 = arith.constant 5 : i32
    %add3A_2786 = vector.broadcast %add3A_2785 : i32 to vector<16xi32>
    %add3A_2787 = arith.addi %get3A_2682, %add3A_2786 : vector<16xi32>
    %sub3A_2788 = vector.broadcast %mul3A_32 : i32 to vector<16xi32>
    %sub3A_2789 = arith.subi %add3A_2787, %sub3A_2788 : vector<16xi32>
    %ge3A_2790 = arith.constant 0 : i32
    %ge3A_2791 = vector.broadcast %ge3A_2790 : i32 to vector<16xi32>
    %ge3A_2792 = arith.cmpi sge, %sub3A_2789, %ge3A_2791 : vector<16xi32>
    %and3A_2793 = arith.andi %lt3A_2689, %ge3A_2792 : vector<16xi1>
    %lt3A_2794 = arith.constant 512 : i32
    %lt3A_2795 = vector.broadcast %lt3A_2794 : i32 to vector<16xi32>
    %lt3A_2796 = arith.cmpi slt, %sub3A_2789, %lt3A_2795 : vector<16xi32>
    %and3A_2797 = arith.andi %and3A_2793, %lt3A_2796 : vector<16xi1>
    %jit3A_2798 = arith.constant 0 : i32
    %jit3A_2799 = arith.constant 511 : i32
    %max3A_2800 = vector.broadcast %jit3A_2798 : i32 to vector<16xi32>
    %max3A_2801 = arith.maxsi %max3A_2800, %sub3A_2789 : vector<16xi32>
    %min3A_2802 = vector.broadcast %jit3A_2799 : i32 to vector<16xi32>
    %min3A_2803 = arith.minsi %min3A_2802, %max3A_2801 : vector<16xi32>
    tpu.vector_store_idx %arg5[%min3A_2803], %broadcast_in_dim3A_98 masked %and3A_2797 : memref<512xi32, #tpu.memory_space<vmem>>[vector<16xi32>], vector<16xi32>, vector<16xi1>
    %add3A_2804 = arith.constant 6 : i32
    %add3A_2805 = vector.broadcast %add3A_2804 : i32 to vector<16xi32>
    %add3A_2806 = arith.addi %get3A_2682, %add3A_2805 : vector<16xi32>
    %sub3A_2807 = vector.broadcast %mul3A_32 : i32 to vector<16xi32>
    %sub3A_2808 = arith.subi %add3A_2806, %sub3A_2807 : vector<16xi32>
    %ge3A_2809 = arith.constant 0 : i32
    %ge3A_2810 = vector.broadcast %ge3A_2809 : i32 to vector<16xi32>
    %ge3A_2811 = arith.cmpi sge, %sub3A_2808, %ge3A_2810 : vector<16xi32>
    %and3A_2812 = arith.andi %lt3A_2689, %ge3A_2811 : vector<16xi1>
    %lt3A_2813 = arith.constant 512 : i32
    %lt3A_2814 = vector.broadcast %lt3A_2813 : i32 to vector<16xi32>
    %lt3A_2815 = arith.cmpi slt, %sub3A_2808, %lt3A_2814 : vector<16xi32>
    %and3A_2816 = arith.andi %and3A_2812, %lt3A_2815 : vector<16xi1>
    %jit3A_2817 = arith.constant 0 : i32
    %jit3A_2818 = arith.constant 511 : i32
    %max3A_2819 = vector.broadcast %jit3A_2817 : i32 to vector<16xi32>
    %max3A_2820 = arith.maxsi %max3A_2819, %sub3A_2808 : vector<16xi32>
    %min3A_2821 = vector.broadcast %jit3A_2818 : i32 to vector<16xi32>
    %min3A_2822 = arith.minsi %min3A_2821, %max3A_2820 : vector<16xi32>
    tpu.vector_store_idx %arg5[%min3A_2822], %broadcast_in_dim3A_98 masked %and3A_2816 : memref<512xi32, #tpu.memory_space<vmem>>[vector<16xi32>], vector<16xi32>, vector<16xi1>
    %add3A_2823 = arith.constant 7 : i32
    %add3A_2824 = vector.broadcast %add3A_2823 : i32 to vector<16xi32>
    %add3A_2825 = arith.addi %get3A_2682, %add3A_2824 : vector<16xi32>
    %sub3A_2826 = vector.broadcast %mul3A_32 : i32 to vector<16xi32>
    %sub3A_2827 = arith.subi %add3A_2825, %sub3A_2826 : vector<16xi32>
    %ge3A_2828 = arith.constant 0 : i32
    %ge3A_2829 = vector.broadcast %ge3A_2828 : i32 to vector<16xi32>
    %ge3A_2830 = arith.cmpi sge, %sub3A_2827, %ge3A_2829 : vector<16xi32>
    %and3A_2831 = arith.andi %lt3A_2689, %ge3A_2830 : vector<16xi1>
    %lt3A_2832 = arith.constant 512 : i32
    %lt3A_2833 = vector.broadcast %lt3A_2832 : i32 to vector<16xi32>
    %lt3A_2834 = arith.cmpi slt, %sub3A_2827, %lt3A_2833 : vector<16xi32>
    %and3A_2835 = arith.andi %and3A_2831, %lt3A_2834 : vector<16xi1>
    %jit3A_2836 = arith.constant 0 : i32
    %jit3A_2837 = arith.constant 511 : i32
    %max3A_2838 = vector.broadcast %jit3A_2836 : i32 to vector<16xi32>
    %max3A_2839 = arith.maxsi %max3A_2838, %sub3A_2827 : vector<16xi32>
    %min3A_2840 = vector.broadcast %jit3A_2837 : i32 to vector<16xi32>
    %min3A_2841 = arith.minsi %min3A_2840, %max3A_2839 : vector<16xi32>
    tpu.vector_store_idx %arg5[%min3A_2841], %broadcast_in_dim3A_98 masked %and3A_2835 : memref<512xi32, #tpu.memory_space<vmem>>[vector<16xi32>], vector<16xi32>, vector<16xi1>
    %add3A_2842 = arith.constant 8 : i32
    %add3A_2843 = vector.broadcast %add3A_2842 : i32 to vector<16xi32>
    %add3A_2844 = arith.addi %get3A_2682, %add3A_2843 : vector<16xi32>
    %sub3A_2845 = vector.broadcast %mul3A_32 : i32 to vector<16xi32>
    %sub3A_2846 = arith.subi %add3A_2844, %sub3A_2845 : vector<16xi32>
    %ge3A_2847 = arith.constant 0 : i32
    %ge3A_2848 = vector.broadcast %ge3A_2847 : i32 to vector<16xi32>
    %ge3A_2849 = arith.cmpi sge, %sub3A_2846, %ge3A_2848 : vector<16xi32>
    %and3A_2850 = arith.andi %lt3A_2689, %ge3A_2849 : vector<16xi1>
    %lt3A_2851 = arith.constant 512 : i32
    %lt3A_2852 = vector.broadcast %lt3A_2851 : i32 to vector<16xi32>
    %lt3A_2853 = arith.cmpi slt, %sub3A_2846, %lt3A_2852 : vector<16xi32>
    %and3A_2854 = arith.andi %and3A_2850, %lt3A_2853 : vector<16xi1>
    %jit3A_2855 = arith.constant 0 : i32
    %jit3A_2856 = arith.constant 511 : i32
    %max3A_2857 = vector.broadcast %jit3A_2855 : i32 to vector<16xi32>
    %max3A_2858 = arith.maxsi %max3A_2857, %sub3A_2846 : vector<16xi32>
    %min3A_2859 = vector.broadcast %jit3A_2856 : i32 to vector<16xi32>
    %min3A_2860 = arith.minsi %min3A_2859, %max3A_2858 : vector<16xi32>
    tpu.vector_store_idx %arg5[%min3A_2860], %broadcast_in_dim3A_98 masked %and3A_2854 : memref<512xi32, #tpu.memory_space<vmem>>[vector<16xi32>], vector<16xi32>, vector<16xi1>
    %add3A_2861 = arith.constant 9 : i32
    %add3A_2862 = vector.broadcast %add3A_2861 : i32 to vector<16xi32>
    %add3A_2863 = arith.addi %get3A_2682, %add3A_2862 : vector<16xi32>
    %sub3A_2864 = vector.broadcast %mul3A_32 : i32 to vector<16xi32>
    %sub3A_2865 = arith.subi %add3A_2863, %sub3A_2864 : vector<16xi32>
    %ge3A_2866 = arith.constant 0 : i32
    %ge3A_2867 = vector.broadcast %ge3A_2866 : i32 to vector<16xi32>
    %ge3A_2868 = arith.cmpi sge, %sub3A_2865, %ge3A_2867 : vector<16xi32>
    %and3A_2869 = arith.andi %lt3A_2689, %ge3A_2868 : vector<16xi1>
    %lt3A_2870 = arith.constant 512 : i32
    %lt3A_2871 = vector.broadcast %lt3A_2870 : i32 to vector<16xi32>
    %lt3A_2872 = arith.cmpi slt, %sub3A_2865, %lt3A_2871 : vector<16xi32>
    %and3A_2873 = arith.andi %and3A_2869, %lt3A_2872 : vector<16xi1>
    %jit3A_2874 = arith.constant 0 : i32
    %jit3A_2875 = arith.constant 511 : i32
    %max3A_2876 = vector.broadcast %jit3A_2874 : i32 to vector<16xi32>
    %max3A_2877 = arith.maxsi %max3A_2876, %sub3A_2865 : vector<16xi32>
    %min3A_2878 = vector.broadcast %jit3A_2875 : i32 to vector<16xi32>
    %min3A_2879 = arith.minsi %min3A_2878, %max3A_2877 : vector<16xi32>
    tpu.vector_store_idx %arg5[%min3A_2879], %broadcast_in_dim3A_98 masked %and3A_2873 : memref<512xi32, #tpu.memory_space<vmem>>[vector<16xi32>], vector<16xi32>, vector<16xi1>
    %get3A_2880 = arith.constant 224 : index
    %get3A_2881 = tpu.vector_load %arg4[%get3A_2880] {strides = array<i32>} : memref<272xi32, #tpu.memory_space<vmem>>, vector<16xi32>,
    %iota3A_2882 = tpu.iota {dimensions = array<i32: 0>} : vector<16xi32>
    %add3A_2883 = arith.constant 224 : i32
    %add3A_2884 = vector.broadcast %add3A_2883 : i32 to vector<16xi32>
    %add3A_2885 = arith.addi %add3A_2884, %iota3A_2882 : vector<16xi32>
    %lt3A_2886 = arith.constant 266 : i32
    %lt3A_2887 = vector.broadcast %lt3A_2886 : i32 to vector<16xi32>
    %lt3A_2888 = arith.cmpi slt, %add3A_2885, %lt3A_2887 : vector<16xi32>
    %add3A_2889 = arith.constant 0 : i32
    %add3A_2890 = vector.broadcast %add3A_2889 : i32 to vector<16xi32>
    %add3A_2891 = arith.addi %get3A_2881, %add3A_2890 : vector<16xi32>
    %sub3A_2892 = vector.broadcast %mul3A_32 : i32 to vector<16xi32>
    %sub3A_2893 = arith.subi %add3A_2891, %sub3A_2892 : vector<16xi32>
    %ge3A_2894 = arith.constant 0 : i32
    %ge3A_2895 = vector.broadcast %ge3A_2894 : i32 to vector<16xi32>
    %ge3A_2896 = arith.cmpi sge, %sub3A_2893, %ge3A_2895 : vector<16xi32>
    %and3A_2897 = arith.andi %lt3A_2888, %ge3A_2896 : vector<16xi1>
    %lt3A_2898 = arith.constant 512 : i32
    %lt3A_2899 = vector.broadcast %lt3A_2898 : i32 to vector<16xi32>
    %lt3A_2900 = arith.cmpi slt, %sub3A_2893, %lt3A_2899 : vector<16xi32>
    %and3A_2901 = arith.andi %and3A_2897, %lt3A_2900 : vector<16xi1>
    %jit3A_2902 = arith.constant 0 : i32
    %jit3A_2903 = arith.constant 511 : i32
    %max3A_2904 = vector.broadcast %jit3A_2902 : i32 to vector<16xi32>
    %max3A_2905 = arith.maxsi %max3A_2904, %sub3A_2893 : vector<16xi32>
    %min3A_2906 = vector.broadcast %jit3A_2903 : i32 to vector<16xi32>
    %min3A_2907 = arith.minsi %min3A_2906, %max3A_2905 : vector<16xi32>
    tpu.vector_store_idx %arg5[%min3A_2907], %broadcast_in_dim3A_98 masked %and3A_2901 : memref<512xi32, #tpu.memory_space<vmem>>[vector<16xi32>], vector<16xi32>, vector<16xi1>
    %add3A_2908 = arith.constant 1 : i32
    %add3A_2909 = vector.broadcast %add3A_2908 : i32 to vector<16xi32>
    %add3A_2910 = arith.addi %get3A_2881, %add3A_2909 : vector<16xi32>
    %sub3A_2911 = vector.broadcast %mul3A_32 : i32 to vector<16xi32>
    %sub3A_2912 = arith.subi %add3A_2910, %sub3A_2911 : vector<16xi32>
    %ge3A_2913 = arith.constant 0 : i32
    %ge3A_2914 = vector.broadcast %ge3A_2913 : i32 to vector<16xi32>
    %ge3A_2915 = arith.cmpi sge, %sub3A_2912, %ge3A_2914 : vector<16xi32>
    %and3A_2916 = arith.andi %lt3A_2888, %ge3A_2915 : vector<16xi1>
    %lt3A_2917 = arith.constant 512 : i32
    %lt3A_2918 = vector.broadcast %lt3A_2917 : i32 to vector<16xi32>
    %lt3A_2919 = arith.cmpi slt, %sub3A_2912, %lt3A_2918 : vector<16xi32>
    %and3A_2920 = arith.andi %and3A_2916, %lt3A_2919 : vector<16xi1>
    %jit3A_2921 = arith.constant 0 : i32
    %jit3A_2922 = arith.constant 511 : i32
    %max3A_2923 = vector.broadcast %jit3A_2921 : i32 to vector<16xi32>
    %max3A_2924 = arith.maxsi %max3A_2923, %sub3A_2912 : vector<16xi32>
    %min3A_2925 = vector.broadcast %jit3A_2922 : i32 to vector<16xi32>
    %min3A_2926 = arith.minsi %min3A_2925, %max3A_2924 : vector<16xi32>
    tpu.vector_store_idx %arg5[%min3A_2926], %broadcast_in_dim3A_98 masked %and3A_2920 : memref<512xi32, #tpu.memory_space<vmem>>[vector<16xi32>], vector<16xi32>, vector<16xi1>
    %add3A_2927 = arith.constant 2 : i32
    %add3A_2928 = vector.broadcast %add3A_2927 : i32 to vector<16xi32>
    %add3A_2929 = arith.addi %get3A_2881, %add3A_2928 : vector<16xi32>
    %sub3A_2930 = vector.broadcast %mul3A_32 : i32 to vector<16xi32>
    %sub3A_2931 = arith.subi %add3A_2929, %sub3A_2930 : vector<16xi32>
    %ge3A_2932 = arith.constant 0 : i32
    %ge3A_2933 = vector.broadcast %ge3A_2932 : i32 to vector<16xi32>
    %ge3A_2934 = arith.cmpi sge, %sub3A_2931, %ge3A_2933 : vector<16xi32>
    %and3A_2935 = arith.andi %lt3A_2888, %ge3A_2934 : vector<16xi1>
    %lt3A_2936 = arith.constant 512 : i32
    %lt3A_2937 = vector.broadcast %lt3A_2936 : i32 to vector<16xi32>
    %lt3A_2938 = arith.cmpi slt, %sub3A_2931, %lt3A_2937 : vector<16xi32>
    %and3A_2939 = arith.andi %and3A_2935, %lt3A_2938 : vector<16xi1>
    %jit3A_2940 = arith.constant 0 : i32
    %jit3A_2941 = arith.constant 511 : i32
    %max3A_2942 = vector.broadcast %jit3A_2940 : i32 to vector<16xi32>
    %max3A_2943 = arith.maxsi %max3A_2942, %sub3A_2931 : vector<16xi32>
    %min3A_2944 = vector.broadcast %jit3A_2941 : i32 to vector<16xi32>
    %min3A_2945 = arith.minsi %min3A_2944, %max3A_2943 : vector<16xi32>
    tpu.vector_store_idx %arg5[%min3A_2945], %broadcast_in_dim3A_98 masked %and3A_2939 : memref<512xi32, #tpu.memory_space<vmem>>[vector<16xi32>], vector<16xi32>, vector<16xi1>
    %add3A_2946 = arith.constant 3 : i32
    %add3A_2947 = vector.broadcast %add3A_2946 : i32 to vector<16xi32>
    %add3A_2948 = arith.addi %get3A_2881, %add3A_2947 : vector<16xi32>
    %sub3A_2949 = vector.broadcast %mul3A_32 : i32 to vector<16xi32>
    %sub3A_2950 = arith.subi %add3A_2948, %sub3A_2949 : vector<16xi32>
    %ge3A_2951 = arith.constant 0 : i32
    %ge3A_2952 = vector.broadcast %ge3A_2951 : i32 to vector<16xi32>
    %ge3A_2953 = arith.cmpi sge, %sub3A_2950, %ge3A_2952 : vector<16xi32>
    %and3A_2954 = arith.andi %lt3A_2888, %ge3A_2953 : vector<16xi1>
    %lt3A_2955 = arith.constant 512 : i32
    %lt3A_2956 = vector.broadcast %lt3A_2955 : i32 to vector<16xi32>
    %lt3A_2957 = arith.cmpi slt, %sub3A_2950, %lt3A_2956 : vector<16xi32>
    %and3A_2958 = arith.andi %and3A_2954, %lt3A_2957 : vector<16xi1>
    %jit3A_2959 = arith.constant 0 : i32
    %jit3A_2960 = arith.constant 511 : i32
    %max3A_2961 = vector.broadcast %jit3A_2959 : i32 to vector<16xi32>
    %max3A_2962 = arith.maxsi %max3A_2961, %sub3A_2950 : vector<16xi32>
    %min3A_2963 = vector.broadcast %jit3A_2960 : i32 to vector<16xi32>
    %min3A_2964 = arith.minsi %min3A_2963, %max3A_2962 : vector<16xi32>
    tpu.vector_store_idx %arg5[%min3A_2964], %broadcast_in_dim3A_98 masked %and3A_2958 : memref<512xi32, #tpu.memory_space<vmem>>[vector<16xi32>], vector<16xi32>, vector<16xi1>
    %add3A_2965 = arith.constant 4 : i32
    %add3A_2966 = vector.broadcast %add3A_2965 : i32 to vector<16xi32>
    %add3A_2967 = arith.addi %get3A_2881, %add3A_2966 : vector<16xi32>
    %sub3A_2968 = vector.broadcast %mul3A_32 : i32 to vector<16xi32>
    %sub3A_2969 = arith.subi %add3A_2967, %sub3A_2968 : vector<16xi32>
    %ge3A_2970 = arith.constant 0 : i32
    %ge3A_2971 = vector.broadcast %ge3A_2970 : i32 to vector<16xi32>
    %ge3A_2972 = arith.cmpi sge, %sub3A_2969, %ge3A_2971 : vector<16xi32>
    %and3A_2973 = arith.andi %lt3A_2888, %ge3A_2972 : vector<16xi1>
    %lt3A_2974 = arith.constant 512 : i32
    %lt3A_2975 = vector.broadcast %lt3A_2974 : i32 to vector<16xi32>
    %lt3A_2976 = arith.cmpi slt, %sub3A_2969, %lt3A_2975 : vector<16xi32>
    %and3A_2977 = arith.andi %and3A_2973, %lt3A_2976 : vector<16xi1>
    %jit3A_2978 = arith.constant 0 : i32
    %jit3A_2979 = arith.constant 511 : i32
    %max3A_2980 = vector.broadcast %jit3A_2978 : i32 to vector<16xi32>
    %max3A_2981 = arith.maxsi %max3A_2980, %sub3A_2969 : vector<16xi32>
    %min3A_2982 = vector.broadcast %jit3A_2979 : i32 to vector<16xi32>
    %min3A_2983 = arith.minsi %min3A_2982, %max3A_2981 : vector<16xi32>
    tpu.vector_store_idx %arg5[%min3A_2983], %broadcast_in_dim3A_98 masked %and3A_2977 : memref<512xi32, #tpu.memory_space<vmem>>[vector<16xi32>], vector<16xi32>, vector<16xi1>
    %add3A_2984 = arith.constant 5 : i32
    %add3A_2985 = vector.broadcast %add3A_2984 : i32 to vector<16xi32>
    %add3A_2986 = arith.addi %get3A_2881, %add3A_2985 : vector<16xi32>
    %sub3A_2987 = vector.broadcast %mul3A_32 : i32 to vector<16xi32>
    %sub3A_2988 = arith.subi %add3A_2986, %sub3A_2987 : vector<16xi32>
    %ge3A_2989 = arith.constant 0 : i32
    %ge3A_2990 = vector.broadcast %ge3A_2989 : i32 to vector<16xi32>
    %ge3A_2991 = arith.cmpi sge, %sub3A_2988, %ge3A_2990 : vector<16xi32>
    %and3A_2992 = arith.andi %lt3A_2888, %ge3A_2991 : vector<16xi1>
    %lt3A_2993 = arith.constant 512 : i32
    %lt3A_2994 = vector.broadcast %lt3A_2993 : i32 to vector<16xi32>
    %lt3A_2995 = arith.cmpi slt, %sub3A_2988, %lt3A_2994 : vector<16xi32>
    %and3A_2996 = arith.andi %and3A_2992, %lt3A_2995 : vector<16xi1>
    %jit3A_2997 = arith.constant 0 : i32
    %jit3A_2998 = arith.constant 511 : i32
    %max3A_2999 = vector.broadcast %jit3A_2997 : i32 to vector<16xi32>
    %max3A_3000 = arith.maxsi %max3A_2999, %sub3A_2988 : vector<16xi32>
    %min3A_3001 = vector.broadcast %jit3A_2998 : i32 to vector<16xi32>
    %min3A_3002 = arith.minsi %min3A_3001, %max3A_3000 : vector<16xi32>
    tpu.vector_store_idx %arg5[%min3A_3002], %broadcast_in_dim3A_98 masked %and3A_2996 : memref<512xi32, #tpu.memory_space<vmem>>[vector<16xi32>], vector<16xi32>, vector<16xi1>
    %add3A_3003 = arith.constant 6 : i32
    %add3A_3004 = vector.broadcast %add3A_3003 : i32 to vector<16xi32>
    %add3A_3005 = arith.addi %get3A_2881, %add3A_3004 : vector<16xi32>
    %sub3A_3006 = vector.broadcast %mul3A_32 : i32 to vector<16xi32>
    %sub3A_3007 = arith.subi %add3A_3005, %sub3A_3006 : vector<16xi32>
    %ge3A_3008 = arith.constant 0 : i32
    %ge3A_3009 = vector.broadcast %ge3A_3008 : i32 to vector<16xi32>
    %ge3A_3010 = arith.cmpi sge, %sub3A_3007, %ge3A_3009 : vector<16xi32>
    %and3A_3011 = arith.andi %lt3A_2888, %ge3A_3010 : vector<16xi1>
    %lt3A_3012 = arith.constant 512 : i32
    %lt3A_3013 = vector.broadcast %lt3A_3012 : i32 to vector<16xi32>
    %lt3A_3014 = arith.cmpi slt, %sub3A_3007, %lt3A_3013 : vector<16xi32>
    %and3A_3015 = arith.andi %and3A_3011, %lt3A_3014 : vector<16xi1>
    %jit3A_3016 = arith.constant 0 : i32
    %jit3A_3017 = arith.constant 511 : i32
    %max3A_3018 = vector.broadcast %jit3A_3016 : i32 to vector<16xi32>
    %max3A_3019 = arith.maxsi %max3A_3018, %sub3A_3007 : vector<16xi32>
    %min3A_3020 = vector.broadcast %jit3A_3017 : i32 to vector<16xi32>
    %min3A_3021 = arith.minsi %min3A_3020, %max3A_3019 : vector<16xi32>
    tpu.vector_store_idx %arg5[%min3A_3021], %broadcast_in_dim3A_98 masked %and3A_3015 : memref<512xi32, #tpu.memory_space<vmem>>[vector<16xi32>], vector<16xi32>, vector<16xi1>
    %add3A_3022 = arith.constant 7 : i32
    %add3A_3023 = vector.broadcast %add3A_3022 : i32 to vector<16xi32>
    %add3A_3024 = arith.addi %get3A_2881, %add3A_3023 : vector<16xi32>
    %sub3A_3025 = vector.broadcast %mul3A_32 : i32 to vector<16xi32>
    %sub3A_3026 = arith.subi %add3A_3024, %sub3A_3025 : vector<16xi32>
    %ge3A_3027 = arith.constant 0 : i32
    %ge3A_3028 = vector.broadcast %ge3A_3027 : i32 to vector<16xi32>
    %ge3A_3029 = arith.cmpi sge, %sub3A_3026, %ge3A_3028 : vector<16xi32>
    %and3A_3030 = arith.andi %lt3A_2888, %ge3A_3029 : vector<16xi1>
    %lt3A_3031 = arith.constant 512 : i32
    %lt3A_3032 = vector.broadcast %lt3A_3031 : i32 to vector<16xi32>
    %lt3A_3033 = arith.cmpi slt, %sub3A_3026, %lt3A_3032 : vector<16xi32>
    %and3A_3034 = arith.andi %and3A_3030, %lt3A_3033 : vector<16xi1>
    %jit3A_3035 = arith.constant 0 : i32
    %jit3A_3036 = arith.constant 511 : i32
    %max3A_3037 = vector.broadcast %jit3A_3035 : i32 to vector<16xi32>
    %max3A_3038 = arith.maxsi %max3A_3037, %sub3A_3026 : vector<16xi32>
    %min3A_3039 = vector.broadcast %jit3A_3036 : i32 to vector<16xi32>
    %min3A_3040 = arith.minsi %min3A_3039, %max3A_3038 : vector<16xi32>
    tpu.vector_store_idx %arg5[%min3A_3040], %broadcast_in_dim3A_98 masked %and3A_3034 : memref<512xi32, #tpu.memory_space<vmem>>[vector<16xi32>], vector<16xi32>, vector<16xi1>
    %add3A_3041 = arith.constant 8 : i32
    %add3A_3042 = vector.broadcast %add3A_3041 : i32 to vector<16xi32>
    %add3A_3043 = arith.addi %get3A_2881, %add3A_3042 : vector<16xi32>
    %sub3A_3044 = vector.broadcast %mul3A_32 : i32 to vector<16xi32>
    %sub3A_3045 = arith.subi %add3A_3043, %sub3A_3044 : vector<16xi32>
    %ge3A_3046 = arith.constant 0 : i32
    %ge3A_3047 = vector.broadcast %ge3A_3046 : i32 to vector<16xi32>
    %ge3A_3048 = arith.cmpi sge, %sub3A_3045, %ge3A_3047 : vector<16xi32>
    %and3A_3049 = arith.andi %lt3A_2888, %ge3A_3048 : vector<16xi1>
    %lt3A_3050 = arith.constant 512 : i32
    %lt3A_3051 = vector.broadcast %lt3A_3050 : i32 to vector<16xi32>
    %lt3A_3052 = arith.cmpi slt, %sub3A_3045, %lt3A_3051 : vector<16xi32>
    %and3A_3053 = arith.andi %and3A_3049, %lt3A_3052 : vector<16xi1>
    %jit3A_3054 = arith.constant 0 : i32
    %jit3A_3055 = arith.constant 511 : i32
    %max3A_3056 = vector.broadcast %jit3A_3054 : i32 to vector<16xi32>
    %max3A_3057 = arith.maxsi %max3A_3056, %sub3A_3045 : vector<16xi32>
    %min3A_3058 = vector.broadcast %jit3A_3055 : i32 to vector<16xi32>
    %min3A_3059 = arith.minsi %min3A_3058, %max3A_3057 : vector<16xi32>
    tpu.vector_store_idx %arg5[%min3A_3059], %broadcast_in_dim3A_98 masked %and3A_3053 : memref<512xi32, #tpu.memory_space<vmem>>[vector<16xi32>], vector<16xi32>, vector<16xi1>
    %add3A_3060 = arith.constant 9 : i32
    %add3A_3061 = vector.broadcast %add3A_3060 : i32 to vector<16xi32>
    %add3A_3062 = arith.addi %get3A_2881, %add3A_3061 : vector<16xi32>
    %sub3A_3063 = vector.broadcast %mul3A_32 : i32 to vector<16xi32>
    %sub3A_3064 = arith.subi %add3A_3062, %sub3A_3063 : vector<16xi32>
    %ge3A_3065 = arith.constant 0 : i32
    %ge3A_3066 = vector.broadcast %ge3A_3065 : i32 to vector<16xi32>
    %ge3A_3067 = arith.cmpi sge, %sub3A_3064, %ge3A_3066 : vector<16xi32>
    %and3A_3068 = arith.andi %lt3A_2888, %ge3A_3067 : vector<16xi1>
    %lt3A_3069 = arith.constant 512 : i32
    %lt3A_3070 = vector.broadcast %lt3A_3069 : i32 to vector<16xi32>
    %lt3A_3071 = arith.cmpi slt, %sub3A_3064, %lt3A_3070 : vector<16xi32>
    %and3A_3072 = arith.andi %and3A_3068, %lt3A_3071 : vector<16xi1>
    %jit3A_3073 = arith.constant 0 : i32
    %jit3A_3074 = arith.constant 511 : i32
    %max3A_3075 = vector.broadcast %jit3A_3073 : i32 to vector<16xi32>
    %max3A_3076 = arith.maxsi %max3A_3075, %sub3A_3064 : vector<16xi32>
    %min3A_3077 = vector.broadcast %jit3A_3074 : i32 to vector<16xi32>
    %min3A_3078 = arith.minsi %min3A_3077, %max3A_3076 : vector<16xi32>
    tpu.vector_store_idx %arg5[%min3A_3078], %broadcast_in_dim3A_98 masked %and3A_3072 : memref<512xi32, #tpu.memory_space<vmem>>[vector<16xi32>], vector<16xi32>, vector<16xi1>
    %get3A_3079 = arith.constant 240 : index
    %get3A_3080 = tpu.vector_load %arg4[%get3A_3079] {strides = array<i32>} : memref<272xi32, #tpu.memory_space<vmem>>, vector<16xi32>,
    %iota3A_3081 = tpu.iota {dimensions = array<i32: 0>} : vector<16xi32>
    %add3A_3082 = arith.constant 240 : i32
    %add3A_3083 = vector.broadcast %add3A_3082 : i32 to vector<16xi32>
    %add3A_3084 = arith.addi %add3A_3083, %iota3A_3081 : vector<16xi32>
    %lt3A_3085 = arith.constant 266 : i32
    %lt3A_3086 = vector.broadcast %lt3A_3085 : i32 to vector<16xi32>
    %lt3A_3087 = arith.cmpi slt, %add3A_3084, %lt3A_3086 : vector<16xi32>
    %add3A_3088 = arith.constant 0 : i32
    %add3A_3089 = vector.broadcast %add3A_3088 : i32 to vector<16xi32>
    %add3A_3090 = arith.addi %get3A_3080, %add3A_3089 : vector<16xi32>
    %sub3A_3091 = vector.broadcast %mul3A_32 : i32 to vector<16xi32>
    %sub3A_3092 = arith.subi %add3A_3090, %sub3A_3091 : vector<16xi32>
    %ge3A_3093 = arith.constant 0 : i32
    %ge3A_3094 = vector.broadcast %ge3A_3093 : i32 to vector<16xi32>
    %ge3A_3095 = arith.cmpi sge, %sub3A_3092, %ge3A_3094 : vector<16xi32>
    %and3A_3096 = arith.andi %lt3A_3087, %ge3A_3095 : vector<16xi1>
    %lt3A_3097 = arith.constant 512 : i32
    %lt3A_3098 = vector.broadcast %lt3A_3097 : i32 to vector<16xi32>
    %lt3A_3099 = arith.cmpi slt, %sub3A_3092, %lt3A_3098 : vector<16xi32>
    %and3A_3100 = arith.andi %and3A_3096, %lt3A_3099 : vector<16xi1>
    %jit3A_3101 = arith.constant 0 : i32
    %jit3A_3102 = arith.constant 511 : i32
    %max3A_3103 = vector.broadcast %jit3A_3101 : i32 to vector<16xi32>
    %max3A_3104 = arith.maxsi %max3A_3103, %sub3A_3092 : vector<16xi32>
    %min3A_3105 = vector.broadcast %jit3A_3102 : i32 to vector<16xi32>
    %min3A_3106 = arith.minsi %min3A_3105, %max3A_3104 : vector<16xi32>
    tpu.vector_store_idx %arg5[%min3A_3106], %broadcast_in_dim3A_98 masked %and3A_3100 : memref<512xi32, #tpu.memory_space<vmem>>[vector<16xi32>], vector<16xi32>, vector<16xi1>
    %add3A_3107 = arith.constant 1 : i32
    %add3A_3108 = vector.broadcast %add3A_3107 : i32 to vector<16xi32>
    %add3A_3109 = arith.addi %get3A_3080, %add3A_3108 : vector<16xi32>
    %sub3A_3110 = vector.broadcast %mul3A_32 : i32 to vector<16xi32>
    %sub3A_3111 = arith.subi %add3A_3109, %sub3A_3110 : vector<16xi32>
    %ge3A_3112 = arith.constant 0 : i32
    %ge3A_3113 = vector.broadcast %ge3A_3112 : i32 to vector<16xi32>
    %ge3A_3114 = arith.cmpi sge, %sub3A_3111, %ge3A_3113 : vector<16xi32>
    %and3A_3115 = arith.andi %lt3A_3087, %ge3A_3114 : vector<16xi1>
    %lt3A_3116 = arith.constant 512 : i32
    %lt3A_3117 = vector.broadcast %lt3A_3116 : i32 to vector<16xi32>
    %lt3A_3118 = arith.cmpi slt, %sub3A_3111, %lt3A_3117 : vector<16xi32>
    %and3A_3119 = arith.andi %and3A_3115, %lt3A_3118 : vector<16xi1>
    %jit3A_3120 = arith.constant 0 : i32
    %jit3A_3121 = arith.constant 511 : i32
    %max3A_3122 = vector.broadcast %jit3A_3120 : i32 to vector<16xi32>
    %max3A_3123 = arith.maxsi %max3A_3122, %sub3A_3111 : vector<16xi32>
    %min3A_3124 = vector.broadcast %jit3A_3121 : i32 to vector<16xi32>
    %min3A_3125 = arith.minsi %min3A_3124, %max3A_3123 : vector<16xi32>
    tpu.vector_store_idx %arg5[%min3A_3125], %broadcast_in_dim3A_98 masked %and3A_3119 : memref<512xi32, #tpu.memory_space<vmem>>[vector<16xi32>], vector<16xi32>, vector<16xi1>
    %add3A_3126 = arith.constant 2 : i32
    %add3A_3127 = vector.broadcast %add3A_3126 : i32 to vector<16xi32>
    %add3A_3128 = arith.addi %get3A_3080, %add3A_3127 : vector<16xi32>
    %sub3A_3129 = vector.broadcast %mul3A_32 : i32 to vector<16xi32>
    %sub3A_3130 = arith.subi %add3A_3128, %sub3A_3129 : vector<16xi32>
    %ge3A_3131 = arith.constant 0 : i32
    %ge3A_3132 = vector.broadcast %ge3A_3131 : i32 to vector<16xi32>
    %ge3A_3133 = arith.cmpi sge, %sub3A_3130, %ge3A_3132 : vector<16xi32>
    %and3A_3134 = arith.andi %lt3A_3087, %ge3A_3133 : vector<16xi1>
    %lt3A_3135 = arith.constant 512 : i32
    %lt3A_3136 = vector.broadcast %lt3A_3135 : i32 to vector<16xi32>
    %lt3A_3137 = arith.cmpi slt, %sub3A_3130, %lt3A_3136 : vector<16xi32>
    %and3A_3138 = arith.andi %and3A_3134, %lt3A_3137 : vector<16xi1>
    %jit3A_3139 = arith.constant 0 : i32
    %jit3A_3140 = arith.constant 511 : i32
    %max3A_3141 = vector.broadcast %jit3A_3139 : i32 to vector<16xi32>
    %max3A_3142 = arith.maxsi %max3A_3141, %sub3A_3130 : vector<16xi32>
    %min3A_3143 = vector.broadcast %jit3A_3140 : i32 to vector<16xi32>
    %min3A_3144 = arith.minsi %min3A_3143, %max3A_3142 : vector<16xi32>
    tpu.vector_store_idx %arg5[%min3A_3144], %broadcast_in_dim3A_98 masked %and3A_3138 : memref<512xi32, #tpu.memory_space<vmem>>[vector<16xi32>], vector<16xi32>, vector<16xi1>
    %add3A_3145 = arith.constant 3 : i32
    %add3A_3146 = vector.broadcast %add3A_3145 : i32 to vector<16xi32>
    %add3A_3147 = arith.addi %get3A_3080, %add3A_3146 : vector<16xi32>
    %sub3A_3148 = vector.broadcast %mul3A_32 : i32 to vector<16xi32>
    %sub3A_3149 = arith.subi %add3A_3147, %sub3A_3148 : vector<16xi32>
    %ge3A_3150 = arith.constant 0 : i32
    %ge3A_3151 = vector.broadcast %ge3A_3150 : i32 to vector<16xi32>
    %ge3A_3152 = arith.cmpi sge, %sub3A_3149, %ge3A_3151 : vector<16xi32>
    %and3A_3153 = arith.andi %lt3A_3087, %ge3A_3152 : vector<16xi1>
    %lt3A_3154 = arith.constant 512 : i32
    %lt3A_3155 = vector.broadcast %lt3A_3154 : i32 to vector<16xi32>
    %lt3A_3156 = arith.cmpi slt, %sub3A_3149, %lt3A_3155 : vector<16xi32>
    %and3A_3157 = arith.andi %and3A_3153, %lt3A_3156 : vector<16xi1>
    %jit3A_3158 = arith.constant 0 : i32
    %jit3A_3159 = arith.constant 511 : i32
    %max3A_3160 = vector.broadcast %jit3A_3158 : i32 to vector<16xi32>
    %max3A_3161 = arith.maxsi %max3A_3160, %sub3A_3149 : vector<16xi32>
    %min3A_3162 = vector.broadcast %jit3A_3159 : i32 to vector<16xi32>
    %min3A_3163 = arith.minsi %min3A_3162, %max3A_3161 : vector<16xi32>
    tpu.vector_store_idx %arg5[%min3A_3163], %broadcast_in_dim3A_98 masked %and3A_3157 : memref<512xi32, #tpu.memory_space<vmem>>[vector<16xi32>], vector<16xi32>, vector<16xi1>
    %add3A_3164 = arith.constant 4 : i32
    %add3A_3165 = vector.broadcast %add3A_3164 : i32 to vector<16xi32>
    %add3A_3166 = arith.addi %get3A_3080, %add3A_3165 : vector<16xi32>
    %sub3A_3167 = vector.broadcast %mul3A_32 : i32 to vector<16xi32>
    %sub3A_3168 = arith.subi %add3A_3166, %sub3A_3167 : vector<16xi32>
    %ge3A_3169 = arith.constant 0 : i32
    %ge3A_3170 = vector.broadcast %ge3A_3169 : i32 to vector<16xi32>
    %ge3A_3171 = arith.cmpi sge, %sub3A_3168, %ge3A_3170 : vector<16xi32>
    %and3A_3172 = arith.andi %lt3A_3087, %ge3A_3171 : vector<16xi1>
    %lt3A_3173 = arith.constant 512 : i32
    %lt3A_3174 = vector.broadcast %lt3A_3173 : i32 to vector<16xi32>
    %lt3A_3175 = arith.cmpi slt, %sub3A_3168, %lt3A_3174 : vector<16xi32>
    %and3A_3176 = arith.andi %and3A_3172, %lt3A_3175 : vector<16xi1>
    %jit3A_3177 = arith.constant 0 : i32
    %jit3A_3178 = arith.constant 511 : i32
    %max3A_3179 = vector.broadcast %jit3A_3177 : i32 to vector<16xi32>
    %max3A_3180 = arith.maxsi %max3A_3179, %sub3A_3168 : vector<16xi32>
    %min3A_3181 = vector.broadcast %jit3A_3178 : i32 to vector<16xi32>
    %min3A_3182 = arith.minsi %min3A_3181, %max3A_3180 : vector<16xi32>
    tpu.vector_store_idx %arg5[%min3A_3182], %broadcast_in_dim3A_98 masked %and3A_3176 : memref<512xi32, #tpu.memory_space<vmem>>[vector<16xi32>], vector<16xi32>, vector<16xi1>
    %add3A_3183 = arith.constant 5 : i32
    %add3A_3184 = vector.broadcast %add3A_3183 : i32 to vector<16xi32>
    %add3A_3185 = arith.addi %get3A_3080, %add3A_3184 : vector<16xi32>
    %sub3A_3186 = vector.broadcast %mul3A_32 : i32 to vector<16xi32>
    %sub3A_3187 = arith.subi %add3A_3185, %sub3A_3186 : vector<16xi32>
    %ge3A_3188 = arith.constant 0 : i32
    %ge3A_3189 = vector.broadcast %ge3A_3188 : i32 to vector<16xi32>
    %ge3A_3190 = arith.cmpi sge, %sub3A_3187, %ge3A_3189 : vector<16xi32>
    %and3A_3191 = arith.andi %lt3A_3087, %ge3A_3190 : vector<16xi1>
    %lt3A_3192 = arith.constant 512 : i32
    %lt3A_3193 = vector.broadcast %lt3A_3192 : i32 to vector<16xi32>
    %lt3A_3194 = arith.cmpi slt, %sub3A_3187, %lt3A_3193 : vector<16xi32>
    %and3A_3195 = arith.andi %and3A_3191, %lt3A_3194 : vector<16xi1>
    %jit3A_3196 = arith.constant 0 : i32
    %jit3A_3197 = arith.constant 511 : i32
    %max3A_3198 = vector.broadcast %jit3A_3196 : i32 to vector<16xi32>
    %max3A_3199 = arith.maxsi %max3A_3198, %sub3A_3187 : vector<16xi32>
    %min3A_3200 = vector.broadcast %jit3A_3197 : i32 to vector<16xi32>
    %min3A_3201 = arith.minsi %min3A_3200, %max3A_3199 : vector<16xi32>
    tpu.vector_store_idx %arg5[%min3A_3201], %broadcast_in_dim3A_98 masked %and3A_3195 : memref<512xi32, #tpu.memory_space<vmem>>[vector<16xi32>], vector<16xi32>, vector<16xi1>
    %add3A_3202 = arith.constant 6 : i32
    %add3A_3203 = vector.broadcast %add3A_3202 : i32 to vector<16xi32>
    %add3A_3204 = arith.addi %get3A_3080, %add3A_3203 : vector<16xi32>
    %sub3A_3205 = vector.broadcast %mul3A_32 : i32 to vector<16xi32>
    %sub3A_3206 = arith.subi %add3A_3204, %sub3A_3205 : vector<16xi32>
    %ge3A_3207 = arith.constant 0 : i32
    %ge3A_3208 = vector.broadcast %ge3A_3207 : i32 to vector<16xi32>
    %ge3A_3209 = arith.cmpi sge, %sub3A_3206, %ge3A_3208 : vector<16xi32>
    %and3A_3210 = arith.andi %lt3A_3087, %ge3A_3209 : vector<16xi1>
    %lt3A_3211 = arith.constant 512 : i32
    %lt3A_3212 = vector.broadcast %lt3A_3211 : i32 to vector<16xi32>
    %lt3A_3213 = arith.cmpi slt, %sub3A_3206, %lt3A_3212 : vector<16xi32>
    %and3A_3214 = arith.andi %and3A_3210, %lt3A_3213 : vector<16xi1>
    %jit3A_3215 = arith.constant 0 : i32
    %jit3A_3216 = arith.constant 511 : i32
    %max3A_3217 = vector.broadcast %jit3A_3215 : i32 to vector<16xi32>
    %max3A_3218 = arith.maxsi %max3A_3217, %sub3A_3206 : vector<16xi32>
    %min3A_3219 = vector.broadcast %jit3A_3216 : i32 to vector<16xi32>
    %min3A_3220 = arith.minsi %min3A_3219, %max3A_3218 : vector<16xi32>
    tpu.vector_store_idx %arg5[%min3A_3220], %broadcast_in_dim3A_98 masked %and3A_3214 : memref<512xi32, #tpu.memory_space<vmem>>[vector<16xi32>], vector<16xi32>, vector<16xi1>
    %add3A_3221 = arith.constant 7 : i32
    %add3A_3222 = vector.broadcast %add3A_3221 : i32 to vector<16xi32>
    %add3A_3223 = arith.addi %get3A_3080, %add3A_3222 : vector<16xi32>
    %sub3A_3224 = vector.broadcast %mul3A_32 : i32 to vector<16xi32>
    %sub3A_3225 = arith.subi %add3A_3223, %sub3A_3224 : vector<16xi32>
    %ge3A_3226 = arith.constant 0 : i32
    %ge3A_3227 = vector.broadcast %ge3A_3226 : i32 to vector<16xi32>
    %ge3A_3228 = arith.cmpi sge, %sub3A_3225, %ge3A_3227 : vector<16xi32>
    %and3A_3229 = arith.andi %lt3A_3087, %ge3A_3228 : vector<16xi1>
    %lt3A_3230 = arith.constant 512 : i32
    %lt3A_3231 = vector.broadcast %lt3A_3230 : i32 to vector<16xi32>
    %lt3A_3232 = arith.cmpi slt, %sub3A_3225, %lt3A_3231 : vector<16xi32>
    %and3A_3233 = arith.andi %and3A_3229, %lt3A_3232 : vector<16xi1>
    %jit3A_3234 = arith.constant 0 : i32
    %jit3A_3235 = arith.constant 511 : i32
    %max3A_3236 = vector.broadcast %jit3A_3234 : i32 to vector<16xi32>
    %max3A_3237 = arith.maxsi %max3A_3236, %sub3A_3225 : vector<16xi32>
    %min3A_3238 = vector.broadcast %jit3A_3235 : i32 to vector<16xi32>
    %min3A_3239 = arith.minsi %min3A_3238, %max3A_3237 : vector<16xi32>
    tpu.vector_store_idx %arg5[%min3A_3239], %broadcast_in_dim3A_98 masked %and3A_3233 : memref<512xi32, #tpu.memory_space<vmem>>[vector<16xi32>], vector<16xi32>, vector<16xi1>
    %add3A_3240 = arith.constant 8 : i32
    %add3A_3241 = vector.broadcast %add3A_3240 : i32 to vector<16xi32>
    %add3A_3242 = arith.addi %get3A_3080, %add3A_3241 : vector<16xi32>
    %sub3A_3243 = vector.broadcast %mul3A_32 : i32 to vector<16xi32>
    %sub3A_3244 = arith.subi %add3A_3242, %sub3A_3243 : vector<16xi32>
    %ge3A_3245 = arith.constant 0 : i32
    %ge3A_3246 = vector.broadcast %ge3A_3245 : i32 to vector<16xi32>
    %ge3A_3247 = arith.cmpi sge, %sub3A_3244, %ge3A_3246 : vector<16xi32>
    %and3A_3248 = arith.andi %lt3A_3087, %ge3A_3247 : vector<16xi1>
    %lt3A_3249 = arith.constant 512 : i32
    %lt3A_3250 = vector.broadcast %lt3A_3249 : i32 to vector<16xi32>
    %lt3A_3251 = arith.cmpi slt, %sub3A_3244, %lt3A_3250 : vector<16xi32>
    %and3A_3252 = arith.andi %and3A_3248, %lt3A_3251 : vector<16xi1>
    %jit3A_3253 = arith.constant 0 : i32
    %jit3A_3254 = arith.constant 511 : i32
    %max3A_3255 = vector.broadcast %jit3A_3253 : i32 to vector<16xi32>
    %max3A_3256 = arith.maxsi %max3A_3255, %sub3A_3244 : vector<16xi32>
    %min3A_3257 = vector.broadcast %jit3A_3254 : i32 to vector<16xi32>
    %min3A_3258 = arith.minsi %min3A_3257, %max3A_3256 : vector<16xi32>
    tpu.vector_store_idx %arg5[%min3A_3258], %broadcast_in_dim3A_98 masked %and3A_3252 : memref<512xi32, #tpu.memory_space<vmem>>[vector<16xi32>], vector<16xi32>, vector<16xi1>
    %add3A_3259 = arith.constant 9 : i32
    %add3A_3260 = vector.broadcast %add3A_3259 : i32 to vector<16xi32>
    %add3A_3261 = arith.addi %get3A_3080, %add3A_3260 : vector<16xi32>
    %sub3A_3262 = vector.broadcast %mul3A_32 : i32 to vector<16xi32>
    %sub3A_3263 = arith.subi %add3A_3261, %sub3A_3262 : vector<16xi32>
    %ge3A_3264 = arith.constant 0 : i32
    %ge3A_3265 = vector.broadcast %ge3A_3264 : i32 to vector<16xi32>
    %ge3A_3266 = arith.cmpi sge, %sub3A_3263, %ge3A_3265 : vector<16xi32>
    %and3A_3267 = arith.andi %lt3A_3087, %ge3A_3266 : vector<16xi1>
    %lt3A_3268 = arith.constant 512 : i32
    %lt3A_3269 = vector.broadcast %lt3A_3268 : i32 to vector<16xi32>
    %lt3A_3270 = arith.cmpi slt, %sub3A_3263, %lt3A_3269 : vector<16xi32>
    %and3A_3271 = arith.andi %and3A_3267, %lt3A_3270 : vector<16xi1>
    %jit3A_3272 = arith.constant 0 : i32
    %jit3A_3273 = arith.constant 511 : i32
    %max3A_3274 = vector.broadcast %jit3A_3272 : i32 to vector<16xi32>
    %max3A_3275 = arith.maxsi %max3A_3274, %sub3A_3263 : vector<16xi32>
    %min3A_3276 = vector.broadcast %jit3A_3273 : i32 to vector<16xi32>
    %min3A_3277 = arith.minsi %min3A_3276, %max3A_3275 : vector<16xi32>
    tpu.vector_store_idx %arg5[%min3A_3277], %broadcast_in_dim3A_98 masked %and3A_3271 : memref<512xi32, #tpu.memory_space<vmem>>[vector<16xi32>], vector<16xi32>, vector<16xi1>
    %get3A_3278 = arith.constant 256 : index
    %get3A_3279 = tpu.vector_load %arg4[%get3A_3278] {strides = array<i32>} : memref<272xi32, #tpu.memory_space<vmem>>, vector<16xi32>,
    %iota3A_3280 = tpu.iota {dimensions = array<i32: 0>} : vector<16xi32>
    %add3A_3281 = arith.constant 256 : i32
    %add3A_3282 = vector.broadcast %add3A_3281 : i32 to vector<16xi32>
    %add3A_3283 = arith.addi %add3A_3282, %iota3A_3280 : vector<16xi32>
    %lt3A_3284 = arith.constant 266 : i32
    %lt3A_3285 = vector.broadcast %lt3A_3284 : i32 to vector<16xi32>
    %lt3A_3286 = arith.cmpi slt, %add3A_3283, %lt3A_3285 : vector<16xi32>
    %add3A_3287 = arith.constant 0 : i32
    %add3A_3288 = vector.broadcast %add3A_3287 : i32 to vector<16xi32>
    %add3A_3289 = arith.addi %get3A_3279, %add3A_3288 : vector<16xi32>
    %sub3A_3290 = vector.broadcast %mul3A_32 : i32 to vector<16xi32>
    %sub3A_3291 = arith.subi %add3A_3289, %sub3A_3290 : vector<16xi32>
    %ge3A_3292 = arith.constant 0 : i32
    %ge3A_3293 = vector.broadcast %ge3A_3292 : i32 to vector<16xi32>
    %ge3A_3294 = arith.cmpi sge, %sub3A_3291, %ge3A_3293 : vector<16xi32>
    %and3A_3295 = arith.andi %lt3A_3286, %ge3A_3294 : vector<16xi1>
    %lt3A_3296 = arith.constant 512 : i32
    %lt3A_3297 = vector.broadcast %lt3A_3296 : i32 to vector<16xi32>
    %lt3A_3298 = arith.cmpi slt, %sub3A_3291, %lt3A_3297 : vector<16xi32>
    %and3A_3299 = arith.andi %and3A_3295, %lt3A_3298 : vector<16xi1>
    %jit3A_3300 = arith.constant 0 : i32
    %jit3A_3301 = arith.constant 511 : i32
    %max3A_3302 = vector.broadcast %jit3A_3300 : i32 to vector<16xi32>
    %max3A_3303 = arith.maxsi %max3A_3302, %sub3A_3291 : vector<16xi32>
    %min3A_3304 = vector.broadcast %jit3A_3301 : i32 to vector<16xi32>
    %min3A_3305 = arith.minsi %min3A_3304, %max3A_3303 : vector<16xi32>
    tpu.vector_store_idx %arg5[%min3A_3305], %broadcast_in_dim3A_98 masked %and3A_3299 : memref<512xi32, #tpu.memory_space<vmem>>[vector<16xi32>], vector<16xi32>, vector<16xi1>
    %add3A_3306 = arith.constant 1 : i32
    %add3A_3307 = vector.broadcast %add3A_3306 : i32 to vector<16xi32>
    %add3A_3308 = arith.addi %get3A_3279, %add3A_3307 : vector<16xi32>
    %sub3A_3309 = vector.broadcast %mul3A_32 : i32 to vector<16xi32>
    %sub3A_3310 = arith.subi %add3A_3308, %sub3A_3309 : vector<16xi32>
    %ge3A_3311 = arith.constant 0 : i32
    %ge3A_3312 = vector.broadcast %ge3A_3311 : i32 to vector<16xi32>
    %ge3A_3313 = arith.cmpi sge, %sub3A_3310, %ge3A_3312 : vector<16xi32>
    %and3A_3314 = arith.andi %lt3A_3286, %ge3A_3313 : vector<16xi1>
    %lt3A_3315 = arith.constant 512 : i32
    %lt3A_3316 = vector.broadcast %lt3A_3315 : i32 to vector<16xi32>
    %lt3A_3317 = arith.cmpi slt, %sub3A_3310, %lt3A_3316 : vector<16xi32>
    %and3A_3318 = arith.andi %and3A_3314, %lt3A_3317 : vector<16xi1>
    %jit3A_3319 = arith.constant 0 : i32
    %jit3A_3320 = arith.constant 511 : i32
    %max3A_3321 = vector.broadcast %jit3A_3319 : i32 to vector<16xi32>
    %max3A_3322 = arith.maxsi %max3A_3321, %sub3A_3310 : vector<16xi32>
    %min3A_3323 = vector.broadcast %jit3A_3320 : i32 to vector<16xi32>
    %min3A_3324 = arith.minsi %min3A_3323, %max3A_3322 : vector<16xi32>
    tpu.vector_store_idx %arg5[%min3A_3324], %broadcast_in_dim3A_98 masked %and3A_3318 : memref<512xi32, #tpu.memory_space<vmem>>[vector<16xi32>], vector<16xi32>, vector<16xi1>
    %add3A_3325 = arith.constant 2 : i32
    %add3A_3326 = vector.broadcast %add3A_3325 : i32 to vector<16xi32>
    %add3A_3327 = arith.addi %get3A_3279, %add3A_3326 : vector<16xi32>
    %sub3A_3328 = vector.broadcast %mul3A_32 : i32 to vector<16xi32>
    %sub3A_3329 = arith.subi %add3A_3327, %sub3A_3328 : vector<16xi32>
    %ge3A_3330 = arith.constant 0 : i32
    %ge3A_3331 = vector.broadcast %ge3A_3330 : i32 to vector<16xi32>
    %ge3A_3332 = arith.cmpi sge, %sub3A_3329, %ge3A_3331 : vector<16xi32>
    %and3A_3333 = arith.andi %lt3A_3286, %ge3A_3332 : vector<16xi1>
    %lt3A_3334 = arith.constant 512 : i32
    %lt3A_3335 = vector.broadcast %lt3A_3334 : i32 to vector<16xi32>
    %lt3A_3336 = arith.cmpi slt, %sub3A_3329, %lt3A_3335 : vector<16xi32>
    %and3A_3337 = arith.andi %and3A_3333, %lt3A_3336 : vector<16xi1>
    %jit3A_3338 = arith.constant 0 : i32
    %jit3A_3339 = arith.constant 511 : i32
    %max3A_3340 = vector.broadcast %jit3A_3338 : i32 to vector<16xi32>
    %max3A_3341 = arith.maxsi %max3A_3340, %sub3A_3329 : vector<16xi32>
    %min3A_3342 = vector.broadcast %jit3A_3339 : i32 to vector<16xi32>
    %min3A_3343 = arith.minsi %min3A_3342, %max3A_3341 : vector<16xi32>
    tpu.vector_store_idx %arg5[%min3A_3343], %broadcast_in_dim3A_98 masked %and3A_3337 : memref<512xi32, #tpu.memory_space<vmem>>[vector<16xi32>], vector<16xi32>, vector<16xi1>
    %add3A_3344 = arith.constant 3 : i32
    %add3A_3345 = vector.broadcast %add3A_3344 : i32 to vector<16xi32>
    %add3A_3346 = arith.addi %get3A_3279, %add3A_3345 : vector<16xi32>
    %sub3A_3347 = vector.broadcast %mul3A_32 : i32 to vector<16xi32>
    %sub3A_3348 = arith.subi %add3A_3346, %sub3A_3347 : vector<16xi32>
    %ge3A_3349 = arith.constant 0 : i32
    %ge3A_3350 = vector.broadcast %ge3A_3349 : i32 to vector<16xi32>
    %ge3A_3351 = arith.cmpi sge, %sub3A_3348, %ge3A_3350 : vector<16xi32>
    %and3A_3352 = arith.andi %lt3A_3286, %ge3A_3351 : vector<16xi1>
    %lt3A_3353 = arith.constant 512 : i32
    %lt3A_3354 = vector.broadcast %lt3A_3353 : i32 to vector<16xi32>
    %lt3A_3355 = arith.cmpi slt, %sub3A_3348, %lt3A_3354 : vector<16xi32>
    %and3A_3356 = arith.andi %and3A_3352, %lt3A_3355 : vector<16xi1>
    %jit3A_3357 = arith.constant 0 : i32
    %jit3A_3358 = arith.constant 511 : i32
    %max3A_3359 = vector.broadcast %jit3A_3357 : i32 to vector<16xi32>
    %max3A_3360 = arith.maxsi %max3A_3359, %sub3A_3348 : vector<16xi32>
    %min3A_3361 = vector.broadcast %jit3A_3358 : i32 to vector<16xi32>
    %min3A_3362 = arith.minsi %min3A_3361, %max3A_3360 : vector<16xi32>
    tpu.vector_store_idx %arg5[%min3A_3362], %broadcast_in_dim3A_98 masked %and3A_3356 : memref<512xi32, #tpu.memory_space<vmem>>[vector<16xi32>], vector<16xi32>, vector<16xi1>
    %add3A_3363 = arith.constant 4 : i32
    %add3A_3364 = vector.broadcast %add3A_3363 : i32 to vector<16xi32>
    %add3A_3365 = arith.addi %get3A_3279, %add3A_3364 : vector<16xi32>
    %sub3A_3366 = vector.broadcast %mul3A_32 : i32 to vector<16xi32>
    %sub3A_3367 = arith.subi %add3A_3365, %sub3A_3366 : vector<16xi32>
    %ge3A_3368 = arith.constant 0 : i32
    %ge3A_3369 = vector.broadcast %ge3A_3368 : i32 to vector<16xi32>
    %ge3A_3370 = arith.cmpi sge, %sub3A_3367, %ge3A_3369 : vector<16xi32>
    %and3A_3371 = arith.andi %lt3A_3286, %ge3A_3370 : vector<16xi1>
    %lt3A_3372 = arith.constant 512 : i32
    %lt3A_3373 = vector.broadcast %lt3A_3372 : i32 to vector<16xi32>
    %lt3A_3374 = arith.cmpi slt, %sub3A_3367, %lt3A_3373 : vector<16xi32>
    %and3A_3375 = arith.andi %and3A_3371, %lt3A_3374 : vector<16xi1>
    %jit3A_3376 = arith.constant 0 : i32
    %jit3A_3377 = arith.constant 511 : i32
    %max3A_3378 = vector.broadcast %jit3A_3376 : i32 to vector<16xi32>
    %max3A_3379 = arith.maxsi %max3A_3378, %sub3A_3367 : vector<16xi32>
    %min3A_3380 = vector.broadcast %jit3A_3377 : i32 to vector<16xi32>
    %min3A_3381 = arith.minsi %min3A_3380, %max3A_3379 : vector<16xi32>
    tpu.vector_store_idx %arg5[%min3A_3381], %broadcast_in_dim3A_98 masked %and3A_3375 : memref<512xi32, #tpu.memory_space<vmem>>[vector<16xi32>], vector<16xi32>, vector<16xi1>
    %add3A_3382 = arith.constant 5 : i32
    %add3A_3383 = vector.broadcast %add3A_3382 : i32 to vector<16xi32>
    %add3A_3384 = arith.addi %get3A_3279, %add3A_3383 : vector<16xi32>
    %sub3A_3385 = vector.broadcast %mul3A_32 : i32 to vector<16xi32>
    %sub3A_3386 = arith.subi %add3A_3384, %sub3A_3385 : vector<16xi32>
    %ge3A_3387 = arith.constant 0 : i32
    %ge3A_3388 = vector.broadcast %ge3A_3387 : i32 to vector<16xi32>
    %ge3A_3389 = arith.cmpi sge, %sub3A_3386, %ge3A_3388 : vector<16xi32>
    %and3A_3390 = arith.andi %lt3A_3286, %ge3A_3389 : vector<16xi1>
    %lt3A_3391 = arith.constant 512 : i32
    %lt3A_3392 = vector.broadcast %lt3A_3391 : i32 to vector<16xi32>
    %lt3A_3393 = arith.cmpi slt, %sub3A_3386, %lt3A_3392 : vector<16xi32>
    %and3A_3394 = arith.andi %and3A_3390, %lt3A_3393 : vector<16xi1>
    %jit3A_3395 = arith.constant 0 : i32
    %jit3A_3396 = arith.constant 511 : i32
    %max3A_3397 = vector.broadcast %jit3A_3395 : i32 to vector<16xi32>
    %max3A_3398 = arith.maxsi %max3A_3397, %sub3A_3386 : vector<16xi32>
    %min3A_3399 = vector.broadcast %jit3A_3396 : i32 to vector<16xi32>
    %min3A_3400 = arith.minsi %min3A_3399, %max3A_3398 : vector<16xi32>
    tpu.vector_store_idx %arg5[%min3A_3400], %broadcast_in_dim3A_98 masked %and3A_3394 : memref<512xi32, #tpu.memory_space<vmem>>[vector<16xi32>], vector<16xi32>, vector<16xi1>
    %add3A_3401 = arith.constant 6 : i32
    %add3A_3402 = vector.broadcast %add3A_3401 : i32 to vector<16xi32>
    %add3A_3403 = arith.addi %get3A_3279, %add3A_3402 : vector<16xi32>
    %sub3A_3404 = vector.broadcast %mul3A_32 : i32 to vector<16xi32>
    %sub3A_3405 = arith.subi %add3A_3403, %sub3A_3404 : vector<16xi32>
    %ge3A_3406 = arith.constant 0 : i32
    %ge3A_3407 = vector.broadcast %ge3A_3406 : i32 to vector<16xi32>
    %ge3A_3408 = arith.cmpi sge, %sub3A_3405, %ge3A_3407 : vector<16xi32>
    %and3A_3409 = arith.andi %lt3A_3286, %ge3A_3408 : vector<16xi1>
    %lt3A_3410 = arith.constant 512 : i32
    %lt3A_3411 = vector.broadcast %lt3A_3410 : i32 to vector<16xi32>
    %lt3A_3412 = arith.cmpi slt, %sub3A_3405, %lt3A_3411 : vector<16xi32>
    %and3A_3413 = arith.andi %and3A_3409, %lt3A_3412 : vector<16xi1>
    %jit3A_3414 = arith.constant 0 : i32
    %jit3A_3415 = arith.constant 511 : i32
    %max3A_3416 = vector.broadcast %jit3A_3414 : i32 to vector<16xi32>
    %max3A_3417 = arith.maxsi %max3A_3416, %sub3A_3405 : vector<16xi32>
    %min3A_3418 = vector.broadcast %jit3A_3415 : i32 to vector<16xi32>
    %min3A_3419 = arith.minsi %min3A_3418, %max3A_3417 : vector<16xi32>
    tpu.vector_store_idx %arg5[%min3A_3419], %broadcast_in_dim3A_98 masked %and3A_3413 : memref<512xi32, #tpu.memory_space<vmem>>[vector<16xi32>], vector<16xi32>, vector<16xi1>
    %add3A_3420 = arith.constant 7 : i32
    %add3A_3421 = vector.broadcast %add3A_3420 : i32 to vector<16xi32>
    %add3A_3422 = arith.addi %get3A_3279, %add3A_3421 : vector<16xi32>
    %sub3A_3423 = vector.broadcast %mul3A_32 : i32 to vector<16xi32>
    %sub3A_3424 = arith.subi %add3A_3422, %sub3A_3423 : vector<16xi32>
    %ge3A_3425 = arith.constant 0 : i32
    %ge3A_3426 = vector.broadcast %ge3A_3425 : i32 to vector<16xi32>
    %ge3A_3427 = arith.cmpi sge, %sub3A_3424, %ge3A_3426 : vector<16xi32>
    %and3A_3428 = arith.andi %lt3A_3286, %ge3A_3427 : vector<16xi1>
    %lt3A_3429 = arith.constant 512 : i32
    %lt3A_3430 = vector.broadcast %lt3A_3429 : i32 to vector<16xi32>
    %lt3A_3431 = arith.cmpi slt, %sub3A_3424, %lt3A_3430 : vector<16xi32>
    %and3A_3432 = arith.andi %and3A_3428, %lt3A_3431 : vector<16xi1>
    %jit3A_3433 = arith.constant 0 : i32
    %jit3A_3434 = arith.constant 511 : i32
    %max3A_3435 = vector.broadcast %jit3A_3433 : i32 to vector<16xi32>
    %max3A_3436 = arith.maxsi %max3A_3435, %sub3A_3424 : vector<16xi32>
    %min3A_3437 = vector.broadcast %jit3A_3434 : i32 to vector<16xi32>
    %min3A_3438 = arith.minsi %min3A_3437, %max3A_3436 : vector<16xi32>
    tpu.vector_store_idx %arg5[%min3A_3438], %broadcast_in_dim3A_98 masked %and3A_3432 : memref<512xi32, #tpu.memory_space<vmem>>[vector<16xi32>], vector<16xi32>, vector<16xi1>
    %add3A_3439 = arith.constant 8 : i32
    %add3A_3440 = vector.broadcast %add3A_3439 : i32 to vector<16xi32>
    %add3A_3441 = arith.addi %get3A_3279, %add3A_3440 : vector<16xi32>
    %sub3A_3442 = vector.broadcast %mul3A_32 : i32 to vector<16xi32>
    %sub3A_3443 = arith.subi %add3A_3441, %sub3A_3442 : vector<16xi32>
    %ge3A_3444 = arith.constant 0 : i32
    %ge3A_3445 = vector.broadcast %ge3A_3444 : i32 to vector<16xi32>
    %ge3A_3446 = arith.cmpi sge, %sub3A_3443, %ge3A_3445 : vector<16xi32>
    %and3A_3447 = arith.andi %lt3A_3286, %ge3A_3446 : vector<16xi1>
    %lt3A_3448 = arith.constant 512 : i32
    %lt3A_3449 = vector.broadcast %lt3A_3448 : i32 to vector<16xi32>
    %lt3A_3450 = arith.cmpi slt, %sub3A_3443, %lt3A_3449 : vector<16xi32>
    %and3A_3451 = arith.andi %and3A_3447, %lt3A_3450 : vector<16xi1>
    %jit3A_3452 = arith.constant 0 : i32
    %jit3A_3453 = arith.constant 511 : i32
    %max3A_3454 = vector.broadcast %jit3A_3452 : i32 to vector<16xi32>
    %max3A_3455 = arith.maxsi %max3A_3454, %sub3A_3443 : vector<16xi32>
    %min3A_3456 = vector.broadcast %jit3A_3453 : i32 to vector<16xi32>
    %min3A_3457 = arith.minsi %min3A_3456, %max3A_3455 : vector<16xi32>
    tpu.vector_store_idx %arg5[%min3A_3457], %broadcast_in_dim3A_98 masked %and3A_3451 : memref<512xi32, #tpu.memory_space<vmem>>[vector<16xi32>], vector<16xi32>, vector<16xi1>
    %add3A_3458 = arith.constant 9 : i32
    %add3A_3459 = vector.broadcast %add3A_3458 : i32 to vector<16xi32>
    %add3A_3460 = arith.addi %get3A_3279, %add3A_3459 : vector<16xi32>
    %sub3A_3461 = vector.broadcast %mul3A_32 : i32 to vector<16xi32>
    %sub3A_3462 = arith.subi %add3A_3460, %sub3A_3461 : vector<16xi32>
    %ge3A_3463 = arith.constant 0 : i32
    %ge3A_3464 = vector.broadcast %ge3A_3463 : i32 to vector<16xi32>
    %ge3A_3465 = arith.cmpi sge, %sub3A_3462, %ge3A_3464 : vector<16xi32>
    %and3A_3466 = arith.andi %lt3A_3286, %ge3A_3465 : vector<16xi1>
    %lt3A_3467 = arith.constant 512 : i32
    %lt3A_3468 = vector.broadcast %lt3A_3467 : i32 to vector<16xi32>
    %lt3A_3469 = arith.cmpi slt, %sub3A_3462, %lt3A_3468 : vector<16xi32>
    %and3A_3470 = arith.andi %and3A_3466, %lt3A_3469 : vector<16xi1>
    %jit3A_3471 = arith.constant 0 : i32
    %jit3A_3472 = arith.constant 511 : i32
    %max3A_3473 = vector.broadcast %jit3A_3471 : i32 to vector<16xi32>
    %max3A_3474 = arith.maxsi %max3A_3473, %sub3A_3462 : vector<16xi32>
    %min3A_3475 = vector.broadcast %jit3A_3472 : i32 to vector<16xi32>
    %min3A_3476 = arith.minsi %min3A_3475, %max3A_3474 : vector<16xi32>
    tpu.vector_store_idx %arg5[%min3A_3476], %broadcast_in_dim3A_98 masked %and3A_3470 : memref<512xi32, #tpu.memory_space<vmem>>[vector<16xi32>], vector<16xi32>, vector<16xi1>
    "tpu.region"() ({
      %run_scoped3A = tpu.sem_alloc : memref<!tpu.dma_semaphore, #tpu.memory_space<semaphore_mem>>
      %dma_start3A = tpu.memref_slice %arg3[%select_n3A, %mul3A_32] : memref<4x4096xi32, #tpu.memory_space<hbm>> -> memref<1x512xi32, #tpu.memory_space<hbm>>
      %dma_start3A_3477 = tpu.memref_squeeze %dma_start3A : memref<1x512xi32, #tpu.memory_space<hbm>> -> memref<512xi32, #tpu.memory_space<hbm>>
      %dma_start3A_3478 = tpu.memref_slice %arg3[%select_n3A, %mul3A_32] : memref<4x4096xi32, #tpu.memory_space<hbm>> -> memref<1x512xi32, #tpu.memory_space<hbm>>
      %dma_start3A_3479 = tpu.memref_squeeze %dma_start3A_3478 : memref<1x512xi32, #tpu.memory_space<hbm>> -> memref<512xi32, #tpu.memory_space<hbm>>
      tpu.enqueue_dma source(%arg5 : memref<512xi32, #tpu.memory_space<vmem>>) target(%dma_start3A_3479 : memref<512xi32, #tpu.memory_space<hbm>>) target_semaphore(%run_scoped3A : memref<!tpu.dma_semaphore, #tpu.memory_space<semaphore_mem>>)
      %dma_wait3A = tpu.memref_slice %arg3[%select_n3A, %mul3A_32] : memref<4x4096xi32, #tpu.memory_space<hbm>> -> memref<1x512xi32, #tpu.memory_space<hbm>>
      %dma_wait3A_3480 = tpu.memref_squeeze %dma_wait3A : memref<1x512xi32, #tpu.memory_space<hbm>> -> memref<512xi32, #tpu.memory_space<hbm>>
      %dma_wait3A_3481 = tpu.memref_slice %arg3[%select_n3A, %mul3A_32] : memref<4x4096xi32, #tpu.memory_space<hbm>> -> memref<1x512xi32, #tpu.memory_space<hbm>>
      %dma_wait3A_3482 = tpu.memref_squeeze %dma_wait3A_3481 : memref<1x512xi32, #tpu.memory_space<hbm>> -> memref<512xi32, #tpu.memory_space<hbm>>
      tpu.wait_dma2 semaphore(%run_scoped3A : memref<!tpu.dma_semaphore, #tpu.memory_space<semaphore_mem>>) src(%arg5 : memref<512xi32, #tpu.memory_space<vmem>>) dst(%dma_wait3A_3482 : memref<512xi32, #tpu.memory_space<hbm>>)
      tpu.yield
    }) : () -> ()
    return
  }
}

</mosaic_0001>

<sc_bundles>
// kernel: kernel.3.cloned.1.call-start
scs
__scs_entry_jumppad:
0x0: {  	(pc) =	sbr.rel $0x88, $3  }
0x1: {  	(tag) =	ssettag $0x0;
	lr =	simm.s32 $0x1  }
0x2: {  	[smem:$0x3FA0] =	sst lr;
	_ =	strace $0xD0000000  }
0x3: {  	_ = 	snop  }
0x4: {  	_ = 	snop  }
0x5: {  	_ = 	snop  }
0x6: {  	_ = 	snop  }
0x7: {  	_ = 	snop  }
__scs_overlays_trampoline_lowered:
0x8: {  	[smem:$0x3FAF] =	sst s0  }
0x9: {  	[smem:$0x3FB0] =	sst s1  }
0xa: {  	[smem:$0x3FB1] =	sst s2  }
0xb: {  	[smem:$0x3FB2] =	sst s3  }
0xc: {  	[smem:$0x3FB3] =	sst s4  }
0xd: {  	[smem:$0x3FB4] =	sst s5  }
0xe: {  	[smem:$0x3FB5] =	sst s6  }
0xf: {  	[smem:$0x3FB6] =	sst s7  }
0x10: {  	[smem:$0x3FB7] =	sst s8  }
0x11: {  	[smem:$0x3FB8] =	sst s9;
	s0 =	simm.s32 @!p0 $0x0  }
0x12: {  	s1 =	sld [smem:$0x3F9E];
	s0 =	simm.s32 @p0 $0x1  }
0x13: {  	[smem:$0x3FB9] =	sst s0;
	s0 =	simm.s32 @!p1 $0x0  }
0x14: {  	s2 =	sld [smem:$0x3F9D];
	s0 =	simm.s32 @p1 $0x1  }
0x15: {  	[smem:$0x3FBA] =	sst s0;
	s0 =	simm.s32 @!p2 $0x0  }
0x16: {  	s3 =	sld [smem:$0x3FDB];
	s0 =	simm.s32 @p2 $0x1  }
0x17: {  	s4 =	simm.s32 $0x1BF5;
	[smem:$0x3FBC] =	sst s0  }
0x18: {  	s0 =	sld [smem:$0x3F9F];
	_ =	swait.ge [sflag:s4], $0x0  }
0x19: {  	s7 =	sld [smem:$0x3FA0]  }
0x1a: {  	s8 =	sadd.s32 $0xFFFFE003, lr  }
0x1b: {  	s9 =	sadd.s32 $0xFFFFFEF7, lr;
	s5 =	simm.s32 $0xFFFFFFFF;
	p2 =	slt.u32 s8, $0xFFFFF086  }
0x1c: {  	p1 =	slt.u32 s9, $0xF7A;
	s5 =	simm.s32 @!p2 $0x0  }
0x1d: {  	s5 =	simm.s32 @p1 $0x1;
	p0 =	seq.s32 s7, s2  }
0x1e: {  	s7 =	smul.u32 @!p0 $0xF7A, s2;
	p2 =	seq.s32 @!p0 s5, $0x0  }
0x1f: {  	s9 =	smul.u32 $0xF7A, s1;
	s8 =	simm.s32 @!p0 $0x1BF5;
	p2 =	por !p2, p0  }
0x20: {  	[sflag:s8] =	ssyncset.s32 @!p0 $0xFFFFF086;
	s6 =	sadd.s32 @!p0 s3, s7;
	s7 =	simm.s32 @!p0 $0x108  }
0x21: {  	s3 =	sadd.s32 s3, s9;
	s6 =	sadd.s32 @!p0 $0x88, s6;
	s7 =	simm.s32 @p2 $0x1082  }
0x22: {  	[simem:s7], [sflag:s8] =	dma.local @!p0 [hbm:s6], $0xF7A  }
0x23: {  	s9 =	sor.u32 $0xD0000000, s2;
	s6 =	simm.s32 $0x108;
	_ =	swait.ge @!p0 [sflag:s8], $0x0  }
0x24: {  	s3 =	sadd.s32 $0x88, s3;
	s6 =	simm.s32 @!p1 $0x1082;
	[sflag:s4] =	ssyncset.s32 $0xFFFFF086  }
0x25: {  	[simem:s6], [sflag:s4] =	dma.local [hbm:s3], $0xF7A  }
0x26: {  	[smem:$0x3FA0] =	sst s1;
	(tag) =	ssettag s2;
	_ =	strace s9  }
0x27: {  	s1 =	sld [smem:$0x3FB0]  }
0x28: {  	s2 =	sld [smem:$0x3FB1]  }
0x29: {  	s4 =	sld [smem:$0x3FB3]  }
0x2a: {  	p0 =	seq.s32 s5, $0x0;
	s5 =	sld [smem:$0x3FB4]  }
0x2b: {  	s6 =	sld [smem:$0x3FB5]  }
0x2c: {  	s7 =	sld [smem:$0x3FB6]  }
0x2d: {  	s3 =	simm.s32 $0x108;
	s8 =	sld [smem:$0x3FB7]  }
0x2e: {  	s3 =	simm.s32 @!p0 $0x1082;
	s9 =	sld [smem:$0x3FB8]  }
0x2f: {  	lr =	sadd.s32 s0, s3;
	s0 =	sld [smem:$0x3FAF]  }
0x30: {  	s3 =	sld [smem:$0x3FB2]  }
0x31: {  	[smem:$0x3FBB] =	sst s10  }
0x32: {  	s10 =	sld [smem:$0x3FB9];
	_ =	sdelay $0x3  }
0x33: {  	p0 =	seq.s32 s10, $0x1;
	s10 =	sld [smem:$0x3FBB];
	_ =	sdelay $0x3  }
0x34: {  	[smem:$0x3FBB] =	sst s10  }
0x35: {  	s10 =	sld [smem:$0x3FBA];
	_ =	sdelay $0x3  }
0x36: {  	p1 =	seq.s32 s10, $0x1;
	s10 =	sld [smem:$0x3FBB];
	_ =	sdelay $0x3  }
0x37: {  	[smem:$0x3FBB] =	sst s10  }
0x38: {  	s10 =	sld [smem:$0x3FBC]  }
0x39: {  	_ = 	snop;
	(pc) =	sbr.ind lr, $3  }
0x3a: {  	_ = 	snop  }
0x3b: {  	_ = 	snop  }
0x3c: {  	p2 =	seq.s32 s10, $0x1;
	s10 =	sld [smem:$0x3FBB]  }
0x3d: {  	_ =	shalt  }
0x3e: {  	_ =	shalt  }
0x3f: {  	_ =	shalt  }
0x40: {  	_ =	shalt  }
0x41: {  	_ =	shalt  }
0x42: {  	_ =	shalt  }
0x43: {  	_ =	shalt  }
0x44: {  	_ =	shalt  }
0x45: {  	_ =	shalt  }
0x46: {  	_ =	shalt  }
0x47: {  	_ =	shalt  }
0x48: {  	_ =	shalt  }
0x49: {  	_ =	shalt  }
0x4a: {  	_ =	shalt  }
0x4b: {  	_ =	shalt  }
0x4c: {  	_ =	shalt  }
0x4d: {  	_ =	shalt  }
0x4e: {  	_ =	shalt  }
0x4f: {  	_ =	shalt  }
0x50: {  	_ =	shalt  }
0x51: {  	_ =	shalt  }
0x52: {  	_ =	shalt  }
0x53: {  	_ =	shalt  }
0x54: {  	_ =	shalt  }
0x55: {  	_ =	shalt  }
0x56: {  	_ =	shalt  }
0x57: {  	_ =	shalt  }
0x58: {  	_ =	shalt  }
0x59: {  	_ =	shalt  }
0x5a: {  	_ =	shalt  }
0x5b: {  	_ =	shalt  }
0x5c: {  	_ =	shalt  }
0x5d: {  	_ =	shalt  }
0x5e: {  	_ =	shalt  }
0x5f: {  	_ =	shalt  }
0x60: {  	_ =	shalt  }
0x61: {  	_ =	shalt  }
0x62: {  	_ =	shalt  }
0x63: {  	_ =	shalt  }
0x64: {  	_ =	shalt  }
0x65: {  	_ =	shalt  }
0x66: {  	_ =	shalt  }
0x67: {  	_ =	shalt  }
0x68: {  	_ =	shalt  }
0x69: {  	_ =	shalt  }
0x6a: {  	_ =	shalt  }
0x6b: {  	_ =	shalt  }
0x6c: {  	_ =	shalt  }
0x6d: {  	_ =	shalt  }
0x6e: {  	_ =	shalt  }
0x6f: {  	_ =	shalt  }
0x70: {  	_ =	shalt  }
0x71: {  	_ =	shalt  }
0x72: {  	_ =	shalt  }
0x73: {  	_ =	shalt  }
0x74: {  	_ =	shalt  }
0x75: {  	_ =	shalt  }
0x76: {  	_ =	shalt  }
0x77: {  	_ =	shalt  }
0x78: {  	_ =	shalt  }
0x79: {  	_ =	shalt  }
0x7a: {  	_ =	shalt  }
0x7b: {  	_ =	shalt  }
0x7c: {  	_ =	shalt  }
0x7d: {  	_ =	shalt  }
0x7e: {  	_ =	shalt  }
0x7f: {  	_ =	shalt  }
0x80: {  	_ =	shalt  }
0x81: {  	_ =	shalt  }
0x82: {  	_ =	shalt  }
0x83: {  	_ =	shalt  }
0x84: {  	_ =	shalt  }
0x85: {  	_ =	shalt  }
0x86: {  	_ =	shalt  }
0x87: {  	_ =	shalt  }
.Lfunc_end0:
.L_simem_size_0:
called_computation_lowered:
.L_overlay_start_0:
0x88: {  	s2 =	sld [smem:$0x3FD9]  }
0x89: {  	s3 =	sld [smem:$0x3FFE];
	_ =	sdelay $0x1  }
0x8a: {  	s1 =	srdreg.scid  }
0x8b: {  	s0 =	sand.u32 $0x1, s1  }
0x8c: {  	s17 =	sshll.u32 s0, $0xA;
	s2 =	sadd.s32 s3, s2  }
0x8d: {  	s2 =	sadd.s32 s2, s17  }
0x8e: {  	[smem:$0x3FC7] =	sst s2  }
0x8f: {  	_ = 	snop  }
0x90: {  	s2 =	sld [smem:$0x3FD0];
	(tm) =	ssettm $0x1  }
0x91: {  	s18 =	sld [smem:$0x3FFB];
	_ =	sdelay $0x3  }
0x92: {  	_ =	strace s18  }
0x93: {  	s3 =	sld [smem:$0x3FFC];
	_ =	sdelay $0x3  }
0x94: {  	_ =	strace s3  }
0x95: {  	s3 =	sld [smem:$0x3FFD];
	_ =	sdelay $0x3  }
0x96: {  	_ =	strace s3  }
0x97: {  	_ =	strace $0x8FFFFFFF  }
0x98: {  	s19 =	sld [smem:$0x3FDB];
	_ =	sdelay $0x1  }
0x99: {  	s4 =	simm.s32 $_scs_section_size  }
0x9a: {  	s5 =	simm.s32 $_size__tile_overlayer_lowered;
	s6 =	simm.s32 $_tile_overlayer_lowered  }
0x9b: {  	s22 =	simm.s32 $0x1BFF;
	s21 =	sshll.u32 s6, $0x1;
	s3 =	sadd.s32 s4, s19  }
0x9c: {  	s7 =	simm.s32 $0x0;
	s20 =	sshll.u32 s5, $0x1;
	s5 =	sadd.s32 s21, s3  }
0x9d: {  	[timem:s7], [sflag:s22] =	dma.local [hbm:s5], s20  }
0x9e: {  	_ =	swait.ge [sflag:s22], s20  }
0x9f: {  	s4 =	ssub.s32 $0x0, s20;
	[sflag:s22] =	ssyncset.done $0x0  }
0xa0: {  	[sflag:s22] =	ssyncadd.s32 s4;
	_ =	sdelay $0x1  }
0xa1: {  	s23 =	simm.s32 $0x1B8B  }
0xa2: {  	_ =	swait.ge [sflag:s23], $0x1  }
0xa3: {  	[sflag:s23] =	ssyncset.done $0x0  }
0xa4: {  	s25 =	simm.s32 $0x1B8E;
	s24 =	sld [smem:$0x3FFE];
	[sflag:s23] =	ssyncadd.s32 $0xFFFFFFFF  }
0xa5: {  	s26 =	simm.s32 $execute0_lowered;
	[smem:$0x3FD2] =	sst s25  }
0xa6: {  	s5 =	sshll.u32 s26, $0x1;
	_ =	strace $0x80000046;
	[dreg:$0x1] =	wrdreg $0xFFFFFFFF  }
0xa7: {  	s28 =	simm.s32 $_size_execute0_lowered;
	s3 =	sadd.s32 s3, s5;
	[dreg:$0x0] =	wrdreg $0x0  }
0xa8: {  	s5 =	sshll.u32 s28, $0x1;
	[dreg:$0x2] =	wrdreg s3  }
0xa9: {  	[dreg:$0x3] =	wrdreg s5  }
0xaa: {  	[dreg:$0x4] =	wrdreg $0xC0  }
0xab: {  	_ =	task [dreg:s7], $0x5FFFF  }
0xac: {  	[dreg:$0x1] =	wrdreg $0xFFFFFFFF  }
0xad: {  	[dreg:$0x0] =	wrdreg $0x60  }
0xae: {  	[dreg:$0x2] =	wrdreg s2  }
0xaf: {  	[dreg:$0x3] =	wrdreg s24  }
0xb0: {  	[dreg:$0x4] =	wrdreg $0x9  }
0xb1: {  	_ =	task.clear_ibuf [dreg:s7], $0x5FFFF;
	_ =	strace $0x90000046  }
0xb2: {  	s29 =	simm.s32 $0x9;
	_ =	strace $0x80000048  }
0xb3: {  	_ =	swait.ge [sflag:s29], $0x1  }
0xb4: {  	[sflag:s29] =	ssyncadd.s32 $0xFFFFFFFF  }
0xb5: {  	_ =	strace $0x90000048  }
0xb6: {  	_ =	sfence  }
0xb7: {  	s30 =	sld [smem:$0x0];
	_ =	sdelay $0x2  }
0xb8: {  	s31 =	sshll.u32 s1, $0xD;
	s1 =	sshrl.u32 s1, $0x2  }
0xb9: {  	s3 =	sand.u32 $0x4000, s31;
	s1 =	sadd.s32 s1, s30  }
0xba: {  	s0 =	sor.u32 s3, s0;
	s1 =	sshll.u32 s1, $0x11  }
0xbb: {  	s0 =	sor.u32 s1, s0  }
0xbc: {  	s0 =	sadd.s32 $0x8F2B, s0  }
0xbd: {  	[sflag:s0] =	ssyncadd.remote.s32 $0x1  }
0xbe: {  	_ =	sfence.sel $0xFFFF  }
0xbf: {  	[dreg:$0x0] =	wrdreg $0xFFFFFFFF;
	(pc) =	sbr.abs _section_cstart, $3  }
0xc0: {  	[dreg:$0x1] =	wrdreg $0xFFFFFFFF  }
0xc1: {  	_ =	task.clear_ibuf [dreg:s7], $0x2FFFF;
	_ =	strace $0x9FFFFFFF  }
0xc2: {  	(tm) =	ssettm $0x7FFFFFFF  }
0xc3: {  	_ =	shalt  }
tec
execute0_lowered:
.L_overlay_start_1:
0x0: {  	(tag) =	ssettag $0x1  }
0x1: {  	s0 =	stileid.u32  }
0x2: {  	s3 =	rddreg [dreg:$0x0];
	s1 =	srdreg.scid  }
0x3: {  	s4 =	rddreg [dreg:$0x1];
	s9 =	simm.s32 $0x180;
	s2 =	sshll.u32 s0, $0x1  }
0x4: {  	s5 =	sand.u32 $0x1, s1;
	s7 =	sshll.u32 s0, $0x5;
	s2 =	sand.u32 $0x6, s2  }
0x5: {  	s1 =	rddreg [dreg:$0x2];
	s7 =	sand.u32 $0x180, s7;
	s6 =	sor.u32 s5, s2  }
0x6: {  	s2 =	simm.s32 $0x0;
	s5 =	ssub.s32 $0x2, s5;
	s8 =	sshll.u32 s6, $0xB  }
0x7: {  	[smem:$0x7FF] =	sst s2;
	s31 =	sshrl.u32 s5, $0x1;
	s6 =	sshll.u32 s6, $0x9  }
0x8: {  	s8 =	sor.u32 s7, s8;
	_ =	strace $0x80000047;
	s7 =	sshrl.u32 s7, $0x3  }
0x9: {  	s5 =	ssub.s32 s5, s31;
	v0 =	vmov s6;
	s6 =	simm.s32 $0x80;
	s8 =	sshrl.u32 s8, $0x3  }
0xa: {  	s3 =	sadd.s32 s3, s7;
	s5 =	smax.u32 s5, $0x1;
	s4 =	sadd.s32 s8, s4  }
0xb: {  	v1 =	vimm.s32 $0x0;
	v2 =	vimm.s32 $0x1;
	vm0 =	vmmov $0x3ff;
	s7 =	simm.s32 $0x200;
	s8 =	simm.s32 $0x1;
	s4 =	sadd.s32 $0x800, s4  }
.LBB2_1:
0xc: {  	[tilespmem:s2], [sflag:$0x1] =	stream.strided.gather [hbm4b:s3+s6], $0x180, s7, s6, $0x38;
	[tilespmem:$0x380] =	vst v63  }
0xd: {  	_ =	swait.ge [sflag:s8], $0x180  }
0xe: {  	[sflag:s8] =	ssyncset.done $0x0  }
0xf: {  	[sflag:s8] =	ssyncadd.s32 $0xFFFFFE80  }
0x10: {  	[tilespmem:$0x180] =	vst v1  }
0x11: {  	[tilespmem:$0x190] =	vst v1  }
0x12: {  	[tilespmem:$0x1A0] =	vst v1  }
0x13: {  	[tilespmem:$0x1B0] =	vst v1  }
0x14: {  	[tilespmem:$0x1C0] =	vst v1  }
0x15: {  	[tilespmem:$0x1D0] =	vst v1  }
0x16: {  	[tilespmem:$0x1E0] =	vst v1  }
0x17: {  	[tilespmem:$0x1F0] =	vst v1  }
0x18: {  	[tilespmem:$0x200] =	vst v1  }
0x19: {  	[tilespmem:$0x210] =	vst v1  }
0x1a: {  	[tilespmem:$0x220] =	vst v1  }
0x1b: {  	[tilespmem:$0x230] =	vst v1  }
0x1c: {  	[tilespmem:$0x240] =	vst v1  }
0x1d: {  	[tilespmem:$0x250] =	vst v1  }
0x1e: {  	v3 =	vld [tilespmem:$0x0];
	[tilespmem:$0x260] =	vst v1  }
0x1f: {  	[tilespmem:$0x270] =	vst v1  }
0x20: {  	[tilespmem:$0x280] =	vst v1  }
0x21: {  	[tilespmem:$0x290] =	vst v1  }
0x22: {  	[tilespmem:$0x2A0] =	vst v1  }
0x23: {  	[tilespmem:$0x2B0] =	vst v1;
	v3 =	vsub.s32 v3, v0  }
0x24: {  	[tilespmem:$0x2C0] =	vst v1;
	vm1 =	vgt.s32 v3, $0x0;
	v5 =	vadd.s32 $0x1, v3;
	v6 =	vadd.s32 $0x2, v3  }
0x25: {  	[tilespmem:$0x2D0] =	vst v1;
	v7 =	vadd.s32 $0x3, v3;
	v9 =	vadd.s32 $0x4, v3;
	v47 =	vadd.s32 $0x5, v3  }
0x26: {  	[tilespmem:$0x2E0] =	vst v1;
	v10 =	vadd.s32 $0x6, v3;
	v12 =	vadd.s32 $0x7, v3;
	v50 =	vadd.s32 $0x8, v3  }
0x27: {  	[tilespmem:$0x2F0] =	vst v1;
	v4 =	vnsel vm1, $0x0, v3;
	vm1 =	vlt.u32 v3, $0x200;
	vm3 =	vgt.s32 v5, $0x0  }
0x28: {  	[tilespmem:$0x300] =	vst v1;
	vm2 =	vlt.u32 v5, $0x200;
	vm4 =	vgt.s32 v6, $0x0;
	vm11 =	vgt.s32 v7, $0x0  }
0x29: {  	[tilespmem:$0x310] =	vst v1;
	vm12 =	vlt.u32 v7, $0x200;
	vm6 =	vgt.s32 v9, $0x0;
	vm5 =	vlt.u32 v9, $0x200  }
0x2a: {  	[tilespmem:$0x320] =	vst v1;
	vm13 =	vgt.s32 v47, $0x0;
	vm7 =	vlt.u32 v47, $0x200;
	vm14 =	vgt.s32 v10, $0x0  }
0x2b: {  	[tilespmem:$0x330] =	vst v1;
	vm15 =	vlt.u32 v10, $0x200;
	v4 =	vmin.u32 v4, $0x1FF;
	v5 =	vnsel vm3, $0x0, v5  }
0x2c: {  	[tilespmem:$0x340] =	vst v1;
	vm3 =	vlt.u32 v6, $0x200;
	v6 =	vnsel vm4, $0x0, v6;
	v5 =	vmin.u32 v5, $0x1FF  }
0x2d: {  	[tilespmem:$0x350] =	vst v1;
	vm8 =	vgt.s32 v12, $0x0;
	v8 =	vnsel vm11, $0x0, v7;
	v6 =	vmin.u32 v6, $0x1FF  }
0x2e: {  	[tilespmem:$0x360] =	vst v1;
	v3 =	vadd.s32 $0x9, v3;
	v46 =	vnsel vm6, $0x0, v9;
	v45 =	vmin.u32 v8, $0x1FF  }
0x2f: {  	[tilespmem:$0x370] =	vst v1;
	v9 =	vnsel vm13, $0x0, v47;
	v11 =	vnsel vm14, $0x0, v10;
	v8 =	vmin.u32 v46, $0x1FF  }
0x30: {  	v49 =	vnsel vm8, $0x0, v12;
	v9 =	vmin.u32 v9, $0x1FF;
	v48 =	vmin.u32 v11, $0x1FF;
	[tilespmem:v4+s9+$0x0] =	vst.idx.msk vm1, v2  }
0x31: {  	vm1 =	vlt.u32 v12, $0x200;
	v4 =	vmin.u32 v49, $0x1FF;
	[tilespmem:v5+s9+$0x0] =	vst.idx.msk vm2, v2;
	vm2 =	vgt.s32 v50, $0x0  }
0x32: {  	[tilespmem:v6+s9+$0x0] =	vst.idx.msk vm3, v2;
	vm3 =	vlt.u32 v50, $0x200;
	v51 =	vnsel vm2, $0x0, v50;
	vm2 =	vgt.s32 v3, $0x0  }
0x33: {  	vm9 =	vlt.u32 v3, $0x200;
	[tilespmem:v45+s9+$0x0] =	vst.idx.msk vm12, v2;
	v5 =	vmin.u32 v51, $0x1FF;
	v3 =	vnsel vm2, $0x0, v3  }
0x34: {  	[tilespmem:v8+s9+$0x0] =	vst.idx.msk vm5, v2;
	v3 =	vmin.u32 v3, $0x1FF  }
0x35: {  	[tilespmem:v9+s9+$0x0] =	vst.idx.msk vm7, v2  }
0x36: {  	[tilespmem:v48+s9+$0x0] =	vst.idx.msk vm15, v2  }
0x37: {  	[tilespmem:v4+s9+$0x0] =	vst.idx.msk vm1, v2  }
0x38: {  	[tilespmem:v5+s9+$0x0] =	vst.idx.msk vm3, v2  }
0x39: {  	[tilespmem:v3+s9+$0x0] =	vst.idx.msk vm9, v2  }
0x3a: {  	v3 =	vld [tilespmem:$0x10];
	_ =	sdelay $0x4  }
0x3b: {  	v3 =	vsub.s32 v3, v0  }
0x3c: {  	vm1 =	vgt.s32 v3, $0x0;
	v53 =	vadd.s32 $0x1, v3;
	vm2 =	vlt.u32 v3, $0x200  }
0x3d: {  	v54 =	vadd.s32 $0x2, v3;
	v55 =	vadd.s32 $0x3, v3;
	v57 =	vadd.s32 $0x4, v3  }
0x3e: {  	v60 =	vadd.s32 $0x5, v3;
	v61 =	vadd.s32 $0x6, v3;
	v63 =	vadd.s32 $0x7, v3  }
0x3f: {  	v18 =	vadd.s32 $0x8, v3;
	v52 =	vnsel vm1, $0x0, v3;
	vm3 =	vgt.s32 v53, $0x0  }
0x40: {  	vm1 =	vlt.u32 v53, $0x200;
	vm4 =	vlt.u32 v54, $0x200;
	vm10 =	vgt.s32 v57, $0x0  }
0x41: {  	vm6 =	vlt.u32 v57, $0x200;
	vm11 =	vgt.s32 v60, $0x0;
	vm12 =	vlt.u32 v60, $0x200  }
0x42: {  	vm13 =	vgt.s32 v61, $0x0;
	vm14 =	vlt.u32 v61, $0x200;
	vm15 =	vgt.s32 v63, $0x0  }
0x43: {  	v4 =	vmin.u32 v52, $0x1FF;
	v5 =	vnsel vm3, $0x0, v53;
	vm3 =	vgt.s32 v54, $0x0  }
0x44: {  	v5 =	vmin.u32 v5, $0x1FF;
	v6 =	vnsel vm3, $0x0, v54;
	vm3 =	vgt.s32 v55, $0x0  }
0x45: {  	v6 =	vmin.u32 v6, $0x1FF;
	v56 =	vnsel vm3, $0x0, v55;
	vm3 =	vlt.u32 v55, $0x200  }
0x46: {  	v3 =	vadd.s32 $0x9, v3;
	v59 =	vnsel vm10, $0x0, v57;
	v58 =	vmin.u32 v56, $0x1FF  }
0x47: {  	vm9 =	vlt.u32 v18, $0x200;
	v9 =	vnsel vm11, $0x0, v60;
	v8 =	vmin.u32 v59, $0x1FF  }
0x48: {  	v62 =	vnsel vm13, $0x0, v61;
	v17 =	vnsel vm15, $0x0, v63;
	v9 =	vmin.u32 v9, $0x1FF;
	[tilespmem:v4+s9+$0x0] =	vst.idx.msk vm2, v2  }
0x49: {  	v16 =	vmin.u32 v62, $0x1FF;
	vm2 =	vlt.u32 v63, $0x200;
	[tilespmem:v5+s9+$0x0] =	vst.idx.msk vm1, v2;
	vm1 =	vgt.s32 v18, $0x0  }
0x4a: {  	v4 =	vmin.u32 v17, $0x1FF;
	[tilespmem:v6+s9+$0x0] =	vst.idx.msk vm4, v2;
	v19 =	vnsel vm1, $0x0, v18;
	vm1 =	vgt.s32 v3, $0x0  }
0x4b: {  	[tilespmem:v58+s9+$0x0] =	vst.idx.msk vm3, v2;
	v5 =	vmin.u32 v19, $0x1FF;
	vm3 =	vlt.u32 v3, $0x200;
	v3 =	vnsel vm1, $0x0, v3  }
0x4c: {  	[tilespmem:v8+s9+$0x0] =	vst.idx.msk vm6, v2;
	v3 =	vmin.u32 v3, $0x1FF  }
0x4d: {  	[tilespmem:v9+s9+$0x0] =	vst.idx.msk vm12, v2  }
0x4e: {  	[tilespmem:v16+s9+$0x0] =	vst.idx.msk vm14, v2  }
0x4f: {  	[tilespmem:v4+s9+$0x0] =	vst.idx.msk vm2, v2  }
0x50: {  	[tilespmem:v5+s9+$0x0] =	vst.idx.msk vm9, v2  }
0x51: {  	[tilespmem:v3+s9+$0x0] =	vst.idx.msk vm3, v2  }
0x52: {  	v3 =	vld [tilespmem:$0x20];
	_ =	sdelay $0x4  }
0x53: {  	v3 =	vsub.s32 v3, v0  }
0x54: {  	vm1 =	vgt.s32 v3, $0x0;
	v21 =	vadd.s32 $0x1, v3;
	vm2 =	vlt.u32 v3, $0x200  }
0x55: {  	v22 =	vadd.s32 $0x2, v3;
	v23 =	vadd.s32 $0x3, v3;
	v25 =	vadd.s32 $0x4, v3  }
0x56: {  	v28 =	vadd.s32 $0x5, v3;
	v29 =	vadd.s32 $0x6, v3;
	v31 =	vadd.s32 $0x7, v3  }
0x57: {  	v34 =	vadd.s32 $0x8, v3;
	v20 =	vnsel vm1, $0x0, v3;
	vm3 =	vgt.s32 v21, $0x0  }
0x58: {  	vm1 =	vlt.u32 v21, $0x200;
	vm4 =	vlt.u32 v22, $0x200;
	vm10 =	vgt.s32 v25, $0x0  }
0x59: {  	vm6 =	vlt.u32 v25, $0x200;
	vm11 =	vgt.s32 v28, $0x0;
	vm12 =	vlt.u32 v28, $0x200  }
0x5a: {  	vm13 =	vgt.s32 v29, $0x0;
	vm14 =	vlt.u32 v29, $0x200;
	vm15 =	vgt.s32 v31, $0x0  }
0x5b: {  	v4 =	vmin.u32 v20, $0x1FF;
	v5 =	vnsel vm3, $0x0, v21;
	vm3 =	vgt.s32 v22, $0x0  }
0x5c: {  	v5 =	vmin.u32 v5, $0x1FF;
	v6 =	vnsel vm3, $0x0, v22;
	vm3 =	vgt.s32 v23, $0x0  }
0x5d: {  	v6 =	vmin.u32 v6, $0x1FF;
	v24 =	vnsel vm3, $0x0, v23;
	vm3 =	vlt.u32 v23, $0x200  }
0x5e: {  	v3 =	vadd.s32 $0x9, v3;
	v27 =	vnsel vm10, $0x0, v25;
	v26 =	vmin.u32 v24, $0x1FF  }
0x5f: {  	vm9 =	vlt.u32 v34, $0x200;
	v9 =	vnsel vm11, $0x0, v28;
	v8 =	vmin.u32 v27, $0x1FF  }
0x60: {  	v30 =	vnsel vm13, $0x0, v29;
	v33 =	vnsel vm15, $0x0, v31;
	v9 =	vmin.u32 v9, $0x1FF;
	[tilespmem:v4+s9+$0x0] =	vst.idx.msk vm2, v2  }
0x61: {  	v32 =	vmin.u32 v30, $0x1FF;
	vm2 =	vlt.u32 v31, $0x200;
	[tilespmem:v5+s9+$0x0] =	vst.idx.msk vm1, v2;
	vm1 =	vgt.s32 v34, $0x0  }
0x62: {  	v4 =	vmin.u32 v33, $0x1FF;
	[tilespmem:v6+s9+$0x0] =	vst.idx.msk vm4, v2;
	v35 =	vnsel vm1, $0x0, v34;
	vm1 =	vgt.s32 v3, $0x0  }
0x63: {  	[tilespmem:v26+s9+$0x0] =	vst.idx.msk vm3, v2;
	v5 =	vmin.u32 v35, $0x1FF;
	vm3 =	vlt.u32 v3, $0x200;
	v3 =	vnsel vm1, $0x0, v3  }
0x64: {  	[tilespmem:v8+s9+$0x0] =	vst.idx.msk vm6, v2;
	v3 =	vmin.u32 v3, $0x1FF  }
0x65: {  	[tilespmem:v9+s9+$0x0] =	vst.idx.msk vm12, v2  }
0x66: {  	[tilespmem:v32+s9+$0x0] =	vst.idx.msk vm14, v2  }
0x67: {  	[tilespmem:v4+s9+$0x0] =	vst.idx.msk vm2, v2  }
0x68: {  	[tilespmem:v5+s9+$0x0] =	vst.idx.msk vm9, v2  }
0x69: {  	[tilespmem:v3+s9+$0x0] =	vst.idx.msk vm3, v2  }
0x6a: {  	v3 =	vld [tilespmem:$0x30];
	_ =	sdelay $0x4  }
0x6b: {  	v3 =	vsub.s32 v3, v0  }
0x6c: {  	vm1 =	vgt.s32 v3, $0x0;
	v37 =	vadd.s32 $0x1, v3;
	vm2 =	vlt.u32 v3, $0x200  }
0x6d: {  	v38 =	vadd.s32 $0x2, v3;
	v39 =	vadd.s32 $0x3, v3;
	v41 =	vadd.s32 $0x4, v3  }
0x6e: {  	v44 =	vadd.s32 $0x5, v3;
	v45 =	vadd.s32 $0x6, v3;
	v47 =	vadd.s32 $0x7, v3  }
0x6f: {  	v50 =	vadd.s32 $0x8, v3;
	v36 =	vnsel vm1, $0x0, v3;
	vm3 =	vgt.s32 v37, $0x0  }
0x70: {  	vm1 =	vlt.u32 v37, $0x200;
	vm4 =	vlt.u32 v38, $0x200;
	vm10 =	vgt.s32 v41, $0x0  }
0x71: {  	vm6 =	vlt.u32 v41, $0x200;
	vm11 =	vgt.s32 v44, $0x0;
	vm12 =	vlt.u32 v44, $0x200  }
0x72: {  	vm13 =	vgt.s32 v45, $0x0;
	vm14 =	vlt.u32 v45, $0x200;
	vm15 =	vgt.s32 v47, $0x0  }
0x73: {  	v4 =	vmin.u32 v36, $0x1FF;
	v5 =	vnsel vm3, $0x0, v37;
	vm3 =	vgt.s32 v38, $0x0  }
0x74: {  	v5 =	vmin.u32 v5, $0x1FF;
	v6 =	vnsel vm3, $0x0, v38;
	vm3 =	vgt.s32 v39, $0x0  }
0x75: {  	v6 =	vmin.u32 v6, $0x1FF;
	v40 =	vnsel vm3, $0x0, v39;
	vm3 =	vlt.u32 v39, $0x200  }
0x76: {  	v3 =	vadd.s32 $0x9, v3;
	v43 =	vnsel vm10, $0x0, v41;
	v42 =	vmin.u32 v40, $0x1FF  }
0x77: {  	vm9 =	vlt.u32 v50, $0x200;
	v9 =	vnsel vm11, $0x0, v44;
	v8 =	vmin.u32 v43, $0x1FF  }
0x78: {  	v46 =	vnsel vm13, $0x0, v45;
	v49 =	vnsel vm15, $0x0, v47;
	v9 =	vmin.u32 v9, $0x1FF;
	[tilespmem:v4+s9+$0x0] =	vst.idx.msk vm2, v2  }
0x79: {  	v48 =	vmin.u32 v46, $0x1FF;
	vm2 =	vlt.u32 v47, $0x200;
	[tilespmem:v5+s9+$0x0] =	vst.idx.msk vm1, v2;
	vm1 =	vgt.s32 v50, $0x0  }
0x7a: {  	v4 =	vmin.u32 v49, $0x1FF;
	[tilespmem:v6+s9+$0x0] =	vst.idx.msk vm4, v2;
	v51 =	vnsel vm1, $0x0, v50;
	vm1 =	vgt.s32 v3, $0x0  }
0x7b: {  	[tilespmem:v42+s9+$0x0] =	vst.idx.msk vm3, v2;
	v5 =	vmin.u32 v51, $0x1FF;
	vm3 =	vlt.u32 v3, $0x200;
	v3 =	vnsel vm1, $0x0, v3  }
0x7c: {  	[tilespmem:v8+s9+$0x0] =	vst.idx.msk vm6, v2;
	v3 =	vmin.u32 v3, $0x1FF  }
0x7d: {  	[tilespmem:v9+s9+$0x0] =	vst.idx.msk vm12, v2  }
0x7e: {  	[tilespmem:v48+s9+$0x0] =	vst.idx.msk vm14, v2  }
0x7f: {  	[tilespmem:v4+s9+$0x0] =	vst.idx.msk vm2, v2  }
0x80: {  	[tilespmem:v5+s9+$0x0] =	vst.idx.msk vm9, v2  }
0x81: {  	[tilespmem:v3+s9+$0x0] =	vst.idx.msk vm3, v2  }
0x82: {  	v3 =	vld [tilespmem:$0x40];
	_ =	sdelay $0x4  }
0x83: {  	v3 =	vsub.s32 v3, v0  }
0x84: {  	vm1 =	vgt.s32 v3, $0x0;
	v53 =	vadd.s32 $0x1, v3;
	vm2 =	vlt.u32 v3, $0x200  }
0x85: {  	v54 =	vadd.s32 $0x2, v3;
	v55 =	vadd.s32 $0x3, v3;
	v57 =	vadd.s32 $0x4, v3  }
0x86: {  	v60 =	vadd.s32 $0x5, v3;
	v61 =	vadd.s32 $0x6, v3;
	v63 =	vadd.s32 $0x7, v3  }
0x87: {  	v18 =	vadd.s32 $0x8, v3;
	v52 =	vnsel vm1, $0x0, v3;
	vm3 =	vgt.s32 v53, $0x0  }
0x88: {  	vm1 =	vlt.u32 v53, $0x200;
	vm4 =	vlt.u32 v54, $0x200;
	vm10 =	vgt.s32 v57, $0x0  }
0x89: {  	vm6 =	vlt.u32 v57, $0x200;
	vm11 =	vgt.s32 v60, $0x0;
	vm12 =	vlt.u32 v60, $0x200  }
0x8a: {  	vm13 =	vgt.s32 v61, $0x0;
	vm14 =	vlt.u32 v61, $0x200;
	vm15 =	vgt.s32 v63, $0x0  }
0x8b: {  	v4 =	vmin.u32 v52, $0x1FF;
	v5 =	vnsel vm3, $0x0, v53;
	vm3 =	vgt.s32 v54, $0x0  }
0x8c: {  	v5 =	vmin.u32 v5, $0x1FF;
	v6 =	vnsel vm3, $0x0, v54;
	vm3 =	vgt.s32 v55, $0x0  }
0x8d: {  	v6 =	vmin.u32 v6, $0x1FF;
	v56 =	vnsel vm3, $0x0, v55;
	vm3 =	vlt.u32 v55, $0x200  }
0x8e: {  	v3 =	vadd.s32 $0x9, v3;
	v59 =	vnsel vm10, $0x0, v57;
	v58 =	vmin.u32 v56, $0x1FF  }
0x8f: {  	vm9 =	vlt.u32 v18, $0x200;
	v9 =	vnsel vm11, $0x0, v60;
	v8 =	vmin.u32 v59, $0x1FF  }
0x90: {  	v62 =	vnsel vm13, $0x0, v61;
	v17 =	vnsel vm15, $0x0, v63;
	v9 =	vmin.u32 v9, $0x1FF;
	[tilespmem:v4+s9+$0x0] =	vst.idx.msk vm2, v2  }
0x91: {  	v16 =	vmin.u32 v62, $0x1FF;
	vm2 =	vlt.u32 v63, $0x200;
	[tilespmem:v5+s9+$0x0] =	vst.idx.msk vm1, v2;
	vm1 =	vgt.s32 v18, $0x0  }
0x92: {  	v4 =	vmin.u32 v17, $0x1FF;
	[tilespmem:v6+s9+$0x0] =	vst.idx.msk vm4, v2;
	v19 =	vnsel vm1, $0x0, v18;
	vm1 =	vgt.s32 v3, $0x0  }
0x93: {  	[tilespmem:v58+s9+$0x0] =	vst.idx.msk vm3, v2;
	v5 =	vmin.u32 v19, $0x1FF;
	vm3 =	vlt.u32 v3, $0x200;
	v3 =	vnsel vm1, $0x0, v3  }
0x94: {  	[tilespmem:v8+s9+$0x0] =	vst.idx.msk vm6, v2;
	v3 =	vmin.u32 v3, $0x1FF  }
0x95: {  	[tilespmem:v9+s9+$0x0] =	vst.idx.msk vm12, v2  }
0x96: {  	[tilespmem:v16+s9+$0x0] =	vst.idx.msk vm14, v2  }
0x97: {  	[tilespmem:v4+s9+$0x0] =	vst.idx.msk vm2, v2  }
0x98: {  	[tilespmem:v5+s9+$0x0] =	vst.idx.msk vm9, v2  }
0x99: {  	[tilespmem:v3+s9+$0x0] =	vst.idx.msk vm3, v2  }
0x9a: {  	v3 =	vld [tilespmem:$0x50];
	_ =	sdelay $0x4  }
0x9b: {  	v3 =	vsub.s32 v3, v0  }
0x9c: {  	vm1 =	vgt.s32 v3, $0x0;
	v21 =	vadd.s32 $0x1, v3;
	vm2 =	vlt.u32 v3, $0x200  }
0x9d: {  	v22 =	vadd.s32 $0x2, v3;
	v23 =	vadd.s32 $0x3, v3;
	v25 =	vadd.s32 $0x4, v3  }
0x9e: {  	v28 =	vadd.s32 $0x5, v3;
	v29 =	vadd.s32 $0x6, v3;
	v31 =	vadd.s32 $0x7, v3  }
0x9f: {  	v34 =	vadd.s32 $0x8, v3;
	v20 =	vnsel vm1, $0x0, v3;
	vm3 =	vgt.s32 v21, $0x0  }
0xa0: {  	vm1 =	vlt.u32 v21, $0x200;
	vm4 =	vlt.u32 v22, $0x200;
	vm10 =	vgt.s32 v25, $0x0  }
0xa1: {  	vm6 =	vlt.u32 v25, $0x200;
	vm11 =	vgt.s32 v28, $0x0;
	vm12 =	vlt.u32 v28, $0x200  }
0xa2: {  	vm13 =	vgt.s32 v29, $0x0;
	vm14 =	vlt.u32 v29, $0x200;
	vm15 =	vgt.s32 v31, $0x0  }
0xa3: {  	v4 =	vmin.u32 v20, $0x1FF;
	v5 =	vnsel vm3, $0x0, v21;
	vm3 =	vgt.s32 v22, $0x0  }
0xa4: {  	v5 =	vmin.u32 v5, $0x1FF;
	v6 =	vnsel vm3, $0x0, v22;
	vm3 =	vgt.s32 v23, $0x0  }
0xa5: {  	v6 =	vmin.u32 v6, $0x1FF;
	v24 =	vnsel vm3, $0x0, v23;
	vm3 =	vlt.u32 v23, $0x200  }
0xa6: {  	v3 =	vadd.s32 $0x9, v3;
	v27 =	vnsel vm10, $0x0, v25;
	v26 =	vmin.u32 v24, $0x1FF  }
0xa7: {  	vm9 =	vlt.u32 v34, $0x200;
	v9 =	vnsel vm11, $0x0, v28;
	v8 =	vmin.u32 v27, $0x1FF  }
0xa8: {  	v30 =	vnsel vm13, $0x0, v29;
	v33 =	vnsel vm15, $0x0, v31;
	v9 =	vmin.u32 v9, $0x1FF;
	[tilespmem:v4+s9+$0x0] =	vst.idx.msk vm2, v2  }
0xa9: {  	v32 =	vmin.u32 v30, $0x1FF;
	vm2 =	vlt.u32 v31, $0x200;
	[tilespmem:v5+s9+$0x0] =	vst.idx.msk vm1, v2;
	vm1 =	vgt.s32 v34, $0x0  }
0xaa: {  	v4 =	vmin.u32 v33, $0x1FF;
	[tilespmem:v6+s9+$0x0] =	vst.idx.msk vm4, v2;
	v35 =	vnsel vm1, $0x0, v34;
	vm1 =	vgt.s32 v3, $0x0  }
0xab: {  	[tilespmem:v26+s9+$0x0] =	vst.idx.msk vm3, v2;
	v5 =	vmin.u32 v35, $0x1FF;
	vm3 =	vlt.u32 v3, $0x200;
	v3 =	vnsel vm1, $0x0, v3  }
0xac: {  	[tilespmem:v8+s9+$0x0] =	vst.idx.msk vm6, v2;
	v3 =	vmin.u32 v3, $0x1FF  }
0xad: {  	[tilespmem:v9+s9+$0x0] =	vst.idx.msk vm12, v2  }
0xae: {  	[tilespmem:v32+s9+$0x0] =	vst.idx.msk vm14, v2  }
0xaf: {  	[tilespmem:v4+s9+$0x0] =	vst.idx.msk vm2, v2  }
0xb0: {  	[tilespmem:v5+s9+$0x0] =	vst.idx.msk vm9, v2  }
0xb1: {  	[tilespmem:v3+s9+$0x0] =	vst.idx.msk vm3, v2  }
0xb2: {  	v3 =	vld [tilespmem:$0x60];
	_ =	sdelay $0x4  }
0xb3: {  	v3 =	vsub.s32 v3, v0  }
0xb4: {  	vm1 =	vgt.s32 v3, $0x0;
	v37 =	vadd.s32 $0x1, v3;
	vm2 =	vlt.u32 v3, $0x200  }
0xb5: {  	v38 =	vadd.s32 $0x2, v3;
	v39 =	vadd.s32 $0x3, v3;
	v41 =	vadd.s32 $0x4, v3  }
0xb6: {  	v44 =	vadd.s32 $0x5, v3;
	v45 =	vadd.s32 $0x6, v3;
	v47 =	vadd.s32 $0x7, v3  }
0xb7: {  	v50 =	vadd.s32 $0x8, v3;
	v36 =	vnsel vm1, $0x0, v3;
	vm3 =	vgt.s32 v37, $0x0  }
0xb8: {  	vm1 =	vlt.u32 v37, $0x200;
	vm4 =	vlt.u32 v38, $0x200;
	vm10 =	vgt.s32 v41, $0x0  }
0xb9: {  	vm6 =	vlt.u32 v41, $0x200;
	vm11 =	vgt.s32 v44, $0x0;
	vm12 =	vlt.u32 v44, $0x200  }
0xba: {  	vm13 =	vgt.s32 v45, $0x0;
	vm14 =	vlt.u32 v45, $0x200;
	vm15 =	vgt.s32 v47, $0x0  }
0xbb: {  	v4 =	vmin.u32 v36, $0x1FF;
	v5 =	vnsel vm3, $0x0, v37;
	vm3 =	vgt.s32 v38, $0x0  }
0xbc: {  	v5 =	vmin.u32 v5, $0x1FF;
	v6 =	vnsel vm3, $0x0, v38;
	vm3 =	vgt.s32 v39, $0x0  }
0xbd: {  	v6 =	vmin.u32 v6, $0x1FF;
	v40 =	vnsel vm3, $0x0, v39;
	vm3 =	vlt.u32 v39, $0x200  }
0xbe: {  	v3 =	vadd.s32 $0x9, v3;
	v43 =	vnsel vm10, $0x0, v41;
	v42 =	vmin.u32 v40, $0x1FF  }
0xbf: {  	vm9 =	vlt.u32 v50, $0x200;
	v9 =	vnsel vm11, $0x0, v44;
	v8 =	vmin.u32 v43, $0x1FF  }
0xc0: {  	v46 =	vnsel vm13, $0x0, v45;
	v49 =	vnsel vm15, $0x0, v47;
	v9 =	vmin.u32 v9, $0x1FF;
	[tilespmem:v4+s9+$0x0] =	vst.idx.msk vm2, v2  }
0xc1: {  	v48 =	vmin.u32 v46, $0x1FF;
	vm2 =	vlt.u32 v47, $0x200;
	[tilespmem:v5+s9+$0x0] =	vst.idx.msk vm1, v2;
	vm1 =	vgt.s32 v50, $0x0  }
0xc2: {  	v4 =	vmin.u32 v49, $0x1FF;
	[tilespmem:v6+s9+$0x0] =	vst.idx.msk vm4, v2;
	v51 =	vnsel vm1, $0x0, v50;
	vm1 =	vgt.s32 v3, $0x0  }
0xc3: {  	[tilespmem:v42+s9+$0x0] =	vst.idx.msk vm3, v2;
	v5 =	vmin.u32 v51, $0x1FF;
	vm3 =	vlt.u32 v3, $0x200;
	v3 =	vnsel vm1, $0x0, v3  }
0xc4: {  	[tilespmem:v8+s9+$0x0] =	vst.idx.msk vm6, v2;
	v3 =	vmin.u32 v3, $0x1FF  }
0xc5: {  	[tilespmem:v9+s9+$0x0] =	vst.idx.msk vm12, v2  }
0xc6: {  	[tilespmem:v48+s9+$0x0] =	vst.idx.msk vm14, v2  }
0xc7: {  	[tilespmem:v4+s9+$0x0] =	vst.idx.msk vm2, v2  }
0xc8: {  	[tilespmem:v5+s9+$0x0] =	vst.idx.msk vm9, v2  }
0xc9: {  	[tilespmem:v3+s9+$0x0] =	vst.idx.msk vm3, v2  }
0xca: {  	v3 =	vld [tilespmem:$0x70];
	_ =	sdelay $0x4  }
0xcb: {  	v3 =	vsub.s32 v3, v0  }
0xcc: {  	vm1 =	vgt.s32 v3, $0x0;
	v53 =	vadd.s32 $0x1, v3;
	vm2 =	vlt.u32 v3, $0x200  }
0xcd: {  	v54 =	vadd.s32 $0x2, v3;
	v55 =	vadd.s32 $0x3, v3;
	v57 =	vadd.s32 $0x4, v3  }
0xce: {  	v60 =	vadd.s32 $0x5, v3;
	v61 =	vadd.s32 $0x6, v3;
	v63 =	vadd.s32 $0x7, v3  }
0xcf: {  	v18 =	vadd.s32 $0x8, v3;
	v52 =	vnsel vm1, $0x0, v3;
	vm3 =	vgt.s32 v53, $0x0  }
0xd0: {  	vm1 =	vlt.u32 v53, $0x200;
	vm4 =	vlt.u32 v54, $0x200;
	vm10 =	vgt.s32 v57, $0x0  }
0xd1: {  	vm6 =	vlt.u32 v57, $0x200;
	vm11 =	vgt.s32 v60, $0x0;
	vm12 =	vlt.u32 v60, $0x200  }
0xd2: {  	vm13 =	vgt.s32 v61, $0x0;
	vm14 =	vlt.u32 v61, $0x200;
	vm15 =	vgt.s32 v63, $0x0  }
0xd3: {  	v4 =	vmin.u32 v52, $0x1FF;
	v5 =	vnsel vm3, $0x0, v53;
	vm3 =	vgt.s32 v54, $0x0  }
0xd4: {  	v5 =	vmin.u32 v5, $0x1FF;
	v6 =	vnsel vm3, $0x0, v54;
	vm3 =	vgt.s32 v55, $0x0  }
0xd5: {  	v6 =	vmin.u32 v6, $0x1FF;
	v56 =	vnsel vm3, $0x0, v55;
	vm3 =	vlt.u32 v55, $0x200  }
0xd6: {  	v3 =	vadd.s32 $0x9, v3;
	v59 =	vnsel vm10, $0x0, v57;
	v58 =	vmin.u32 v56, $0x1FF  }
0xd7: {  	vm9 =	vlt.u32 v18, $0x200;
	v9 =	vnsel vm11, $0x0, v60;
	v8 =	vmin.u32 v59, $0x1FF  }
0xd8: {  	v62 =	vnsel vm13, $0x0, v61;
	v17 =	vnsel vm15, $0x0, v63;
	v9 =	vmin.u32 v9, $0x1FF;
	[tilespmem:v4+s9+$0x0] =	vst.idx.msk vm2, v2  }
0xd9: {  	v16 =	vmin.u32 v62, $0x1FF;
	vm2 =	vlt.u32 v63, $0x200;
	[tilespmem:v5+s9+$0x0] =	vst.idx.msk vm1, v2;
	vm1 =	vgt.s32 v18, $0x0  }
0xda: {  	v4 =	vmin.u32 v17, $0x1FF;
	[tilespmem:v6+s9+$0x0] =	vst.idx.msk vm4, v2;
	v19 =	vnsel vm1, $0x0, v18;
	vm1 =	vgt.s32 v3, $0x0  }
0xdb: {  	[tilespmem:v58+s9+$0x0] =	vst.idx.msk vm3, v2;
	v5 =	vmin.u32 v19, $0x1FF;
	vm3 =	vlt.u32 v3, $0x200;
	v3 =	vnsel vm1, $0x0, v3  }
0xdc: {  	[tilespmem:v8+s9+$0x0] =	vst.idx.msk vm6, v2;
	v3 =	vmin.u32 v3, $0x1FF  }
0xdd: {  	[tilespmem:v9+s9+$0x0] =	vst.idx.msk vm12, v2  }
0xde: {  	[tilespmem:v16+s9+$0x0] =	vst.idx.msk vm14, v2  }
0xdf: {  	[tilespmem:v4+s9+$0x0] =	vst.idx.msk vm2, v2  }
0xe0: {  	[tilespmem:v5+s9+$0x0] =	vst.idx.msk vm9, v2  }
0xe1: {  	[tilespmem:v3+s9+$0x0] =	vst.idx.msk vm3, v2  }
0xe2: {  	v3 =	vld [tilespmem:$0x80];
	_ =	sdelay $0x4  }
0xe3: {  	v3 =	vsub.s32 v3, v0  }
0xe4: {  	vm1 =	vgt.s32 v3, $0x0;
	v21 =	vadd.s32 $0x1, v3;
	vm2 =	vlt.u32 v3, $0x200  }
0xe5: {  	v22 =	vadd.s32 $0x2, v3;
	v23 =	vadd.s32 $0x3, v3;
	v25 =	vadd.s32 $0x4, v3  }
0xe6: {  	v28 =	vadd.s32 $0x5, v3;
	v29 =	vadd.s32 $0x6, v3;
	v31 =	vadd.s32 $0x7, v3  }
0xe7: {  	v34 =	vadd.s32 $0x8, v3;
	v20 =	vnsel vm1, $0x0, v3;
	vm3 =	vgt.s32 v21, $0x0  }
0xe8: {  	vm1 =	vlt.u32 v21, $0x200;
	vm4 =	vlt.u32 v22, $0x200;
	vm10 =	vgt.s32 v25, $0x0  }
0xe9: {  	vm6 =	vlt.u32 v25, $0x200;
	vm11 =	vgt.s32 v28, $0x0;
	vm12 =	vlt.u32 v28, $0x200  }
0xea: {  	vm13 =	vgt.s32 v29, $0x0;
	vm14 =	vlt.u32 v29, $0x200;
	vm15 =	vgt.s32 v31, $0x0  }
0xeb: {  	v4 =	vmin.u32 v20, $0x1FF;
	v5 =	vnsel vm3, $0x0, v21;
	vm3 =	vgt.s32 v22, $0x0  }
0xec: {  	v5 =	vmin.u32 v5, $0x1FF;
	v6 =	vnsel vm3, $0x0, v22;
	vm3 =	vgt.s32 v23, $0x0  }
0xed: {  	v6 =	vmin.u32 v6, $0x1FF;
	v24 =	vnsel vm3, $0x0, v23;
	vm3 =	vlt.u32 v23, $0x200  }
0xee: {  	v3 =	vadd.s32 $0x9, v3;
	v27 =	vnsel vm10, $0x0, v25;
	v26 =	vmin.u32 v24, $0x1FF  }
0xef: {  	vm9 =	vlt.u32 v34, $0x200;
	v9 =	vnsel vm11, $0x0, v28;
	v8 =	vmin.u32 v27, $0x1FF  }
0xf0: {  	v30 =	vnsel vm13, $0x0, v29;
	v33 =	vnsel vm15, $0x0, v31;
	v9 =	vmin.u32 v9, $0x1FF;
	[tilespmem:v4+s9+$0x0] =	vst.idx.msk vm2, v2  }
0xf1: {  	v32 =	vmin.u32 v30, $0x1FF;
	vm2 =	vlt.u32 v31, $0x200;
	[tilespmem:v5+s9+$0x0] =	vst.idx.msk vm1, v2;
	vm1 =	vgt.s32 v34, $0x0  }
0xf2: {  	v4 =	vmin.u32 v33, $0x1FF;
	[tilespmem:v6+s9+$0x0] =	vst.idx.msk vm4, v2;
	v35 =	vnsel vm1, $0x0, v34;
	vm1 =	vgt.s32 v3, $0x0  }
0xf3: {  	[tilespmem:v26+s9+$0x0] =	vst.idx.msk vm3, v2;
	v5 =	vmin.u32 v35, $0x1FF;
	vm3 =	vlt.u32 v3, $0x200;
	v3 =	vnsel vm1, $0x0, v3  }
0xf4: {  	[tilespmem:v8+s9+$0x0] =	vst.idx.msk vm6, v2;
	v3 =	vmin.u32 v3, $0x1FF  }
0xf5: {  	[tilespmem:v9+s9+$0x0] =	vst.idx.msk vm12, v2  }
0xf6: {  	[tilespmem:v32+s9+$0x0] =	vst.idx.msk vm14, v2  }
0xf7: {  	[tilespmem:v4+s9+$0x0] =	vst.idx.msk vm2, v2  }
0xf8: {  	[tilespmem:v5+s9+$0x0] =	vst.idx.msk vm9, v2  }
0xf9: {  	[tilespmem:v3+s9+$0x0] =	vst.idx.msk vm3, v2  }
0xfa: {  	v3 =	vld [tilespmem:$0x90];
	_ =	sdelay $0x4  }
0xfb: {  	v3 =	vsub.s32 v3, v0  }
0xfc: {  	vm1 =	vgt.s32 v3, $0x0;
	v37 =	vadd.s32 $0x1, v3;
	vm2 =	vlt.u32 v3, $0x200  }
0xfd: {  	v38 =	vadd.s32 $0x2, v3;
	v39 =	vadd.s32 $0x3, v3;
	v41 =	vadd.s32 $0x4, v3  }
0xfe: {  	v44 =	vadd.s32 $0x5, v3;
	v45 =	vadd.s32 $0x6, v3;
	v47 =	vadd.s32 $0x7, v3  }
0xff: {  	v50 =	vadd.s32 $0x8, v3;
	v36 =	vnsel vm1, $0x0, v3;
	vm3 =	vgt.s32 v37, $0x0  }
0x100: {  	vm1 =	vlt.u32 v37, $0x200;
	vm4 =	vlt.u32 v38, $0x200;
	vm10 =	vgt.s32 v41, $0x0  }
0x101: {  	vm6 =	vlt.u32 v41, $0x200;
	vm11 =	vgt.s32 v44, $0x0;
	vm12 =	vlt.u32 v44, $0x200  }
0x102: {  	vm13 =	vgt.s32 v45, $0x0;
	vm14 =	vlt.u32 v45, $0x200;
	vm15 =	vgt.s32 v47, $0x0  }
0x103: {  	v4 =	vmin.u32 v36, $0x1FF;
	v5 =	vnsel vm3, $0x0, v37;
	vm3 =	vgt.s32 v38, $0x0  }
0x104: {  	v5 =	vmin.u32 v5, $0x1FF;
	v6 =	vnsel vm3, $0x0, v38;
	vm3 =	vgt.s32 v39, $0x0  }
0x105: {  	v6 =	vmin.u32 v6, $0x1FF;
	v40 =	vnsel vm3, $0x0, v39;
	vm3 =	vlt.u32 v39, $0x200  }
0x106: {  	v3 =	vadd.s32 $0x9, v3;
	v43 =	vnsel vm10, $0x0, v41;
	v42 =	vmin.u32 v40, $0x1FF  }
0x107: {  	vm9 =	vlt.u32 v50, $0x200;
	v9 =	vnsel vm11, $0x0, v44;
	v8 =	vmin.u32 v43, $0x1FF  }
0x108: {  	v46 =	vnsel vm13, $0x0, v45;
	v49 =	vnsel vm15, $0x0, v47;
	v9 =	vmin.u32 v9, $0x1FF;
	[tilespmem:v4+s9+$0x0] =	vst.idx.msk vm2, v2  }
0x109: {  	v48 =	vmin.u32 v46, $0x1FF;
	vm2 =	vlt.u32 v47, $0x200;
	[tilespmem:v5+s9+$0x0] =	vst.idx.msk vm1, v2;
	vm1 =	vgt.s32 v50, $0x0  }
0x10a: {  	v4 =	vmin.u32 v49, $0x1FF;
	[tilespmem:v6+s9+$0x0] =	vst.idx.msk vm4, v2;
	v51 =	vnsel vm1, $0x0, v50;
	vm1 =	vgt.s32 v3, $0x0  }
0x10b: {  	[tilespmem:v42+s9+$0x0] =	vst.idx.msk vm3, v2;
	v5 =	vmin.u32 v51, $0x1FF;
	vm3 =	vlt.u32 v3, $0x200;
	v3 =	vnsel vm1, $0x0, v3  }
0x10c: {  	[tilespmem:v8+s9+$0x0] =	vst.idx.msk vm6, v2;
	v3 =	vmin.u32 v3, $0x1FF  }
0x10d: {  	[tilespmem:v9+s9+$0x0] =	vst.idx.msk vm12, v2  }
0x10e: {  	[tilespmem:v48+s9+$0x0] =	vst.idx.msk vm14, v2  }
0x10f: {  	[tilespmem:v4+s9+$0x0] =	vst.idx.msk vm2, v2  }
0x110: {  	[tilespmem:v5+s9+$0x0] =	vst.idx.msk vm9, v2  }
0x111: {  	[tilespmem:v3+s9+$0x0] =	vst.idx.msk vm3, v2  }
0x112: {  	v3 =	vld [tilespmem:$0xA0];
	_ =	sdelay $0x4  }
0x113: {  	v3 =	vsub.s32 v3, v0  }
0x114: {  	vm1 =	vgt.s32 v3, $0x0;
	v53 =	vadd.s32 $0x1, v3;
	vm2 =	vlt.u32 v3, $0x200  }
0x115: {  	v54 =	vadd.s32 $0x2, v3;
	v55 =	vadd.s32 $0x3, v3;
	v57 =	vadd.s32 $0x4, v3  }
0x116: {  	v60 =	vadd.s32 $0x5, v3;
	v61 =	vadd.s32 $0x6, v3;
	v63 =	vadd.s32 $0x7, v3  }
0x117: {  	v18 =	vadd.s32 $0x8, v3;
	v52 =	vnsel vm1, $0x0, v3;
	vm3 =	vgt.s32 v53, $0x0  }
0x118: {  	vm1 =	vlt.u32 v53, $0x200;
	vm4 =	vlt.u32 v54, $0x200;
	vm10 =	vgt.s32 v57, $0x0  }
0x119: {  	vm6 =	vlt.u32 v57, $0x200;
	vm11 =	vgt.s32 v60, $0x0;
	vm12 =	vlt.u32 v60, $0x200  }
0x11a: {  	vm13 =	vgt.s32 v61, $0x0;
	vm14 =	vlt.u32 v61, $0x200;
	vm15 =	vgt.s32 v63, $0x0  }
0x11b: {  	v4 =	vmin.u32 v52, $0x1FF;
	v5 =	vnsel vm3, $0x0, v53;
	vm3 =	vgt.s32 v54, $0x0  }
0x11c: {  	v5 =	vmin.u32 v5, $0x1FF;
	v6 =	vnsel vm3, $0x0, v54;
	vm3 =	vgt.s32 v55, $0x0  }
0x11d: {  	v6 =	vmin.u32 v6, $0x1FF;
	v56 =	vnsel vm3, $0x0, v55;
	vm3 =	vlt.u32 v55, $0x200  }
0x11e: {  	v3 =	vadd.s32 $0x9, v3;
	v59 =	vnsel vm10, $0x0, v57;
	v58 =	vmin.u32 v56, $0x1FF  }
0x11f: {  	vm9 =	vlt.u32 v18, $0x200;
	v9 =	vnsel vm11, $0x0, v60;
	v8 =	vmin.u32 v59, $0x1FF  }
0x120: {  	v62 =	vnsel vm13, $0x0, v61;
	v17 =	vnsel vm15, $0x0, v63;
	v9 =	vmin.u32 v9, $0x1FF;
	[tilespmem:v4+s9+$0x0] =	vst.idx.msk vm2, v2  }
0x121: {  	v16 =	vmin.u32 v62, $0x1FF;
	vm2 =	vlt.u32 v63, $0x200;
	[tilespmem:v5+s9+$0x0] =	vst.idx.msk vm1, v2;
	vm1 =	vgt.s32 v18, $0x0  }
0x122: {  	v4 =	vmin.u32 v17, $0x1FF;
	[tilespmem:v6+s9+$0x0] =	vst.idx.msk vm4, v2;
	v19 =	vnsel vm1, $0x0, v18;
	vm1 =	vgt.s32 v3, $0x0  }
0x123: {  	[tilespmem:v58+s9+$0x0] =	vst.idx.msk vm3, v2;
	v5 =	vmin.u32 v19, $0x1FF;
	vm3 =	vlt.u32 v3, $0x200;
	v3 =	vnsel vm1, $0x0, v3  }
0x124: {  	[tilespmem:v8+s9+$0x0] =	vst.idx.msk vm6, v2;
	v3 =	vmin.u32 v3, $0x1FF  }
0x125: {  	[tilespmem:v9+s9+$0x0] =	vst.idx.msk vm12, v2  }
0x126: {  	[tilespmem:v16+s9+$0x0] =	vst.idx.msk vm14, v2  }
0x127: {  	[tilespmem:v4+s9+$0x0] =	vst.idx.msk vm2, v2  }
0x128: {  	[tilespmem:v5+s9+$0x0] =	vst.idx.msk vm9, v2  }
0x129: {  	[tilespmem:v3+s9+$0x0] =	vst.idx.msk vm3, v2  }
0x12a: {  	v3 =	vld [tilespmem:$0xB0];
	_ =	sdelay $0x4  }
0x12b: {  	v3 =	vsub.s32 v3, v0  }
0x12c: {  	vm1 =	vgt.s32 v3, $0x0;
	v21 =	vadd.s32 $0x1, v3;
	vm2 =	vlt.u32 v3, $0x200  }
0x12d: {  	v22 =	vadd.s32 $0x2, v3;
	v23 =	vadd.s32 $0x3, v3;
	v25 =	vadd.s32 $0x4, v3  }
0x12e: {  	v28 =	vadd.s32 $0x5, v3;
	v29 =	vadd.s32 $0x6, v3;
	v31 =	vadd.s32 $0x7, v3  }
0x12f: {  	v34 =	vadd.s32 $0x8, v3;
	v20 =	vnsel vm1, $0x0, v3;
	vm3 =	vgt.s32 v21, $0x0  }
0x130: {  	vm1 =	vlt.u32 v21, $0x200;
	vm4 =	vlt.u32 v22, $0x200;
	vm10 =	vgt.s32 v25, $0x0  }
0x131: {  	vm6 =	vlt.u32 v25, $0x200;
	vm11 =	vgt.s32 v28, $0x0;
	vm12 =	vlt.u32 v28, $0x200  }
0x132: {  	vm13 =	vgt.s32 v29, $0x0;
	vm14 =	vlt.u32 v29, $0x200;
	vm15 =	vgt.s32 v31, $0x0  }
0x133: {  	v4 =	vmin.u32 v20, $0x1FF;
	v5 =	vnsel vm3, $0x0, v21;
	vm3 =	vgt.s32 v22, $0x0  }
0x134: {  	v5 =	vmin.u32 v5, $0x1FF;
	v6 =	vnsel vm3, $0x0, v22;
	vm3 =	vgt.s32 v23, $0x0  }
0x135: {  	v6 =	vmin.u32 v6, $0x1FF;
	v24 =	vnsel vm3, $0x0, v23;
	vm3 =	vlt.u32 v23, $0x200  }
0x136: {  	v3 =	vadd.s32 $0x9, v3;
	v27 =	vnsel vm10, $0x0, v25;
	v26 =	vmin.u32 v24, $0x1FF  }
0x137: {  	vm9 =	vlt.u32 v34, $0x200;
	v9 =	vnsel vm11, $0x0, v28;
	v8 =	vmin.u32 v27, $0x1FF  }
0x138: {  	v30 =	vnsel vm13, $0x0, v29;
	v33 =	vnsel vm15, $0x0, v31;
	v9 =	vmin.u32 v9, $0x1FF;
	[tilespmem:v4+s9+$0x0] =	vst.idx.msk vm2, v2  }
0x139: {  	v32 =	vmin.u32 v30, $0x1FF;
	vm2 =	vlt.u32 v31, $0x200;
	[tilespmem:v5+s9+$0x0] =	vst.idx.msk vm1, v2;
	vm1 =	vgt.s32 v34, $0x0  }
0x13a: {  	v4 =	vmin.u32 v33, $0x1FF;
	[tilespmem:v6+s9+$0x0] =	vst.idx.msk vm4, v2;
	v35 =	vnsel vm1, $0x0, v34;
	vm1 =	vgt.s32 v3, $0x0  }
0x13b: {  	[tilespmem:v26+s9+$0x0] =	vst.idx.msk vm3, v2;
	v5 =	vmin.u32 v35, $0x1FF;
	vm3 =	vlt.u32 v3, $0x200;
	v3 =	vnsel vm1, $0x0, v3  }
0x13c: {  	[tilespmem:v8+s9+$0x0] =	vst.idx.msk vm6, v2;
	v3 =	vmin.u32 v3, $0x1FF  }
0x13d: {  	[tilespmem:v9+s9+$0x0] =	vst.idx.msk vm12, v2  }
0x13e: {  	[tilespmem:v32+s9+$0x0] =	vst.idx.msk vm14, v2  }
0x13f: {  	[tilespmem:v4+s9+$0x0] =	vst.idx.msk vm2, v2  }
0x140: {  	[tilespmem:v5+s9+$0x0] =	vst.idx.msk vm9, v2  }
0x141: {  	[tilespmem:v3+s9+$0x0] =	vst.idx.msk vm3, v2  }
0x142: {  	v3 =	vld [tilespmem:$0xC0];
	_ =	sdelay $0x4  }
0x143: {  	v3 =	vsub.s32 v3, v0  }
0x144: {  	vm1 =	vgt.s32 v3, $0x0;
	v37 =	vadd.s32 $0x1, v3;
	vm2 =	vlt.u32 v3, $0x200  }
0x145: {  	v38 =	vadd.s32 $0x2, v3;
	v39 =	vadd.s32 $0x3, v3;
	v41 =	vadd.s32 $0x4, v3  }
0x146: {  	v44 =	vadd.s32 $0x5, v3;
	v45 =	vadd.s32 $0x6, v3;
	v47 =	vadd.s32 $0x7, v3  }
0x147: {  	v50 =	vadd.s32 $0x8, v3;
	v36 =	vnsel vm1, $0x0, v3;
	vm3 =	vgt.s32 v37, $0x0  }
0x148: {  	vm1 =	vlt.u32 v37, $0x200;
	vm4 =	vlt.u32 v38, $0x200;
	vm10 =	vgt.s32 v41, $0x0  }
0x149: {  	vm6 =	vlt.u32 v41, $0x200;
	vm11 =	vgt.s32 v44, $0x0;
	vm12 =	vlt.u32 v44, $0x200  }
0x14a: {  	vm13 =	vgt.s32 v45, $0x0;
	vm14 =	vlt.u32 v45, $0x200;
	vm15 =	vgt.s32 v47, $0x0  }
0x14b: {  	v4 =	vmin.u32 v36, $0x1FF;
	v5 =	vnsel vm3, $0x0, v37;
	vm3 =	vgt.s32 v38, $0x0  }
0x14c: {  	v5 =	vmin.u32 v5, $0x1FF;
	v6 =	vnsel vm3, $0x0, v38;
	vm3 =	vgt.s32 v39, $0x0  }
0x14d: {  	v6 =	vmin.u32 v6, $0x1FF;
	v40 =	vnsel vm3, $0x0, v39;
	vm3 =	vlt.u32 v39, $0x200  }
0x14e: {  	v3 =	vadd.s32 $0x9, v3;
	v43 =	vnsel vm10, $0x0, v41;
	v42 =	vmin.u32 v40, $0x1FF  }
0x14f: {  	vm9 =	vlt.u32 v50, $0x200;
	v9 =	vnsel vm11, $0x0, v44;
	v8 =	vmin.u32 v43, $0x1FF  }
0x150: {  	v46 =	vnsel vm13, $0x0, v45;
	v49 =	vnsel vm15, $0x0, v47;
	v9 =	vmin.u32 v9, $0x1FF;
	[tilespmem:v4+s9+$0x0] =	vst.idx.msk vm2, v2  }
0x151: {  	v48 =	vmin.u32 v46, $0x1FF;
	vm2 =	vlt.u32 v47, $0x200;
	[tilespmem:v5+s9+$0x0] =	vst.idx.msk vm1, v2;
	vm1 =	vgt.s32 v50, $0x0  }
0x152: {  	v4 =	vmin.u32 v49, $0x1FF;
	[tilespmem:v6+s9+$0x0] =	vst.idx.msk vm4, v2;
	v51 =	vnsel vm1, $0x0, v50;
	vm1 =	vgt.s32 v3, $0x0  }
0x153: {  	[tilespmem:v42+s9+$0x0] =	vst.idx.msk vm3, v2;
	v5 =	vmin.u32 v51, $0x1FF;
	vm3 =	vlt.u32 v3, $0x200;
	v3 =	vnsel vm1, $0x0, v3  }
0x154: {  	[tilespmem:v8+s9+$0x0] =	vst.idx.msk vm6, v2;
	v3 =	vmin.u32 v3, $0x1FF  }
0x155: {  	[tilespmem:v9+s9+$0x0] =	vst.idx.msk vm12, v2  }
0x156: {  	[tilespmem:v48+s9+$0x0] =	vst.idx.msk vm14, v2  }
0x157: {  	[tilespmem:v4+s9+$0x0] =	vst.idx.msk vm2, v2  }
0x158: {  	[tilespmem:v5+s9+$0x0] =	vst.idx.msk vm9, v2  }
0x159: {  	[tilespmem:v3+s9+$0x0] =	vst.idx.msk vm3, v2  }
0x15a: {  	v3 =	vld [tilespmem:$0xD0];
	_ =	sdelay $0x4  }
0x15b: {  	v3 =	vsub.s32 v3, v0  }
0x15c: {  	vm1 =	vgt.s32 v3, $0x0;
	v53 =	vadd.s32 $0x1, v3;
	vm2 =	vlt.u32 v3, $0x200  }
0x15d: {  	v54 =	vadd.s32 $0x2, v3;
	v55 =	vadd.s32 $0x3, v3;
	v57 =	vadd.s32 $0x4, v3  }
0x15e: {  	v60 =	vadd.s32 $0x5, v3;
	v61 =	vadd.s32 $0x6, v3;
	v63 =	vadd.s32 $0x7, v3  }
0x15f: {  	v18 =	vadd.s32 $0x8, v3;
	v52 =	vnsel vm1, $0x0, v3;
	vm3 =	vgt.s32 v53, $0x0  }
0x160: {  	vm1 =	vlt.u32 v53, $0x200;
	vm4 =	vlt.u32 v54, $0x200;
	vm10 =	vgt.s32 v57, $0x0  }
0x161: {  	vm6 =	vlt.u32 v57, $0x200;
	vm11 =	vgt.s32 v60, $0x0;
	vm12 =	vlt.u32 v60, $0x200  }
0x162: {  	vm13 =	vgt.s32 v61, $0x0;
	vm14 =	vlt.u32 v61, $0x200;
	vm15 =	vgt.s32 v63, $0x0  }
0x163: {  	v4 =	vmin.u32 v52, $0x1FF;
	v5 =	vnsel vm3, $0x0, v53;
	vm3 =	vgt.s32 v54, $0x0  }
0x164: {  	v5 =	vmin.u32 v5, $0x1FF;
	v6 =	vnsel vm3, $0x0, v54;
	vm3 =	vgt.s32 v55, $0x0  }
0x165: {  	v6 =	vmin.u32 v6, $0x1FF;
	v56 =	vnsel vm3, $0x0, v55;
	vm3 =	vlt.u32 v55, $0x200  }
0x166: {  	v3 =	vadd.s32 $0x9, v3;
	v59 =	vnsel vm10, $0x0, v57;
	v58 =	vmin.u32 v56, $0x1FF  }
0x167: {  	vm9 =	vlt.u32 v18, $0x200;
	v9 =	vnsel vm11, $0x0, v60;
	v8 =	vmin.u32 v59, $0x1FF  }
0x168: {  	v62 =	vnsel vm13, $0x0, v61;
	v17 =	vnsel vm15, $0x0, v63;
	v9 =	vmin.u32 v9, $0x1FF;
	[tilespmem:v4+s9+$0x0] =	vst.idx.msk vm2, v2  }
0x169: {  	v16 =	vmin.u32 v62, $0x1FF;
	vm2 =	vlt.u32 v63, $0x200;
	[tilespmem:v5+s9+$0x0] =	vst.idx.msk vm1, v2;
	vm1 =	vgt.s32 v18, $0x0  }
0x16a: {  	v4 =	vmin.u32 v17, $0x1FF;
	[tilespmem:v6+s9+$0x0] =	vst.idx.msk vm4, v2;
	v19 =	vnsel vm1, $0x0, v18;
	vm1 =	vgt.s32 v3, $0x0  }
0x16b: {  	[tilespmem:v58+s9+$0x0] =	vst.idx.msk vm3, v2;
	v5 =	vmin.u32 v19, $0x1FF;
	vm3 =	vlt.u32 v3, $0x200;
	v3 =	vnsel vm1, $0x0, v3  }
0x16c: {  	[tilespmem:v8+s9+$0x0] =	vst.idx.msk vm6, v2;
	v3 =	vmin.u32 v3, $0x1FF  }
0x16d: {  	[tilespmem:v9+s9+$0x0] =	vst.idx.msk vm12, v2  }
0x16e: {  	[tilespmem:v16+s9+$0x0] =	vst.idx.msk vm14, v2  }
0x16f: {  	[tilespmem:v4+s9+$0x0] =	vst.idx.msk vm2, v2  }
0x170: {  	[tilespmem:v5+s9+$0x0] =	vst.idx.msk vm9, v2  }
0x171: {  	[tilespmem:v3+s9+$0x0] =	vst.idx.msk vm3, v2  }
0x172: {  	v3 =	vld [tilespmem:$0xE0];
	_ =	sdelay $0x4  }
0x173: {  	v3 =	vsub.s32 v3, v0  }
0x174: {  	vm1 =	vgt.s32 v3, $0x0;
	v21 =	vadd.s32 $0x1, v3;
	vm2 =	vlt.u32 v3, $0x200  }
0x175: {  	v22 =	vadd.s32 $0x2, v3;
	v23 =	vadd.s32 $0x3, v3;
	v25 =	vadd.s32 $0x4, v3  }
0x176: {  	v28 =	vadd.s32 $0x5, v3;
	v29 =	vadd.s32 $0x6, v3;
	v31 =	vadd.s32 $0x7, v3  }
0x177: {  	v34 =	vadd.s32 $0x8, v3;
	v20 =	vnsel vm1, $0x0, v3;
	vm3 =	vgt.s32 v21, $0x0  }
0x178: {  	vm1 =	vlt.u32 v21, $0x200;
	vm4 =	vlt.u32 v22, $0x200;
	vm10 =	vgt.s32 v25, $0x0  }
0x179: {  	vm6 =	vlt.u32 v25, $0x200;
	vm11 =	vgt.s32 v28, $0x0;
	vm12 =	vlt.u32 v28, $0x200  }
0x17a: {  	vm13 =	vgt.s32 v29, $0x0;
	vm14 =	vlt.u32 v29, $0x200;
	vm15 =	vgt.s32 v31, $0x0  }
0x17b: {  	v4 =	vmin.u32 v20, $0x1FF;
	v5 =	vnsel vm3, $0x0, v21;
	vm3 =	vgt.s32 v22, $0x0  }
0x17c: {  	v5 =	vmin.u32 v5, $0x1FF;
	v6 =	vnsel vm3, $0x0, v22;
	vm3 =	vgt.s32 v23, $0x0  }
0x17d: {  	v6 =	vmin.u32 v6, $0x1FF;
	v24 =	vnsel vm3, $0x0, v23;
	vm3 =	vlt.u32 v23, $0x200  }
0x17e: {  	v3 =	vadd.s32 $0x9, v3;
	v27 =	vnsel vm10, $0x0, v25;
	v26 =	vmin.u32 v24, $0x1FF  }
0x17f: {  	v9 =	vnsel vm11, $0x0, v28;
	v30 =	vnsel vm13, $0x0, v29;
	v8 =	vmin.u32 v27, $0x1FF  }
0x180: {  	v33 =	vnsel vm15, $0x0, v31;
	vm11 =	vlt.u32 v34, $0x200;
	v9 =	vmin.u32 v9, $0x1FF;
	[tilespmem:v4+s9+$0x0] =	vst.idx.msk vm2, v2  }
0x181: {  	v32 =	vmin.u32 v30, $0x1FF;
	vm2 =	vlt.u32 v31, $0x200;
	[tilespmem:v5+s9+$0x0] =	vst.idx.msk vm1, v2;
	vm1 =	vgt.s32 v34, $0x0  }
0x182: {  	v4 =	vmin.u32 v33, $0x1FF;
	[tilespmem:v6+s9+$0x0] =	vst.idx.msk vm4, v2;
	v35 =	vnsel vm1, $0x0, v34;
	vm1 =	vgt.s32 v3, $0x0  }
0x183: {  	[tilespmem:v26+s9+$0x0] =	vst.idx.msk vm3, v2;
	v5 =	vmin.u32 v35, $0x1FF;
	vm3 =	vlt.u32 v3, $0x200;
	v3 =	vnsel vm1, $0x0, v3  }
0x184: {  	[tilespmem:v8+s9+$0x0] =	vst.idx.msk vm6, v2;
	v3 =	vmin.u32 v3, $0x1FF  }
0x185: {  	[tilespmem:v9+s9+$0x0] =	vst.idx.msk vm12, v2  }
0x186: {  	[tilespmem:v32+s9+$0x0] =	vst.idx.msk vm14, v2  }
0x187: {  	[tilespmem:v4+s9+$0x0] =	vst.idx.msk vm2, v2  }
0x188: {  	[tilespmem:v5+s9+$0x0] =	vst.idx.msk vm11, v2  }
0x189: {  	[tilespmem:v3+s9+$0x0] =	vst.idx.msk vm3, v2  }
0x18a: {  	v3 =	vld [tilespmem:$0xF0];
	_ =	sdelay $0x4  }
0x18b: {  	v3 =	vsub.s32 v3, v0  }
0x18c: {  	vm1 =	vgt.s32 v3, $0x0;
	v37 =	vadd.s32 $0x1, v3;
	vm2 =	vlt.u32 v3, $0x200  }
0x18d: {  	v38 =	vadd.s32 $0x2, v3;
	v39 =	vadd.s32 $0x3, v3;
	v41 =	vadd.s32 $0x4, v3  }
0x18e: {  	v44 =	vadd.s32 $0x5, v3;
	v45 =	vadd.s32 $0x6, v3;
	v47 =	vadd.s32 $0x7, v3  }
0x18f: {  	v50 =	vadd.s32 $0x8, v3;
	v36 =	vnsel vm1, $0x0, v3;
	vm3 =	vgt.s32 v37, $0x0  }
0x190: {  	vm1 =	vlt.u32 v37, $0x200;
	vm4 =	vlt.u32 v38, $0x200;
	vm12 =	vgt.s32 v41, $0x0  }
0x191: {  	vm6 =	vlt.u32 v41, $0x200;
	vm13 =	vgt.s32 v44, $0x0;
	vm7 =	vlt.u32 v44, $0x200  }
0x192: {  	vm14 =	vgt.s32 v45, $0x0;
	vm15 =	vlt.u32 v45, $0x200;
	v3 =	vadd.s32 $0x9, v3  }
0x193: {  	v4 =	vmin.u32 v36, $0x1FF;
	v5 =	vnsel vm3, $0x0, v37;
	vm3 =	vgt.s32 v38, $0x0  }
0x194: {  	v5 =	vmin.u32 v5, $0x1FF;
	v6 =	vnsel vm3, $0x0, v38;
	vm3 =	vgt.s32 v39, $0x0  }
0x195: {  	v6 =	vmin.u32 v6, $0x1FF;
	v40 =	vnsel vm3, $0x0, v39;
	vm3 =	vlt.u32 v39, $0x200  }
0x196: {  	v43 =	vnsel vm12, $0x0, v41;
	v9 =	vnsel vm13, $0x0, v44;
	v42 =	vmin.u32 v40, $0x1FF  }
0x197: {  	v46 =	vnsel vm14, $0x0, v45;
	vm12 =	vgt.s32 v47, $0x0;
	v8 =	vmin.u32 v43, $0x1FF  }
0x198: {  	vm13 =	vlt.u32 v50, $0x200;
	v9 =	vmin.u32 v9, $0x1FF;
	v48 =	vmin.u32 v46, $0x1FF;
	[tilespmem:v4+s9+$0x0] =	vst.idx.msk vm2, v2  }
0x199: {  	v49 =	vnsel vm12, $0x0, v47;
	vm2 =	vlt.u32 v47, $0x200;
	[tilespmem:v5+s9+$0x0] =	vst.idx.msk vm1, v2;
	vm1 =	vgt.s32 v50, $0x0  }
0x19a: {  	v4 =	vmin.u32 v49, $0x1FF;
	[tilespmem:v6+s9+$0x0] =	vst.idx.msk vm4, v2;
	v51 =	vnsel vm1, $0x0, v50;
	vm1 =	vgt.s32 v3, $0x0  }
0x19b: {  	[tilespmem:v42+s9+$0x0] =	vst.idx.msk vm3, v2;
	v5 =	vmin.u32 v51, $0x1FF;
	vm3 =	vlt.u32 v3, $0x200;
	v3 =	vnsel vm1, $0x0, v3  }
0x19c: {  	[tilespmem:v8+s9+$0x0] =	vst.idx.msk vm6, v2;
	v3 =	vmin.u32 v3, $0x1FF  }
0x19d: {  	[tilespmem:v9+s9+$0x0] =	vst.idx.msk vm7, v2  }
0x19e: {  	[tilespmem:v48+s9+$0x0] =	vst.idx.msk vm15, v2  }
0x19f: {  	[tilespmem:v4+s9+$0x0] =	vst.idx.msk vm2, v2  }
0x1a0: {  	[tilespmem:v5+s9+$0x0] =	vst.idx.msk vm13, v2  }
0x1a1: {  	[tilespmem:v3+s9+$0x0] =	vst.idx.msk vm3, v2  }
0x1a2: {  	v3 =	vld [tilespmem:$0x100];
	_ =	sdelay $0x4  }
0x1a3: {  	v3 =	vsub.s32 v3, v0  }
0x1a4: {  	vm1 =	vgt.s32 v3, $0x0  }
0x1a5: {  	vm2 =	vlt.u32 v3, $0x200;
	v53 =	vadd.s32 $0x1, v3;
	v54 =	vadd.s32 $0x2, v3  }
0x1a6: {  	v55 =	vadd.s32 $0x3, v3;
	v56 =	vadd.s32 $0x4, v3;
	v57 =	vadd.s32 $0x5, v3  }
0x1a7: {  	v58 =	vadd.s32 $0x6, v3;
	v59 =	vadd.s32 $0x7, v3;
	v61 =	vadd.s32 $0x8, v3  }
0x1a8: {  	v52 =	vnsel vm1, $0x0, v3;
	vm1 =	vmand vm2, vm0;
	vm2 =	vgt.s32 v53, $0x0  }
0x1a9: {  	vm3 =	vlt.u32 v53, $0x200;
	vm14 =	vlt.u32 v54, $0x200;
	vm15 =	vgt.s32 v55, $0x0  }
0x1aa: {  	vm8 =	vlt.u32 v55, $0x200;
	vm9 =	vgt.s32 v56, $0x0;
	vm10 =	vlt.u32 v56, $0x200  }
0x1ab: {  	vm11 =	vgt.s32 v57, $0x0;
	vm12 =	vlt.u32 v57, $0x200;
	vm13 =	vgt.s32 v58, $0x0  }
0x1ac: {  	v3 =	vadd.s32 $0x9, v3;
	v4 =	vmin.u32 v52, $0x1FF;
	v5 =	vnsel vm2, $0x0, v53  }
0x1ad: {  	vm2 =	vmand vm3, vm0;
	vm3 =	vgt.s32 v54, $0x0;
	v7 =	vnsel vm15, $0x0, v55  }
0x1ae: {  	vm4 =	vmand vm8, vm0;
	v8 =	vnsel vm9, $0x0, v56;
	vm5 =	vmand vm10, vm0  }
0x1af: {  	v9 =	vnsel vm11, $0x0, v57;
	vm6 =	vmand vm12, vm0;
	v10 =	vnsel vm13, $0x0, v58  }
0x1b0: {  	v5 =	vmin.u32 v5, $0x1FF;
	v6 =	vnsel vm3, $0x0, v54;
	vm3 =	vmand vm14, vm0  }
0x1b1: {  	vm15 =	vgt.s32 v59, $0x0;
	vm12 =	vlt.u32 v59, $0x200;
	v6 =	vmin.u32 v6, $0x1FF  }
0x1b2: {  	vm13 =	vlt.u32 v61, $0x200;
	v7 =	vmin.u32 v7, $0x1FF;
	v8 =	vmin.u32 v8, $0x1FF  }
0x1b3: {  	v9 =	vmin.u32 v9, $0x1FF;
	vm14 =	vlt.u32 v58, $0x200;
	v10 =	vmin.u32 v10, $0x1FF  }
0x1b4: {  	v60 =	vnsel vm15, $0x0, v59;
	vm15 =	vgt.s32 v3, $0x0;
	vm7 =	vmand vm14, vm0;
	[tilespmem:v4+s9+$0x0] =	vst.idx.msk vm1, v2  }
0x1b5: {  	v62 =	vmin.u32 v60, $0x1FF;
	vm14 =	vgt.s32 v61, $0x0;
	vm1 =	vmand vm12, vm0;
	[tilespmem:v5+s9+$0x0] =	vst.idx.msk vm2, v2  }
0x1b6: {  	v63 =	vnsel vm14, $0x0, v61;
	vm2 =	vmand vm13, vm0;
	[tilespmem:v6+s9+$0x0] =	vst.idx.msk vm3, v2;
	vm3 =	vlt.u32 v3, $0x200  }
0x1b7: {  	v5 =	vmin.u32 v63, $0x1FF;
	v3 =	vnsel vm15, $0x0, v3;
	[tilespmem:v7+s9+$0x0] =	vst.idx.msk vm4, v2;
	vm3 =	vmand vm3, vm0  }
0x1b8: {  	v3 =	vmin.u32 v3, $0x1FF;
	[tilespmem:v8+s9+$0x0] =	vst.idx.msk vm5, v2  }
0x1b9: {  	[tilespmem:v9+s9+$0x0] =	vst.idx.msk vm6, v2  }
0x1ba: {  	[tilespmem:v10+s9+$0x0] =	vst.idx.msk vm7, v2  }
0x1bb: {  	[tilespmem:v62+s9+$0x0] =	vst.idx.msk vm1, v2  }
0x1bc: {  	p0 =	sne.s32 s5, $0x1;
	[tilespmem:v5+s9+$0x0] =	vst.idx.msk vm2, v2  }
.Ltmp0:
0x1bd: {  	[tilespmem:v3+s9+$0x0] =	vst.idx.msk vm3, v2;
	(pc) =	sbr.rel @p0 .LBB2_1-.Ltmp0, $4  }
0x1be: {  	[hbm4b:s4+s6] =	stream.strided.scatter [tilespmem:s9], [sflag:$0x1], $0x200, s7, s6, $0x38;
	[tilespmem:$0x380] =	vst v63  }
0x1bf: {  	_ =	swait.ge [sflag:s8], $0x200  }
0x1c0: {  	[sflag:s8] =	ssyncset.done $0x0  }
0x1c1: {  	s5 =	sadd.s32 $0xFFFFFFFF, s5;
	[sflag:s8] =	ssyncadd.s32 $0xFFFFFE00  }
0x1c2: {  	_ =	sfence.sel $0x180000  }
0x1c3: {  	[bflag:$0x0] =	sbarrier.arrive $0xFFFF  }
0x1c4: {  	p0 =	sne.s32 s0, $0x0;
	_ =	strace $0x90000047  }
0x1c5: {  	s0 =	sadd.s32 @!p0 $0x100000, s1;
	[bflag:$0x2] =	sbarrier.arrive $0xFFFF  }
0x1c6: {  	[sflag:s0] =	ssyncadd.tile.s32 @!p0 $0x1;
	_ =	shalt  }
.Lfunc_end2:
_tile_overlayer_lowered:
.L_overlay_start_2:
0x1c7: {  	(tag) =	ssettag $0x2  }
0x1c8: {  	s0 =	rddreg [dreg:$0x0];
	s2 =	stileid.u32  }
0x1c9: {  	s1 =	rddreg [dreg:$0x1];
	p0 =	sne.s32 s2, $0x0  }
0x1ca: {  	s3 =	rddreg [dreg:$0x2];
	[bflag:$0x3] =	sbarrier.arrive $0xFFFF;
	s2 =	simm.s32 @!p0 $0x1C01  }
0x1cb: {  	[timem:s3], [sflag:s2] =	dma.local @!p0 [hbm:s0], s1  }
0x1cc: {  	s0 =	simm.s32 @!p0 $0x1  }
0x1cd: {  	_ =	swait.ge @!p0 [sflag:s0], s1  }
0x1ce: {  	s1 =	ssub.s32 @!p0 $0x0, s1;
	[sflag:s0] =	ssyncset.done @!p0 $0x0  }
0x1cf: {  	[sflag:s0] =	ssyncadd.s32 @!p0 s1  }
0x1d0: {  	[bflag:$0x3] =	sbarrier.arrive $0xFFFF  }
0x1d1: {  	_ =	shalt  }

</sc_bundles>
